<compile_context>
chip_gen: v7x
topology: tpu7x:2x2x1
jax: 0.10.2.dev20260603
libtpu: 0.0.44.dev20260713+nightly
codegen_flags: <defaults>
</compile_context>

<pallas_src>
import functools

import jax
import jax.numpy as jnp
import numpy as np
from jax import lax
from jax.experimental import pallas as pl
from jax.experimental.pallas import tpu as pltpu
from jax.experimental.pallas import tpu_sc as plsc

RES = 32
NVOX = RES ** 3

_B, _C, _N = 8, 16, 100000
_HB = 4
_CH = 10000
_NCHUNK = _N // _CH
_GRP = _CH // 16
_HSEG = 12512
_HC0 = 6256
_HC1 = 6256
_HC1L = 6160
_IBUF = 10000


def _f32(x):
    return np.float32(x)


def _atan_poly(v):
    z = v * v
    p = _f32(8.05374449538e-2) * z - _f32(1.38776856032e-1)
    p = p * z + _f32(1.99777106478e-1)
    p = p * z - _f32(3.33329491539e-1)
    return p * z * v + v


def _atan2(y, x, signed):
    ax = jnp.abs(x)
    ay = jnp.abs(y) if signed else y
    mx = jnp.maximum(ax, ay)
    mn = jnp.minimum(ax, ay)
    big = mn > _f32(0.4142135623730951) * mx
    num = jnp.where(big, mn - mx, mn)
    den = jnp.where(big, mn + mx, mx)
    v = num / jnp.where(den > _f32(0.0), den, _f32(1.0))
    r = _atan_poly(v) + jnp.where(big, _f32(np.pi / 4), _f32(0.0))
    r = jnp.where(ay > ax, _f32(np.pi / 2) - r, r)
    r = jnp.where(x < _f32(0.0), _f32(np.pi) - r, r)
    if signed:
        r = jnp.where(y < _f32(0.0), -r, r)
    return r


def _prep_body(c_ref, nc_ref, inds_ref):
    c = c_ref[0]
    n = c.shape[1] * c.shape[2]
    mean = jnp.sum(c, axis=(1, 2), keepdims=True) * _f32(1.0 / n)
    d = c - mean
    x = d[0]
    y = d[1]
    z = d[2]
    nsq = x * x + y * y + z * z
    max_norm = jnp.sqrt(jnp.max(nsq))
    inv = _f32(1.0) / (max_norm + _f32(1e-20))
    nc = d * inv
    nc_ref[0] = nc
    xn = nc[0]
    yn = nc[1]
    zn = nc[2]
    q = xn * xn + yn * yn
    rho = jnp.sqrt(q + zn * zn)
    theta = _atan2(jnp.sqrt(q), zn, signed=False)
    phi = _atan2(yn, xn, signed=True)
    rho_bin = jnp.clip((rho * _f32(RES)).astype(jnp.int32), 0, RES - 1)
    theta_bin = jnp.clip(
        (theta / _f32(np.pi) * _f32(RES)).astype(jnp.int32), 0, RES - 1)
    phi_bin = jnp.clip(
        ((phi + _f32(np.pi)) / _f32(2.0 * np.pi) * _f32(RES)).astype(jnp.int32),
        0, RES - 1)
    inds_ref[0] = rho_bin * (RES * RES) + theta_bin * RES + phi_bin


def _prep(coords4):
    b, _, s, m = coords4.shape
    return pl.pallas_call(
        _prep_body,
        grid=(b,),
        in_specs=[pl.BlockSpec((1, 3, s, m), lambda i: (i, 0, 0, 0))],
        out_specs=[
            pl.BlockSpec((1, 3, s, m), lambda i: (i, 0, 0, 0)),
            pl.BlockSpec((1, s, m), lambda i: (i, 0, 0)),
        ],
        out_shape=[
            jax.ShapeDtypeStruct((b, 3, s, m), jnp.float32),
            jax.ShapeDtypeStruct((b, s, m), jnp.int32),
        ],
    )(coords4)


@functools.cache
def _get_sc_scatter(g):
    return functools.partial(
        pl.kernel,
        mesh=plsc.VectorSubcoreMesh(core_axis_name="c", subcore_axis_name="s"),
        out_type=[
            jax.ShapeDtypeStruct((_HB * _C * NVOX,), jnp.float32),
            jax.ShapeDtypeStruct((32 * NVOX,), jnp.float32),
        ],
        scratch_types=[
            pltpu.VMEM((NVOX,), jnp.float32),
            pltpu.VMEM((_IBUF,), jnp.int32),
            pltpu.VMEM((_IBUF,), jnp.int32),
            pltpu.VMEM((_CH,), jnp.float32),
            pltpu.VMEM((_CH,), jnp.float32),
            pltpu.SemaphoreType.DMA,
            pltpu.SemaphoreType.DMA,
            pltpu.SemaphoreType.DMA,
        ],
        compiler_params=pltpu.CompilerParams(needs_layout_passes=False),
    )(_make_sc_scatter_body(g))


_UNROLL = 25
_ZUNROLL = 16


def _make_sc_scatter_body(g):
    def body(feat_hbm, idx_hbm, sums_hbm, cnt_hbm,
             acc, ibuf0, ibuf1, fbuf0, fbuf1, s0, s1, sw):
        return _sc_scatter_body(
            g, feat_hbm, idx_hbm, sums_hbm, cnt_hbm,
            acc, ibuf0, ibuf1, fbuf0, fbuf1, s0, s1, sw)
    return body


def _sc_scatter_body(g, feat_hbm, idx_hbm, sums_hbm, cnt_hbm,
                     acc, ibuf0, ibuf1, fbuf0, fbuf1, s0, s1, sw):
    wid = lax.axis_index("s") * 2 + lax.axis_index("c")
    ones = jnp.full((16,), 1.0, jnp.float32)
    zeros = jnp.zeros((16,), jnp.float32)
    ibufs, fbufs, sems = (ibuf0, ibuf1), (fbuf0, fbuf1), (s0, s1)

    def zero_acc():
        def zbody(i, carry):
            for t in range(_ZUNROLL):
                acc[pl.ds(i * (16 * _ZUNROLL) + t * 16, 16)] = zeros
            return carry
        lax.fori_loop(0, NVOX // (16 * _ZUNROLL), zbody, 0)

    def start_chunk(idx_base, feat_base, ci, p):
        st = ci * _CH
        pltpu.async_copy(
            idx_hbm.at[pl.ds(idx_base + st, _CH)],
            ibufs[p].at[pl.ds(0, _CH)], sems[p])
        pltpu.async_copy(
            feat_hbm.at[pl.ds(feat_base + st, _CH)], fbufs[p], sems[p])

    def wait_chunk(p):
        pltpu.make_async_copy(
            idx_hbm.at[pl.ds(0, _CH)], ibufs[p].at[pl.ds(0, _CH)],
            sems[p]).wait()
        pltpu.make_async_copy(
            feat_hbm.at[pl.ds(0, _CH)], fbufs[p], sems[p]).wait()

    def scatter_chunk(p):
        ib, fb = ibufs[p], fbufs[p]

        def gbody(j, carry):
            for t in range(_UNROLL):
                off = j * (16 * _UNROLL) + t * 16
                iv = ib[pl.ds(off, 16)]
                fv = fb[pl.ds(off, 16)]
                plsc.addupdate_scatter(acc, [iv], fv)
            return carry
        lax.fori_loop(0, _GRP // _UNROLL, gbody, 0)

    def wait_write():
        pltpu.make_async_copy(
            sums_hbm.at[pl.ds(0, NVOX)], acc, sw).wait()

    def run_unit(k, idx_base, feat_base, out_off):
        start_chunk(idx_base, feat_base, 0, 0)
        if k > 0:
            wait_write()
        zero_acc()

        def pair_body(i, carry):
            start_chunk(idx_base, feat_base, 2 * i + 1, 1)
            wait_chunk(0)
            scatter_chunk(0)

            @pl.when(2 * i + 2 < _NCHUNK)
            def _():
                start_chunk(idx_base, feat_base, 2 * i + 2, 0)
            wait_chunk(1)
            scatter_chunk(1)
            return carry
        lax.fori_loop(0, _NCHUNK // 2, pair_body, 0)
        pltpu.async_copy(acc, sums_hbm.at[pl.ds(out_off, NVOX)], sw)

    def cnt_start(base, off, length, p):
        pltpu.async_copy(
            idx_hbm.at[pl.ds(base + off, length)],
            ibufs[p].at[pl.ds(0, length)], sems[p])

    def cnt_wait_scatter(length, p):
        pltpu.make_async_copy(
            idx_hbm.at[pl.ds(0, length)], ibufs[p].at[pl.ds(0, length)],
            sems[p]).wait()
        ib = ibufs[p]
        npairs = length // 32

        def gbody(j, carry):
            for t in range(2):
                iv = ib[pl.ds(j * 32 + t * 16, 16)]
                plsc.addupdate_scatter(acc, [iv], ones)
            return carry
        lax.fori_loop(0, npairs, gbody, 0)
        if length % 32:
            iv = ib[pl.ds(npairs * 32, 16)]
            plsc.addupdate_scatter(acc, [iv], ones)

    def run_count():
        bl = wid // 8
        p = wid % 8
        base = (g * _HB + bl) * _N + p * _HSEG
        cnt_start(base, 0, _HC0, 0)
        wait_write()
        zero_acc()

        @pl.when(p < 7)
        def _():
            cnt_start(base, _HC0, _HC1, 1)

        @pl.when(p == 7)
        def _():
            cnt_start(base, _HC0, _HC1L, 1)
        cnt_wait_scatter(_HC0, 0)

        @pl.when(p < 7)
        def _():
            cnt_wait_scatter(_HC1, 1)

        @pl.when(p == 7)
        def _():
            cnt_wait_scatter(_HC1L, 1)
        pltpu.async_copy(acc, cnt_hbm.at[pl.ds(wid * NVOX, NVOX)], sw)

    for k in range(_HB * _C // 32):
        u = wid + 32 * k
        run_unit(k, (g * _HB + u // _C) * _N, u * _N, u * NVOX)
    run_count()
    wait_write()


def _fin_body(s_ref, c_ref, o_ref):
    s = s_ref[0]
    cnt = jnp.sum(c_ref[0], axis=0, keepdims=True)
    o_ref[0] = s / jnp.maximum(cnt, _f32(1.0))


def _finalize(sums, cnt):
    b, c, v = sums.shape
    return pl.pallas_call(
        _fin_body,
        grid=(b,),
        in_specs=[
            pl.BlockSpec((1, c, v), lambda i: (i, 0, 0)),
            pl.BlockSpec((1, 8, v), lambda i: (i, 0, 0)),
        ],
        out_specs=pl.BlockSpec((1, c, v), lambda i: (i, 0, 0)),
        out_shape=jax.ShapeDtypeStruct((b, c, v), jnp.float32),
    )(sums, cnt)


def kernel(features, coords):
    b, c, n = features.shape
    assert (b, c, n) == (_B, _C, _N), "kernel compiled for fixed shapes"
    coords = lax.stop_gradient(coords)
    nc4, inds4 = _prep(coords.reshape(b, 3, 8, n // 8))
    norm_coords = nc4.reshape(b, 3, n)
    idx_flat = inds4.reshape(b * n)
    out_halves = []
    for g in range(b // _HB):
        feat_g = features[g * _HB:(g + 1) * _HB].reshape(_HB * c * n)
        sums_g, cnt_g = _get_sc_scatter(g)(feat_g, idx_flat)
        out_halves.append(_finalize(
            sums_g.reshape(_HB, c, NVOX), cnt_g.reshape(_HB, 8, NVOX)))
    out = jnp.concatenate(out_halves, axis=0)
    inds = lax.stop_gradient(inds4.reshape(b, n))
    return (out.reshape(b, c, RES, RES, RES), inds, norm_coords)

# --- scband reference (transcript-rebuilt; emitter-appended) ---
"""Pipeline reference for scband-spherical-voxelization-16733192585422 (READ-ONLY COPY).

The authoritative reference and input builder live on the scoring server;
editing this copy changes nothing except your own understanding.
"""

import jax, jax.numpy as jnp
import numpy as np

R = 32  # resolution (init arg)


def setup_inputs(seed: int = 0) -> dict:
    key = jax.random.key(seed)
    k1, k2 = jax.random.split(key)
    features = jax.random.normal(k1, (8, 16, 100000), dtype=jnp.float32)
    coords = jax.random.normal(k2, (8, 3, 100000), dtype=jnp.float32)
    return {"features": features, "coords": coords}


def _spherical_avg_voxelize(features, norm_coords, r):
    # features: [B, C, N], norm_coords: [B, 3, N] inside unit ball
    x = norm_coords[:, 0, :]
    y = norm_coords[:, 1, :]
    z = norm_coords[:, 2, :]
    rho = jnp.sqrt(x * x + y * y + z * z)
    theta = jnp.arccos(jnp.clip(z / (rho + 1e-20), -1.0, 1.0))  # [0, pi]
    phi = jnp.arctan2(y, x)  # [-pi, pi]
    rho_bin = jnp.clip((rho * r).astype(jnp.int32), 0, r - 1)
    theta_bin = jnp.clip((theta / np.pi * r).astype(jnp.int32), 0, r - 1)
    phi_bin = jnp.clip(((phi + np.pi) / (2.0 * np.pi) * r).astype(jnp.int32), 0, r - 1)
    inds = rho_bin * (r * r) + theta_bin * r + phi_bin  # [B, N] flat voxel index

    def voxelize_one(f, idx):
        # f: [C, N], idx: [N]
        sums = jax.ops.segment_sum(f.T, idx, num_segments=r ** 3)  # [r^3, C]
        cnt = jax.ops.segment_sum(jnp.ones(idx.shape, dtype=f.dtype), idx, num_segments=r ** 3)  # [r^3]
        avg = sums / jnp.maximum(cnt, 1.0)[:, None]
        return avg.T  # [C, r^3]

    out = jax.vmap(voxelize_one)(features, inds)  # [B, C, r^3]
    B, C = features.shape[0], features.shape[1]
    out = out.reshape(B, C, r, r, r)
    return out, inds


def reference(features, coords):
    coords = jax.lax.stop_gradient(coords)  # coords.detach()
    norm_coords = coords - coords.mean(axis=2, keepdims=True)
    norms = jnp.linalg.norm(norm_coords, axis=1, keepdims=True)  # [B,1,N]
    max_norm = jnp.max(norms, axis=2, keepdims=True)  # [B,1,1]
    norm_coords = norm_coords / (max_norm + 1e-20)
    out, inds = _spherical_avg_voxelize(features, norm_coords, R)
    inds = jax.lax.stop_gradient(inds)
    return (out, inds, norm_coords)

if __name__ == "__main__":
    import jax
    _d = setup_inputs()
    print(jax.jit(kernel)(*tuple(_d.values())))

</pallas_src>

<mosaic_0001>
#map = affine_map<(d0, d1) -> (0)>
module attributes {stable_mosaic.version = 14 : i64} {
  func.func @body(%arg0: i32, %arg1: i32, %arg2: memref<6400000xf32, #tpu.memory_space<hbm>>, %arg3: memref<800000xi32, #tpu.memory_space<hbm>>, %arg4: memref<2097152xf32, #tpu.memory_space<hbm>>, %arg5: memref<1048576xf32, #tpu.memory_space<hbm>>, %arg6: memref<32768xf32, #tpu.memory_space<vmem>>, %arg7: memref<10000xi32, #tpu.memory_space<vmem>>, %arg8: memref<10000xi32, #tpu.memory_space<vmem>>, %arg9: memref<10000xf32, #tpu.memory_space<vmem>>, %arg10: memref<10000xf32, #tpu.memory_space<vmem>>, %arg11: memref<!tpu.dma_semaphore, #tpu.memory_space<semaphore_mem>>, %arg12: memref<!tpu.dma_semaphore, #tpu.memory_space<semaphore_mem>>, %arg13: memref<!tpu.dma_semaphore, #tpu.memory_space<semaphore_mem>>) attributes {dimension_semantics = [#tpu.dimension_semantics<core_parallel>, #tpu.dimension_semantics<subcore_parallel>], iteration_bounds = array<i64: 2, 16>, scalar_prefetch = 0 : i64, scratch_operands = 8 : i64, tpu.core_type = #tpu.core_type<sc_vector_subcore>, window_params = [{transform_indices = #map}, {transform_indices = #map}, {transform_indices = #map}, {transform_indices = #map}]} {
    %mul3A = arith.constant 2 : i32
    %mul3A_0 = arith.muli %arg1, %mul3A : i32
    %add3A = arith.addi %mul3A_0, %arg0 : i32
    %broadcast_in_dim3A = arith.constant 1.000000e+00 : f32
    %broadcast_in_dim3A_1 = vector.broadcast %broadcast_in_dim3A : f32 to vector<16xf32>
    %broadcast_in_dim3A_2 = arith.constant 0.000000e+00 : f32
    %broadcast_in_dim3A_3 = vector.broadcast %broadcast_in_dim3A_2 : f32 to vector<16xf32>
    %add3A_4 = arith.constant 0 : i32
    %add3A_5 = arith.addi %add3A, %add3A_4 : i32
    %jit3A = arith.constant 16 : i32
    %div3A = arith.divsi %add3A_5, %jit3A : i32
    %sign3A = arith.constant 0 : i32
    %sign3A_6 = arith.cmpi sgt, %add3A_5, %sign3A : i32
    %sign3A_7 = arith.extui %sign3A_6 : i1 to i32
    %sign3A_8 = arith.constant 0 : i32
    %sign3A_9 = arith.cmpi slt, %add3A_5, %sign3A_8 : i32
    %sign3A_10 = arith.extui %sign3A_9 : i1 to i32
    %sign3A_11 = arith.subi %sign3A_7, %sign3A_10 : i32
    %sign3A_12 = arith.constant 0 : i32
    %sign3A_13 = arith.cmpi sgt, %jit3A, %sign3A_12 : i32
    %sign3A_14 = arith.extui %sign3A_13 : i1 to i32
    %sign3A_15 = arith.constant 0 : i32
    %sign3A_16 = arith.cmpi slt, %jit3A, %sign3A_15 : i32
    %sign3A_17 = arith.extui %sign3A_16 : i1 to i32
    %sign3A_18 = arith.subi %sign3A_14, %sign3A_17 : i32
    %ne3A = arith.cmpi ne, %sign3A_11, %sign3A_18 : i32
    %rem3A = arith.remsi %add3A_5, %jit3A : i32
    %ne3A_19 = arith.constant 0 : i32
    %ne3A_20 = arith.cmpi ne, %rem3A, %ne3A_19 : i32
    %and3A = arith.andi %ne3A, %ne3A_20 : i1
    %sub3A = arith.constant 1 : i32
    %sub3A_21 = arith.subi %div3A, %sub3A : i32
    %select_n3A = arith.select %and3A, %sub3A_21, %div3A : i32
    %add3A_22 = arith.constant 4 : i32
    %add3A_23 = arith.addi %add3A_22, %select_n3A : i32
    %mul3A_24 = arith.constant 100000 : i32
    %mul3A_25 = arith.muli %add3A_23, %mul3A_24 : i32
    %mul3A_26 = arith.constant 100000 : i32
    %mul3A_27 = arith.muli %add3A_5, %mul3A_26 : i32
    %mul3A_28 = arith.constant 32768 : i32
    %mul3A_29 = arith.muli %add3A_5, %mul3A_28 : i32
    %add3A_30 = arith.constant 0 : i32
    %add3A_31 = arith.addi %mul3A_25, %add3A_30 : i32
    %dma_start3A = arith.constant 0 : i32
    %dma_start3A_32 = tpu.memref_slice %arg7[%dma_start3A] : memref<10000xi32, #tpu.memory_space<vmem>> -> memref<10000xi32, #tpu.memory_space<vmem>>
    %dma_start3A_33 = tpu.memref_slice %arg3[%add3A_31] : memref<800000xi32, #tpu.memory_space<hbm>> -> memref<10000xi32, #tpu.memory_space<hbm>>
    %dma_start3A_34 = arith.constant 0 : i32
    %dma_start3A_35 = tpu.memref_slice %arg7[%dma_start3A_34] : memref<10000xi32, #tpu.memory_space<vmem>> -> memref<10000xi32, #tpu.memory_space<vmem>>
    %dma_start3A_36 = tpu.memref_slice %arg3[%add3A_31] : memref<800000xi32, #tpu.memory_space<hbm>> -> memref<10000xi32, #tpu.memory_space<hbm>>
    tpu.enqueue_dma source(%dma_start3A_36 : memref<10000xi32, #tpu.memory_space<hbm>>) target(%dma_start3A_35 : memref<10000xi32, #tpu.memory_space<vmem>>) target_semaphore(%arg11 : memref<!tpu.dma_semaphore, #tpu.memory_space<semaphore_mem>>)
    %add3A_37 = arith.constant 0 : i32
    %add3A_38 = arith.addi %mul3A_27, %add3A_37 : i32
    %dma_start3A_39 = tpu.memref_slice %arg2[%add3A_38] : memref<6400000xf32, #tpu.memory_space<hbm>> -> memref<10000xf32, #tpu.memory_space<hbm>>
    %dma_start3A_40 = tpu.memref_slice %arg2[%add3A_38] : memref<6400000xf32, #tpu.memory_space<hbm>> -> memref<10000xf32, #tpu.memory_space<hbm>>
    tpu.enqueue_dma source(%dma_start3A_40 : memref<10000xf32, #tpu.memory_space<hbm>>) target(%arg9 : memref<10000xf32, #tpu.memory_space<vmem>>) target_semaphore(%arg11 : memref<!tpu.dma_semaphore, #tpu.memory_space<semaphore_mem>>)
    %scan3A = arith.constant 0 : i32
    %scan3A_41 = arith.constant 0 : i32
    %scan3A_42 = arith.constant 128 : i32
    %scan3A_43 = arith.addi %scan3A_41, %scan3A_42 : i32
    %scan3A_44 = arith.constant 1 : i32
    scf.for %scan3A_221 = %scan3A_41 to %scan3A_43 step %scan3A_44  : i32 {
      %mul3A_222 = arith.constant 256 : i32
      %mul3A_223 = arith.muli %scan3A_221, %mul3A_222 : i32
      %add3A_224 = arith.constant 0 : i32
      %add3A_225 = arith.addi %mul3A_223, %add3A_224 : i32
      %swap3A = arith.index_cast %add3A_225 : i32 to index
      %swap3A_226 = tpu.vector_load %arg6[%swap3A] {strides = array<i32>} : memref<32768xf32, #tpu.memory_space<vmem>>, vector<16xf32>,
      tpu.vector_store %arg6[%swap3A], %broadcast_in_dim3A_3 {strides = array<i32>} : memref<32768xf32, #tpu.memory_space<vmem>>, vector<16xf32>,
      %mul3A_227 = arith.constant 256 : i32
      %mul3A_228 = arith.muli %scan3A_221, %mul3A_227 : i32
      %add3A_229 = arith.constant 16 : i32
      %add3A_230 = arith.addi %mul3A_228, %add3A_229 : i32
      %swap3A_231 = arith.index_cast %add3A_230 : i32 to index
      %swap3A_232 = tpu.vector_load %arg6[%swap3A_231] {strides = array<i32>} : memref<32768xf32, #tpu.memory_space<vmem>>, vector<16xf32>,
      tpu.vector_store %arg6[%swap3A_231], %broadcast_in_dim3A_3 {strides = array<i32>} : memref<32768xf32, #tpu.memory_space<vmem>>, vector<16xf32>,
      %mul3A_233 = arith.constant 256 : i32
      %mul3A_234 = arith.muli %scan3A_221, %mul3A_233 : i32
      %add3A_235 = arith.constant 32 : i32
      %add3A_236 = arith.addi %mul3A_234, %add3A_235 : i32
      %swap3A_237 = arith.index_cast %add3A_236 : i32 to index
      %swap3A_238 = tpu.vector_load %arg6[%swap3A_237] {strides = array<i32>} : memref<32768xf32, #tpu.memory_space<vmem>>, vector<16xf32>,
      tpu.vector_store %arg6[%swap3A_237], %broadcast_in_dim3A_3 {strides = array<i32>} : memref<32768xf32, #tpu.memory_space<vmem>>, vector<16xf32>,
      %mul3A_239 = arith.constant 256 : i32
      %mul3A_240 = arith.muli %scan3A_221, %mul3A_239 : i32
      %add3A_241 = arith.constant 48 : i32
      %add3A_242 = arith.addi %mul3A_240, %add3A_241 : i32
      %swap3A_243 = arith.index_cast %add3A_242 : i32 to index
      %swap3A_244 = tpu.vector_load %arg6[%swap3A_243] {strides = array<i32>} : memref<32768xf32, #tpu.memory_space<vmem>>, vector<16xf32>,
      tpu.vector_store %arg6[%swap3A_243], %broadcast_in_dim3A_3 {strides = array<i32>} : memref<32768xf32, #tpu.memory_space<vmem>>, vector<16xf32>,
      %mul3A_245 = arith.constant 256 : i32
      %mul3A_246 = arith.muli %scan3A_221, %mul3A_245 : i32
      %add3A_247 = arith.constant 64 : i32
      %add3A_248 = arith.addi %mul3A_246, %add3A_247 : i32
      %swap3A_249 = arith.index_cast %add3A_248 : i32 to index
      %swap3A_250 = tpu.vector_load %arg6[%swap3A_249] {strides = array<i32>} : memref<32768xf32, #tpu.memory_space<vmem>>, vector<16xf32>,
      tpu.vector_store %arg6[%swap3A_249], %broadcast_in_dim3A_3 {strides = array<i32>} : memref<32768xf32, #tpu.memory_space<vmem>>, vector<16xf32>,
      %mul3A_251 = arith.constant 256 : i32
      %mul3A_252 = arith.muli %scan3A_221, %mul3A_251 : i32
      %add3A_253 = arith.constant 80 : i32
      %add3A_254 = arith.addi %mul3A_252, %add3A_253 : i32
      %swap3A_255 = arith.index_cast %add3A_254 : i32 to index
      %swap3A_256 = tpu.vector_load %arg6[%swap3A_255] {strides = array<i32>} : memref<32768xf32, #tpu.memory_space<vmem>>, vector<16xf32>,
      tpu.vector_store %arg6[%swap3A_255], %broadcast_in_dim3A_3 {strides = array<i32>} : memref<32768xf32, #tpu.memory_space<vmem>>, vector<16xf32>,
      %mul3A_257 = arith.constant 256 : i32
      %mul3A_258 = arith.muli %scan3A_221, %mul3A_257 : i32
      %add3A_259 = arith.constant 96 : i32
      %add3A_260 = arith.addi %mul3A_258, %add3A_259 : i32
      %swap3A_261 = arith.index_cast %add3A_260 : i32 to index
      %swap3A_262 = tpu.vector_load %arg6[%swap3A_261] {strides = array<i32>} : memref<32768xf32, #tpu.memory_space<vmem>>, vector<16xf32>,
      tpu.vector_store %arg6[%swap3A_261], %broadcast_in_dim3A_3 {strides = array<i32>} : memref<32768xf32, #tpu.memory_space<vmem>>, vector<16xf32>,
      %mul3A_263 = arith.constant 256 : i32
      %mul3A_264 = arith.muli %scan3A_221, %mul3A_263 : i32
      %add3A_265 = arith.constant 112 : i32
      %add3A_266 = arith.addi %mul3A_264, %add3A_265 : i32
      %swap3A_267 = arith.index_cast %add3A_266 : i32 to index
      %swap3A_268 = tpu.vector_load %arg6[%swap3A_267] {strides = array<i32>} : memref<32768xf32, #tpu.memory_space<vmem>>, vector<16xf32>,
      tpu.vector_store %arg6[%swap3A_267], %broadcast_in_dim3A_3 {strides = array<i32>} : memref<32768xf32, #tpu.memory_space<vmem>>, vector<16xf32>,
      %mul3A_269 = arith.constant 256 : i32
      %mul3A_270 = arith.muli %scan3A_221, %mul3A_269 : i32
      %add3A_271 = arith.constant 128 : i32
      %add3A_272 = arith.addi %mul3A_270, %add3A_271 : i32
      %swap3A_273 = arith.index_cast %add3A_272 : i32 to index
      %swap3A_274 = tpu.vector_load %arg6[%swap3A_273] {strides = array<i32>} : memref<32768xf32, #tpu.memory_space<vmem>>, vector<16xf32>,
      tpu.vector_store %arg6[%swap3A_273], %broadcast_in_dim3A_3 {strides = array<i32>} : memref<32768xf32, #tpu.memory_space<vmem>>, vector<16xf32>,
      %mul3A_275 = arith.constant 256 : i32
      %mul3A_276 = arith.muli %scan3A_221, %mul3A_275 : i32
      %add3A_277 = arith.constant 144 : i32
      %add3A_278 = arith.addi %mul3A_276, %add3A_277 : i32
      %swap3A_279 = arith.index_cast %add3A_278 : i32 to index
      %swap3A_280 = tpu.vector_load %arg6[%swap3A_279] {strides = array<i32>} : memref<32768xf32, #tpu.memory_space<vmem>>, vector<16xf32>,
      tpu.vector_store %arg6[%swap3A_279], %broadcast_in_dim3A_3 {strides = array<i32>} : memref<32768xf32, #tpu.memory_space<vmem>>, vector<16xf32>,
      %mul3A_281 = arith.constant 256 : i32
      %mul3A_282 = arith.muli %scan3A_221, %mul3A_281 : i32
      %add3A_283 = arith.constant 160 : i32
      %add3A_284 = arith.addi %mul3A_282, %add3A_283 : i32
      %swap3A_285 = arith.index_cast %add3A_284 : i32 to index
      %swap3A_286 = tpu.vector_load %arg6[%swap3A_285] {strides = array<i32>} : memref<32768xf32, #tpu.memory_space<vmem>>, vector<16xf32>,
      tpu.vector_store %arg6[%swap3A_285], %broadcast_in_dim3A_3 {strides = array<i32>} : memref<32768xf32, #tpu.memory_space<vmem>>, vector<16xf32>,
      %mul3A_287 = arith.constant 256 : i32
      %mul3A_288 = arith.muli %scan3A_221, %mul3A_287 : i32
      %add3A_289 = arith.constant 176 : i32
      %add3A_290 = arith.addi %mul3A_288, %add3A_289 : i32
      %swap3A_291 = arith.index_cast %add3A_290 : i32 to index
      %swap3A_292 = tpu.vector_load %arg6[%swap3A_291] {strides = array<i32>} : memref<32768xf32, #tpu.memory_space<vmem>>, vector<16xf32>,
      tpu.vector_store %arg6[%swap3A_291], %broadcast_in_dim3A_3 {strides = array<i32>} : memref<32768xf32, #tpu.memory_space<vmem>>, vector<16xf32>,
      %mul3A_293 = arith.constant 256 : i32
      %mul3A_294 = arith.muli %scan3A_221, %mul3A_293 : i32
      %add3A_295 = arith.constant 192 : i32
      %add3A_296 = arith.addi %mul3A_294, %add3A_295 : i32
      %swap3A_297 = arith.index_cast %add3A_296 : i32 to index
      %swap3A_298 = tpu.vector_load %arg6[%swap3A_297] {strides = array<i32>} : memref<32768xf32, #tpu.memory_space<vmem>>, vector<16xf32>,
      tpu.vector_store %arg6[%swap3A_297], %broadcast_in_dim3A_3 {strides = array<i32>} : memref<32768xf32, #tpu.memory_space<vmem>>, vector<16xf32>,
      %mul3A_299 = arith.constant 256 : i32
      %mul3A_300 = arith.muli %scan3A_221, %mul3A_299 : i32
      %add3A_301 = arith.constant 208 : i32
      %add3A_302 = arith.addi %mul3A_300, %add3A_301 : i32
      %swap3A_303 = arith.index_cast %add3A_302 : i32 to index
      %swap3A_304 = tpu.vector_load %arg6[%swap3A_303] {strides = array<i32>} : memref<32768xf32, #tpu.memory_space<vmem>>, vector<16xf32>,
      tpu.vector_store %arg6[%swap3A_303], %broadcast_in_dim3A_3 {strides = array<i32>} : memref<32768xf32, #tpu.memory_space<vmem>>, vector<16xf32>,
      %mul3A_305 = arith.constant 256 : i32
      %mul3A_306 = arith.muli %scan3A_221, %mul3A_305 : i32
      %add3A_307 = arith.constant 224 : i32
      %add3A_308 = arith.addi %mul3A_306, %add3A_307 : i32
      %swap3A_309 = arith.index_cast %add3A_308 : i32 to index
      %swap3A_310 = tpu.vector_load %arg6[%swap3A_309] {strides = array<i32>} : memref<32768xf32, #tpu.memory_space<vmem>>, vector<16xf32>,
      tpu.vector_store %arg6[%swap3A_309], %broadcast_in_dim3A_3 {strides = array<i32>} : memref<32768xf32, #tpu.memory_space<vmem>>, vector<16xf32>,
      %mul3A_311 = arith.constant 256 : i32
      %mul3A_312 = arith.muli %scan3A_221, %mul3A_311 : i32
      %add3A_313 = arith.constant 240 : i32
      %add3A_314 = arith.addi %mul3A_312, %add3A_313 : i32
      %swap3A_315 = arith.index_cast %add3A_314 : i32 to index
      %swap3A_316 = tpu.vector_load %arg6[%swap3A_315] {strides = array<i32>} : memref<32768xf32, #tpu.memory_space<vmem>>, vector<16xf32>,
      tpu.vector_store %arg6[%swap3A_315], %broadcast_in_dim3A_3 {strides = array<i32>} : memref<32768xf32, #tpu.memory_space<vmem>>, vector<16xf32>,
    }
    %scan3A_45 = arith.constant 128 : i32
    %scan3A_46 = arith.constant 0 : i32
    %scan3A_47 = arith.constant 0 : i32
    %scan3A_48 = arith.constant 5 : i32
    %scan3A_49 = arith.addi %scan3A_47, %scan3A_48 : i32
    %scan3A_50 = arith.constant 1 : i32
    scf.for %scan3A_221 = %scan3A_47 to %scan3A_49 step %scan3A_50  : i32 {
      %mul3A_222 = arith.constant 2 : i32
      %mul3A_223 = arith.muli %mul3A_222, %scan3A_221 : i32
      %add3A_224 = arith.constant 1 : i32
      %add3A_225 = arith.addi %mul3A_223, %add3A_224 : i32
      %mul3A_226 = arith.constant 10000 : i32
      %mul3A_227 = arith.muli %add3A_225, %mul3A_226 : i32
      %add3A_228 = arith.addi %mul3A_25, %mul3A_227 : i32
      %dma_start3A_229 = arith.constant 0 : i32
      %dma_start3A_230 = tpu.memref_slice %arg8[%dma_start3A_229] : memref<10000xi32, #tpu.memory_space<vmem>> -> memref<10000xi32, #tpu.memory_space<vmem>>
      %dma_start3A_231 = tpu.memref_slice %arg3[%add3A_228] : memref<800000xi32, #tpu.memory_space<hbm>> -> memref<10000xi32, #tpu.memory_space<hbm>>
      %dma_start3A_232 = arith.constant 0 : i32
      %dma_start3A_233 = tpu.memref_slice %arg8[%dma_start3A_232] : memref<10000xi32, #tpu.memory_space<vmem>> -> memref<10000xi32, #tpu.memory_space<vmem>>
      %dma_start3A_234 = tpu.memref_slice %arg3[%add3A_228] : memref<800000xi32, #tpu.memory_space<hbm>> -> memref<10000xi32, #tpu.memory_space<hbm>>
      tpu.enqueue_dma source(%dma_start3A_234 : memref<10000xi32, #tpu.memory_space<hbm>>) target(%dma_start3A_233 : memref<10000xi32, #tpu.memory_space<vmem>>) target_semaphore(%arg12 : memref<!tpu.dma_semaphore, #tpu.memory_space<semaphore_mem>>)
      %add3A_235 = arith.addi %mul3A_27, %mul3A_227 : i32
      %dma_start3A_236 = tpu.memref_slice %arg2[%add3A_235] : memref<6400000xf32, #tpu.memory_space<hbm>> -> memref<10000xf32, #tpu.memory_space<hbm>>
      %dma_start3A_237 = tpu.memref_slice %arg2[%add3A_235] : memref<6400000xf32, #tpu.memory_space<hbm>> -> memref<10000xf32, #tpu.memory_space<hbm>>
      tpu.enqueue_dma source(%dma_start3A_237 : memref<10000xf32, #tpu.memory_space<hbm>>) target(%arg10 : memref<10000xf32, #tpu.memory_space<vmem>>) target_semaphore(%arg12 : memref<!tpu.dma_semaphore, #tpu.memory_space<semaphore_mem>>)
      %dma_wait3A_238 = arith.constant 0 : i32
      %dma_wait3A_239 = tpu.memref_slice %arg7[%dma_wait3A_238] : memref<10000xi32, #tpu.memory_space<vmem>> -> memref<10000xi32, #tpu.memory_space<vmem>>
      %dma_wait3A_240 = arith.constant 0 : i32
      %dma_wait3A_241 = tpu.memref_slice %arg3[%dma_wait3A_240] : memref<800000xi32, #tpu.memory_space<hbm>> -> memref<10000xi32, #tpu.memory_space<hbm>>
      %dma_wait3A_242 = arith.constant 0 : i32
      %dma_wait3A_243 = tpu.memref_slice %arg7[%dma_wait3A_242] : memref<10000xi32, #tpu.memory_space<vmem>> -> memref<10000xi32, #tpu.memory_space<vmem>>
      %dma_wait3A_244 = arith.constant 0 : i32
      %dma_wait3A_245 = tpu.memref_slice %arg3[%dma_wait3A_244] : memref<800000xi32, #tpu.memory_space<hbm>> -> memref<10000xi32, #tpu.memory_space<hbm>>
      tpu.wait_dma2 semaphore(%arg11 : memref<!tpu.dma_semaphore, #tpu.memory_space<semaphore_mem>>) src(%dma_wait3A_245 : memref<10000xi32, #tpu.memory_space<hbm>>) dst(%dma_wait3A_243 : memref<10000xi32, #tpu.memory_space<vmem>>)
      %dma_wait3A_246 = arith.constant 0 : i32
      %dma_wait3A_247 = tpu.memref_slice %arg2[%dma_wait3A_246] : memref<6400000xf32, #tpu.memory_space<hbm>> -> memref<10000xf32, #tpu.memory_space<hbm>>
      %dma_wait3A_248 = arith.constant 0 : i32
      %dma_wait3A_249 = tpu.memref_slice %arg2[%dma_wait3A_248] : memref<6400000xf32, #tpu.memory_space<hbm>> -> memref<10000xf32, #tpu.memory_space<hbm>>
      tpu.wait_dma2 semaphore(%arg11 : memref<!tpu.dma_semaphore, #tpu.memory_space<semaphore_mem>>) src(%dma_wait3A_249 : memref<10000xf32, #tpu.memory_space<hbm>>) dst(%arg9 : memref<10000xf32, #tpu.memory_space<vmem>>)
      %scan3A_250 = arith.constant 0 : i32
      %scan3A_251 = arith.constant 0 : i32
      %scan3A_252 = arith.constant 25 : i32
      %scan3A_253 = arith.addi %scan3A_251, %scan3A_252 : i32
      %scan3A_254 = arith.constant 1 : i32
      scf.for %scan3A_283 = %scan3A_251 to %scan3A_253 step %scan3A_254  : i32 {
        %mul3A_284 = arith.constant 400 : i32
        %mul3A_285 = arith.muli %scan3A_283, %mul3A_284 : i32
        %add3A_286 = arith.constant 0 : i32
        %add3A_287 = arith.addi %mul3A_285, %add3A_286 : i32
        %get3A_288 = arith.index_cast %add3A_287 : i32 to index
        %get3A_289 = tpu.vector_load %arg7[%get3A_288] {strides = array<i32>} : memref<10000xi32, #tpu.memory_space<vmem>>, vector<16xi32>,
        %get3A_290 = arith.index_cast %add3A_287 : i32 to index
        %get3A_291 = tpu.vector_load %arg9[%get3A_290] {strides = array<i32>} : memref<10000xf32, #tpu.memory_space<vmem>>, vector<16xf32>,
        tpu.vector_store_idx %arg6[%get3A_289], %get3A_291 {add = true} : memref<32768xf32, #tpu.memory_space<vmem>>[vector<16xi32>], vector<16xf32>,
        %mul3A_292 = arith.constant 400 : i32
        %mul3A_293 = arith.muli %scan3A_283, %mul3A_292 : i32
        %add3A_294 = arith.constant 16 : i32
        %add3A_295 = arith.addi %mul3A_293, %add3A_294 : i32
        %get3A_296 = arith.index_cast %add3A_295 : i32 to index
        %get3A_297 = tpu.vector_load %arg7[%get3A_296] {strides = array<i32>} : memref<10000xi32, #tpu.memory_space<vmem>>, vector<16xi32>,
        %get3A_298 = arith.index_cast %add3A_295 : i32 to index
        %get3A_299 = tpu.vector_load %arg9[%get3A_298] {strides = array<i32>} : memref<10000xf32, #tpu.memory_space<vmem>>, vector<16xf32>,
        tpu.vector_store_idx %arg6[%get3A_297], %get3A_299 {add = true} : memref<32768xf32, #tpu.memory_space<vmem>>[vector<16xi32>], vector<16xf32>,
        %mul3A_300 = arith.constant 400 : i32
        %mul3A_301 = arith.muli %scan3A_283, %mul3A_300 : i32
        %add3A_302 = arith.constant 32 : i32
        %add3A_303 = arith.addi %mul3A_301, %add3A_302 : i32
        %get3A_304 = arith.index_cast %add3A_303 : i32 to index
        %get3A_305 = tpu.vector_load %arg7[%get3A_304] {strides = array<i32>} : memref<10000xi32, #tpu.memory_space<vmem>>, vector<16xi32>,
        %get3A_306 = arith.index_cast %add3A_303 : i32 to index
        %get3A_307 = tpu.vector_load %arg9[%get3A_306] {strides = array<i32>} : memref<10000xf32, #tpu.memory_space<vmem>>, vector<16xf32>,
        tpu.vector_store_idx %arg6[%get3A_305], %get3A_307 {add = true} : memref<32768xf32, #tpu.memory_space<vmem>>[vector<16xi32>], vector<16xf32>,
        %mul3A_308 = arith.constant 400 : i32
        %mul3A_309 = arith.muli %scan3A_283, %mul3A_308 : i32
        %add3A_310 = arith.constant 48 : i32
        %add3A_311 = arith.addi %mul3A_309, %add3A_310 : i32
        %get3A_312 = arith.index_cast %add3A_311 : i32 to index
        %get3A_313 = tpu.vector_load %arg7[%get3A_312] {strides = array<i32>} : memref<10000xi32, #tpu.memory_space<vmem>>, vector<16xi32>,
        %get3A_314 = arith.index_cast %add3A_311 : i32 to index
        %get3A_315 = tpu.vector_load %arg9[%get3A_314] {strides = array<i32>} : memref<10000xf32, #tpu.memory_space<vmem>>, vector<16xf32>,
        tpu.vector_store_idx %arg6[%get3A_313], %get3A_315 {add = true} : memref<32768xf32, #tpu.memory_space<vmem>>[vector<16xi32>], vector<16xf32>,
        %mul3A_316 = arith.constant 400 : i32
        %mul3A_317 = arith.muli %scan3A_283, %mul3A_316 : i32
        %add3A_318 = arith.constant 64 : i32
        %add3A_319 = arith.addi %mul3A_317, %add3A_318 : i32
        %get3A_320 = arith.index_cast %add3A_319 : i32 to index
        %get3A_321 = tpu.vector_load %arg7[%get3A_320] {strides = array<i32>} : memref<10000xi32, #tpu.memory_space<vmem>>, vector<16xi32>,
        %get3A_322 = arith.index_cast %add3A_319 : i32 to index
        %get3A_323 = tpu.vector_load %arg9[%get3A_322] {strides = array<i32>} : memref<10000xf32, #tpu.memory_space<vmem>>, vector<16xf32>,
        tpu.vector_store_idx %arg6[%get3A_321], %get3A_323 {add = true} : memref<32768xf32, #tpu.memory_space<vmem>>[vector<16xi32>], vector<16xf32>,
        %mul3A_324 = arith.constant 400 : i32
        %mul3A_325 = arith.muli %scan3A_283, %mul3A_324 : i32
        %add3A_326 = arith.constant 80 : i32
        %add3A_327 = arith.addi %mul3A_325, %add3A_326 : i32
        %get3A_328 = arith.index_cast %add3A_327 : i32 to index
        %get3A_329 = tpu.vector_load %arg7[%get3A_328] {strides = array<i32>} : memref<10000xi32, #tpu.memory_space<vmem>>, vector<16xi32>,
        %get3A_330 = arith.index_cast %add3A_327 : i32 to index
        %get3A_331 = tpu.vector_load %arg9[%get3A_330] {strides = array<i32>} : memref<10000xf32, #tpu.memory_space<vmem>>, vector<16xf32>,
        tpu.vector_store_idx %arg6[%get3A_329], %get3A_331 {add = true} : memref<32768xf32, #tpu.memory_space<vmem>>[vector<16xi32>], vector<16xf32>,
        %mul3A_332 = arith.constant 400 : i32
        %mul3A_333 = arith.muli %scan3A_283, %mul3A_332 : i32
        %add3A_334 = arith.constant 96 : i32
        %add3A_335 = arith.addi %mul3A_333, %add3A_334 : i32
        %get3A_336 = arith.index_cast %add3A_335 : i32 to index
        %get3A_337 = tpu.vector_load %arg7[%get3A_336] {strides = array<i32>} : memref<10000xi32, #tpu.memory_space<vmem>>, vector<16xi32>,
        %get3A_338 = arith.index_cast %add3A_335 : i32 to index
        %get3A_339 = tpu.vector_load %arg9[%get3A_338] {strides = array<i32>} : memref<10000xf32, #tpu.memory_space<vmem>>, vector<16xf32>,
        tpu.vector_store_idx %arg6[%get3A_337], %get3A_339 {add = true} : memref<32768xf32, #tpu.memory_space<vmem>>[vector<16xi32>], vector<16xf32>,
        %mul3A_340 = arith.constant 400 : i32
        %mul3A_341 = arith.muli %scan3A_283, %mul3A_340 : i32
        %add3A_342 = arith.constant 112 : i32
        %add3A_343 = arith.addi %mul3A_341, %add3A_342 : i32
        %get3A_344 = arith.index_cast %add3A_343 : i32 to index
        %get3A_345 = tpu.vector_load %arg7[%get3A_344] {strides = array<i32>} : memref<10000xi32, #tpu.memory_space<vmem>>, vector<16xi32>,
        %get3A_346 = arith.index_cast %add3A_343 : i32 to index
        %get3A_347 = tpu.vector_load %arg9[%get3A_346] {strides = array<i32>} : memref<10000xf32, #tpu.memory_space<vmem>>, vector<16xf32>,
        tpu.vector_store_idx %arg6[%get3A_345], %get3A_347 {add = true} : memref<32768xf32, #tpu.memory_space<vmem>>[vector<16xi32>], vector<16xf32>,
        %mul3A_348 = arith.constant 400 : i32
        %mul3A_349 = arith.muli %scan3A_283, %mul3A_348 : i32
        %add3A_350 = arith.constant 128 : i32
        %add3A_351 = arith.addi %mul3A_349, %add3A_350 : i32
        %get3A_352 = arith.index_cast %add3A_351 : i32 to index
        %get3A_353 = tpu.vector_load %arg7[%get3A_352] {strides = array<i32>} : memref<10000xi32, #tpu.memory_space<vmem>>, vector<16xi32>,
        %get3A_354 = arith.index_cast %add3A_351 : i32 to index
        %get3A_355 = tpu.vector_load %arg9[%get3A_354] {strides = array<i32>} : memref<10000xf32, #tpu.memory_space<vmem>>, vector<16xf32>,
        tpu.vector_store_idx %arg6[%get3A_353], %get3A_355 {add = true} : memref<32768xf32, #tpu.memory_space<vmem>>[vector<16xi32>], vector<16xf32>,
        %mul3A_356 = arith.constant 400 : i32
        %mul3A_357 = arith.muli %scan3A_283, %mul3A_356 : i32
        %add3A_358 = arith.constant 144 : i32
        %add3A_359 = arith.addi %mul3A_357, %add3A_358 : i32
        %get3A_360 = arith.index_cast %add3A_359 : i32 to index
        %get3A_361 = tpu.vector_load %arg7[%get3A_360] {strides = array<i32>} : memref<10000xi32, #tpu.memory_space<vmem>>, vector<16xi32>,
        %get3A_362 = arith.index_cast %add3A_359 : i32 to index
        %get3A_363 = tpu.vector_load %arg9[%get3A_362] {strides = array<i32>} : memref<10000xf32, #tpu.memory_space<vmem>>, vector<16xf32>,
        tpu.vector_store_idx %arg6[%get3A_361], %get3A_363 {add = true} : memref<32768xf32, #tpu.memory_space<vmem>>[vector<16xi32>], vector<16xf32>,
        %mul3A_364 = arith.constant 400 : i32
        %mul3A_365 = arith.muli %scan3A_283, %mul3A_364 : i32
        %add3A_366 = arith.constant 160 : i32
        %add3A_367 = arith.addi %mul3A_365, %add3A_366 : i32
        %get3A_368 = arith.index_cast %add3A_367 : i32 to index
        %get3A_369 = tpu.vector_load %arg7[%get3A_368] {strides = array<i32>} : memref<10000xi32, #tpu.memory_space<vmem>>, vector<16xi32>,
        %get3A_370 = arith.index_cast %add3A_367 : i32 to index
        %get3A_371 = tpu.vector_load %arg9[%get3A_370] {strides = array<i32>} : memref<10000xf32, #tpu.memory_space<vmem>>, vector<16xf32>,
        tpu.vector_store_idx %arg6[%get3A_369], %get3A_371 {add = true} : memref<32768xf32, #tpu.memory_space<vmem>>[vector<16xi32>], vector<16xf32>,
        %mul3A_372 = arith.constant 400 : i32
        %mul3A_373 = arith.muli %scan3A_283, %mul3A_372 : i32
        %add3A_374 = arith.constant 176 : i32
        %add3A_375 = arith.addi %mul3A_373, %add3A_374 : i32
        %get3A_376 = arith.index_cast %add3A_375 : i32 to index
        %get3A_377 = tpu.vector_load %arg7[%get3A_376] {strides = array<i32>} : memref<10000xi32, #tpu.memory_space<vmem>>, vector<16xi32>,
        %get3A_378 = arith.index_cast %add3A_375 : i32 to index
        %get3A_379 = tpu.vector_load %arg9[%get3A_378] {strides = array<i32>} : memref<10000xf32, #tpu.memory_space<vmem>>, vector<16xf32>,
        tpu.vector_store_idx %arg6[%get3A_377], %get3A_379 {add = true} : memref<32768xf32, #tpu.memory_space<vmem>>[vector<16xi32>], vector<16xf32>,
        %mul3A_380 = arith.constant 400 : i32
        %mul3A_381 = arith.muli %scan3A_283, %mul3A_380 : i32
        %add3A_382 = arith.constant 192 : i32
        %add3A_383 = arith.addi %mul3A_381, %add3A_382 : i32
        %get3A_384 = arith.index_cast %add3A_383 : i32 to index
        %get3A_385 = tpu.vector_load %arg7[%get3A_384] {strides = array<i32>} : memref<10000xi32, #tpu.memory_space<vmem>>, vector<16xi32>,
        %get3A_386 = arith.index_cast %add3A_383 : i32 to index
        %get3A_387 = tpu.vector_load %arg9[%get3A_386] {strides = array<i32>} : memref<10000xf32, #tpu.memory_space<vmem>>, vector<16xf32>,
        tpu.vector_store_idx %arg6[%get3A_385], %get3A_387 {add = true} : memref<32768xf32, #tpu.memory_space<vmem>>[vector<16xi32>], vector<16xf32>,
        %mul3A_388 = arith.constant 400 : i32
        %mul3A_389 = arith.muli %scan3A_283, %mul3A_388 : i32
        %add3A_390 = arith.constant 208 : i32
        %add3A_391 = arith.addi %mul3A_389, %add3A_390 : i32
        %get3A_392 = arith.index_cast %add3A_391 : i32 to index
        %get3A_393 = tpu.vector_load %arg7[%get3A_392] {strides = array<i32>} : memref<10000xi32, #tpu.memory_space<vmem>>, vector<16xi32>,
        %get3A_394 = arith.index_cast %add3A_391 : i32 to index
        %get3A_395 = tpu.vector_load %arg9[%get3A_394] {strides = array<i32>} : memref<10000xf32, #tpu.memory_space<vmem>>, vector<16xf32>,
        tpu.vector_store_idx %arg6[%get3A_393], %get3A_395 {add = true} : memref<32768xf32, #tpu.memory_space<vmem>>[vector<16xi32>], vector<16xf32>,
        %mul3A_396 = arith.constant 400 : i32
        %mul3A_397 = arith.muli %scan3A_283, %mul3A_396 : i32
        %add3A_398 = arith.constant 224 : i32
        %add3A_399 = arith.addi %mul3A_397, %add3A_398 : i32
        %get3A_400 = arith.index_cast %add3A_399 : i32 to index
        %get3A_401 = tpu.vector_load %arg7[%get3A_400] {strides = array<i32>} : memref<10000xi32, #tpu.memory_space<vmem>>, vector<16xi32>,
        %get3A_402 = arith.index_cast %add3A_399 : i32 to index
        %get3A_403 = tpu.vector_load %arg9[%get3A_402] {strides = array<i32>} : memref<10000xf32, #tpu.memory_space<vmem>>, vector<16xf32>,
        tpu.vector_store_idx %arg6[%get3A_401], %get3A_403 {add = true} : memref<32768xf32, #tpu.memory_space<vmem>>[vector<16xi32>], vector<16xf32>,
        %mul3A_404 = arith.constant 400 : i32
        %mul3A_405 = arith.muli %scan3A_283, %mul3A_404 : i32
        %add3A_406 = arith.constant 240 : i32
        %add3A_407 = arith.addi %mul3A_405, %add3A_406 : i32
        %get3A_408 = arith.index_cast %add3A_407 : i32 to index
        %get3A_409 = tpu.vector_load %arg7[%get3A_408] {strides = array<i32>} : memref<10000xi32, #tpu.memory_space<vmem>>, vector<16xi32>,
        %get3A_410 = arith.index_cast %add3A_407 : i32 to index
        %get3A_411 = tpu.vector_load %arg9[%get3A_410] {strides = array<i32>} : memref<10000xf32, #tpu.memory_space<vmem>>, vector<16xf32>,
        tpu.vector_store_idx %arg6[%get3A_409], %get3A_411 {add = true} : memref<32768xf32, #tpu.memory_space<vmem>>[vector<16xi32>], vector<16xf32>,
        %mul3A_412 = arith.constant 400 : i32
        %mul3A_413 = arith.muli %scan3A_283, %mul3A_412 : i32
        %add3A_414 = arith.constant 256 : i32
        %add3A_415 = arith.addi %mul3A_413, %add3A_414 : i32
        %get3A_416 = arith.index_cast %add3A_415 : i32 to index
        %get3A_417 = tpu.vector_load %arg7[%get3A_416] {strides = array<i32>} : memref<10000xi32, #tpu.memory_space<vmem>>, vector<16xi32>,
        %get3A_418 = arith.index_cast %add3A_415 : i32 to index
        %get3A_419 = tpu.vector_load %arg9[%get3A_418] {strides = array<i32>} : memref<10000xf32, #tpu.memory_space<vmem>>, vector<16xf32>,
        tpu.vector_store_idx %arg6[%get3A_417], %get3A_419 {add = true} : memref<32768xf32, #tpu.memory_space<vmem>>[vector<16xi32>], vector<16xf32>,
        %mul3A_420 = arith.constant 400 : i32
        %mul3A_421 = arith.muli %scan3A_283, %mul3A_420 : i32
        %add3A_422 = arith.constant 272 : i32
        %add3A_423 = arith.addi %mul3A_421, %add3A_422 : i32
        %get3A_424 = arith.index_cast %add3A_423 : i32 to index
        %get3A_425 = tpu.vector_load %arg7[%get3A_424] {strides = array<i32>} : memref<10000xi32, #tpu.memory_space<vmem>>, vector<16xi32>,
        %get3A_426 = arith.index_cast %add3A_423 : i32 to index
        %get3A_427 = tpu.vector_load %arg9[%get3A_426] {strides = array<i32>} : memref<10000xf32, #tpu.memory_space<vmem>>, vector<16xf32>,
        tpu.vector_store_idx %arg6[%get3A_425], %get3A_427 {add = true} : memref<32768xf32, #tpu.memory_space<vmem>>[vector<16xi32>], vector<16xf32>,
        %mul3A_428 = arith.constant 400 : i32
        %mul3A_429 = arith.muli %scan3A_283, %mul3A_428 : i32
        %add3A_430 = arith.constant 288 : i32
        %add3A_431 = arith.addi %mul3A_429, %add3A_430 : i32
        %get3A_432 = arith.index_cast %add3A_431 : i32 to index
        %get3A_433 = tpu.vector_load %arg7[%get3A_432] {strides = array<i32>} : memref<10000xi32, #tpu.memory_space<vmem>>, vector<16xi32>,
        %get3A_434 = arith.index_cast %add3A_431 : i32 to index
        %get3A_435 = tpu.vector_load %arg9[%get3A_434] {strides = array<i32>} : memref<10000xf32, #tpu.memory_space<vmem>>, vector<16xf32>,
        tpu.vector_store_idx %arg6[%get3A_433], %get3A_435 {add = true} : memref<32768xf32, #tpu.memory_space<vmem>>[vector<16xi32>], vector<16xf32>,
        %mul3A_436 = arith.constant 400 : i32
        %mul3A_437 = arith.muli %scan3A_283, %mul3A_436 : i32
        %add3A_438 = arith.constant 304 : i32
        %add3A_439 = arith.addi %mul3A_437, %add3A_438 : i32
        %get3A_440 = arith.index_cast %add3A_439 : i32 to index
        %get3A_441 = tpu.vector_load %arg7[%get3A_440] {strides = array<i32>} : memref<10000xi32, #tpu.memory_space<vmem>>, vector<16xi32>,
        %get3A_442 = arith.index_cast %add3A_439 : i32 to index
        %get3A_443 = tpu.vector_load %arg9[%get3A_442] {strides = array<i32>} : memref<10000xf32, #tpu.memory_space<vmem>>, vector<16xf32>,
        tpu.vector_store_idx %arg6[%get3A_441], %get3A_443 {add = true} : memref<32768xf32, #tpu.memory_space<vmem>>[vector<16xi32>], vector<16xf32>,
        %mul3A_444 = arith.constant 400 : i32
        %mul3A_445 = arith.muli %scan3A_283, %mul3A_444 : i32
        %add3A_446 = arith.constant 320 : i32
        %add3A_447 = arith.addi %mul3A_445, %add3A_446 : i32
        %get3A_448 = arith.index_cast %add3A_447 : i32 to index
        %get3A_449 = tpu.vector_load %arg7[%get3A_448] {strides = array<i32>} : memref<10000xi32, #tpu.memory_space<vmem>>, vector<16xi32>,
        %get3A_450 = arith.index_cast %add3A_447 : i32 to index
        %get3A_451 = tpu.vector_load %arg9[%get3A_450] {strides = array<i32>} : memref<10000xf32, #tpu.memory_space<vmem>>, vector<16xf32>,
        tpu.vector_store_idx %arg6[%get3A_449], %get3A_451 {add = true} : memref<32768xf32, #tpu.memory_space<vmem>>[vector<16xi32>], vector<16xf32>,
        %mul3A_452 = arith.constant 400 : i32
        %mul3A_453 = arith.muli %scan3A_283, %mul3A_452 : i32
        %add3A_454 = arith.constant 336 : i32
        %add3A_455 = arith.addi %mul3A_453, %add3A_454 : i32
        %get3A_456 = arith.index_cast %add3A_455 : i32 to index
        %get3A_457 = tpu.vector_load %arg7[%get3A_456] {strides = array<i32>} : memref<10000xi32, #tpu.memory_space<vmem>>, vector<16xi32>,
        %get3A_458 = arith.index_cast %add3A_455 : i32 to index
        %get3A_459 = tpu.vector_load %arg9[%get3A_458] {strides = array<i32>} : memref<10000xf32, #tpu.memory_space<vmem>>, vector<16xf32>,
        tpu.vector_store_idx %arg6[%get3A_457], %get3A_459 {add = true} : memref<32768xf32, #tpu.memory_space<vmem>>[vector<16xi32>], vector<16xf32>,
        %mul3A_460 = arith.constant 400 : i32
        %mul3A_461 = arith.muli %scan3A_283, %mul3A_460 : i32
        %add3A_462 = arith.constant 352 : i32
        %add3A_463 = arith.addi %mul3A_461, %add3A_462 : i32
        %get3A_464 = arith.index_cast %add3A_463 : i32 to index
        %get3A_465 = tpu.vector_load %arg7[%get3A_464] {strides = array<i32>} : memref<10000xi32, #tpu.memory_space<vmem>>, vector<16xi32>,
        %get3A_466 = arith.index_cast %add3A_463 : i32 to index
        %get3A_467 = tpu.vector_load %arg9[%get3A_466] {strides = array<i32>} : memref<10000xf32, #tpu.memory_space<vmem>>, vector<16xf32>,
        tpu.vector_store_idx %arg6[%get3A_465], %get3A_467 {add = true} : memref<32768xf32, #tpu.memory_space<vmem>>[vector<16xi32>], vector<16xf32>,
        %mul3A_468 = arith.constant 400 : i32
        %mul3A_469 = arith.muli %scan3A_283, %mul3A_468 : i32
        %add3A_470 = arith.constant 368 : i32
        %add3A_471 = arith.addi %mul3A_469, %add3A_470 : i32
        %get3A_472 = arith.index_cast %add3A_471 : i32 to index
        %get3A_473 = tpu.vector_load %arg7[%get3A_472] {strides = array<i32>} : memref<10000xi32, #tpu.memory_space<vmem>>, vector<16xi32>,
        %get3A_474 = arith.index_cast %add3A_471 : i32 to index
        %get3A_475 = tpu.vector_load %arg9[%get3A_474] {strides = array<i32>} : memref<10000xf32, #tpu.memory_space<vmem>>, vector<16xf32>,
        tpu.vector_store_idx %arg6[%get3A_473], %get3A_475 {add = true} : memref<32768xf32, #tpu.memory_space<vmem>>[vector<16xi32>], vector<16xf32>,
        %mul3A_476 = arith.constant 400 : i32
        %mul3A_477 = arith.muli %scan3A_283, %mul3A_476 : i32
        %add3A_478 = arith.constant 384 : i32
        %add3A_479 = arith.addi %mul3A_477, %add3A_478 : i32
        %get3A_480 = arith.index_cast %add3A_479 : i32 to index
        %get3A_481 = tpu.vector_load %arg7[%get3A_480] {strides = array<i32>} : memref<10000xi32, #tpu.memory_space<vmem>>, vector<16xi32>,
        %get3A_482 = arith.index_cast %add3A_479 : i32 to index
        %get3A_483 = tpu.vector_load %arg9[%get3A_482] {strides = array<i32>} : memref<10000xf32, #tpu.memory_space<vmem>>, vector<16xf32>,
        tpu.vector_store_idx %arg6[%get3A_481], %get3A_483 {add = true} : memref<32768xf32, #tpu.memory_space<vmem>>[vector<16xi32>], vector<16xf32>,
      }
      %scan3A_255 = arith.constant 25 : i32
      %mul3A_256 = arith.constant 2 : i32
      %mul3A_257 = arith.muli %mul3A_256, %scan3A_221 : i32
      %add3A_258 = arith.constant 2 : i32
      %add3A_259 = arith.addi %mul3A_257, %add3A_258 : i32
      %lt3A_260 = arith.constant 10 : i32
      %lt3A_261 = arith.cmpi slt, %add3A_259, %lt3A_260 : i32
      %convert_element_type3A_262 = arith.extui %lt3A_261 : i1 to i32
      %cond3A_263 = arith.constant 0 : i32
      %cond3A_264 = arith.cmpi ne, %convert_element_type3A_262, %cond3A_263 : i32
      scf.if %cond3A_264 {
        %mul3A_283 = arith.constant 2 : i32
        %mul3A_284 = arith.muli %mul3A_283, %scan3A_221 : i32
        %add3A_285 = arith.constant 2 : i32
        %add3A_286 = arith.addi %mul3A_284, %add3A_285 : i32
        %mul3A_287 = arith.constant 10000 : i32
        %mul3A_288 = arith.muli %add3A_286, %mul3A_287 : i32
        %add3A_289 = arith.addi %mul3A_25, %mul3A_288 : i32
        %dma_start3A_290 = arith.constant 0 : i32
        %dma_start3A_291 = tpu.memref_slice %arg7[%dma_start3A_290] : memref<10000xi32, #tpu.memory_space<vmem>> -> memref<10000xi32, #tpu.memory_space<vmem>>
        %dma_start3A_292 = tpu.memref_slice %arg3[%add3A_289] : memref<800000xi32, #tpu.memory_space<hbm>> -> memref<10000xi32, #tpu.memory_space<hbm>>
        %dma_start3A_293 = arith.constant 0 : i32
        %dma_start3A_294 = tpu.memref_slice %arg7[%dma_start3A_293] : memref<10000xi32, #tpu.memory_space<vmem>> -> memref<10000xi32, #tpu.memory_space<vmem>>
        %dma_start3A_295 = tpu.memref_slice %arg3[%add3A_289] : memref<800000xi32, #tpu.memory_space<hbm>> -> memref<10000xi32, #tpu.memory_space<hbm>>
        tpu.enqueue_dma source(%dma_start3A_295 : memref<10000xi32, #tpu.memory_space<hbm>>) target(%dma_start3A_294 : memref<10000xi32, #tpu.memory_space<vmem>>) target_semaphore(%arg11 : memref<!tpu.dma_semaphore, #tpu.memory_space<semaphore_mem>>)
        %add3A_296 = arith.addi %mul3A_27, %mul3A_288 : i32
        %dma_start3A_297 = tpu.memref_slice %arg2[%add3A_296] : memref<6400000xf32, #tpu.memory_space<hbm>> -> memref<10000xf32, #tpu.memory_space<hbm>>
        %dma_start3A_298 = tpu.memref_slice %arg2[%add3A_296] : memref<6400000xf32, #tpu.memory_space<hbm>> -> memref<10000xf32, #tpu.memory_space<hbm>>
        tpu.enqueue_dma source(%dma_start3A_298 : memref<10000xf32, #tpu.memory_space<hbm>>) target(%arg9 : memref<10000xf32, #tpu.memory_space<vmem>>) target_semaphore(%arg11 : memref<!tpu.dma_semaphore, #tpu.memory_space<semaphore_mem>>)
      } else {
      }
      %dma_wait3A_265 = arith.constant 0 : i32
      %dma_wait3A_266 = tpu.memref_slice %arg8[%dma_wait3A_265] : memref<10000xi32, #tpu.memory_space<vmem>> -> memref<10000xi32, #tpu.memory_space<vmem>>
      %dma_wait3A_267 = arith.constant 0 : i32
      %dma_wait3A_268 = tpu.memref_slice %arg3[%dma_wait3A_267] : memref<800000xi32, #tpu.memory_space<hbm>> -> memref<10000xi32, #tpu.memory_space<hbm>>
      %dma_wait3A_269 = arith.constant 0 : i32
      %dma_wait3A_270 = tpu.memref_slice %arg8[%dma_wait3A_269] : memref<10000xi32, #tpu.memory_space<vmem>> -> memref<10000xi32, #tpu.memory_space<vmem>>
      %dma_wait3A_271 = arith.constant 0 : i32
      %dma_wait3A_272 = tpu.memref_slice %arg3[%dma_wait3A_271] : memref<800000xi32, #tpu.memory_space<hbm>> -> memref<10000xi32, #tpu.memory_space<hbm>>
      tpu.wait_dma2 semaphore(%arg12 : memref<!tpu.dma_semaphore, #tpu.memory_space<semaphore_mem>>) src(%dma_wait3A_272 : memref<10000xi32, #tpu.memory_space<hbm>>) dst(%dma_wait3A_270 : memref<10000xi32, #tpu.memory_space<vmem>>)
      %dma_wait3A_273 = arith.constant 0 : i32
      %dma_wait3A_274 = tpu.memref_slice %arg2[%dma_wait3A_273] : memref<6400000xf32, #tpu.memory_space<hbm>> -> memref<10000xf32, #tpu.memory_space<hbm>>
      %dma_wait3A_275 = arith.constant 0 : i32
      %dma_wait3A_276 = tpu.memref_slice %arg2[%dma_wait3A_275] : memref<6400000xf32, #tpu.memory_space<hbm>> -> memref<10000xf32, #tpu.memory_space<hbm>>
      tpu.wait_dma2 semaphore(%arg12 : memref<!tpu.dma_semaphore, #tpu.memory_space<semaphore_mem>>) src(%dma_wait3A_276 : memref<10000xf32, #tpu.memory_space<hbm>>) dst(%arg10 : memref<10000xf32, #tpu.memory_space<vmem>>)
      %scan3A_277 = arith.constant 0 : i32
      %scan3A_278 = arith.constant 0 : i32
      %scan3A_279 = arith.constant 25 : i32
      %scan3A_280 = arith.addi %scan3A_278, %scan3A_279 : i32
      %scan3A_281 = arith.constant 1 : i32
      scf.for %scan3A_283 = %scan3A_278 to %scan3A_280 step %scan3A_281  : i32 {
        %mul3A_284 = arith.constant 400 : i32
        %mul3A_285 = arith.muli %scan3A_283, %mul3A_284 : i32
        %add3A_286 = arith.constant 0 : i32
        %add3A_287 = arith.addi %mul3A_285, %add3A_286 : i32
        %get3A_288 = arith.index_cast %add3A_287 : i32 to index
        %get3A_289 = tpu.vector_load %arg8[%get3A_288] {strides = array<i32>} : memref<10000xi32, #tpu.memory_space<vmem>>, vector<16xi32>,
        %get3A_290 = arith.index_cast %add3A_287 : i32 to index
        %get3A_291 = tpu.vector_load %arg10[%get3A_290] {strides = array<i32>} : memref<10000xf32, #tpu.memory_space<vmem>>, vector<16xf32>,
        tpu.vector_store_idx %arg6[%get3A_289], %get3A_291 {add = true} : memref<32768xf32, #tpu.memory_space<vmem>>[vector<16xi32>], vector<16xf32>,
        %mul3A_292 = arith.constant 400 : i32
        %mul3A_293 = arith.muli %scan3A_283, %mul3A_292 : i32
        %add3A_294 = arith.constant 16 : i32
        %add3A_295 = arith.addi %mul3A_293, %add3A_294 : i32
        %get3A_296 = arith.index_cast %add3A_295 : i32 to index
        %get3A_297 = tpu.vector_load %arg8[%get3A_296] {strides = array<i32>} : memref<10000xi32, #tpu.memory_space<vmem>>, vector<16xi32>,
        %get3A_298 = arith.index_cast %add3A_295 : i32 to index
        %get3A_299 = tpu.vector_load %arg10[%get3A_298] {strides = array<i32>} : memref<10000xf32, #tpu.memory_space<vmem>>, vector<16xf32>,
        tpu.vector_store_idx %arg6[%get3A_297], %get3A_299 {add = true} : memref<32768xf32, #tpu.memory_space<vmem>>[vector<16xi32>], vector<16xf32>,
        %mul3A_300 = arith.constant 400 : i32
        %mul3A_301 = arith.muli %scan3A_283, %mul3A_300 : i32
        %add3A_302 = arith.constant 32 : i32
        %add3A_303 = arith.addi %mul3A_301, %add3A_302 : i32
        %get3A_304 = arith.index_cast %add3A_303 : i32 to index
        %get3A_305 = tpu.vector_load %arg8[%get3A_304] {strides = array<i32>} : memref<10000xi32, #tpu.memory_space<vmem>>, vector<16xi32>,
        %get3A_306 = arith.index_cast %add3A_303 : i32 to index
        %get3A_307 = tpu.vector_load %arg10[%get3A_306] {strides = array<i32>} : memref<10000xf32, #tpu.memory_space<vmem>>, vector<16xf32>,
        tpu.vector_store_idx %arg6[%get3A_305], %get3A_307 {add = true} : memref<32768xf32, #tpu.memory_space<vmem>>[vector<16xi32>], vector<16xf32>,
        %mul3A_308 = arith.constant 400 : i32
        %mul3A_309 = arith.muli %scan3A_283, %mul3A_308 : i32
        %add3A_310 = arith.constant 48 : i32
        %add3A_311 = arith.addi %mul3A_309, %add3A_310 : i32
        %get3A_312 = arith.index_cast %add3A_311 : i32 to index
        %get3A_313 = tpu.vector_load %arg8[%get3A_312] {strides = array<i32>} : memref<10000xi32, #tpu.memory_space<vmem>>, vector<16xi32>,
        %get3A_314 = arith.index_cast %add3A_311 : i32 to index
        %get3A_315 = tpu.vector_load %arg10[%get3A_314] {strides = array<i32>} : memref<10000xf32, #tpu.memory_space<vmem>>, vector<16xf32>,
        tpu.vector_store_idx %arg6[%get3A_313], %get3A_315 {add = true} : memref<32768xf32, #tpu.memory_space<vmem>>[vector<16xi32>], vector<16xf32>,
        %mul3A_316 = arith.constant 400 : i32
        %mul3A_317 = arith.muli %scan3A_283, %mul3A_316 : i32
        %add3A_318 = arith.constant 64 : i32
        %add3A_319 = arith.addi %mul3A_317, %add3A_318 : i32
        %get3A_320 = arith.index_cast %add3A_319 : i32 to index
        %get3A_321 = tpu.vector_load %arg8[%get3A_320] {strides = array<i32>} : memref<10000xi32, #tpu.memory_space<vmem>>, vector<16xi32>,
        %get3A_322 = arith.index_cast %add3A_319 : i32 to index
        %get3A_323 = tpu.vector_load %arg10[%get3A_322] {strides = array<i32>} : memref<10000xf32, #tpu.memory_space<vmem>>, vector<16xf32>,
        tpu.vector_store_idx %arg6[%get3A_321], %get3A_323 {add = true} : memref<32768xf32, #tpu.memory_space<vmem>>[vector<16xi32>], vector<16xf32>,
        %mul3A_324 = arith.constant 400 : i32
        %mul3A_325 = arith.muli %scan3A_283, %mul3A_324 : i32
        %add3A_326 = arith.constant 80 : i32
        %add3A_327 = arith.addi %mul3A_325, %add3A_326 : i32
        %get3A_328 = arith.index_cast %add3A_327 : i32 to index
        %get3A_329 = tpu.vector_load %arg8[%get3A_328] {strides = array<i32>} : memref<10000xi32, #tpu.memory_space<vmem>>, vector<16xi32>,
        %get3A_330 = arith.index_cast %add3A_327 : i32 to index
        %get3A_331 = tpu.vector_load %arg10[%get3A_330] {strides = array<i32>} : memref<10000xf32, #tpu.memory_space<vmem>>, vector<16xf32>,
        tpu.vector_store_idx %arg6[%get3A_329], %get3A_331 {add = true} : memref<32768xf32, #tpu.memory_space<vmem>>[vector<16xi32>], vector<16xf32>,
        %mul3A_332 = arith.constant 400 : i32
        %mul3A_333 = arith.muli %scan3A_283, %mul3A_332 : i32
        %add3A_334 = arith.constant 96 : i32
        %add3A_335 = arith.addi %mul3A_333, %add3A_334 : i32
        %get3A_336 = arith.index_cast %add3A_335 : i32 to index
        %get3A_337 = tpu.vector_load %arg8[%get3A_336] {strides = array<i32>} : memref<10000xi32, #tpu.memory_space<vmem>>, vector<16xi32>,
        %get3A_338 = arith.index_cast %add3A_335 : i32 to index
        %get3A_339 = tpu.vector_load %arg10[%get3A_338] {strides = array<i32>} : memref<10000xf32, #tpu.memory_space<vmem>>, vector<16xf32>,
        tpu.vector_store_idx %arg6[%get3A_337], %get3A_339 {add = true} : memref<32768xf32, #tpu.memory_space<vmem>>[vector<16xi32>], vector<16xf32>,
        %mul3A_340 = arith.constant 400 : i32
        %mul3A_341 = arith.muli %scan3A_283, %mul3A_340 : i32
        %add3A_342 = arith.constant 112 : i32
        %add3A_343 = arith.addi %mul3A_341, %add3A_342 : i32
        %get3A_344 = arith.index_cast %add3A_343 : i32 to index
        %get3A_345 = tpu.vector_load %arg8[%get3A_344] {strides = array<i32>} : memref<10000xi32, #tpu.memory_space<vmem>>, vector<16xi32>,
        %get3A_346 = arith.index_cast %add3A_343 : i32 to index
        %get3A_347 = tpu.vector_load %arg10[%get3A_346] {strides = array<i32>} : memref<10000xf32, #tpu.memory_space<vmem>>, vector<16xf32>,
        tpu.vector_store_idx %arg6[%get3A_345], %get3A_347 {add = true} : memref<32768xf32, #tpu.memory_space<vmem>>[vector<16xi32>], vector<16xf32>,
        %mul3A_348 = arith.constant 400 : i32
        %mul3A_349 = arith.muli %scan3A_283, %mul3A_348 : i32
        %add3A_350 = arith.constant 128 : i32
        %add3A_351 = arith.addi %mul3A_349, %add3A_350 : i32
        %get3A_352 = arith.index_cast %add3A_351 : i32 to index
        %get3A_353 = tpu.vector_load %arg8[%get3A_352] {strides = array<i32>} : memref<10000xi32, #tpu.memory_space<vmem>>, vector<16xi32>,
        %get3A_354 = arith.index_cast %add3A_351 : i32 to index
        %get3A_355 = tpu.vector_load %arg10[%get3A_354] {strides = array<i32>} : memref<10000xf32, #tpu.memory_space<vmem>>, vector<16xf32>,
        tpu.vector_store_idx %arg6[%get3A_353], %get3A_355 {add = true} : memref<32768xf32, #tpu.memory_space<vmem>>[vector<16xi32>], vector<16xf32>,
        %mul3A_356 = arith.constant 400 : i32
        %mul3A_357 = arith.muli %scan3A_283, %mul3A_356 : i32
        %add3A_358 = arith.constant 144 : i32
        %add3A_359 = arith.addi %mul3A_357, %add3A_358 : i32
        %get3A_360 = arith.index_cast %add3A_359 : i32 to index
        %get3A_361 = tpu.vector_load %arg8[%get3A_360] {strides = array<i32>} : memref<10000xi32, #tpu.memory_space<vmem>>, vector<16xi32>,
        %get3A_362 = arith.index_cast %add3A_359 : i32 to index
        %get3A_363 = tpu.vector_load %arg10[%get3A_362] {strides = array<i32>} : memref<10000xf32, #tpu.memory_space<vmem>>, vector<16xf32>,
        tpu.vector_store_idx %arg6[%get3A_361], %get3A_363 {add = true} : memref<32768xf32, #tpu.memory_space<vmem>>[vector<16xi32>], vector<16xf32>,
        %mul3A_364 = arith.constant 400 : i32
        %mul3A_365 = arith.muli %scan3A_283, %mul3A_364 : i32
        %add3A_366 = arith.constant 160 : i32
        %add3A_367 = arith.addi %mul3A_365, %add3A_366 : i32
        %get3A_368 = arith.index_cast %add3A_367 : i32 to index
        %get3A_369 = tpu.vector_load %arg8[%get3A_368] {strides = array<i32>} : memref<10000xi32, #tpu.memory_space<vmem>>, vector<16xi32>,
        %get3A_370 = arith.index_cast %add3A_367 : i32 to index
        %get3A_371 = tpu.vector_load %arg10[%get3A_370] {strides = array<i32>} : memref<10000xf32, #tpu.memory_space<vmem>>, vector<16xf32>,
        tpu.vector_store_idx %arg6[%get3A_369], %get3A_371 {add = true} : memref<32768xf32, #tpu.memory_space<vmem>>[vector<16xi32>], vector<16xf32>,
        %mul3A_372 = arith.constant 400 : i32
        %mul3A_373 = arith.muli %scan3A_283, %mul3A_372 : i32
        %add3A_374 = arith.constant 176 : i32
        %add3A_375 = arith.addi %mul3A_373, %add3A_374 : i32
        %get3A_376 = arith.index_cast %add3A_375 : i32 to index
        %get3A_377 = tpu.vector_load %arg8[%get3A_376] {strides = array<i32>} : memref<10000xi32, #tpu.memory_space<vmem>>, vector<16xi32>,
        %get3A_378 = arith.index_cast %add3A_375 : i32 to index
        %get3A_379 = tpu.vector_load %arg10[%get3A_378] {strides = array<i32>} : memref<10000xf32, #tpu.memory_space<vmem>>, vector<16xf32>,
        tpu.vector_store_idx %arg6[%get3A_377], %get3A_379 {add = true} : memref<32768xf32, #tpu.memory_space<vmem>>[vector<16xi32>], vector<16xf32>,
        %mul3A_380 = arith.constant 400 : i32
        %mul3A_381 = arith.muli %scan3A_283, %mul3A_380 : i32
        %add3A_382 = arith.constant 192 : i32
        %add3A_383 = arith.addi %mul3A_381, %add3A_382 : i32
        %get3A_384 = arith.index_cast %add3A_383 : i32 to index
        %get3A_385 = tpu.vector_load %arg8[%get3A_384] {strides = array<i32>} : memref<10000xi32, #tpu.memory_space<vmem>>, vector<16xi32>,
        %get3A_386 = arith.index_cast %add3A_383 : i32 to index
        %get3A_387 = tpu.vector_load %arg10[%get3A_386] {strides = array<i32>} : memref<10000xf32, #tpu.memory_space<vmem>>, vector<16xf32>,
        tpu.vector_store_idx %arg6[%get3A_385], %get3A_387 {add = true} : memref<32768xf32, #tpu.memory_space<vmem>>[vector<16xi32>], vector<16xf32>,
        %mul3A_388 = arith.constant 400 : i32
        %mul3A_389 = arith.muli %scan3A_283, %mul3A_388 : i32
        %add3A_390 = arith.constant 208 : i32
        %add3A_391 = arith.addi %mul3A_389, %add3A_390 : i32
        %get3A_392 = arith.index_cast %add3A_391 : i32 to index
        %get3A_393 = tpu.vector_load %arg8[%get3A_392] {strides = array<i32>} : memref<10000xi32, #tpu.memory_space<vmem>>, vector<16xi32>,
        %get3A_394 = arith.index_cast %add3A_391 : i32 to index
        %get3A_395 = tpu.vector_load %arg10[%get3A_394] {strides = array<i32>} : memref<10000xf32, #tpu.memory_space<vmem>>, vector<16xf32>,
        tpu.vector_store_idx %arg6[%get3A_393], %get3A_395 {add = true} : memref<32768xf32, #tpu.memory_space<vmem>>[vector<16xi32>], vector<16xf32>,
        %mul3A_396 = arith.constant 400 : i32
        %mul3A_397 = arith.muli %scan3A_283, %mul3A_396 : i32
        %add3A_398 = arith.constant 224 : i32
        %add3A_399 = arith.addi %mul3A_397, %add3A_398 : i32
        %get3A_400 = arith.index_cast %add3A_399 : i32 to index
        %get3A_401 = tpu.vector_load %arg8[%get3A_400] {strides = array<i32>} : memref<10000xi32, #tpu.memory_space<vmem>>, vector<16xi32>,
        %get3A_402 = arith.index_cast %add3A_399 : i32 to index
        %get3A_403 = tpu.vector_load %arg10[%get3A_402] {strides = array<i32>} : memref<10000xf32, #tpu.memory_space<vmem>>, vector<16xf32>,
        tpu.vector_store_idx %arg6[%get3A_401], %get3A_403 {add = true} : memref<32768xf32, #tpu.memory_space<vmem>>[vector<16xi32>], vector<16xf32>,
        %mul3A_404 = arith.constant 400 : i32
        %mul3A_405 = arith.muli %scan3A_283, %mul3A_404 : i32
        %add3A_406 = arith.constant 240 : i32
        %add3A_407 = arith.addi %mul3A_405, %add3A_406 : i32
        %get3A_408 = arith.index_cast %add3A_407 : i32 to index
        %get3A_409 = tpu.vector_load %arg8[%get3A_408] {strides = array<i32>} : memref<10000xi32, #tpu.memory_space<vmem>>, vector<16xi32>,
        %get3A_410 = arith.index_cast %add3A_407 : i32 to index
        %get3A_411 = tpu.vector_load %arg10[%get3A_410] {strides = array<i32>} : memref<10000xf32, #tpu.memory_space<vmem>>, vector<16xf32>,
        tpu.vector_store_idx %arg6[%get3A_409], %get3A_411 {add = true} : memref<32768xf32, #tpu.memory_space<vmem>>[vector<16xi32>], vector<16xf32>,
        %mul3A_412 = arith.constant 400 : i32
        %mul3A_413 = arith.muli %scan3A_283, %mul3A_412 : i32
        %add3A_414 = arith.constant 256 : i32
        %add3A_415 = arith.addi %mul3A_413, %add3A_414 : i32
        %get3A_416 = arith.index_cast %add3A_415 : i32 to index
        %get3A_417 = tpu.vector_load %arg8[%get3A_416] {strides = array<i32>} : memref<10000xi32, #tpu.memory_space<vmem>>, vector<16xi32>,
        %get3A_418 = arith.index_cast %add3A_415 : i32 to index
        %get3A_419 = tpu.vector_load %arg10[%get3A_418] {strides = array<i32>} : memref<10000xf32, #tpu.memory_space<vmem>>, vector<16xf32>,
        tpu.vector_store_idx %arg6[%get3A_417], %get3A_419 {add = true} : memref<32768xf32, #tpu.memory_space<vmem>>[vector<16xi32>], vector<16xf32>,
        %mul3A_420 = arith.constant 400 : i32
        %mul3A_421 = arith.muli %scan3A_283, %mul3A_420 : i32
        %add3A_422 = arith.constant 272 : i32
        %add3A_423 = arith.addi %mul3A_421, %add3A_422 : i32
        %get3A_424 = arith.index_cast %add3A_423 : i32 to index
        %get3A_425 = tpu.vector_load %arg8[%get3A_424] {strides = array<i32>} : memref<10000xi32, #tpu.memory_space<vmem>>, vector<16xi32>,
        %get3A_426 = arith.index_cast %add3A_423 : i32 to index
        %get3A_427 = tpu.vector_load %arg10[%get3A_426] {strides = array<i32>} : memref<10000xf32, #tpu.memory_space<vmem>>, vector<16xf32>,
        tpu.vector_store_idx %arg6[%get3A_425], %get3A_427 {add = true} : memref<32768xf32, #tpu.memory_space<vmem>>[vector<16xi32>], vector<16xf32>,
        %mul3A_428 = arith.constant 400 : i32
        %mul3A_429 = arith.muli %scan3A_283, %mul3A_428 : i32
        %add3A_430 = arith.constant 288 : i32
        %add3A_431 = arith.addi %mul3A_429, %add3A_430 : i32
        %get3A_432 = arith.index_cast %add3A_431 : i32 to index
        %get3A_433 = tpu.vector_load %arg8[%get3A_432] {strides = array<i32>} : memref<10000xi32, #tpu.memory_space<vmem>>, vector<16xi32>,
        %get3A_434 = arith.index_cast %add3A_431 : i32 to index
        %get3A_435 = tpu.vector_load %arg10[%get3A_434] {strides = array<i32>} : memref<10000xf32, #tpu.memory_space<vmem>>, vector<16xf32>,
        tpu.vector_store_idx %arg6[%get3A_433], %get3A_435 {add = true} : memref<32768xf32, #tpu.memory_space<vmem>>[vector<16xi32>], vector<16xf32>,
        %mul3A_436 = arith.constant 400 : i32
        %mul3A_437 = arith.muli %scan3A_283, %mul3A_436 : i32
        %add3A_438 = arith.constant 304 : i32
        %add3A_439 = arith.addi %mul3A_437, %add3A_438 : i32
        %get3A_440 = arith.index_cast %add3A_439 : i32 to index
        %get3A_441 = tpu.vector_load %arg8[%get3A_440] {strides = array<i32>} : memref<10000xi32, #tpu.memory_space<vmem>>, vector<16xi32>,
        %get3A_442 = arith.index_cast %add3A_439 : i32 to index
        %get3A_443 = tpu.vector_load %arg10[%get3A_442] {strides = array<i32>} : memref<10000xf32, #tpu.memory_space<vmem>>, vector<16xf32>,
        tpu.vector_store_idx %arg6[%get3A_441], %get3A_443 {add = true} : memref<32768xf32, #tpu.memory_space<vmem>>[vector<16xi32>], vector<16xf32>,
        %mul3A_444 = arith.constant 400 : i32
        %mul3A_445 = arith.muli %scan3A_283, %mul3A_444 : i32
        %add3A_446 = arith.constant 320 : i32
        %add3A_447 = arith.addi %mul3A_445, %add3A_446 : i32
        %get3A_448 = arith.index_cast %add3A_447 : i32 to index
        %get3A_449 = tpu.vector_load %arg8[%get3A_448] {strides = array<i32>} : memref<10000xi32, #tpu.memory_space<vmem>>, vector<16xi32>,
        %get3A_450 = arith.index_cast %add3A_447 : i32 to index
        %get3A_451 = tpu.vector_load %arg10[%get3A_450] {strides = array<i32>} : memref<10000xf32, #tpu.memory_space<vmem>>, vector<16xf32>,
        tpu.vector_store_idx %arg6[%get3A_449], %get3A_451 {add = true} : memref<32768xf32, #tpu.memory_space<vmem>>[vector<16xi32>], vector<16xf32>,
        %mul3A_452 = arith.constant 400 : i32
        %mul3A_453 = arith.muli %scan3A_283, %mul3A_452 : i32
        %add3A_454 = arith.constant 336 : i32
        %add3A_455 = arith.addi %mul3A_453, %add3A_454 : i32
        %get3A_456 = arith.index_cast %add3A_455 : i32 to index
        %get3A_457 = tpu.vector_load %arg8[%get3A_456] {strides = array<i32>} : memref<10000xi32, #tpu.memory_space<vmem>>, vector<16xi32>,
        %get3A_458 = arith.index_cast %add3A_455 : i32 to index
        %get3A_459 = tpu.vector_load %arg10[%get3A_458] {strides = array<i32>} : memref<10000xf32, #tpu.memory_space<vmem>>, vector<16xf32>,
        tpu.vector_store_idx %arg6[%get3A_457], %get3A_459 {add = true} : memref<32768xf32, #tpu.memory_space<vmem>>[vector<16xi32>], vector<16xf32>,
        %mul3A_460 = arith.constant 400 : i32
        %mul3A_461 = arith.muli %scan3A_283, %mul3A_460 : i32
        %add3A_462 = arith.constant 352 : i32
        %add3A_463 = arith.addi %mul3A_461, %add3A_462 : i32
        %get3A_464 = arith.index_cast %add3A_463 : i32 to index
        %get3A_465 = tpu.vector_load %arg8[%get3A_464] {strides = array<i32>} : memref<10000xi32, #tpu.memory_space<vmem>>, vector<16xi32>,
        %get3A_466 = arith.index_cast %add3A_463 : i32 to index
        %get3A_467 = tpu.vector_load %arg10[%get3A_466] {strides = array<i32>} : memref<10000xf32, #tpu.memory_space<vmem>>, vector<16xf32>,
        tpu.vector_store_idx %arg6[%get3A_465], %get3A_467 {add = true} : memref<32768xf32, #tpu.memory_space<vmem>>[vector<16xi32>], vector<16xf32>,
        %mul3A_468 = arith.constant 400 : i32
        %mul3A_469 = arith.muli %scan3A_283, %mul3A_468 : i32
        %add3A_470 = arith.constant 368 : i32
        %add3A_471 = arith.addi %mul3A_469, %add3A_470 : i32
        %get3A_472 = arith.index_cast %add3A_471 : i32 to index
        %get3A_473 = tpu.vector_load %arg8[%get3A_472] {strides = array<i32>} : memref<10000xi32, #tpu.memory_space<vmem>>, vector<16xi32>,
        %get3A_474 = arith.index_cast %add3A_471 : i32 to index
        %get3A_475 = tpu.vector_load %arg10[%get3A_474] {strides = array<i32>} : memref<10000xf32, #tpu.memory_space<vmem>>, vector<16xf32>,
        tpu.vector_store_idx %arg6[%get3A_473], %get3A_475 {add = true} : memref<32768xf32, #tpu.memory_space<vmem>>[vector<16xi32>], vector<16xf32>,
        %mul3A_476 = arith.constant 400 : i32
        %mul3A_477 = arith.muli %scan3A_283, %mul3A_476 : i32
        %add3A_478 = arith.constant 384 : i32
        %add3A_479 = arith.addi %mul3A_477, %add3A_478 : i32
        %get3A_480 = arith.index_cast %add3A_479 : i32 to index
        %get3A_481 = tpu.vector_load %arg8[%get3A_480] {strides = array<i32>} : memref<10000xi32, #tpu.memory_space<vmem>>, vector<16xi32>,
        %get3A_482 = arith.index_cast %add3A_479 : i32 to index
        %get3A_483 = tpu.vector_load %arg10[%get3A_482] {strides = array<i32>} : memref<10000xf32, #tpu.memory_space<vmem>>, vector<16xf32>,
        tpu.vector_store_idx %arg6[%get3A_481], %get3A_483 {add = true} : memref<32768xf32, #tpu.memory_space<vmem>>[vector<16xi32>], vector<16xf32>,
      }
      %scan3A_282 = arith.constant 25 : i32
    }
    %scan3A_51 = arith.constant 5 : i32
    %dma_start3A_52 = tpu.memref_slice %arg4[%mul3A_29] : memref<2097152xf32, #tpu.memory_space<hbm>> -> memref<32768xf32, #tpu.memory_space<hbm>>
    %dma_start3A_53 = tpu.memref_slice %arg4[%mul3A_29] : memref<2097152xf32, #tpu.memory_space<hbm>> -> memref<32768xf32, #tpu.memory_space<hbm>>
    tpu.enqueue_dma source(%arg6 : memref<32768xf32, #tpu.memory_space<vmem>>) target(%dma_start3A_53 : memref<32768xf32, #tpu.memory_space<hbm>>) target_semaphore(%arg13 : memref<!tpu.dma_semaphore, #tpu.memory_space<semaphore_mem>>)
    %add3A_54 = arith.constant 32 : i32
    %add3A_55 = arith.addi %add3A, %add3A_54 : i32
    %jit3A_56 = arith.constant 16 : i32
    %div3A_57 = arith.divsi %add3A_55, %jit3A_56 : i32
    %sign3A_58 = arith.constant 0 : i32
    %sign3A_59 = arith.cmpi sgt, %add3A_55, %sign3A_58 : i32
    %sign3A_60 = arith.extui %sign3A_59 : i1 to i32
    %sign3A_61 = arith.constant 0 : i32
    %sign3A_62 = arith.cmpi slt, %add3A_55, %sign3A_61 : i32
    %sign3A_63 = arith.extui %sign3A_62 : i1 to i32
    %sign3A_64 = arith.subi %sign3A_60, %sign3A_63 : i32
    %sign3A_65 = arith.constant 0 : i32
    %sign3A_66 = arith.cmpi sgt, %jit3A_56, %sign3A_65 : i32
    %sign3A_67 = arith.extui %sign3A_66 : i1 to i32
    %sign3A_68 = arith.constant 0 : i32
    %sign3A_69 = arith.cmpi slt, %jit3A_56, %sign3A_68 : i32
    %sign3A_70 = arith.extui %sign3A_69 : i1 to i32
    %sign3A_71 = arith.subi %sign3A_67, %sign3A_70 : i32
    %ne3A_72 = arith.cmpi ne, %sign3A_64, %sign3A_71 : i32
    %rem3A_73 = arith.remsi %add3A_55, %jit3A_56 : i32
    %ne3A_74 = arith.constant 0 : i32
    %ne3A_75 = arith.cmpi ne, %rem3A_73, %ne3A_74 : i32
    %and3A_76 = arith.andi %ne3A_72, %ne3A_75 : i1
    %sub3A_77 = arith.constant 1 : i32
    %sub3A_78 = arith.subi %div3A_57, %sub3A_77 : i32
    %select_n3A_79 = arith.select %and3A_76, %sub3A_78, %div3A_57 : i32
    %add3A_80 = arith.constant 4 : i32
    %add3A_81 = arith.addi %add3A_80, %select_n3A_79 : i32
    %mul3A_82 = arith.constant 100000 : i32
    %mul3A_83 = arith.muli %add3A_81, %mul3A_82 : i32
    %mul3A_84 = arith.constant 100000 : i32
    %mul3A_85 = arith.muli %add3A_55, %mul3A_84 : i32
    %mul3A_86 = arith.constant 32768 : i32
    %mul3A_87 = arith.muli %add3A_55, %mul3A_86 : i32
    %add3A_88 = arith.constant 0 : i32
    %add3A_89 = arith.addi %mul3A_83, %add3A_88 : i32
    %dma_start3A_90 = arith.constant 0 : i32
    %dma_start3A_91 = tpu.memref_slice %arg7[%dma_start3A_90] : memref<10000xi32, #tpu.memory_space<vmem>> -> memref<10000xi32, #tpu.memory_space<vmem>>
    %dma_start3A_92 = tpu.memref_slice %arg3[%add3A_89] : memref<800000xi32, #tpu.memory_space<hbm>> -> memref<10000xi32, #tpu.memory_space<hbm>>
    %dma_start3A_93 = arith.constant 0 : i32
    %dma_start3A_94 = tpu.memref_slice %arg7[%dma_start3A_93] : memref<10000xi32, #tpu.memory_space<vmem>> -> memref<10000xi32, #tpu.memory_space<vmem>>
    %dma_start3A_95 = tpu.memref_slice %arg3[%add3A_89] : memref<800000xi32, #tpu.memory_space<hbm>> -> memref<10000xi32, #tpu.memory_space<hbm>>
    tpu.enqueue_dma source(%dma_start3A_95 : memref<10000xi32, #tpu.memory_space<hbm>>) target(%dma_start3A_94 : memref<10000xi32, #tpu.memory_space<vmem>>) target_semaphore(%arg11 : memref<!tpu.dma_semaphore, #tpu.memory_space<semaphore_mem>>)
    %add3A_96 = arith.constant 0 : i32
    %add3A_97 = arith.addi %mul3A_85, %add3A_96 : i32
    %dma_start3A_98 = tpu.memref_slice %arg2[%add3A_97] : memref<6400000xf32, #tpu.memory_space<hbm>> -> memref<10000xf32, #tpu.memory_space<hbm>>
    %dma_start3A_99 = tpu.memref_slice %arg2[%add3A_97] : memref<6400000xf32, #tpu.memory_space<hbm>> -> memref<10000xf32, #tpu.memory_space<hbm>>
    tpu.enqueue_dma source(%dma_start3A_99 : memref<10000xf32, #tpu.memory_space<hbm>>) target(%arg9 : memref<10000xf32, #tpu.memory_space<vmem>>) target_semaphore(%arg11 : memref<!tpu.dma_semaphore, #tpu.memory_space<semaphore_mem>>)
    %dma_wait3A = arith.constant 0 : i32
    %dma_wait3A_100 = tpu.memref_slice %arg4[%dma_wait3A] : memref<2097152xf32, #tpu.memory_space<hbm>> -> memref<32768xf32, #tpu.memory_space<hbm>>
    %dma_wait3A_101 = arith.constant 0 : i32
    %dma_wait3A_102 = tpu.memref_slice %arg4[%dma_wait3A_101] : memref<2097152xf32, #tpu.memory_space<hbm>> -> memref<32768xf32, #tpu.memory_space<hbm>>
    tpu.wait_dma2 semaphore(%arg13 : memref<!tpu.dma_semaphore, #tpu.memory_space<semaphore_mem>>) src(%dma_wait3A_102 : memref<32768xf32, #tpu.memory_space<hbm>>) dst(%arg6 : memref<32768xf32, #tpu.memory_space<vmem>>)
    %scan3A_103 = arith.constant 0 : i32
    %scan3A_104 = arith.constant 0 : i32
    %scan3A_105 = arith.constant 128 : i32
    %scan3A_106 = arith.addi %scan3A_104, %scan3A_105 : i32
    %scan3A_107 = arith.constant 1 : i32
    scf.for %scan3A_221 = %scan3A_104 to %scan3A_106 step %scan3A_107  : i32 {
      %mul3A_222 = arith.constant 256 : i32
      %mul3A_223 = arith.muli %scan3A_221, %mul3A_222 : i32
      %add3A_224 = arith.constant 0 : i32
      %add3A_225 = arith.addi %mul3A_223, %add3A_224 : i32
      %swap3A = arith.index_cast %add3A_225 : i32 to index
      %swap3A_226 = tpu.vector_load %arg6[%swap3A] {strides = array<i32>} : memref<32768xf32, #tpu.memory_space<vmem>>, vector<16xf32>,
      tpu.vector_store %arg6[%swap3A], %broadcast_in_dim3A_3 {strides = array<i32>} : memref<32768xf32, #tpu.memory_space<vmem>>, vector<16xf32>,
      %mul3A_227 = arith.constant 256 : i32
      %mul3A_228 = arith.muli %scan3A_221, %mul3A_227 : i32
      %add3A_229 = arith.constant 16 : i32
      %add3A_230 = arith.addi %mul3A_228, %add3A_229 : i32
      %swap3A_231 = arith.index_cast %add3A_230 : i32 to index
      %swap3A_232 = tpu.vector_load %arg6[%swap3A_231] {strides = array<i32>} : memref<32768xf32, #tpu.memory_space<vmem>>, vector<16xf32>,
      tpu.vector_store %arg6[%swap3A_231], %broadcast_in_dim3A_3 {strides = array<i32>} : memref<32768xf32, #tpu.memory_space<vmem>>, vector<16xf32>,
      %mul3A_233 = arith.constant 256 : i32
      %mul3A_234 = arith.muli %scan3A_221, %mul3A_233 : i32
      %add3A_235 = arith.constant 32 : i32
      %add3A_236 = arith.addi %mul3A_234, %add3A_235 : i32
      %swap3A_237 = arith.index_cast %add3A_236 : i32 to index
      %swap3A_238 = tpu.vector_load %arg6[%swap3A_237] {strides = array<i32>} : memref<32768xf32, #tpu.memory_space<vmem>>, vector<16xf32>,
      tpu.vector_store %arg6[%swap3A_237], %broadcast_in_dim3A_3 {strides = array<i32>} : memref<32768xf32, #tpu.memory_space<vmem>>, vector<16xf32>,
      %mul3A_239 = arith.constant 256 : i32
      %mul3A_240 = arith.muli %scan3A_221, %mul3A_239 : i32
      %add3A_241 = arith.constant 48 : i32
      %add3A_242 = arith.addi %mul3A_240, %add3A_241 : i32
      %swap3A_243 = arith.index_cast %add3A_242 : i32 to index
      %swap3A_244 = tpu.vector_load %arg6[%swap3A_243] {strides = array<i32>} : memref<32768xf32, #tpu.memory_space<vmem>>, vector<16xf32>,
      tpu.vector_store %arg6[%swap3A_243], %broadcast_in_dim3A_3 {strides = array<i32>} : memref<32768xf32, #tpu.memory_space<vmem>>, vector<16xf32>,
      %mul3A_245 = arith.constant 256 : i32
      %mul3A_246 = arith.muli %scan3A_221, %mul3A_245 : i32
      %add3A_247 = arith.constant 64 : i32
      %add3A_248 = arith.addi %mul3A_246, %add3A_247 : i32
      %swap3A_249 = arith.index_cast %add3A_248 : i32 to index
      %swap3A_250 = tpu.vector_load %arg6[%swap3A_249] {strides = array<i32>} : memref<32768xf32, #tpu.memory_space<vmem>>, vector<16xf32>,
      tpu.vector_store %arg6[%swap3A_249], %broadcast_in_dim3A_3 {strides = array<i32>} : memref<32768xf32, #tpu.memory_space<vmem>>, vector<16xf32>,
      %mul3A_251 = arith.constant 256 : i32
      %mul3A_252 = arith.muli %scan3A_221, %mul3A_251 : i32
      %add3A_253 = arith.constant 80 : i32
      %add3A_254 = arith.addi %mul3A_252, %add3A_253 : i32
      %swap3A_255 = arith.index_cast %add3A_254 : i32 to index
      %swap3A_256 = tpu.vector_load %arg6[%swap3A_255] {strides = array<i32>} : memref<32768xf32, #tpu.memory_space<vmem>>, vector<16xf32>,
      tpu.vector_store %arg6[%swap3A_255], %broadcast_in_dim3A_3 {strides = array<i32>} : memref<32768xf32, #tpu.memory_space<vmem>>, vector<16xf32>,
      %mul3A_257 = arith.constant 256 : i32
      %mul3A_258 = arith.muli %scan3A_221, %mul3A_257 : i32
      %add3A_259 = arith.constant 96 : i32
      %add3A_260 = arith.addi %mul3A_258, %add3A_259 : i32
      %swap3A_261 = arith.index_cast %add3A_260 : i32 to index
      %swap3A_262 = tpu.vector_load %arg6[%swap3A_261] {strides = array<i32>} : memref<32768xf32, #tpu.memory_space<vmem>>, vector<16xf32>,
      tpu.vector_store %arg6[%swap3A_261], %broadcast_in_dim3A_3 {strides = array<i32>} : memref<32768xf32, #tpu.memory_space<vmem>>, vector<16xf32>,
      %mul3A_263 = arith.constant 256 : i32
      %mul3A_264 = arith.muli %scan3A_221, %mul3A_263 : i32
      %add3A_265 = arith.constant 112 : i32
      %add3A_266 = arith.addi %mul3A_264, %add3A_265 : i32
      %swap3A_267 = arith.index_cast %add3A_266 : i32 to index
      %swap3A_268 = tpu.vector_load %arg6[%swap3A_267] {strides = array<i32>} : memref<32768xf32, #tpu.memory_space<vmem>>, vector<16xf32>,
      tpu.vector_store %arg6[%swap3A_267], %broadcast_in_dim3A_3 {strides = array<i32>} : memref<32768xf32, #tpu.memory_space<vmem>>, vector<16xf32>,
      %mul3A_269 = arith.constant 256 : i32
      %mul3A_270 = arith.muli %scan3A_221, %mul3A_269 : i32
      %add3A_271 = arith.constant 128 : i32
      %add3A_272 = arith.addi %mul3A_270, %add3A_271 : i32
      %swap3A_273 = arith.index_cast %add3A_272 : i32 to index
      %swap3A_274 = tpu.vector_load %arg6[%swap3A_273] {strides = array<i32>} : memref<32768xf32, #tpu.memory_space<vmem>>, vector<16xf32>,
      tpu.vector_store %arg6[%swap3A_273], %broadcast_in_dim3A_3 {strides = array<i32>} : memref<32768xf32, #tpu.memory_space<vmem>>, vector<16xf32>,
      %mul3A_275 = arith.constant 256 : i32
      %mul3A_276 = arith.muli %scan3A_221, %mul3A_275 : i32
      %add3A_277 = arith.constant 144 : i32
      %add3A_278 = arith.addi %mul3A_276, %add3A_277 : i32
      %swap3A_279 = arith.index_cast %add3A_278 : i32 to index
      %swap3A_280 = tpu.vector_load %arg6[%swap3A_279] {strides = array<i32>} : memref<32768xf32, #tpu.memory_space<vmem>>, vector<16xf32>,
      tpu.vector_store %arg6[%swap3A_279], %broadcast_in_dim3A_3 {strides = array<i32>} : memref<32768xf32, #tpu.memory_space<vmem>>, vector<16xf32>,
      %mul3A_281 = arith.constant 256 : i32
      %mul3A_282 = arith.muli %scan3A_221, %mul3A_281 : i32
      %add3A_283 = arith.constant 160 : i32
      %add3A_284 = arith.addi %mul3A_282, %add3A_283 : i32
      %swap3A_285 = arith.index_cast %add3A_284 : i32 to index
      %swap3A_286 = tpu.vector_load %arg6[%swap3A_285] {strides = array<i32>} : memref<32768xf32, #tpu.memory_space<vmem>>, vector<16xf32>,
      tpu.vector_store %arg6[%swap3A_285], %broadcast_in_dim3A_3 {strides = array<i32>} : memref<32768xf32, #tpu.memory_space<vmem>>, vector<16xf32>,
      %mul3A_287 = arith.constant 256 : i32
      %mul3A_288 = arith.muli %scan3A_221, %mul3A_287 : i32
      %add3A_289 = arith.constant 176 : i32
      %add3A_290 = arith.addi %mul3A_288, %add3A_289 : i32
      %swap3A_291 = arith.index_cast %add3A_290 : i32 to index
      %swap3A_292 = tpu.vector_load %arg6[%swap3A_291] {strides = array<i32>} : memref<32768xf32, #tpu.memory_space<vmem>>, vector<16xf32>,
      tpu.vector_store %arg6[%swap3A_291], %broadcast_in_dim3A_3 {strides = array<i32>} : memref<32768xf32, #tpu.memory_space<vmem>>, vector<16xf32>,
      %mul3A_293 = arith.constant 256 : i32
      %mul3A_294 = arith.muli %scan3A_221, %mul3A_293 : i32
      %add3A_295 = arith.constant 192 : i32
      %add3A_296 = arith.addi %mul3A_294, %add3A_295 : i32
      %swap3A_297 = arith.index_cast %add3A_296 : i32 to index
      %swap3A_298 = tpu.vector_load %arg6[%swap3A_297] {strides = array<i32>} : memref<32768xf32, #tpu.memory_space<vmem>>, vector<16xf32>,
      tpu.vector_store %arg6[%swap3A_297], %broadcast_in_dim3A_3 {strides = array<i32>} : memref<32768xf32, #tpu.memory_space<vmem>>, vector<16xf32>,
      %mul3A_299 = arith.constant 256 : i32
      %mul3A_300 = arith.muli %scan3A_221, %mul3A_299 : i32
      %add3A_301 = arith.constant 208 : i32
      %add3A_302 = arith.addi %mul3A_300, %add3A_301 : i32
      %swap3A_303 = arith.index_cast %add3A_302 : i32 to index
      %swap3A_304 = tpu.vector_load %arg6[%swap3A_303] {strides = array<i32>} : memref<32768xf32, #tpu.memory_space<vmem>>, vector<16xf32>,
      tpu.vector_store %arg6[%swap3A_303], %broadcast_in_dim3A_3 {strides = array<i32>} : memref<32768xf32, #tpu.memory_space<vmem>>, vector<16xf32>,
      %mul3A_305 = arith.constant 256 : i32
      %mul3A_306 = arith.muli %scan3A_221, %mul3A_305 : i32
      %add3A_307 = arith.constant 224 : i32
      %add3A_308 = arith.addi %mul3A_306, %add3A_307 : i32
      %swap3A_309 = arith.index_cast %add3A_308 : i32 to index
      %swap3A_310 = tpu.vector_load %arg6[%swap3A_309] {strides = array<i32>} : memref<32768xf32, #tpu.memory_space<vmem>>, vector<16xf32>,
      tpu.vector_store %arg6[%swap3A_309], %broadcast_in_dim3A_3 {strides = array<i32>} : memref<32768xf32, #tpu.memory_space<vmem>>, vector<16xf32>,
      %mul3A_311 = arith.constant 256 : i32
      %mul3A_312 = arith.muli %scan3A_221, %mul3A_311 : i32
      %add3A_313 = arith.constant 240 : i32
      %add3A_314 = arith.addi %mul3A_312, %add3A_313 : i32
      %swap3A_315 = arith.index_cast %add3A_314 : i32 to index
      %swap3A_316 = tpu.vector_load %arg6[%swap3A_315] {strides = array<i32>} : memref<32768xf32, #tpu.memory_space<vmem>>, vector<16xf32>,
      tpu.vector_store %arg6[%swap3A_315], %broadcast_in_dim3A_3 {strides = array<i32>} : memref<32768xf32, #tpu.memory_space<vmem>>, vector<16xf32>,
    }
    %scan3A_108 = arith.constant 128 : i32
    %scan3A_109 = arith.constant 0 : i32
    %scan3A_110 = arith.constant 0 : i32
    %scan3A_111 = arith.constant 5 : i32
    %scan3A_112 = arith.addi %scan3A_110, %scan3A_111 : i32
    %scan3A_113 = arith.constant 1 : i32
    scf.for %scan3A_221 = %scan3A_110 to %scan3A_112 step %scan3A_113  : i32 {
      %mul3A_222 = arith.constant 2 : i32
      %mul3A_223 = arith.muli %mul3A_222, %scan3A_221 : i32
      %add3A_224 = arith.constant 1 : i32
      %add3A_225 = arith.addi %mul3A_223, %add3A_224 : i32
      %mul3A_226 = arith.constant 10000 : i32
      %mul3A_227 = arith.muli %add3A_225, %mul3A_226 : i32
      %add3A_228 = arith.addi %mul3A_83, %mul3A_227 : i32
      %dma_start3A_229 = arith.constant 0 : i32
      %dma_start3A_230 = tpu.memref_slice %arg8[%dma_start3A_229] : memref<10000xi32, #tpu.memory_space<vmem>> -> memref<10000xi32, #tpu.memory_space<vmem>>
      %dma_start3A_231 = tpu.memref_slice %arg3[%add3A_228] : memref<800000xi32, #tpu.memory_space<hbm>> -> memref<10000xi32, #tpu.memory_space<hbm>>
      %dma_start3A_232 = arith.constant 0 : i32
      %dma_start3A_233 = tpu.memref_slice %arg8[%dma_start3A_232] : memref<10000xi32, #tpu.memory_space<vmem>> -> memref<10000xi32, #tpu.memory_space<vmem>>
      %dma_start3A_234 = tpu.memref_slice %arg3[%add3A_228] : memref<800000xi32, #tpu.memory_space<hbm>> -> memref<10000xi32, #tpu.memory_space<hbm>>
      tpu.enqueue_dma source(%dma_start3A_234 : memref<10000xi32, #tpu.memory_space<hbm>>) target(%dma_start3A_233 : memref<10000xi32, #tpu.memory_space<vmem>>) target_semaphore(%arg12 : memref<!tpu.dma_semaphore, #tpu.memory_space<semaphore_mem>>)
      %add3A_235 = arith.addi %mul3A_85, %mul3A_227 : i32
      %dma_start3A_236 = tpu.memref_slice %arg2[%add3A_235] : memref<6400000xf32, #tpu.memory_space<hbm>> -> memref<10000xf32, #tpu.memory_space<hbm>>
      %dma_start3A_237 = tpu.memref_slice %arg2[%add3A_235] : memref<6400000xf32, #tpu.memory_space<hbm>> -> memref<10000xf32, #tpu.memory_space<hbm>>
      tpu.enqueue_dma source(%dma_start3A_237 : memref<10000xf32, #tpu.memory_space<hbm>>) target(%arg10 : memref<10000xf32, #tpu.memory_space<vmem>>) target_semaphore(%arg12 : memref<!tpu.dma_semaphore, #tpu.memory_space<semaphore_mem>>)
      %dma_wait3A_238 = arith.constant 0 : i32
      %dma_wait3A_239 = tpu.memref_slice %arg7[%dma_wait3A_238] : memref<10000xi32, #tpu.memory_space<vmem>> -> memref<10000xi32, #tpu.memory_space<vmem>>
      %dma_wait3A_240 = arith.constant 0 : i32
      %dma_wait3A_241 = tpu.memref_slice %arg3[%dma_wait3A_240] : memref<800000xi32, #tpu.memory_space<hbm>> -> memref<10000xi32, #tpu.memory_space<hbm>>
      %dma_wait3A_242 = arith.constant 0 : i32
      %dma_wait3A_243 = tpu.memref_slice %arg7[%dma_wait3A_242] : memref<10000xi32, #tpu.memory_space<vmem>> -> memref<10000xi32, #tpu.memory_space<vmem>>
      %dma_wait3A_244 = arith.constant 0 : i32
      %dma_wait3A_245 = tpu.memref_slice %arg3[%dma_wait3A_244] : memref<800000xi32, #tpu.memory_space<hbm>> -> memref<10000xi32, #tpu.memory_space<hbm>>
      tpu.wait_dma2 semaphore(%arg11 : memref<!tpu.dma_semaphore, #tpu.memory_space<semaphore_mem>>) src(%dma_wait3A_245 : memref<10000xi32, #tpu.memory_space<hbm>>) dst(%dma_wait3A_243 : memref<10000xi32, #tpu.memory_space<vmem>>)
      %dma_wait3A_246 = arith.constant 0 : i32
      %dma_wait3A_247 = tpu.memref_slice %arg2[%dma_wait3A_246] : memref<6400000xf32, #tpu.memory_space<hbm>> -> memref<10000xf32, #tpu.memory_space<hbm>>
      %dma_wait3A_248 = arith.constant 0 : i32
      %dma_wait3A_249 = tpu.memref_slice %arg2[%dma_wait3A_248] : memref<6400000xf32, #tpu.memory_space<hbm>> -> memref<10000xf32, #tpu.memory_space<hbm>>
      tpu.wait_dma2 semaphore(%arg11 : memref<!tpu.dma_semaphore, #tpu.memory_space<semaphore_mem>>) src(%dma_wait3A_249 : memref<10000xf32, #tpu.memory_space<hbm>>) dst(%arg9 : memref<10000xf32, #tpu.memory_space<vmem>>)
      %scan3A_250 = arith.constant 0 : i32
      %scan3A_251 = arith.constant 0 : i32
      %scan3A_252 = arith.constant 25 : i32
      %scan3A_253 = arith.addi %scan3A_251, %scan3A_252 : i32
      %scan3A_254 = arith.constant 1 : i32
      scf.for %scan3A_283 = %scan3A_251 to %scan3A_253 step %scan3A_254  : i32 {
        %mul3A_284 = arith.constant 400 : i32
        %mul3A_285 = arith.muli %scan3A_283, %mul3A_284 : i32
        %add3A_286 = arith.constant 0 : i32
        %add3A_287 = arith.addi %mul3A_285, %add3A_286 : i32
        %get3A_288 = arith.index_cast %add3A_287 : i32 to index
        %get3A_289 = tpu.vector_load %arg7[%get3A_288] {strides = array<i32>} : memref<10000xi32, #tpu.memory_space<vmem>>, vector<16xi32>,
        %get3A_290 = arith.index_cast %add3A_287 : i32 to index
        %get3A_291 = tpu.vector_load %arg9[%get3A_290] {strides = array<i32>} : memref<10000xf32, #tpu.memory_space<vmem>>, vector<16xf32>,
        tpu.vector_store_idx %arg6[%get3A_289], %get3A_291 {add = true} : memref<32768xf32, #tpu.memory_space<vmem>>[vector<16xi32>], vector<16xf32>,
        %mul3A_292 = arith.constant 400 : i32
        %mul3A_293 = arith.muli %scan3A_283, %mul3A_292 : i32
        %add3A_294 = arith.constant 16 : i32
        %add3A_295 = arith.addi %mul3A_293, %add3A_294 : i32
        %get3A_296 = arith.index_cast %add3A_295 : i32 to index
        %get3A_297 = tpu.vector_load %arg7[%get3A_296] {strides = array<i32>} : memref<10000xi32, #tpu.memory_space<vmem>>, vector<16xi32>,
        %get3A_298 = arith.index_cast %add3A_295 : i32 to index
        %get3A_299 = tpu.vector_load %arg9[%get3A_298] {strides = array<i32>} : memref<10000xf32, #tpu.memory_space<vmem>>, vector<16xf32>,
        tpu.vector_store_idx %arg6[%get3A_297], %get3A_299 {add = true} : memref<32768xf32, #tpu.memory_space<vmem>>[vector<16xi32>], vector<16xf32>,
        %mul3A_300 = arith.constant 400 : i32
        %mul3A_301 = arith.muli %scan3A_283, %mul3A_300 : i32
        %add3A_302 = arith.constant 32 : i32
        %add3A_303 = arith.addi %mul3A_301, %add3A_302 : i32
        %get3A_304 = arith.index_cast %add3A_303 : i32 to index
        %get3A_305 = tpu.vector_load %arg7[%get3A_304] {strides = array<i32>} : memref<10000xi32, #tpu.memory_space<vmem>>, vector<16xi32>,
        %get3A_306 = arith.index_cast %add3A_303 : i32 to index
        %get3A_307 = tpu.vector_load %arg9[%get3A_306] {strides = array<i32>} : memref<10000xf32, #tpu.memory_space<vmem>>, vector<16xf32>,
        tpu.vector_store_idx %arg6[%get3A_305], %get3A_307 {add = true} : memref<32768xf32, #tpu.memory_space<vmem>>[vector<16xi32>], vector<16xf32>,
        %mul3A_308 = arith.constant 400 : i32
        %mul3A_309 = arith.muli %scan3A_283, %mul3A_308 : i32
        %add3A_310 = arith.constant 48 : i32
        %add3A_311 = arith.addi %mul3A_309, %add3A_310 : i32
        %get3A_312 = arith.index_cast %add3A_311 : i32 to index
        %get3A_313 = tpu.vector_load %arg7[%get3A_312] {strides = array<i32>} : memref<10000xi32, #tpu.memory_space<vmem>>, vector<16xi32>,
        %get3A_314 = arith.index_cast %add3A_311 : i32 to index
        %get3A_315 = tpu.vector_load %arg9[%get3A_314] {strides = array<i32>} : memref<10000xf32, #tpu.memory_space<vmem>>, vector<16xf32>,
        tpu.vector_store_idx %arg6[%get3A_313], %get3A_315 {add = true} : memref<32768xf32, #tpu.memory_space<vmem>>[vector<16xi32>], vector<16xf32>,
        %mul3A_316 = arith.constant 400 : i32
        %mul3A_317 = arith.muli %scan3A_283, %mul3A_316 : i32
        %add3A_318 = arith.constant 64 : i32
        %add3A_319 = arith.addi %mul3A_317, %add3A_318 : i32
        %get3A_320 = arith.index_cast %add3A_319 : i32 to index
        %get3A_321 = tpu.vector_load %arg7[%get3A_320] {strides = array<i32>} : memref<10000xi32, #tpu.memory_space<vmem>>, vector<16xi32>,
        %get3A_322 = arith.index_cast %add3A_319 : i32 to index
        %get3A_323 = tpu.vector_load %arg9[%get3A_322] {strides = array<i32>} : memref<10000xf32, #tpu.memory_space<vmem>>, vector<16xf32>,
        tpu.vector_store_idx %arg6[%get3A_321], %get3A_323 {add = true} : memref<32768xf32, #tpu.memory_space<vmem>>[vector<16xi32>], vector<16xf32>,
        %mul3A_324 = arith.constant 400 : i32
        %mul3A_325 = arith.muli %scan3A_283, %mul3A_324 : i32
        %add3A_326 = arith.constant 80 : i32
        %add3A_327 = arith.addi %mul3A_325, %add3A_326 : i32
        %get3A_328 = arith.index_cast %add3A_327 : i32 to index
        %get3A_329 = tpu.vector_load %arg7[%get3A_328] {strides = array<i32>} : memref<10000xi32, #tpu.memory_space<vmem>>, vector<16xi32>,
        %get3A_330 = arith.index_cast %add3A_327 : i32 to index
        %get3A_331 = tpu.vector_load %arg9[%get3A_330] {strides = array<i32>} : memref<10000xf32, #tpu.memory_space<vmem>>, vector<16xf32>,
        tpu.vector_store_idx %arg6[%get3A_329], %get3A_331 {add = true} : memref<32768xf32, #tpu.memory_space<vmem>>[vector<16xi32>], vector<16xf32>,
        %mul3A_332 = arith.constant 400 : i32
        %mul3A_333 = arith.muli %scan3A_283, %mul3A_332 : i32
        %add3A_334 = arith.constant 96 : i32
        %add3A_335 = arith.addi %mul3A_333, %add3A_334 : i32
        %get3A_336 = arith.index_cast %add3A_335 : i32 to index
        %get3A_337 = tpu.vector_load %arg7[%get3A_336] {strides = array<i32>} : memref<10000xi32, #tpu.memory_space<vmem>>, vector<16xi32>,
        %get3A_338 = arith.index_cast %add3A_335 : i32 to index
        %get3A_339 = tpu.vector_load %arg9[%get3A_338] {strides = array<i32>} : memref<10000xf32, #tpu.memory_space<vmem>>, vector<16xf32>,
        tpu.vector_store_idx %arg6[%get3A_337], %get3A_339 {add = true} : memref<32768xf32, #tpu.memory_space<vmem>>[vector<16xi32>], vector<16xf32>,
        %mul3A_340 = arith.constant 400 : i32
        %mul3A_341 = arith.muli %scan3A_283, %mul3A_340 : i32
        %add3A_342 = arith.constant 112 : i32
        %add3A_343 = arith.addi %mul3A_341, %add3A_342 : i32
        %get3A_344 = arith.index_cast %add3A_343 : i32 to index
        %get3A_345 = tpu.vector_load %arg7[%get3A_344] {strides = array<i32>} : memref<10000xi32, #tpu.memory_space<vmem>>, vector<16xi32>,
        %get3A_346 = arith.index_cast %add3A_343 : i32 to index
        %get3A_347 = tpu.vector_load %arg9[%get3A_346] {strides = array<i32>} : memref<10000xf32, #tpu.memory_space<vmem>>, vector<16xf32>,
        tpu.vector_store_idx %arg6[%get3A_345], %get3A_347 {add = true} : memref<32768xf32, #tpu.memory_space<vmem>>[vector<16xi32>], vector<16xf32>,
        %mul3A_348 = arith.constant 400 : i32
        %mul3A_349 = arith.muli %scan3A_283, %mul3A_348 : i32
        %add3A_350 = arith.constant 128 : i32
        %add3A_351 = arith.addi %mul3A_349, %add3A_350 : i32
        %get3A_352 = arith.index_cast %add3A_351 : i32 to index
        %get3A_353 = tpu.vector_load %arg7[%get3A_352] {strides = array<i32>} : memref<10000xi32, #tpu.memory_space<vmem>>, vector<16xi32>,
        %get3A_354 = arith.index_cast %add3A_351 : i32 to index
        %get3A_355 = tpu.vector_load %arg9[%get3A_354] {strides = array<i32>} : memref<10000xf32, #tpu.memory_space<vmem>>, vector<16xf32>,
        tpu.vector_store_idx %arg6[%get3A_353], %get3A_355 {add = true} : memref<32768xf32, #tpu.memory_space<vmem>>[vector<16xi32>], vector<16xf32>,
        %mul3A_356 = arith.constant 400 : i32
        %mul3A_357 = arith.muli %scan3A_283, %mul3A_356 : i32
        %add3A_358 = arith.constant 144 : i32
        %add3A_359 = arith.addi %mul3A_357, %add3A_358 : i32
        %get3A_360 = arith.index_cast %add3A_359 : i32 to index
        %get3A_361 = tpu.vector_load %arg7[%get3A_360] {strides = array<i32>} : memref<10000xi32, #tpu.memory_space<vmem>>, vector<16xi32>,
        %get3A_362 = arith.index_cast %add3A_359 : i32 to index
        %get3A_363 = tpu.vector_load %arg9[%get3A_362] {strides = array<i32>} : memref<10000xf32, #tpu.memory_space<vmem>>, vector<16xf32>,
        tpu.vector_store_idx %arg6[%get3A_361], %get3A_363 {add = true} : memref<32768xf32, #tpu.memory_space<vmem>>[vector<16xi32>], vector<16xf32>,
        %mul3A_364 = arith.constant 400 : i32
        %mul3A_365 = arith.muli %scan3A_283, %mul3A_364 : i32
        %add3A_366 = arith.constant 160 : i32
        %add3A_367 = arith.addi %mul3A_365, %add3A_366 : i32
        %get3A_368 = arith.index_cast %add3A_367 : i32 to index
        %get3A_369 = tpu.vector_load %arg7[%get3A_368] {strides = array<i32>} : memref<10000xi32, #tpu.memory_space<vmem>>, vector<16xi32>,
        %get3A_370 = arith.index_cast %add3A_367 : i32 to index
        %get3A_371 = tpu.vector_load %arg9[%get3A_370] {strides = array<i32>} : memref<10000xf32, #tpu.memory_space<vmem>>, vector<16xf32>,
        tpu.vector_store_idx %arg6[%get3A_369], %get3A_371 {add = true} : memref<32768xf32, #tpu.memory_space<vmem>>[vector<16xi32>], vector<16xf32>,
        %mul3A_372 = arith.constant 400 : i32
        %mul3A_373 = arith.muli %scan3A_283, %mul3A_372 : i32
        %add3A_374 = arith.constant 176 : i32
        %add3A_375 = arith.addi %mul3A_373, %add3A_374 : i32
        %get3A_376 = arith.index_cast %add3A_375 : i32 to index
        %get3A_377 = tpu.vector_load %arg7[%get3A_376] {strides = array<i32>} : memref<10000xi32, #tpu.memory_space<vmem>>, vector<16xi32>,
        %get3A_378 = arith.index_cast %add3A_375 : i32 to index
        %get3A_379 = tpu.vector_load %arg9[%get3A_378] {strides = array<i32>} : memref<10000xf32, #tpu.memory_space<vmem>>, vector<16xf32>,
        tpu.vector_store_idx %arg6[%get3A_377], %get3A_379 {add = true} : memref<32768xf32, #tpu.memory_space<vmem>>[vector<16xi32>], vector<16xf32>,
        %mul3A_380 = arith.constant 400 : i32
        %mul3A_381 = arith.muli %scan3A_283, %mul3A_380 : i32
        %add3A_382 = arith.constant 192 : i32
        %add3A_383 = arith.addi %mul3A_381, %add3A_382 : i32
        %get3A_384 = arith.index_cast %add3A_383 : i32 to index
        %get3A_385 = tpu.vector_load %arg7[%get3A_384] {strides = array<i32>} : memref<10000xi32, #tpu.memory_space<vmem>>, vector<16xi32>,
        %get3A_386 = arith.index_cast %add3A_383 : i32 to index
        %get3A_387 = tpu.vector_load %arg9[%get3A_386] {strides = array<i32>} : memref<10000xf32, #tpu.memory_space<vmem>>, vector<16xf32>,
        tpu.vector_store_idx %arg6[%get3A_385], %get3A_387 {add = true} : memref<32768xf32, #tpu.memory_space<vmem>>[vector<16xi32>], vector<16xf32>,
        %mul3A_388 = arith.constant 400 : i32
        %mul3A_389 = arith.muli %scan3A_283, %mul3A_388 : i32
        %add3A_390 = arith.constant 208 : i32
        %add3A_391 = arith.addi %mul3A_389, %add3A_390 : i32
        %get3A_392 = arith.index_cast %add3A_391 : i32 to index
        %get3A_393 = tpu.vector_load %arg7[%get3A_392] {strides = array<i32>} : memref<10000xi32, #tpu.memory_space<vmem>>, vector<16xi32>,
        %get3A_394 = arith.index_cast %add3A_391 : i32 to index
        %get3A_395 = tpu.vector_load %arg9[%get3A_394] {strides = array<i32>} : memref<10000xf32, #tpu.memory_space<vmem>>, vector<16xf32>,
        tpu.vector_store_idx %arg6[%get3A_393], %get3A_395 {add = true} : memref<32768xf32, #tpu.memory_space<vmem>>[vector<16xi32>], vector<16xf32>,
        %mul3A_396 = arith.constant 400 : i32
        %mul3A_397 = arith.muli %scan3A_283, %mul3A_396 : i32
        %add3A_398 = arith.constant 224 : i32
        %add3A_399 = arith.addi %mul3A_397, %add3A_398 : i32
        %get3A_400 = arith.index_cast %add3A_399 : i32 to index
        %get3A_401 = tpu.vector_load %arg7[%get3A_400] {strides = array<i32>} : memref<10000xi32, #tpu.memory_space<vmem>>, vector<16xi32>,
        %get3A_402 = arith.index_cast %add3A_399 : i32 to index
        %get3A_403 = tpu.vector_load %arg9[%get3A_402] {strides = array<i32>} : memref<10000xf32, #tpu.memory_space<vmem>>, vector<16xf32>,
        tpu.vector_store_idx %arg6[%get3A_401], %get3A_403 {add = true} : memref<32768xf32, #tpu.memory_space<vmem>>[vector<16xi32>], vector<16xf32>,
        %mul3A_404 = arith.constant 400 : i32
        %mul3A_405 = arith.muli %scan3A_283, %mul3A_404 : i32
        %add3A_406 = arith.constant 240 : i32
        %add3A_407 = arith.addi %mul3A_405, %add3A_406 : i32
        %get3A_408 = arith.index_cast %add3A_407 : i32 to index
        %get3A_409 = tpu.vector_load %arg7[%get3A_408] {strides = array<i32>} : memref<10000xi32, #tpu.memory_space<vmem>>, vector<16xi32>,
        %get3A_410 = arith.index_cast %add3A_407 : i32 to index
        %get3A_411 = tpu.vector_load %arg9[%get3A_410] {strides = array<i32>} : memref<10000xf32, #tpu.memory_space<vmem>>, vector<16xf32>,
        tpu.vector_store_idx %arg6[%get3A_409], %get3A_411 {add = true} : memref<32768xf32, #tpu.memory_space<vmem>>[vector<16xi32>], vector<16xf32>,
        %mul3A_412 = arith.constant 400 : i32
        %mul3A_413 = arith.muli %scan3A_283, %mul3A_412 : i32
        %add3A_414 = arith.constant 256 : i32
        %add3A_415 = arith.addi %mul3A_413, %add3A_414 : i32
        %get3A_416 = arith.index_cast %add3A_415 : i32 to index
        %get3A_417 = tpu.vector_load %arg7[%get3A_416] {strides = array<i32>} : memref<10000xi32, #tpu.memory_space<vmem>>, vector<16xi32>,
        %get3A_418 = arith.index_cast %add3A_415 : i32 to index
        %get3A_419 = tpu.vector_load %arg9[%get3A_418] {strides = array<i32>} : memref<10000xf32, #tpu.memory_space<vmem>>, vector<16xf32>,
        tpu.vector_store_idx %arg6[%get3A_417], %get3A_419 {add = true} : memref<32768xf32, #tpu.memory_space<vmem>>[vector<16xi32>], vector<16xf32>,
        %mul3A_420 = arith.constant 400 : i32
        %mul3A_421 = arith.muli %scan3A_283, %mul3A_420 : i32
        %add3A_422 = arith.constant 272 : i32
        %add3A_423 = arith.addi %mul3A_421, %add3A_422 : i32
        %get3A_424 = arith.index_cast %add3A_423 : i32 to index
        %get3A_425 = tpu.vector_load %arg7[%get3A_424] {strides = array<i32>} : memref<10000xi32, #tpu.memory_space<vmem>>, vector<16xi32>,
        %get3A_426 = arith.index_cast %add3A_423 : i32 to index
        %get3A_427 = tpu.vector_load %arg9[%get3A_426] {strides = array<i32>} : memref<10000xf32, #tpu.memory_space<vmem>>, vector<16xf32>,
        tpu.vector_store_idx %arg6[%get3A_425], %get3A_427 {add = true} : memref<32768xf32, #tpu.memory_space<vmem>>[vector<16xi32>], vector<16xf32>,
        %mul3A_428 = arith.constant 400 : i32
        %mul3A_429 = arith.muli %scan3A_283, %mul3A_428 : i32
        %add3A_430 = arith.constant 288 : i32
        %add3A_431 = arith.addi %mul3A_429, %add3A_430 : i32
        %get3A_432 = arith.index_cast %add3A_431 : i32 to index
        %get3A_433 = tpu.vector_load %arg7[%get3A_432] {strides = array<i32>} : memref<10000xi32, #tpu.memory_space<vmem>>, vector<16xi32>,
        %get3A_434 = arith.index_cast %add3A_431 : i32 to index
        %get3A_435 = tpu.vector_load %arg9[%get3A_434] {strides = array<i32>} : memref<10000xf32, #tpu.memory_space<vmem>>, vector<16xf32>,
        tpu.vector_store_idx %arg6[%get3A_433], %get3A_435 {add = true} : memref<32768xf32, #tpu.memory_space<vmem>>[vector<16xi32>], vector<16xf32>,
        %mul3A_436 = arith.constant 400 : i32
        %mul3A_437 = arith.muli %scan3A_283, %mul3A_436 : i32
        %add3A_438 = arith.constant 304 : i32
        %add3A_439 = arith.addi %mul3A_437, %add3A_438 : i32
        %get3A_440 = arith.index_cast %add3A_439 : i32 to index
        %get3A_441 = tpu.vector_load %arg7[%get3A_440] {strides = array<i32>} : memref<10000xi32, #tpu.memory_space<vmem>>, vector<16xi32>,
        %get3A_442 = arith.index_cast %add3A_439 : i32 to index
        %get3A_443 = tpu.vector_load %arg9[%get3A_442] {strides = array<i32>} : memref<10000xf32, #tpu.memory_space<vmem>>, vector<16xf32>,
        tpu.vector_store_idx %arg6[%get3A_441], %get3A_443 {add = true} : memref<32768xf32, #tpu.memory_space<vmem>>[vector<16xi32>], vector<16xf32>,
        %mul3A_444 = arith.constant 400 : i32
        %mul3A_445 = arith.muli %scan3A_283, %mul3A_444 : i32
        %add3A_446 = arith.constant 320 : i32
        %add3A_447 = arith.addi %mul3A_445, %add3A_446 : i32
        %get3A_448 = arith.index_cast %add3A_447 : i32 to index
        %get3A_449 = tpu.vector_load %arg7[%get3A_448] {strides = array<i32>} : memref<10000xi32, #tpu.memory_space<vmem>>, vector<16xi32>,
        %get3A_450 = arith.index_cast %add3A_447 : i32 to index
        %get3A_451 = tpu.vector_load %arg9[%get3A_450] {strides = array<i32>} : memref<10000xf32, #tpu.memory_space<vmem>>, vector<16xf32>,
        tpu.vector_store_idx %arg6[%get3A_449], %get3A_451 {add = true} : memref<32768xf32, #tpu.memory_space<vmem>>[vector<16xi32>], vector<16xf32>,
        %mul3A_452 = arith.constant 400 : i32
        %mul3A_453 = arith.muli %scan3A_283, %mul3A_452 : i32
        %add3A_454 = arith.constant 336 : i32
        %add3A_455 = arith.addi %mul3A_453, %add3A_454 : i32
        %get3A_456 = arith.index_cast %add3A_455 : i32 to index
        %get3A_457 = tpu.vector_load %arg7[%get3A_456] {strides = array<i32>} : memref<10000xi32, #tpu.memory_space<vmem>>, vector<16xi32>,
        %get3A_458 = arith.index_cast %add3A_455 : i32 to index
        %get3A_459 = tpu.vector_load %arg9[%get3A_458] {strides = array<i32>} : memref<10000xf32, #tpu.memory_space<vmem>>, vector<16xf32>,
        tpu.vector_store_idx %arg6[%get3A_457], %get3A_459 {add = true} : memref<32768xf32, #tpu.memory_space<vmem>>[vector<16xi32>], vector<16xf32>,
        %mul3A_460 = arith.constant 400 : i32
        %mul3A_461 = arith.muli %scan3A_283, %mul3A_460 : i32
        %add3A_462 = arith.constant 352 : i32
        %add3A_463 = arith.addi %mul3A_461, %add3A_462 : i32
        %get3A_464 = arith.index_cast %add3A_463 : i32 to index
        %get3A_465 = tpu.vector_load %arg7[%get3A_464] {strides = array<i32>} : memref<10000xi32, #tpu.memory_space<vmem>>, vector<16xi32>,
        %get3A_466 = arith.index_cast %add3A_463 : i32 to index
        %get3A_467 = tpu.vector_load %arg9[%get3A_466] {strides = array<i32>} : memref<10000xf32, #tpu.memory_space<vmem>>, vector<16xf32>,
        tpu.vector_store_idx %arg6[%get3A_465], %get3A_467 {add = true} : memref<32768xf32, #tpu.memory_space<vmem>>[vector<16xi32>], vector<16xf32>,
        %mul3A_468 = arith.constant 400 : i32
        %mul3A_469 = arith.muli %scan3A_283, %mul3A_468 : i32
        %add3A_470 = arith.constant 368 : i32
        %add3A_471 = arith.addi %mul3A_469, %add3A_470 : i32
        %get3A_472 = arith.index_cast %add3A_471 : i32 to index
        %get3A_473 = tpu.vector_load %arg7[%get3A_472] {strides = array<i32>} : memref<10000xi32, #tpu.memory_space<vmem>>, vector<16xi32>,
        %get3A_474 = arith.index_cast %add3A_471 : i32 to index
        %get3A_475 = tpu.vector_load %arg9[%get3A_474] {strides = array<i32>} : memref<10000xf32, #tpu.memory_space<vmem>>, vector<16xf32>,
        tpu.vector_store_idx %arg6[%get3A_473], %get3A_475 {add = true} : memref<32768xf32, #tpu.memory_space<vmem>>[vector<16xi32>], vector<16xf32>,
        %mul3A_476 = arith.constant 400 : i32
        %mul3A_477 = arith.muli %scan3A_283, %mul3A_476 : i32
        %add3A_478 = arith.constant 384 : i32
        %add3A_479 = arith.addi %mul3A_477, %add3A_478 : i32
        %get3A_480 = arith.index_cast %add3A_479 : i32 to index
        %get3A_481 = tpu.vector_load %arg7[%get3A_480] {strides = array<i32>} : memref<10000xi32, #tpu.memory_space<vmem>>, vector<16xi32>,
        %get3A_482 = arith.index_cast %add3A_479 : i32 to index
        %get3A_483 = tpu.vector_load %arg9[%get3A_482] {strides = array<i32>} : memref<10000xf32, #tpu.memory_space<vmem>>, vector<16xf32>,
        tpu.vector_store_idx %arg6[%get3A_481], %get3A_483 {add = true} : memref<32768xf32, #tpu.memory_space<vmem>>[vector<16xi32>], vector<16xf32>,
      }
      %scan3A_255 = arith.constant 25 : i32
      %mul3A_256 = arith.constant 2 : i32
      %mul3A_257 = arith.muli %mul3A_256, %scan3A_221 : i32
      %add3A_258 = arith.constant 2 : i32
      %add3A_259 = arith.addi %mul3A_257, %add3A_258 : i32
      %lt3A_260 = arith.constant 10 : i32
      %lt3A_261 = arith.cmpi slt, %add3A_259, %lt3A_260 : i32
      %convert_element_type3A_262 = arith.extui %lt3A_261 : i1 to i32
      %cond3A_263 = arith.constant 0 : i32
      %cond3A_264 = arith.cmpi ne, %convert_element_type3A_262, %cond3A_263 : i32
      scf.if %cond3A_264 {
        %mul3A_283 = arith.constant 2 : i32
        %mul3A_284 = arith.muli %mul3A_283, %scan3A_221 : i32
        %add3A_285 = arith.constant 2 : i32
        %add3A_286 = arith.addi %mul3A_284, %add3A_285 : i32
        %mul3A_287 = arith.constant 10000 : i32
        %mul3A_288 = arith.muli %add3A_286, %mul3A_287 : i32
        %add3A_289 = arith.addi %mul3A_83, %mul3A_288 : i32
        %dma_start3A_290 = arith.constant 0 : i32
        %dma_start3A_291 = tpu.memref_slice %arg7[%dma_start3A_290] : memref<10000xi32, #tpu.memory_space<vmem>> -> memref<10000xi32, #tpu.memory_space<vmem>>
        %dma_start3A_292 = tpu.memref_slice %arg3[%add3A_289] : memref<800000xi32, #tpu.memory_space<hbm>> -> memref<10000xi32, #tpu.memory_space<hbm>>
        %dma_start3A_293 = arith.constant 0 : i32
        %dma_start3A_294 = tpu.memref_slice %arg7[%dma_start3A_293] : memref<10000xi32, #tpu.memory_space<vmem>> -> memref<10000xi32, #tpu.memory_space<vmem>>
        %dma_start3A_295 = tpu.memref_slice %arg3[%add3A_289] : memref<800000xi32, #tpu.memory_space<hbm>> -> memref<10000xi32, #tpu.memory_space<hbm>>
        tpu.enqueue_dma source(%dma_start3A_295 : memref<10000xi32, #tpu.memory_space<hbm>>) target(%dma_start3A_294 : memref<10000xi32, #tpu.memory_space<vmem>>) target_semaphore(%arg11 : memref<!tpu.dma_semaphore, #tpu.memory_space<semaphore_mem>>)
        %add3A_296 = arith.addi %mul3A_85, %mul3A_288 : i32
        %dma_start3A_297 = tpu.memref_slice %arg2[%add3A_296] : memref<6400000xf32, #tpu.memory_space<hbm>> -> memref<10000xf32, #tpu.memory_space<hbm>>
        %dma_start3A_298 = tpu.memref_slice %arg2[%add3A_296] : memref<6400000xf32, #tpu.memory_space<hbm>> -> memref<10000xf32, #tpu.memory_space<hbm>>
        tpu.enqueue_dma source(%dma_start3A_298 : memref<10000xf32, #tpu.memory_space<hbm>>) target(%arg9 : memref<10000xf32, #tpu.memory_space<vmem>>) target_semaphore(%arg11 : memref<!tpu.dma_semaphore, #tpu.memory_space<semaphore_mem>>)
      } else {
      }
      %dma_wait3A_265 = arith.constant 0 : i32
      %dma_wait3A_266 = tpu.memref_slice %arg8[%dma_wait3A_265] : memref<10000xi32, #tpu.memory_space<vmem>> -> memref<10000xi32, #tpu.memory_space<vmem>>
      %dma_wait3A_267 = arith.constant 0 : i32
      %dma_wait3A_268 = tpu.memref_slice %arg3[%dma_wait3A_267] : memref<800000xi32, #tpu.memory_space<hbm>> -> memref<10000xi32, #tpu.memory_space<hbm>>
      %dma_wait3A_269 = arith.constant 0 : i32
      %dma_wait3A_270 = tpu.memref_slice %arg8[%dma_wait3A_269] : memref<10000xi32, #tpu.memory_space<vmem>> -> memref<10000xi32, #tpu.memory_space<vmem>>
      %dma_wait3A_271 = arith.constant 0 : i32
      %dma_wait3A_272 = tpu.memref_slice %arg3[%dma_wait3A_271] : memref<800000xi32, #tpu.memory_space<hbm>> -> memref<10000xi32, #tpu.memory_space<hbm>>
      tpu.wait_dma2 semaphore(%arg12 : memref<!tpu.dma_semaphore, #tpu.memory_space<semaphore_mem>>) src(%dma_wait3A_272 : memref<10000xi32, #tpu.memory_space<hbm>>) dst(%dma_wait3A_270 : memref<10000xi32, #tpu.memory_space<vmem>>)
      %dma_wait3A_273 = arith.constant 0 : i32
      %dma_wait3A_274 = tpu.memref_slice %arg2[%dma_wait3A_273] : memref<6400000xf32, #tpu.memory_space<hbm>> -> memref<10000xf32, #tpu.memory_space<hbm>>
      %dma_wait3A_275 = arith.constant 0 : i32
      %dma_wait3A_276 = tpu.memref_slice %arg2[%dma_wait3A_275] : memref<6400000xf32, #tpu.memory_space<hbm>> -> memref<10000xf32, #tpu.memory_space<hbm>>
      tpu.wait_dma2 semaphore(%arg12 : memref<!tpu.dma_semaphore, #tpu.memory_space<semaphore_mem>>) src(%dma_wait3A_276 : memref<10000xf32, #tpu.memory_space<hbm>>) dst(%arg10 : memref<10000xf32, #tpu.memory_space<vmem>>)
      %scan3A_277 = arith.constant 0 : i32
      %scan3A_278 = arith.constant 0 : i32
      %scan3A_279 = arith.constant 25 : i32
      %scan3A_280 = arith.addi %scan3A_278, %scan3A_279 : i32
      %scan3A_281 = arith.constant 1 : i32
      scf.for %scan3A_283 = %scan3A_278 to %scan3A_280 step %scan3A_281  : i32 {
        %mul3A_284 = arith.constant 400 : i32
        %mul3A_285 = arith.muli %scan3A_283, %mul3A_284 : i32
        %add3A_286 = arith.constant 0 : i32
        %add3A_287 = arith.addi %mul3A_285, %add3A_286 : i32
        %get3A_288 = arith.index_cast %add3A_287 : i32 to index
        %get3A_289 = tpu.vector_load %arg8[%get3A_288] {strides = array<i32>} : memref<10000xi32, #tpu.memory_space<vmem>>, vector<16xi32>,
        %get3A_290 = arith.index_cast %add3A_287 : i32 to index
        %get3A_291 = tpu.vector_load %arg10[%get3A_290] {strides = array<i32>} : memref<10000xf32, #tpu.memory_space<vmem>>, vector<16xf32>,
        tpu.vector_store_idx %arg6[%get3A_289], %get3A_291 {add = true} : memref<32768xf32, #tpu.memory_space<vmem>>[vector<16xi32>], vector<16xf32>,
        %mul3A_292 = arith.constant 400 : i32
        %mul3A_293 = arith.muli %scan3A_283, %mul3A_292 : i32
        %add3A_294 = arith.constant 16 : i32
        %add3A_295 = arith.addi %mul3A_293, %add3A_294 : i32
        %get3A_296 = arith.index_cast %add3A_295 : i32 to index
        %get3A_297 = tpu.vector_load %arg8[%get3A_296] {strides = array<i32>} : memref<10000xi32, #tpu.memory_space<vmem>>, vector<16xi32>,
        %get3A_298 = arith.index_cast %add3A_295 : i32 to index
        %get3A_299 = tpu.vector_load %arg10[%get3A_298] {strides = array<i32>} : memref<10000xf32, #tpu.memory_space<vmem>>, vector<16xf32>,
        tpu.vector_store_idx %arg6[%get3A_297], %get3A_299 {add = true} : memref<32768xf32, #tpu.memory_space<vmem>>[vector<16xi32>], vector<16xf32>,
        %mul3A_300 = arith.constant 400 : i32
        %mul3A_301 = arith.muli %scan3A_283, %mul3A_300 : i32
        %add3A_302 = arith.constant 32 : i32
        %add3A_303 = arith.addi %mul3A_301, %add3A_302 : i32
        %get3A_304 = arith.index_cast %add3A_303 : i32 to index
        %get3A_305 = tpu.vector_load %arg8[%get3A_304] {strides = array<i32>} : memref<10000xi32, #tpu.memory_space<vmem>>, vector<16xi32>,
        %get3A_306 = arith.index_cast %add3A_303 : i32 to index
        %get3A_307 = tpu.vector_load %arg10[%get3A_306] {strides = array<i32>} : memref<10000xf32, #tpu.memory_space<vmem>>, vector<16xf32>,
        tpu.vector_store_idx %arg6[%get3A_305], %get3A_307 {add = true} : memref<32768xf32, #tpu.memory_space<vmem>>[vector<16xi32>], vector<16xf32>,
        %mul3A_308 = arith.constant 400 : i32
        %mul3A_309 = arith.muli %scan3A_283, %mul3A_308 : i32
        %add3A_310 = arith.constant 48 : i32
        %add3A_311 = arith.addi %mul3A_309, %add3A_310 : i32
        %get3A_312 = arith.index_cast %add3A_311 : i32 to index
        %get3A_313 = tpu.vector_load %arg8[%get3A_312] {strides = array<i32>} : memref<10000xi32, #tpu.memory_space<vmem>>, vector<16xi32>,
        %get3A_314 = arith.index_cast %add3A_311 : i32 to index
        %get3A_315 = tpu.vector_load %arg10[%get3A_314] {strides = array<i32>} : memref<10000xf32, #tpu.memory_space<vmem>>, vector<16xf32>,
        tpu.vector_store_idx %arg6[%get3A_313], %get3A_315 {add = true} : memref<32768xf32, #tpu.memory_space<vmem>>[vector<16xi32>], vector<16xf32>,
        %mul3A_316 = arith.constant 400 : i32
        %mul3A_317 = arith.muli %scan3A_283, %mul3A_316 : i32
        %add3A_318 = arith.constant 64 : i32
        %add3A_319 = arith.addi %mul3A_317, %add3A_318 : i32
        %get3A_320 = arith.index_cast %add3A_319 : i32 to index
        %get3A_321 = tpu.vector_load %arg8[%get3A_320] {strides = array<i32>} : memref<10000xi32, #tpu.memory_space<vmem>>, vector<16xi32>,
        %get3A_322 = arith.index_cast %add3A_319 : i32 to index
        %get3A_323 = tpu.vector_load %arg10[%get3A_322] {strides = array<i32>} : memref<10000xf32, #tpu.memory_space<vmem>>, vector<16xf32>,
        tpu.vector_store_idx %arg6[%get3A_321], %get3A_323 {add = true} : memref<32768xf32, #tpu.memory_space<vmem>>[vector<16xi32>], vector<16xf32>,
        %mul3A_324 = arith.constant 400 : i32
        %mul3A_325 = arith.muli %scan3A_283, %mul3A_324 : i32
        %add3A_326 = arith.constant 80 : i32
        %add3A_327 = arith.addi %mul3A_325, %add3A_326 : i32
        %get3A_328 = arith.index_cast %add3A_327 : i32 to index
        %get3A_329 = tpu.vector_load %arg8[%get3A_328] {strides = array<i32>} : memref<10000xi32, #tpu.memory_space<vmem>>, vector<16xi32>,
        %get3A_330 = arith.index_cast %add3A_327 : i32 to index
        %get3A_331 = tpu.vector_load %arg10[%get3A_330] {strides = array<i32>} : memref<10000xf32, #tpu.memory_space<vmem>>, vector<16xf32>,
        tpu.vector_store_idx %arg6[%get3A_329], %get3A_331 {add = true} : memref<32768xf32, #tpu.memory_space<vmem>>[vector<16xi32>], vector<16xf32>,
        %mul3A_332 = arith.constant 400 : i32
        %mul3A_333 = arith.muli %scan3A_283, %mul3A_332 : i32
        %add3A_334 = arith.constant 96 : i32
        %add3A_335 = arith.addi %mul3A_333, %add3A_334 : i32
        %get3A_336 = arith.index_cast %add3A_335 : i32 to index
        %get3A_337 = tpu.vector_load %arg8[%get3A_336] {strides = array<i32>} : memref<10000xi32, #tpu.memory_space<vmem>>, vector<16xi32>,
        %get3A_338 = arith.index_cast %add3A_335 : i32 to index
        %get3A_339 = tpu.vector_load %arg10[%get3A_338] {strides = array<i32>} : memref<10000xf32, #tpu.memory_space<vmem>>, vector<16xf32>,
        tpu.vector_store_idx %arg6[%get3A_337], %get3A_339 {add = true} : memref<32768xf32, #tpu.memory_space<vmem>>[vector<16xi32>], vector<16xf32>,
        %mul3A_340 = arith.constant 400 : i32
        %mul3A_341 = arith.muli %scan3A_283, %mul3A_340 : i32
        %add3A_342 = arith.constant 112 : i32
        %add3A_343 = arith.addi %mul3A_341, %add3A_342 : i32
        %get3A_344 = arith.index_cast %add3A_343 : i32 to index
        %get3A_345 = tpu.vector_load %arg8[%get3A_344] {strides = array<i32>} : memref<10000xi32, #tpu.memory_space<vmem>>, vector<16xi32>,
        %get3A_346 = arith.index_cast %add3A_343 : i32 to index
        %get3A_347 = tpu.vector_load %arg10[%get3A_346] {strides = array<i32>} : memref<10000xf32, #tpu.memory_space<vmem>>, vector<16xf32>,
        tpu.vector_store_idx %arg6[%get3A_345], %get3A_347 {add = true} : memref<32768xf32, #tpu.memory_space<vmem>>[vector<16xi32>], vector<16xf32>,
        %mul3A_348 = arith.constant 400 : i32
        %mul3A_349 = arith.muli %scan3A_283, %mul3A_348 : i32
        %add3A_350 = arith.constant 128 : i32
        %add3A_351 = arith.addi %mul3A_349, %add3A_350 : i32
        %get3A_352 = arith.index_cast %add3A_351 : i32 to index
        %get3A_353 = tpu.vector_load %arg8[%get3A_352] {strides = array<i32>} : memref<10000xi32, #tpu.memory_space<vmem>>, vector<16xi32>,
        %get3A_354 = arith.index_cast %add3A_351 : i32 to index
        %get3A_355 = tpu.vector_load %arg10[%get3A_354] {strides = array<i32>} : memref<10000xf32, #tpu.memory_space<vmem>>, vector<16xf32>,
        tpu.vector_store_idx %arg6[%get3A_353], %get3A_355 {add = true} : memref<32768xf32, #tpu.memory_space<vmem>>[vector<16xi32>], vector<16xf32>,
        %mul3A_356 = arith.constant 400 : i32
        %mul3A_357 = arith.muli %scan3A_283, %mul3A_356 : i32
        %add3A_358 = arith.constant 144 : i32
        %add3A_359 = arith.addi %mul3A_357, %add3A_358 : i32
        %get3A_360 = arith.index_cast %add3A_359 : i32 to index
        %get3A_361 = tpu.vector_load %arg8[%get3A_360] {strides = array<i32>} : memref<10000xi32, #tpu.memory_space<vmem>>, vector<16xi32>,
        %get3A_362 = arith.index_cast %add3A_359 : i32 to index
        %get3A_363 = tpu.vector_load %arg10[%get3A_362] {strides = array<i32>} : memref<10000xf32, #tpu.memory_space<vmem>>, vector<16xf32>,
        tpu.vector_store_idx %arg6[%get3A_361], %get3A_363 {add = true} : memref<32768xf32, #tpu.memory_space<vmem>>[vector<16xi32>], vector<16xf32>,
        %mul3A_364 = arith.constant 400 : i32
        %mul3A_365 = arith.muli %scan3A_283, %mul3A_364 : i32
        %add3A_366 = arith.constant 160 : i32
        %add3A_367 = arith.addi %mul3A_365, %add3A_366 : i32
        %get3A_368 = arith.index_cast %add3A_367 : i32 to index
        %get3A_369 = tpu.vector_load %arg8[%get3A_368] {strides = array<i32>} : memref<10000xi32, #tpu.memory_space<vmem>>, vector<16xi32>,
        %get3A_370 = arith.index_cast %add3A_367 : i32 to index
        %get3A_371 = tpu.vector_load %arg10[%get3A_370] {strides = array<i32>} : memref<10000xf32, #tpu.memory_space<vmem>>, vector<16xf32>,
        tpu.vector_store_idx %arg6[%get3A_369], %get3A_371 {add = true} : memref<32768xf32, #tpu.memory_space<vmem>>[vector<16xi32>], vector<16xf32>,
        %mul3A_372 = arith.constant 400 : i32
        %mul3A_373 = arith.muli %scan3A_283, %mul3A_372 : i32
        %add3A_374 = arith.constant 176 : i32
        %add3A_375 = arith.addi %mul3A_373, %add3A_374 : i32
        %get3A_376 = arith.index_cast %add3A_375 : i32 to index
        %get3A_377 = tpu.vector_load %arg8[%get3A_376] {strides = array<i32>} : memref<10000xi32, #tpu.memory_space<vmem>>, vector<16xi32>,
        %get3A_378 = arith.index_cast %add3A_375 : i32 to index
        %get3A_379 = tpu.vector_load %arg10[%get3A_378] {strides = array<i32>} : memref<10000xf32, #tpu.memory_space<vmem>>, vector<16xf32>,
        tpu.vector_store_idx %arg6[%get3A_377], %get3A_379 {add = true} : memref<32768xf32, #tpu.memory_space<vmem>>[vector<16xi32>], vector<16xf32>,
        %mul3A_380 = arith.constant 400 : i32
        %mul3A_381 = arith.muli %scan3A_283, %mul3A_380 : i32
        %add3A_382 = arith.constant 192 : i32
        %add3A_383 = arith.addi %mul3A_381, %add3A_382 : i32
        %get3A_384 = arith.index_cast %add3A_383 : i32 to index
        %get3A_385 = tpu.vector_load %arg8[%get3A_384] {strides = array<i32>} : memref<10000xi32, #tpu.memory_space<vmem>>, vector<16xi32>,
        %get3A_386 = arith.index_cast %add3A_383 : i32 to index
        %get3A_387 = tpu.vector_load %arg10[%get3A_386] {strides = array<i32>} : memref<10000xf32, #tpu.memory_space<vmem>>, vector<16xf32>,
        tpu.vector_store_idx %arg6[%get3A_385], %get3A_387 {add = true} : memref<32768xf32, #tpu.memory_space<vmem>>[vector<16xi32>], vector<16xf32>,
        %mul3A_388 = arith.constant 400 : i32
        %mul3A_389 = arith.muli %scan3A_283, %mul3A_388 : i32
        %add3A_390 = arith.constant 208 : i32
        %add3A_391 = arith.addi %mul3A_389, %add3A_390 : i32
        %get3A_392 = arith.index_cast %add3A_391 : i32 to index
        %get3A_393 = tpu.vector_load %arg8[%get3A_392] {strides = array<i32>} : memref<10000xi32, #tpu.memory_space<vmem>>, vector<16xi32>,
        %get3A_394 = arith.index_cast %add3A_391 : i32 to index
        %get3A_395 = tpu.vector_load %arg10[%get3A_394] {strides = array<i32>} : memref<10000xf32, #tpu.memory_space<vmem>>, vector<16xf32>,
        tpu.vector_store_idx %arg6[%get3A_393], %get3A_395 {add = true} : memref<32768xf32, #tpu.memory_space<vmem>>[vector<16xi32>], vector<16xf32>,
        %mul3A_396 = arith.constant 400 : i32
        %mul3A_397 = arith.muli %scan3A_283, %mul3A_396 : i32
        %add3A_398 = arith.constant 224 : i32
        %add3A_399 = arith.addi %mul3A_397, %add3A_398 : i32
        %get3A_400 = arith.index_cast %add3A_399 : i32 to index
        %get3A_401 = tpu.vector_load %arg8[%get3A_400] {strides = array<i32>} : memref<10000xi32, #tpu.memory_space<vmem>>, vector<16xi32>,
        %get3A_402 = arith.index_cast %add3A_399 : i32 to index
        %get3A_403 = tpu.vector_load %arg10[%get3A_402] {strides = array<i32>} : memref<10000xf32, #tpu.memory_space<vmem>>, vector<16xf32>,
        tpu.vector_store_idx %arg6[%get3A_401], %get3A_403 {add = true} : memref<32768xf32, #tpu.memory_space<vmem>>[vector<16xi32>], vector<16xf32>,
        %mul3A_404 = arith.constant 400 : i32
        %mul3A_405 = arith.muli %scan3A_283, %mul3A_404 : i32
        %add3A_406 = arith.constant 240 : i32
        %add3A_407 = arith.addi %mul3A_405, %add3A_406 : i32
        %get3A_408 = arith.index_cast %add3A_407 : i32 to index
        %get3A_409 = tpu.vector_load %arg8[%get3A_408] {strides = array<i32>} : memref<10000xi32, #tpu.memory_space<vmem>>, vector<16xi32>,
        %get3A_410 = arith.index_cast %add3A_407 : i32 to index
        %get3A_411 = tpu.vector_load %arg10[%get3A_410] {strides = array<i32>} : memref<10000xf32, #tpu.memory_space<vmem>>, vector<16xf32>,
        tpu.vector_store_idx %arg6[%get3A_409], %get3A_411 {add = true} : memref<32768xf32, #tpu.memory_space<vmem>>[vector<16xi32>], vector<16xf32>,
        %mul3A_412 = arith.constant 400 : i32
        %mul3A_413 = arith.muli %scan3A_283, %mul3A_412 : i32
        %add3A_414 = arith.constant 256 : i32
        %add3A_415 = arith.addi %mul3A_413, %add3A_414 : i32
        %get3A_416 = arith.index_cast %add3A_415 : i32 to index
        %get3A_417 = tpu.vector_load %arg8[%get3A_416] {strides = array<i32>} : memref<10000xi32, #tpu.memory_space<vmem>>, vector<16xi32>,
        %get3A_418 = arith.index_cast %add3A_415 : i32 to index
        %get3A_419 = tpu.vector_load %arg10[%get3A_418] {strides = array<i32>} : memref<10000xf32, #tpu.memory_space<vmem>>, vector<16xf32>,
        tpu.vector_store_idx %arg6[%get3A_417], %get3A_419 {add = true} : memref<32768xf32, #tpu.memory_space<vmem>>[vector<16xi32>], vector<16xf32>,
        %mul3A_420 = arith.constant 400 : i32
        %mul3A_421 = arith.muli %scan3A_283, %mul3A_420 : i32
        %add3A_422 = arith.constant 272 : i32
        %add3A_423 = arith.addi %mul3A_421, %add3A_422 : i32
        %get3A_424 = arith.index_cast %add3A_423 : i32 to index
        %get3A_425 = tpu.vector_load %arg8[%get3A_424] {strides = array<i32>} : memref<10000xi32, #tpu.memory_space<vmem>>, vector<16xi32>,
        %get3A_426 = arith.index_cast %add3A_423 : i32 to index
        %get3A_427 = tpu.vector_load %arg10[%get3A_426] {strides = array<i32>} : memref<10000xf32, #tpu.memory_space<vmem>>, vector<16xf32>,
        tpu.vector_store_idx %arg6[%get3A_425], %get3A_427 {add = true} : memref<32768xf32, #tpu.memory_space<vmem>>[vector<16xi32>], vector<16xf32>,
        %mul3A_428 = arith.constant 400 : i32
        %mul3A_429 = arith.muli %scan3A_283, %mul3A_428 : i32
        %add3A_430 = arith.constant 288 : i32
        %add3A_431 = arith.addi %mul3A_429, %add3A_430 : i32
        %get3A_432 = arith.index_cast %add3A_431 : i32 to index
        %get3A_433 = tpu.vector_load %arg8[%get3A_432] {strides = array<i32>} : memref<10000xi32, #tpu.memory_space<vmem>>, vector<16xi32>,
        %get3A_434 = arith.index_cast %add3A_431 : i32 to index
        %get3A_435 = tpu.vector_load %arg10[%get3A_434] {strides = array<i32>} : memref<10000xf32, #tpu.memory_space<vmem>>, vector<16xf32>,
        tpu.vector_store_idx %arg6[%get3A_433], %get3A_435 {add = true} : memref<32768xf32, #tpu.memory_space<vmem>>[vector<16xi32>], vector<16xf32>,
        %mul3A_436 = arith.constant 400 : i32
        %mul3A_437 = arith.muli %scan3A_283, %mul3A_436 : i32
        %add3A_438 = arith.constant 304 : i32
        %add3A_439 = arith.addi %mul3A_437, %add3A_438 : i32
        %get3A_440 = arith.index_cast %add3A_439 : i32 to index
        %get3A_441 = tpu.vector_load %arg8[%get3A_440] {strides = array<i32>} : memref<10000xi32, #tpu.memory_space<vmem>>, vector<16xi32>,
        %get3A_442 = arith.index_cast %add3A_439 : i32 to index
        %get3A_443 = tpu.vector_load %arg10[%get3A_442] {strides = array<i32>} : memref<10000xf32, #tpu.memory_space<vmem>>, vector<16xf32>,
        tpu.vector_store_idx %arg6[%get3A_441], %get3A_443 {add = true} : memref<32768xf32, #tpu.memory_space<vmem>>[vector<16xi32>], vector<16xf32>,
        %mul3A_444 = arith.constant 400 : i32
        %mul3A_445 = arith.muli %scan3A_283, %mul3A_444 : i32
        %add3A_446 = arith.constant 320 : i32
        %add3A_447 = arith.addi %mul3A_445, %add3A_446 : i32
        %get3A_448 = arith.index_cast %add3A_447 : i32 to index
        %get3A_449 = tpu.vector_load %arg8[%get3A_448] {strides = array<i32>} : memref<10000xi32, #tpu.memory_space<vmem>>, vector<16xi32>,
        %get3A_450 = arith.index_cast %add3A_447 : i32 to index
        %get3A_451 = tpu.vector_load %arg10[%get3A_450] {strides = array<i32>} : memref<10000xf32, #tpu.memory_space<vmem>>, vector<16xf32>,
        tpu.vector_store_idx %arg6[%get3A_449], %get3A_451 {add = true} : memref<32768xf32, #tpu.memory_space<vmem>>[vector<16xi32>], vector<16xf32>,
        %mul3A_452 = arith.constant 400 : i32
        %mul3A_453 = arith.muli %scan3A_283, %mul3A_452 : i32
        %add3A_454 = arith.constant 336 : i32
        %add3A_455 = arith.addi %mul3A_453, %add3A_454 : i32
        %get3A_456 = arith.index_cast %add3A_455 : i32 to index
        %get3A_457 = tpu.vector_load %arg8[%get3A_456] {strides = array<i32>} : memref<10000xi32, #tpu.memory_space<vmem>>, vector<16xi32>,
        %get3A_458 = arith.index_cast %add3A_455 : i32 to index
        %get3A_459 = tpu.vector_load %arg10[%get3A_458] {strides = array<i32>} : memref<10000xf32, #tpu.memory_space<vmem>>, vector<16xf32>,
        tpu.vector_store_idx %arg6[%get3A_457], %get3A_459 {add = true} : memref<32768xf32, #tpu.memory_space<vmem>>[vector<16xi32>], vector<16xf32>,
        %mul3A_460 = arith.constant 400 : i32
        %mul3A_461 = arith.muli %scan3A_283, %mul3A_460 : i32
        %add3A_462 = arith.constant 352 : i32
        %add3A_463 = arith.addi %mul3A_461, %add3A_462 : i32
        %get3A_464 = arith.index_cast %add3A_463 : i32 to index
        %get3A_465 = tpu.vector_load %arg8[%get3A_464] {strides = array<i32>} : memref<10000xi32, #tpu.memory_space<vmem>>, vector<16xi32>,
        %get3A_466 = arith.index_cast %add3A_463 : i32 to index
        %get3A_467 = tpu.vector_load %arg10[%get3A_466] {strides = array<i32>} : memref<10000xf32, #tpu.memory_space<vmem>>, vector<16xf32>,
        tpu.vector_store_idx %arg6[%get3A_465], %get3A_467 {add = true} : memref<32768xf32, #tpu.memory_space<vmem>>[vector<16xi32>], vector<16xf32>,
        %mul3A_468 = arith.constant 400 : i32
        %mul3A_469 = arith.muli %scan3A_283, %mul3A_468 : i32
        %add3A_470 = arith.constant 368 : i32
        %add3A_471 = arith.addi %mul3A_469, %add3A_470 : i32
        %get3A_472 = arith.index_cast %add3A_471 : i32 to index
        %get3A_473 = tpu.vector_load %arg8[%get3A_472] {strides = array<i32>} : memref<10000xi32, #tpu.memory_space<vmem>>, vector<16xi32>,
        %get3A_474 = arith.index_cast %add3A_471 : i32 to index
        %get3A_475 = tpu.vector_load %arg10[%get3A_474] {strides = array<i32>} : memref<10000xf32, #tpu.memory_space<vmem>>, vector<16xf32>,
        tpu.vector_store_idx %arg6[%get3A_473], %get3A_475 {add = true} : memref<32768xf32, #tpu.memory_space<vmem>>[vector<16xi32>], vector<16xf32>,
        %mul3A_476 = arith.constant 400 : i32
        %mul3A_477 = arith.muli %scan3A_283, %mul3A_476 : i32
        %add3A_478 = arith.constant 384 : i32
        %add3A_479 = arith.addi %mul3A_477, %add3A_478 : i32
        %get3A_480 = arith.index_cast %add3A_479 : i32 to index
        %get3A_481 = tpu.vector_load %arg8[%get3A_480] {strides = array<i32>} : memref<10000xi32, #tpu.memory_space<vmem>>, vector<16xi32>,
        %get3A_482 = arith.index_cast %add3A_479 : i32 to index
        %get3A_483 = tpu.vector_load %arg10[%get3A_482] {strides = array<i32>} : memref<10000xf32, #tpu.memory_space<vmem>>, vector<16xf32>,
        tpu.vector_store_idx %arg6[%get3A_481], %get3A_483 {add = true} : memref<32768xf32, #tpu.memory_space<vmem>>[vector<16xi32>], vector<16xf32>,
      }
      %scan3A_282 = arith.constant 25 : i32
    }
    %scan3A_114 = arith.constant 5 : i32
    %dma_start3A_115 = tpu.memref_slice %arg4[%mul3A_87] : memref<2097152xf32, #tpu.memory_space<hbm>> -> memref<32768xf32, #tpu.memory_space<hbm>>
    %dma_start3A_116 = tpu.memref_slice %arg4[%mul3A_87] : memref<2097152xf32, #tpu.memory_space<hbm>> -> memref<32768xf32, #tpu.memory_space<hbm>>
    tpu.enqueue_dma source(%arg6 : memref<32768xf32, #tpu.memory_space<vmem>>) target(%dma_start3A_116 : memref<32768xf32, #tpu.memory_space<hbm>>) target_semaphore(%arg13 : memref<!tpu.dma_semaphore, #tpu.memory_space<semaphore_mem>>)
    %jit3A_117 = arith.constant 8 : i32
    %div3A_118 = arith.divsi %add3A, %jit3A_117 : i32
    %sign3A_119 = arith.constant 0 : i32
    %sign3A_120 = arith.cmpi sgt, %add3A, %sign3A_119 : i32
    %sign3A_121 = arith.extui %sign3A_120 : i1 to i32
    %sign3A_122 = arith.constant 0 : i32
    %sign3A_123 = arith.cmpi slt, %add3A, %sign3A_122 : i32
    %sign3A_124 = arith.extui %sign3A_123 : i1 to i32
    %sign3A_125 = arith.subi %sign3A_121, %sign3A_124 : i32
    %sign3A_126 = arith.constant 0 : i32
    %sign3A_127 = arith.cmpi sgt, %jit3A_117, %sign3A_126 : i32
    %sign3A_128 = arith.extui %sign3A_127 : i1 to i32
    %sign3A_129 = arith.constant 0 : i32
    %sign3A_130 = arith.cmpi slt, %jit3A_117, %sign3A_129 : i32
    %sign3A_131 = arith.extui %sign3A_130 : i1 to i32
    %sign3A_132 = arith.subi %sign3A_128, %sign3A_131 : i32
    %ne3A_133 = arith.cmpi ne, %sign3A_125, %sign3A_132 : i32
    %rem3A_134 = arith.remsi %add3A, %jit3A_117 : i32
    %ne3A_135 = arith.constant 0 : i32
    %ne3A_136 = arith.cmpi ne, %rem3A_134, %ne3A_135 : i32
    %and3A_137 = arith.andi %ne3A_133, %ne3A_136 : i1
    %sub3A_138 = arith.constant 1 : i32
    %sub3A_139 = arith.subi %div3A_118, %sub3A_138 : i32
    %select_n3A_140 = arith.select %and3A_137, %sub3A_139, %div3A_118 : i32
    %jit3A_141 = arith.constant 8 : i32
    %eq3A = arith.constant 0 : i32
    %eq3A_142 = arith.cmpi eq, %jit3A_141, %eq3A : i32
    %jit3A_143 = arith.constant 1 : i32
    %select_n3A_144 = arith.select %eq3A_142, %jit3A_143, %jit3A_141 : i32
    %rem3A_145 = arith.remsi %add3A, %select_n3A_144 : i32
    %ne3A_146 = arith.constant 0 : i32
    %ne3A_147 = arith.cmpi ne, %rem3A_145, %ne3A_146 : i32
    %lt3A = arith.constant 0 : i32
    %lt3A_148 = arith.cmpi slt, %rem3A_145, %lt3A : i32
    %lt3A_149 = arith.constant 0 : i32
    %lt3A_150 = arith.cmpi slt, %select_n3A_144, %lt3A_149 : i32
    %ne3A_151 = arith.xori %lt3A_148, %lt3A_150 : i1
    %and3A_152 = arith.andi %ne3A_151, %ne3A_147 : i1
    %add3A_153 = arith.addi %rem3A_145, %select_n3A_144 : i32
    %select_n3A_154 = arith.select %and3A_152, %add3A_153, %rem3A_145 : i32
    %add3A_155 = arith.constant 4 : i32
    %add3A_156 = arith.addi %add3A_155, %select_n3A_140 : i32
    %mul3A_157 = arith.constant 100000 : i32
    %mul3A_158 = arith.muli %add3A_156, %mul3A_157 : i32
    %mul3A_159 = arith.constant 12512 : i32
    %mul3A_160 = arith.muli %select_n3A_154, %mul3A_159 : i32
    %add3A_161 = arith.addi %mul3A_158, %mul3A_160 : i32
    %add3A_162 = arith.constant 0 : i32
    %add3A_163 = arith.addi %add3A_161, %add3A_162 : i32
    %dma_start3A_164 = arith.constant 0 : i32
    %dma_start3A_165 = tpu.memref_slice %arg7[%dma_start3A_164] : memref<10000xi32, #tpu.memory_space<vmem>> -> memref<6256xi32, #tpu.memory_space<vmem>>
    %dma_start3A_166 = tpu.memref_slice %arg3[%add3A_163] : memref<800000xi32, #tpu.memory_space<hbm>> -> memref<6256xi32, #tpu.memory_space<hbm>>
    %dma_start3A_167 = arith.constant 0 : i32
    %dma_start3A_168 = tpu.memref_slice %arg7[%dma_start3A_167] : memref<10000xi32, #tpu.memory_space<vmem>> -> memref<6256xi32, #tpu.memory_space<vmem>>
    %dma_start3A_169 = tpu.memref_slice %arg3[%add3A_163] : memref<800000xi32, #tpu.memory_space<hbm>> -> memref<6256xi32, #tpu.memory_space<hbm>>
    tpu.enqueue_dma source(%dma_start3A_169 : memref<6256xi32, #tpu.memory_space<hbm>>) target(%dma_start3A_168 : memref<6256xi32, #tpu.memory_space<vmem>>) target_semaphore(%arg11 : memref<!tpu.dma_semaphore, #tpu.memory_space<semaphore_mem>>)
    %dma_wait3A_170 = arith.constant 0 : i32
    %dma_wait3A_171 = tpu.memref_slice %arg4[%dma_wait3A_170] : memref<2097152xf32, #tpu.memory_space<hbm>> -> memref<32768xf32, #tpu.memory_space<hbm>>
    %dma_wait3A_172 = arith.constant 0 : i32
    %dma_wait3A_173 = tpu.memref_slice %arg4[%dma_wait3A_172] : memref<2097152xf32, #tpu.memory_space<hbm>> -> memref<32768xf32, #tpu.memory_space<hbm>>
    tpu.wait_dma2 semaphore(%arg13 : memref<!tpu.dma_semaphore, #tpu.memory_space<semaphore_mem>>) src(%dma_wait3A_173 : memref<32768xf32, #tpu.memory_space<hbm>>) dst(%arg6 : memref<32768xf32, #tpu.memory_space<vmem>>)
    %scan3A_174 = arith.constant 0 : i32
    %scan3A_175 = arith.constant 0 : i32
    %scan3A_176 = arith.constant 128 : i32
    %scan3A_177 = arith.addi %scan3A_175, %scan3A_176 : i32
    %scan3A_178 = arith.constant 1 : i32
    scf.for %scan3A_221 = %scan3A_175 to %scan3A_177 step %scan3A_178  : i32 {
      %mul3A_222 = arith.constant 256 : i32
      %mul3A_223 = arith.muli %scan3A_221, %mul3A_222 : i32
      %add3A_224 = arith.constant 0 : i32
      %add3A_225 = arith.addi %mul3A_223, %add3A_224 : i32
      %swap3A = arith.index_cast %add3A_225 : i32 to index
      %swap3A_226 = tpu.vector_load %arg6[%swap3A] {strides = array<i32>} : memref<32768xf32, #tpu.memory_space<vmem>>, vector<16xf32>,
      tpu.vector_store %arg6[%swap3A], %broadcast_in_dim3A_3 {strides = array<i32>} : memref<32768xf32, #tpu.memory_space<vmem>>, vector<16xf32>,
      %mul3A_227 = arith.constant 256 : i32
      %mul3A_228 = arith.muli %scan3A_221, %mul3A_227 : i32
      %add3A_229 = arith.constant 16 : i32
      %add3A_230 = arith.addi %mul3A_228, %add3A_229 : i32
      %swap3A_231 = arith.index_cast %add3A_230 : i32 to index
      %swap3A_232 = tpu.vector_load %arg6[%swap3A_231] {strides = array<i32>} : memref<32768xf32, #tpu.memory_space<vmem>>, vector<16xf32>,
      tpu.vector_store %arg6[%swap3A_231], %broadcast_in_dim3A_3 {strides = array<i32>} : memref<32768xf32, #tpu.memory_space<vmem>>, vector<16xf32>,
      %mul3A_233 = arith.constant 256 : i32
      %mul3A_234 = arith.muli %scan3A_221, %mul3A_233 : i32
      %add3A_235 = arith.constant 32 : i32
      %add3A_236 = arith.addi %mul3A_234, %add3A_235 : i32
      %swap3A_237 = arith.index_cast %add3A_236 : i32 to index
      %swap3A_238 = tpu.vector_load %arg6[%swap3A_237] {strides = array<i32>} : memref<32768xf32, #tpu.memory_space<vmem>>, vector<16xf32>,
      tpu.vector_store %arg6[%swap3A_237], %broadcast_in_dim3A_3 {strides = array<i32>} : memref<32768xf32, #tpu.memory_space<vmem>>, vector<16xf32>,
      %mul3A_239 = arith.constant 256 : i32
      %mul3A_240 = arith.muli %scan3A_221, %mul3A_239 : i32
      %add3A_241 = arith.constant 48 : i32
      %add3A_242 = arith.addi %mul3A_240, %add3A_241 : i32
      %swap3A_243 = arith.index_cast %add3A_242 : i32 to index
      %swap3A_244 = tpu.vector_load %arg6[%swap3A_243] {strides = array<i32>} : memref<32768xf32, #tpu.memory_space<vmem>>, vector<16xf32>,
      tpu.vector_store %arg6[%swap3A_243], %broadcast_in_dim3A_3 {strides = array<i32>} : memref<32768xf32, #tpu.memory_space<vmem>>, vector<16xf32>,
      %mul3A_245 = arith.constant 256 : i32
      %mul3A_246 = arith.muli %scan3A_221, %mul3A_245 : i32
      %add3A_247 = arith.constant 64 : i32
      %add3A_248 = arith.addi %mul3A_246, %add3A_247 : i32
      %swap3A_249 = arith.index_cast %add3A_248 : i32 to index
      %swap3A_250 = tpu.vector_load %arg6[%swap3A_249] {strides = array<i32>} : memref<32768xf32, #tpu.memory_space<vmem>>, vector<16xf32>,
      tpu.vector_store %arg6[%swap3A_249], %broadcast_in_dim3A_3 {strides = array<i32>} : memref<32768xf32, #tpu.memory_space<vmem>>, vector<16xf32>,
      %mul3A_251 = arith.constant 256 : i32
      %mul3A_252 = arith.muli %scan3A_221, %mul3A_251 : i32
      %add3A_253 = arith.constant 80 : i32
      %add3A_254 = arith.addi %mul3A_252, %add3A_253 : i32
      %swap3A_255 = arith.index_cast %add3A_254 : i32 to index
      %swap3A_256 = tpu.vector_load %arg6[%swap3A_255] {strides = array<i32>} : memref<32768xf32, #tpu.memory_space<vmem>>, vector<16xf32>,
      tpu.vector_store %arg6[%swap3A_255], %broadcast_in_dim3A_3 {strides = array<i32>} : memref<32768xf32, #tpu.memory_space<vmem>>, vector<16xf32>,
      %mul3A_257 = arith.constant 256 : i32
      %mul3A_258 = arith.muli %scan3A_221, %mul3A_257 : i32
      %add3A_259 = arith.constant 96 : i32
      %add3A_260 = arith.addi %mul3A_258, %add3A_259 : i32
      %swap3A_261 = arith.index_cast %add3A_260 : i32 to index
      %swap3A_262 = tpu.vector_load %arg6[%swap3A_261] {strides = array<i32>} : memref<32768xf32, #tpu.memory_space<vmem>>, vector<16xf32>,
      tpu.vector_store %arg6[%swap3A_261], %broadcast_in_dim3A_3 {strides = array<i32>} : memref<32768xf32, #tpu.memory_space<vmem>>, vector<16xf32>,
      %mul3A_263 = arith.constant 256 : i32
      %mul3A_264 = arith.muli %scan3A_221, %mul3A_263 : i32
      %add3A_265 = arith.constant 112 : i32
      %add3A_266 = arith.addi %mul3A_264, %add3A_265 : i32
      %swap3A_267 = arith.index_cast %add3A_266 : i32 to index
      %swap3A_268 = tpu.vector_load %arg6[%swap3A_267] {strides = array<i32>} : memref<32768xf32, #tpu.memory_space<vmem>>, vector<16xf32>,
      tpu.vector_store %arg6[%swap3A_267], %broadcast_in_dim3A_3 {strides = array<i32>} : memref<32768xf32, #tpu.memory_space<vmem>>, vector<16xf32>,
      %mul3A_269 = arith.constant 256 : i32
      %mul3A_270 = arith.muli %scan3A_221, %mul3A_269 : i32
      %add3A_271 = arith.constant 128 : i32
      %add3A_272 = arith.addi %mul3A_270, %add3A_271 : i32
      %swap3A_273 = arith.index_cast %add3A_272 : i32 to index
      %swap3A_274 = tpu.vector_load %arg6[%swap3A_273] {strides = array<i32>} : memref<32768xf32, #tpu.memory_space<vmem>>, vector<16xf32>,
      tpu.vector_store %arg6[%swap3A_273], %broadcast_in_dim3A_3 {strides = array<i32>} : memref<32768xf32, #tpu.memory_space<vmem>>, vector<16xf32>,
      %mul3A_275 = arith.constant 256 : i32
      %mul3A_276 = arith.muli %scan3A_221, %mul3A_275 : i32
      %add3A_277 = arith.constant 144 : i32
      %add3A_278 = arith.addi %mul3A_276, %add3A_277 : i32
      %swap3A_279 = arith.index_cast %add3A_278 : i32 to index
      %swap3A_280 = tpu.vector_load %arg6[%swap3A_279] {strides = array<i32>} : memref<32768xf32, #tpu.memory_space<vmem>>, vector<16xf32>,
      tpu.vector_store %arg6[%swap3A_279], %broadcast_in_dim3A_3 {strides = array<i32>} : memref<32768xf32, #tpu.memory_space<vmem>>, vector<16xf32>,
      %mul3A_281 = arith.constant 256 : i32
      %mul3A_282 = arith.muli %scan3A_221, %mul3A_281 : i32
      %add3A_283 = arith.constant 160 : i32
      %add3A_284 = arith.addi %mul3A_282, %add3A_283 : i32
      %swap3A_285 = arith.index_cast %add3A_284 : i32 to index
      %swap3A_286 = tpu.vector_load %arg6[%swap3A_285] {strides = array<i32>} : memref<32768xf32, #tpu.memory_space<vmem>>, vector<16xf32>,
      tpu.vector_store %arg6[%swap3A_285], %broadcast_in_dim3A_3 {strides = array<i32>} : memref<32768xf32, #tpu.memory_space<vmem>>, vector<16xf32>,
      %mul3A_287 = arith.constant 256 : i32
      %mul3A_288 = arith.muli %scan3A_221, %mul3A_287 : i32
      %add3A_289 = arith.constant 176 : i32
      %add3A_290 = arith.addi %mul3A_288, %add3A_289 : i32
      %swap3A_291 = arith.index_cast %add3A_290 : i32 to index
      %swap3A_292 = tpu.vector_load %arg6[%swap3A_291] {strides = array<i32>} : memref<32768xf32, #tpu.memory_space<vmem>>, vector<16xf32>,
      tpu.vector_store %arg6[%swap3A_291], %broadcast_in_dim3A_3 {strides = array<i32>} : memref<32768xf32, #tpu.memory_space<vmem>>, vector<16xf32>,
      %mul3A_293 = arith.constant 256 : i32
      %mul3A_294 = arith.muli %scan3A_221, %mul3A_293 : i32
      %add3A_295 = arith.constant 192 : i32
      %add3A_296 = arith.addi %mul3A_294, %add3A_295 : i32
      %swap3A_297 = arith.index_cast %add3A_296 : i32 to index
      %swap3A_298 = tpu.vector_load %arg6[%swap3A_297] {strides = array<i32>} : memref<32768xf32, #tpu.memory_space<vmem>>, vector<16xf32>,
      tpu.vector_store %arg6[%swap3A_297], %broadcast_in_dim3A_3 {strides = array<i32>} : memref<32768xf32, #tpu.memory_space<vmem>>, vector<16xf32>,
      %mul3A_299 = arith.constant 256 : i32
      %mul3A_300 = arith.muli %scan3A_221, %mul3A_299 : i32
      %add3A_301 = arith.constant 208 : i32
      %add3A_302 = arith.addi %mul3A_300, %add3A_301 : i32
      %swap3A_303 = arith.index_cast %add3A_302 : i32 to index
      %swap3A_304 = tpu.vector_load %arg6[%swap3A_303] {strides = array<i32>} : memref<32768xf32, #tpu.memory_space<vmem>>, vector<16xf32>,
      tpu.vector_store %arg6[%swap3A_303], %broadcast_in_dim3A_3 {strides = array<i32>} : memref<32768xf32, #tpu.memory_space<vmem>>, vector<16xf32>,
      %mul3A_305 = arith.constant 256 : i32
      %mul3A_306 = arith.muli %scan3A_221, %mul3A_305 : i32
      %add3A_307 = arith.constant 224 : i32
      %add3A_308 = arith.addi %mul3A_306, %add3A_307 : i32
      %swap3A_309 = arith.index_cast %add3A_308 : i32 to index
      %swap3A_310 = tpu.vector_load %arg6[%swap3A_309] {strides = array<i32>} : memref<32768xf32, #tpu.memory_space<vmem>>, vector<16xf32>,
      tpu.vector_store %arg6[%swap3A_309], %broadcast_in_dim3A_3 {strides = array<i32>} : memref<32768xf32, #tpu.memory_space<vmem>>, vector<16xf32>,
      %mul3A_311 = arith.constant 256 : i32
      %mul3A_312 = arith.muli %scan3A_221, %mul3A_311 : i32
      %add3A_313 = arith.constant 240 : i32
      %add3A_314 = arith.addi %mul3A_312, %add3A_313 : i32
      %swap3A_315 = arith.index_cast %add3A_314 : i32 to index
      %swap3A_316 = tpu.vector_load %arg6[%swap3A_315] {strides = array<i32>} : memref<32768xf32, #tpu.memory_space<vmem>>, vector<16xf32>,
      tpu.vector_store %arg6[%swap3A_315], %broadcast_in_dim3A_3 {strides = array<i32>} : memref<32768xf32, #tpu.memory_space<vmem>>, vector<16xf32>,
    }
    %scan3A_179 = arith.constant 128 : i32
    %lt3A_180 = arith.constant 7 : i32
    %lt3A_181 = arith.cmpi slt, %select_n3A_154, %lt3A_180 : i32
    %convert_element_type3A = arith.extui %lt3A_181 : i1 to i32
    %cond3A = arith.constant 0 : i32
    %cond3A_182 = arith.cmpi ne, %convert_element_type3A, %cond3A : i32
    scf.if %cond3A_182 {
      %add3A_221 = arith.constant 6256 : i32
      %add3A_222 = arith.addi %add3A_161, %add3A_221 : i32
      %dma_start3A_223 = arith.constant 0 : i32
      %dma_start3A_224 = tpu.memref_slice %arg8[%dma_start3A_223] : memref<10000xi32, #tpu.memory_space<vmem>> -> memref<6256xi32, #tpu.memory_space<vmem>>
      %dma_start3A_225 = tpu.memref_slice %arg3[%add3A_222] : memref<800000xi32, #tpu.memory_space<hbm>> -> memref<6256xi32, #tpu.memory_space<hbm>>
      %dma_start3A_226 = arith.constant 0 : i32
      %dma_start3A_227 = tpu.memref_slice %arg8[%dma_start3A_226] : memref<10000xi32, #tpu.memory_space<vmem>> -> memref<6256xi32, #tpu.memory_space<vmem>>
      %dma_start3A_228 = tpu.memref_slice %arg3[%add3A_222] : memref<800000xi32, #tpu.memory_space<hbm>> -> memref<6256xi32, #tpu.memory_space<hbm>>
      tpu.enqueue_dma source(%dma_start3A_228 : memref<6256xi32, #tpu.memory_space<hbm>>) target(%dma_start3A_227 : memref<6256xi32, #tpu.memory_space<vmem>>) target_semaphore(%arg12 : memref<!tpu.dma_semaphore, #tpu.memory_space<semaphore_mem>>)
    } else {
    }
    %eq3A_183 = arith.constant 7 : i32
    %eq3A_184 = arith.cmpi eq, %select_n3A_154, %eq3A_183 : i32
    %convert_element_type3A_185 = arith.extui %eq3A_184 : i1 to i32
    %cond3A_186 = arith.constant 0 : i32
    %cond3A_187 = arith.cmpi ne, %convert_element_type3A_185, %cond3A_186 : i32
    scf.if %cond3A_187 {
      %add3A_221 = arith.constant 6256 : i32
      %add3A_222 = arith.addi %add3A_161, %add3A_221 : i32
      %dma_start3A_223 = arith.constant 0 : i32
      %dma_start3A_224 = tpu.memref_slice %arg8[%dma_start3A_223] : memref<10000xi32, #tpu.memory_space<vmem>> -> memref<6160xi32, #tpu.memory_space<vmem>>
      %dma_start3A_225 = tpu.memref_slice %arg3[%add3A_222] : memref<800000xi32, #tpu.memory_space<hbm>> -> memref<6160xi32, #tpu.memory_space<hbm>>
      %dma_start3A_226 = arith.constant 0 : i32
      %dma_start3A_227 = tpu.memref_slice %arg8[%dma_start3A_226] : memref<10000xi32, #tpu.memory_space<vmem>> -> memref<6160xi32, #tpu.memory_space<vmem>>
      %dma_start3A_228 = tpu.memref_slice %arg3[%add3A_222] : memref<800000xi32, #tpu.memory_space<hbm>> -> memref<6160xi32, #tpu.memory_space<hbm>>
      tpu.enqueue_dma source(%dma_start3A_228 : memref<6160xi32, #tpu.memory_space<hbm>>) target(%dma_start3A_227 : memref<6160xi32, #tpu.memory_space<vmem>>) target_semaphore(%arg12 : memref<!tpu.dma_semaphore, #tpu.memory_space<semaphore_mem>>)
    } else {
    }
    %dma_wait3A_188 = arith.constant 0 : i32
    %dma_wait3A_189 = tpu.memref_slice %arg7[%dma_wait3A_188] : memref<10000xi32, #tpu.memory_space<vmem>> -> memref<6256xi32, #tpu.memory_space<vmem>>
    %dma_wait3A_190 = arith.constant 0 : i32
    %dma_wait3A_191 = tpu.memref_slice %arg3[%dma_wait3A_190] : memref<800000xi32, #tpu.memory_space<hbm>> -> memref<6256xi32, #tpu.memory_space<hbm>>
    %dma_wait3A_192 = arith.constant 0 : i32
    %dma_wait3A_193 = tpu.memref_slice %arg7[%dma_wait3A_192] : memref<10000xi32, #tpu.memory_space<vmem>> -> memref<6256xi32, #tpu.memory_space<vmem>>
    %dma_wait3A_194 = arith.constant 0 : i32
    %dma_wait3A_195 = tpu.memref_slice %arg3[%dma_wait3A_194] : memref<800000xi32, #tpu.memory_space<hbm>> -> memref<6256xi32, #tpu.memory_space<hbm>>
    tpu.wait_dma2 semaphore(%arg11 : memref<!tpu.dma_semaphore, #tpu.memory_space<semaphore_mem>>) src(%dma_wait3A_195 : memref<6256xi32, #tpu.memory_space<hbm>>) dst(%dma_wait3A_193 : memref<6256xi32, #tpu.memory_space<vmem>>)
    %scan3A_196 = arith.constant 0 : i32
    %scan3A_197 = arith.constant 0 : i32
    %scan3A_198 = arith.constant 195 : i32
    %scan3A_199 = arith.addi %scan3A_197, %scan3A_198 : i32
    %scan3A_200 = arith.constant 1 : i32
    scf.for %scan3A_221 = %scan3A_197 to %scan3A_199 step %scan3A_200  : i32 {
      %mul3A_222 = arith.constant 32 : i32
      %mul3A_223 = arith.muli %scan3A_221, %mul3A_222 : i32
      %add3A_224 = arith.constant 0 : i32
      %add3A_225 = arith.addi %mul3A_223, %add3A_224 : i32
      %get3A_226 = arith.index_cast %add3A_225 : i32 to index
      %get3A_227 = tpu.vector_load %arg7[%get3A_226] {strides = array<i32>} : memref<10000xi32, #tpu.memory_space<vmem>>, vector<16xi32>,
      tpu.vector_store_idx %arg6[%get3A_227], %broadcast_in_dim3A_1 {add = true} : memref<32768xf32, #tpu.memory_space<vmem>>[vector<16xi32>], vector<16xf32>,
      %mul3A_228 = arith.constant 32 : i32
      %mul3A_229 = arith.muli %scan3A_221, %mul3A_228 : i32
      %add3A_230 = arith.constant 16 : i32
      %add3A_231 = arith.addi %mul3A_229, %add3A_230 : i32
      %get3A_232 = arith.index_cast %add3A_231 : i32 to index
      %get3A_233 = tpu.vector_load %arg7[%get3A_232] {strides = array<i32>} : memref<10000xi32, #tpu.memory_space<vmem>>, vector<16xi32>,
      tpu.vector_store_idx %arg6[%get3A_233], %broadcast_in_dim3A_1 {add = true} : memref<32768xf32, #tpu.memory_space<vmem>>[vector<16xi32>], vector<16xf32>,
    }
    %scan3A_201 = arith.constant 195 : i32
    %get3A = arith.constant 6240 : index
    %get3A_202 = tpu.vector_load %arg7[%get3A] {strides = array<i32>} : memref<10000xi32, #tpu.memory_space<vmem>>, vector<16xi32>,
    tpu.vector_store_idx %arg6[%get3A_202], %broadcast_in_dim3A_1 {add = true} : memref<32768xf32, #tpu.memory_space<vmem>>[vector<16xi32>], vector<16xf32>,
    %lt3A_203 = arith.constant 7 : i32
    %lt3A_204 = arith.cmpi slt, %select_n3A_154, %lt3A_203 : i32
    %convert_element_type3A_205 = arith.extui %lt3A_204 : i1 to i32
    %cond3A_206 = arith.constant 0 : i32
    %cond3A_207 = arith.cmpi ne, %convert_element_type3A_205, %cond3A_206 : i32
    scf.if %cond3A_207 {
      %dma_wait3A_221 = arith.constant 0 : i32
      %dma_wait3A_222 = tpu.memref_slice %arg8[%dma_wait3A_221] : memref<10000xi32, #tpu.memory_space<vmem>> -> memref<6256xi32, #tpu.memory_space<vmem>>
      %dma_wait3A_223 = arith.constant 0 : i32
      %dma_wait3A_224 = tpu.memref_slice %arg3[%dma_wait3A_223] : memref<800000xi32, #tpu.memory_space<hbm>> -> memref<6256xi32, #tpu.memory_space<hbm>>
      %dma_wait3A_225 = arith.constant 0 : i32
      %dma_wait3A_226 = tpu.memref_slice %arg8[%dma_wait3A_225] : memref<10000xi32, #tpu.memory_space<vmem>> -> memref<6256xi32, #tpu.memory_space<vmem>>
      %dma_wait3A_227 = arith.constant 0 : i32
      %dma_wait3A_228 = tpu.memref_slice %arg3[%dma_wait3A_227] : memref<800000xi32, #tpu.memory_space<hbm>> -> memref<6256xi32, #tpu.memory_space<hbm>>
      tpu.wait_dma2 semaphore(%arg12 : memref<!tpu.dma_semaphore, #tpu.memory_space<semaphore_mem>>) src(%dma_wait3A_228 : memref<6256xi32, #tpu.memory_space<hbm>>) dst(%dma_wait3A_226 : memref<6256xi32, #tpu.memory_space<vmem>>)
      %scan3A_229 = arith.constant 0 : i32
      %scan3A_230 = arith.constant 0 : i32
      %scan3A_231 = arith.constant 195 : i32
      %scan3A_232 = arith.addi %scan3A_230, %scan3A_231 : i32
      %scan3A_233 = arith.constant 1 : i32
      scf.for %scan3A_237 = %scan3A_230 to %scan3A_232 step %scan3A_233  : i32 {
        %mul3A_238 = arith.constant 32 : i32
        %mul3A_239 = arith.muli %scan3A_237, %mul3A_238 : i32
        %add3A_240 = arith.constant 0 : i32
        %add3A_241 = arith.addi %mul3A_239, %add3A_240 : i32
        %get3A_242 = arith.index_cast %add3A_241 : i32 to index
        %get3A_243 = tpu.vector_load %arg8[%get3A_242] {strides = array<i32>} : memref<10000xi32, #tpu.memory_space<vmem>>, vector<16xi32>,
        tpu.vector_store_idx %arg6[%get3A_243], %broadcast_in_dim3A_1 {add = true} : memref<32768xf32, #tpu.memory_space<vmem>>[vector<16xi32>], vector<16xf32>,
        %mul3A_244 = arith.constant 32 : i32
        %mul3A_245 = arith.muli %scan3A_237, %mul3A_244 : i32
        %add3A_246 = arith.constant 16 : i32
        %add3A_247 = arith.addi %mul3A_245, %add3A_246 : i32
        %get3A_248 = arith.index_cast %add3A_247 : i32 to index
        %get3A_249 = tpu.vector_load %arg8[%get3A_248] {strides = array<i32>} : memref<10000xi32, #tpu.memory_space<vmem>>, vector<16xi32>,
        tpu.vector_store_idx %arg6[%get3A_249], %broadcast_in_dim3A_1 {add = true} : memref<32768xf32, #tpu.memory_space<vmem>>[vector<16xi32>], vector<16xf32>,
      }
      %scan3A_234 = arith.constant 195 : i32
      %get3A_235 = arith.constant 6240 : index
      %get3A_236 = tpu.vector_load %arg8[%get3A_235] {strides = array<i32>} : memref<10000xi32, #tpu.memory_space<vmem>>, vector<16xi32>,
      tpu.vector_store_idx %arg6[%get3A_236], %broadcast_in_dim3A_1 {add = true} : memref<32768xf32, #tpu.memory_space<vmem>>[vector<16xi32>], vector<16xf32>,
    } else {
    }
    %eq3A_208 = arith.constant 7 : i32
    %eq3A_209 = arith.cmpi eq, %select_n3A_154, %eq3A_208 : i32
    %convert_element_type3A_210 = arith.extui %eq3A_209 : i1 to i32
    %cond3A_211 = arith.constant 0 : i32
    %cond3A_212 = arith.cmpi ne, %convert_element_type3A_210, %cond3A_211 : i32
    scf.if %cond3A_212 {
      %dma_wait3A_221 = arith.constant 0 : i32
      %dma_wait3A_222 = tpu.memref_slice %arg8[%dma_wait3A_221] : memref<10000xi32, #tpu.memory_space<vmem>> -> memref<6160xi32, #tpu.memory_space<vmem>>
      %dma_wait3A_223 = arith.constant 0 : i32
      %dma_wait3A_224 = tpu.memref_slice %arg3[%dma_wait3A_223] : memref<800000xi32, #tpu.memory_space<hbm>> -> memref<6160xi32, #tpu.memory_space<hbm>>
      %dma_wait3A_225 = arith.constant 0 : i32
      %dma_wait3A_226 = tpu.memref_slice %arg8[%dma_wait3A_225] : memref<10000xi32, #tpu.memory_space<vmem>> -> memref<6160xi32, #tpu.memory_space<vmem>>
      %dma_wait3A_227 = arith.constant 0 : i32
      %dma_wait3A_228 = tpu.memref_slice %arg3[%dma_wait3A_227] : memref<800000xi32, #tpu.memory_space<hbm>> -> memref<6160xi32, #tpu.memory_space<hbm>>
      tpu.wait_dma2 semaphore(%arg12 : memref<!tpu.dma_semaphore, #tpu.memory_space<semaphore_mem>>) src(%dma_wait3A_228 : memref<6160xi32, #tpu.memory_space<hbm>>) dst(%dma_wait3A_226 : memref<6160xi32, #tpu.memory_space<vmem>>)
      %scan3A_229 = arith.constant 0 : i32
      %scan3A_230 = arith.constant 0 : i32
      %scan3A_231 = arith.constant 192 : i32
      %scan3A_232 = arith.addi %scan3A_230, %scan3A_231 : i32
      %scan3A_233 = arith.constant 1 : i32
      scf.for %scan3A_237 = %scan3A_230 to %scan3A_232 step %scan3A_233  : i32 {
        %mul3A_238 = arith.constant 32 : i32
        %mul3A_239 = arith.muli %scan3A_237, %mul3A_238 : i32
        %add3A_240 = arith.constant 0 : i32
        %add3A_241 = arith.addi %mul3A_239, %add3A_240 : i32
        %get3A_242 = arith.index_cast %add3A_241 : i32 to index
        %get3A_243 = tpu.vector_load %arg8[%get3A_242] {strides = array<i32>} : memref<10000xi32, #tpu.memory_space<vmem>>, vector<16xi32>,
        tpu.vector_store_idx %arg6[%get3A_243], %broadcast_in_dim3A_1 {add = true} : memref<32768xf32, #tpu.memory_space<vmem>>[vector<16xi32>], vector<16xf32>,
        %mul3A_244 = arith.constant 32 : i32
        %mul3A_245 = arith.muli %scan3A_237, %mul3A_244 : i32
        %add3A_246 = arith.constant 16 : i32
        %add3A_247 = arith.addi %mul3A_245, %add3A_246 : i32
        %get3A_248 = arith.index_cast %add3A_247 : i32 to index
        %get3A_249 = tpu.vector_load %arg8[%get3A_248] {strides = array<i32>} : memref<10000xi32, #tpu.memory_space<vmem>>, vector<16xi32>,
        tpu.vector_store_idx %arg6[%get3A_249], %broadcast_in_dim3A_1 {add = true} : memref<32768xf32, #tpu.memory_space<vmem>>[vector<16xi32>], vector<16xf32>,
      }
      %scan3A_234 = arith.constant 192 : i32
      %get3A_235 = arith.constant 6144 : index
      %get3A_236 = tpu.vector_load %arg8[%get3A_235] {strides = array<i32>} : memref<10000xi32, #tpu.memory_space<vmem>>, vector<16xi32>,
      tpu.vector_store_idx %arg6[%get3A_236], %broadcast_in_dim3A_1 {add = true} : memref<32768xf32, #tpu.memory_space<vmem>>[vector<16xi32>], vector<16xf32>,
    } else {
    }
    %mul3A_213 = arith.constant 32768 : i32
    %mul3A_214 = arith.muli %add3A, %mul3A_213 : i32
    %dma_start3A_215 = tpu.memref_slice %arg5[%mul3A_214] : memref<1048576xf32, #tpu.memory_space<hbm>> -> memref<32768xf32, #tpu.memory_space<hbm>>
    %dma_start3A_216 = tpu.memref_slice %arg5[%mul3A_214] : memref<1048576xf32, #tpu.memory_space<hbm>> -> memref<32768xf32, #tpu.memory_space<hbm>>
    tpu.enqueue_dma source(%arg6 : memref<32768xf32, #tpu.memory_space<vmem>>) target(%dma_start3A_216 : memref<32768xf32, #tpu.memory_space<hbm>>) target_semaphore(%arg13 : memref<!tpu.dma_semaphore, #tpu.memory_space<semaphore_mem>>)
    %dma_wait3A_217 = arith.constant 0 : i32
    %dma_wait3A_218 = tpu.memref_slice %arg4[%dma_wait3A_217] : memref<2097152xf32, #tpu.memory_space<hbm>> -> memref<32768xf32, #tpu.memory_space<hbm>>
    %dma_wait3A_219 = arith.constant 0 : i32
    %dma_wait3A_220 = tpu.memref_slice %arg4[%dma_wait3A_219] : memref<2097152xf32, #tpu.memory_space<hbm>> -> memref<32768xf32, #tpu.memory_space<hbm>>
    tpu.wait_dma2 semaphore(%arg13 : memref<!tpu.dma_semaphore, #tpu.memory_space<semaphore_mem>>) src(%dma_wait3A_220 : memref<32768xf32, #tpu.memory_space<hbm>>) dst(%arg6 : memref<32768xf32, #tpu.memory_space<vmem>>)
    return
  }
}

#map = affine_map<(d0, d1) -> (0)>
module attributes {stable_mosaic.version = 14 : i64} {
  func.func @body(%arg0: i32, %arg1: i32, %arg2: memref<6400000xf32, #tpu.memory_space<hbm>>, %arg3: memref<800000xi32, #tpu.memory_space<hbm>>, %arg4: memref<2097152xf32, #tpu.memory_space<hbm>>, %arg5: memref<1048576xf32, #tpu.memory_space<hbm>>, %arg6: memref<32768xf32, #tpu.memory_space<vmem>>, %arg7: memref<10000xi32, #tpu.memory_space<vmem>>, %arg8: memref<10000xi32, #tpu.memory_space<vmem>>, %arg9: memref<10000xf32, #tpu.memory_space<vmem>>, %arg10: memref<10000xf32, #tpu.memory_space<vmem>>, %arg11: memref<!tpu.dma_semaphore, #tpu.memory_space<semaphore_mem>>, %arg12: memref<!tpu.dma_semaphore, #tpu.memory_space<semaphore_mem>>, %arg13: memref<!tpu.dma_semaphore, #tpu.memory_space<semaphore_mem>>) attributes {dimension_semantics = [#tpu.dimension_semantics<core_parallel>, #tpu.dimension_semantics<subcore_parallel>], iteration_bounds = array<i64: 2, 16>, scalar_prefetch = 0 : i64, scratch_operands = 8 : i64, tpu.core_type = #tpu.core_type<sc_vector_subcore>, window_params = [{transform_indices = #map}, {transform_indices = #map}, {transform_indices = #map}, {transform_indices = #map}]} {
    %mul3A = arith.constant 2 : i32
    %mul3A_0 = arith.muli %arg1, %mul3A : i32
    %add3A = arith.addi %mul3A_0, %arg0 : i32
    %broadcast_in_dim3A = arith.constant 1.000000e+00 : f32
    %broadcast_in_dim3A_1 = vector.broadcast %broadcast_in_dim3A : f32 to vector<16xf32>
    %broadcast_in_dim3A_2 = arith.constant 0.000000e+00 : f32
    %broadcast_in_dim3A_3 = vector.broadcast %broadcast_in_dim3A_2 : f32 to vector<16xf32>
    %add3A_4 = arith.constant 0 : i32
    %add3A_5 = arith.addi %add3A, %add3A_4 : i32
    %jit3A = arith.constant 16 : i32
    %div3A = arith.divsi %add3A_5, %jit3A : i32
    %sign3A = arith.constant 0 : i32
    %sign3A_6 = arith.cmpi sgt, %add3A_5, %sign3A : i32
    %sign3A_7 = arith.extui %sign3A_6 : i1 to i32
    %sign3A_8 = arith.constant 0 : i32
    %sign3A_9 = arith.cmpi slt, %add3A_5, %sign3A_8 : i32
    %sign3A_10 = arith.extui %sign3A_9 : i1 to i32
    %sign3A_11 = arith.subi %sign3A_7, %sign3A_10 : i32
    %sign3A_12 = arith.constant 0 : i32
    %sign3A_13 = arith.cmpi sgt, %jit3A, %sign3A_12 : i32
    %sign3A_14 = arith.extui %sign3A_13 : i1 to i32
    %sign3A_15 = arith.constant 0 : i32
    %sign3A_16 = arith.cmpi slt, %jit3A, %sign3A_15 : i32
    %sign3A_17 = arith.extui %sign3A_16 : i1 to i32
    %sign3A_18 = arith.subi %sign3A_14, %sign3A_17 : i32
    %ne3A = arith.cmpi ne, %sign3A_11, %sign3A_18 : i32
    %rem3A = arith.remsi %add3A_5, %jit3A : i32
    %ne3A_19 = arith.constant 0 : i32
    %ne3A_20 = arith.cmpi ne, %rem3A, %ne3A_19 : i32
    %and3A = arith.andi %ne3A, %ne3A_20 : i1
    %sub3A = arith.constant 1 : i32
    %sub3A_21 = arith.subi %div3A, %sub3A : i32
    %select_n3A = arith.select %and3A, %sub3A_21, %div3A : i32
    %add3A_22 = arith.constant 0 : i32
    %add3A_23 = arith.addi %add3A_22, %select_n3A : i32
    %mul3A_24 = arith.constant 100000 : i32
    %mul3A_25 = arith.muli %add3A_23, %mul3A_24 : i32
    %mul3A_26 = arith.constant 100000 : i32
    %mul3A_27 = arith.muli %add3A_5, %mul3A_26 : i32
    %mul3A_28 = arith.constant 32768 : i32
    %mul3A_29 = arith.muli %add3A_5, %mul3A_28 : i32
    %add3A_30 = arith.constant 0 : i32
    %add3A_31 = arith.addi %mul3A_25, %add3A_30 : i32
    %dma_start3A = arith.constant 0 : i32
    %dma_start3A_32 = tpu.memref_slice %arg7[%dma_start3A] : memref<10000xi32, #tpu.memory_space<vmem>> -> memref<10000xi32, #tpu.memory_space<vmem>>
    %dma_start3A_33 = tpu.memref_slice %arg3[%add3A_31] : memref<800000xi32, #tpu.memory_space<hbm>> -> memref<10000xi32, #tpu.memory_space<hbm>>
    %dma_start3A_34 = arith.constant 0 : i32
    %dma_start3A_35 = tpu.memref_slice %arg7[%dma_start3A_34] : memref<10000xi32, #tpu.memory_space<vmem>> -> memref<10000xi32, #tpu.memory_space<vmem>>
    %dma_start3A_36 = tpu.memref_slice %arg3[%add3A_31] : memref<800000xi32, #tpu.memory_space<hbm>> -> memref<10000xi32, #tpu.memory_space<hbm>>
    tpu.enqueue_dma source(%dma_start3A_36 : memref<10000xi32, #tpu.memory_space<hbm>>) target(%dma_start3A_35 : memref<10000xi32, #tpu.memory_space<vmem>>) target_semaphore(%arg11 : memref<!tpu.dma_semaphore, #tpu.memory_space<semaphore_mem>>)
    %add3A_37 = arith.constant 0 : i32
    %add3A_38 = arith.addi %mul3A_27, %add3A_37 : i32
    %dma_start3A_39 = tpu.memref_slice %arg2[%add3A_38] : memref<6400000xf32, #tpu.memory_space<hbm>> -> memref<10000xf32, #tpu.memory_space<hbm>>
    %dma_start3A_40 = tpu.memref_slice %arg2[%add3A_38] : memref<6400000xf32, #tpu.memory_space<hbm>> -> memref<10000xf32, #tpu.memory_space<hbm>>
    tpu.enqueue_dma source(%dma_start3A_40 : memref<10000xf32, #tpu.memory_space<hbm>>) target(%arg9 : memref<10000xf32, #tpu.memory_space<vmem>>) target_semaphore(%arg11 : memref<!tpu.dma_semaphore, #tpu.memory_space<semaphore_mem>>)
    %scan3A = arith.constant 0 : i32
    %scan3A_41 = arith.constant 0 : i32
    %scan3A_42 = arith.constant 128 : i32
    %scan3A_43 = arith.addi %scan3A_41, %scan3A_42 : i32
    %scan3A_44 = arith.constant 1 : i32
    scf.for %scan3A_221 = %scan3A_41 to %scan3A_43 step %scan3A_44  : i32 {
      %mul3A_222 = arith.constant 256 : i32
      %mul3A_223 = arith.muli %scan3A_221, %mul3A_222 : i32
      %add3A_224 = arith.constant 0 : i32
      %add3A_225 = arith.addi %mul3A_223, %add3A_224 : i32
      %swap3A = arith.index_cast %add3A_225 : i32 to index
      %swap3A_226 = tpu.vector_load %arg6[%swap3A] {strides = array<i32>} : memref<32768xf32, #tpu.memory_space<vmem>>, vector<16xf32>,
      tpu.vector_store %arg6[%swap3A], %broadcast_in_dim3A_3 {strides = array<i32>} : memref<32768xf32, #tpu.memory_space<vmem>>, vector<16xf32>,
      %mul3A_227 = arith.constant 256 : i32
      %mul3A_228 = arith.muli %scan3A_221, %mul3A_227 : i32
      %add3A_229 = arith.constant 16 : i32
      %add3A_230 = arith.addi %mul3A_228, %add3A_229 : i32
      %swap3A_231 = arith.index_cast %add3A_230 : i32 to index
      %swap3A_232 = tpu.vector_load %arg6[%swap3A_231] {strides = array<i32>} : memref<32768xf32, #tpu.memory_space<vmem>>, vector<16xf32>,
      tpu.vector_store %arg6[%swap3A_231], %broadcast_in_dim3A_3 {strides = array<i32>} : memref<32768xf32, #tpu.memory_space<vmem>>, vector<16xf32>,
      %mul3A_233 = arith.constant 256 : i32
      %mul3A_234 = arith.muli %scan3A_221, %mul3A_233 : i32
      %add3A_235 = arith.constant 32 : i32
      %add3A_236 = arith.addi %mul3A_234, %add3A_235 : i32
      %swap3A_237 = arith.index_cast %add3A_236 : i32 to index
      %swap3A_238 = tpu.vector_load %arg6[%swap3A_237] {strides = array<i32>} : memref<32768xf32, #tpu.memory_space<vmem>>, vector<16xf32>,
      tpu.vector_store %arg6[%swap3A_237], %broadcast_in_dim3A_3 {strides = array<i32>} : memref<32768xf32, #tpu.memory_space<vmem>>, vector<16xf32>,
      %mul3A_239 = arith.constant 256 : i32
      %mul3A_240 = arith.muli %scan3A_221, %mul3A_239 : i32
      %add3A_241 = arith.constant 48 : i32
      %add3A_242 = arith.addi %mul3A_240, %add3A_241 : i32
      %swap3A_243 = arith.index_cast %add3A_242 : i32 to index
      %swap3A_244 = tpu.vector_load %arg6[%swap3A_243] {strides = array<i32>} : memref<32768xf32, #tpu.memory_space<vmem>>, vector<16xf32>,
      tpu.vector_store %arg6[%swap3A_243], %broadcast_in_dim3A_3 {strides = array<i32>} : memref<32768xf32, #tpu.memory_space<vmem>>, vector<16xf32>,
      %mul3A_245 = arith.constant 256 : i32
      %mul3A_246 = arith.muli %scan3A_221, %mul3A_245 : i32
      %add3A_247 = arith.constant 64 : i32
      %add3A_248 = arith.addi %mul3A_246, %add3A_247 : i32
      %swap3A_249 = arith.index_cast %add3A_248 : i32 to index
      %swap3A_250 = tpu.vector_load %arg6[%swap3A_249] {strides = array<i32>} : memref<32768xf32, #tpu.memory_space<vmem>>, vector<16xf32>,
      tpu.vector_store %arg6[%swap3A_249], %broadcast_in_dim3A_3 {strides = array<i32>} : memref<32768xf32, #tpu.memory_space<vmem>>, vector<16xf32>,
      %mul3A_251 = arith.constant 256 : i32
      %mul3A_252 = arith.muli %scan3A_221, %mul3A_251 : i32
      %add3A_253 = arith.constant 80 : i32
      %add3A_254 = arith.addi %mul3A_252, %add3A_253 : i32
      %swap3A_255 = arith.index_cast %add3A_254 : i32 to index
      %swap3A_256 = tpu.vector_load %arg6[%swap3A_255] {strides = array<i32>} : memref<32768xf32, #tpu.memory_space<vmem>>, vector<16xf32>,
      tpu.vector_store %arg6[%swap3A_255], %broadcast_in_dim3A_3 {strides = array<i32>} : memref<32768xf32, #tpu.memory_space<vmem>>, vector<16xf32>,
      %mul3A_257 = arith.constant 256 : i32
      %mul3A_258 = arith.muli %scan3A_221, %mul3A_257 : i32
      %add3A_259 = arith.constant 96 : i32
      %add3A_260 = arith.addi %mul3A_258, %add3A_259 : i32
      %swap3A_261 = arith.index_cast %add3A_260 : i32 to index
      %swap3A_262 = tpu.vector_load %arg6[%swap3A_261] {strides = array<i32>} : memref<32768xf32, #tpu.memory_space<vmem>>, vector<16xf32>,
      tpu.vector_store %arg6[%swap3A_261], %broadcast_in_dim3A_3 {strides = array<i32>} : memref<32768xf32, #tpu.memory_space<vmem>>, vector<16xf32>,
      %mul3A_263 = arith.constant 256 : i32
      %mul3A_264 = arith.muli %scan3A_221, %mul3A_263 : i32
      %add3A_265 = arith.constant 112 : i32
      %add3A_266 = arith.addi %mul3A_264, %add3A_265 : i32
      %swap3A_267 = arith.index_cast %add3A_266 : i32 to index
      %swap3A_268 = tpu.vector_load %arg6[%swap3A_267] {strides = array<i32>} : memref<32768xf32, #tpu.memory_space<vmem>>, vector<16xf32>,
      tpu.vector_store %arg6[%swap3A_267], %broadcast_in_dim3A_3 {strides = array<i32>} : memref<32768xf32, #tpu.memory_space<vmem>>, vector<16xf32>,
      %mul3A_269 = arith.constant 256 : i32
      %mul3A_270 = arith.muli %scan3A_221, %mul3A_269 : i32
      %add3A_271 = arith.constant 128 : i32
      %add3A_272 = arith.addi %mul3A_270, %add3A_271 : i32
      %swap3A_273 = arith.index_cast %add3A_272 : i32 to index
      %swap3A_274 = tpu.vector_load %arg6[%swap3A_273] {strides = array<i32>} : memref<32768xf32, #tpu.memory_space<vmem>>, vector<16xf32>,
      tpu.vector_store %arg6[%swap3A_273], %broadcast_in_dim3A_3 {strides = array<i32>} : memref<32768xf32, #tpu.memory_space<vmem>>, vector<16xf32>,
      %mul3A_275 = arith.constant 256 : i32
      %mul3A_276 = arith.muli %scan3A_221, %mul3A_275 : i32
      %add3A_277 = arith.constant 144 : i32
      %add3A_278 = arith.addi %mul3A_276, %add3A_277 : i32
      %swap3A_279 = arith.index_cast %add3A_278 : i32 to index
      %swap3A_280 = tpu.vector_load %arg6[%swap3A_279] {strides = array<i32>} : memref<32768xf32, #tpu.memory_space<vmem>>, vector<16xf32>,
      tpu.vector_store %arg6[%swap3A_279], %broadcast_in_dim3A_3 {strides = array<i32>} : memref<32768xf32, #tpu.memory_space<vmem>>, vector<16xf32>,
      %mul3A_281 = arith.constant 256 : i32
      %mul3A_282 = arith.muli %scan3A_221, %mul3A_281 : i32
      %add3A_283 = arith.constant 160 : i32
      %add3A_284 = arith.addi %mul3A_282, %add3A_283 : i32
      %swap3A_285 = arith.index_cast %add3A_284 : i32 to index
      %swap3A_286 = tpu.vector_load %arg6[%swap3A_285] {strides = array<i32>} : memref<32768xf32, #tpu.memory_space<vmem>>, vector<16xf32>,
      tpu.vector_store %arg6[%swap3A_285], %broadcast_in_dim3A_3 {strides = array<i32>} : memref<32768xf32, #tpu.memory_space<vmem>>, vector<16xf32>,
      %mul3A_287 = arith.constant 256 : i32
      %mul3A_288 = arith.muli %scan3A_221, %mul3A_287 : i32
      %add3A_289 = arith.constant 176 : i32
      %add3A_290 = arith.addi %mul3A_288, %add3A_289 : i32
      %swap3A_291 = arith.index_cast %add3A_290 : i32 to index
      %swap3A_292 = tpu.vector_load %arg6[%swap3A_291] {strides = array<i32>} : memref<32768xf32, #tpu.memory_space<vmem>>, vector<16xf32>,
      tpu.vector_store %arg6[%swap3A_291], %broadcast_in_dim3A_3 {strides = array<i32>} : memref<32768xf32, #tpu.memory_space<vmem>>, vector<16xf32>,
      %mul3A_293 = arith.constant 256 : i32
      %mul3A_294 = arith.muli %scan3A_221, %mul3A_293 : i32
      %add3A_295 = arith.constant 192 : i32
      %add3A_296 = arith.addi %mul3A_294, %add3A_295 : i32
      %swap3A_297 = arith.index_cast %add3A_296 : i32 to index
      %swap3A_298 = tpu.vector_load %arg6[%swap3A_297] {strides = array<i32>} : memref<32768xf32, #tpu.memory_space<vmem>>, vector<16xf32>,
      tpu.vector_store %arg6[%swap3A_297], %broadcast_in_dim3A_3 {strides = array<i32>} : memref<32768xf32, #tpu.memory_space<vmem>>, vector<16xf32>,
      %mul3A_299 = arith.constant 256 : i32
      %mul3A_300 = arith.muli %scan3A_221, %mul3A_299 : i32
      %add3A_301 = arith.constant 208 : i32
      %add3A_302 = arith.addi %mul3A_300, %add3A_301 : i32
      %swap3A_303 = arith.index_cast %add3A_302 : i32 to index
      %swap3A_304 = tpu.vector_load %arg6[%swap3A_303] {strides = array<i32>} : memref<32768xf32, #tpu.memory_space<vmem>>, vector<16xf32>,
      tpu.vector_store %arg6[%swap3A_303], %broadcast_in_dim3A_3 {strides = array<i32>} : memref<32768xf32, #tpu.memory_space<vmem>>, vector<16xf32>,
      %mul3A_305 = arith.constant 256 : i32
      %mul3A_306 = arith.muli %scan3A_221, %mul3A_305 : i32
      %add3A_307 = arith.constant 224 : i32
      %add3A_308 = arith.addi %mul3A_306, %add3A_307 : i32
      %swap3A_309 = arith.index_cast %add3A_308 : i32 to index
      %swap3A_310 = tpu.vector_load %arg6[%swap3A_309] {strides = array<i32>} : memref<32768xf32, #tpu.memory_space<vmem>>, vector<16xf32>,
      tpu.vector_store %arg6[%swap3A_309], %broadcast_in_dim3A_3 {strides = array<i32>} : memref<32768xf32, #tpu.memory_space<vmem>>, vector<16xf32>,
      %mul3A_311 = arith.constant 256 : i32
      %mul3A_312 = arith.muli %scan3A_221, %mul3A_311 : i32
      %add3A_313 = arith.constant 240 : i32
      %add3A_314 = arith.addi %mul3A_312, %add3A_313 : i32
      %swap3A_315 = arith.index_cast %add3A_314 : i32 to index
      %swap3A_316 = tpu.vector_load %arg6[%swap3A_315] {strides = array<i32>} : memref<32768xf32, #tpu.memory_space<vmem>>, vector<16xf32>,
      tpu.vector_store %arg6[%swap3A_315], %broadcast_in_dim3A_3 {strides = array<i32>} : memref<32768xf32, #tpu.memory_space<vmem>>, vector<16xf32>,
    }
    %scan3A_45 = arith.constant 128 : i32
    %scan3A_46 = arith.constant 0 : i32
    %scan3A_47 = arith.constant 0 : i32
    %scan3A_48 = arith.constant 5 : i32
    %scan3A_49 = arith.addi %scan3A_47, %scan3A_48 : i32
    %scan3A_50 = arith.constant 1 : i32
    scf.for %scan3A_221 = %scan3A_47 to %scan3A_49 step %scan3A_50  : i32 {
      %mul3A_222 = arith.constant 2 : i32
      %mul3A_223 = arith.muli %mul3A_222, %scan3A_221 : i32
      %add3A_224 = arith.constant 1 : i32
      %add3A_225 = arith.addi %mul3A_223, %add3A_224 : i32
      %mul3A_226 = arith.constant 10000 : i32
      %mul3A_227 = arith.muli %add3A_225, %mul3A_226 : i32
      %add3A_228 = arith.addi %mul3A_25, %mul3A_227 : i32
      %dma_start3A_229 = arith.constant 0 : i32
      %dma_start3A_230 = tpu.memref_slice %arg8[%dma_start3A_229] : memref<10000xi32, #tpu.memory_space<vmem>> -> memref<10000xi32, #tpu.memory_space<vmem>>
      %dma_start3A_231 = tpu.memref_slice %arg3[%add3A_228] : memref<800000xi32, #tpu.memory_space<hbm>> -> memref<10000xi32, #tpu.memory_space<hbm>>
      %dma_start3A_232 = arith.constant 0 : i32
      %dma_start3A_233 = tpu.memref_slice %arg8[%dma_start3A_232] : memref<10000xi32, #tpu.memory_space<vmem>> -> memref<10000xi32, #tpu.memory_space<vmem>>
      %dma_start3A_234 = tpu.memref_slice %arg3[%add3A_228] : memref<800000xi32, #tpu.memory_space<hbm>> -> memref<10000xi32, #tpu.memory_space<hbm>>
      tpu.enqueue_dma source(%dma_start3A_234 : memref<10000xi32, #tpu.memory_space<hbm>>) target(%dma_start3A_233 : memref<10000xi32, #tpu.memory_space<vmem>>) target_semaphore(%arg12 : memref<!tpu.dma_semaphore, #tpu.memory_space<semaphore_mem>>)
      %add3A_235 = arith.addi %mul3A_27, %mul3A_227 : i32
      %dma_start3A_236 = tpu.memref_slice %arg2[%add3A_235] : memref<6400000xf32, #tpu.memory_space<hbm>> -> memref<10000xf32, #tpu.memory_space<hbm>>
      %dma_start3A_237 = tpu.memref_slice %arg2[%add3A_235] : memref<6400000xf32, #tpu.memory_space<hbm>> -> memref<10000xf32, #tpu.memory_space<hbm>>
      tpu.enqueue_dma source(%dma_start3A_237 : memref<10000xf32, #tpu.memory_space<hbm>>) target(%arg10 : memref<10000xf32, #tpu.memory_space<vmem>>) target_semaphore(%arg12 : memref<!tpu.dma_semaphore, #tpu.memory_space<semaphore_mem>>)
      %dma_wait3A_238 = arith.constant 0 : i32
      %dma_wait3A_239 = tpu.memref_slice %arg7[%dma_wait3A_238] : memref<10000xi32, #tpu.memory_space<vmem>> -> memref<10000xi32, #tpu.memory_space<vmem>>
      %dma_wait3A_240 = arith.constant 0 : i32
      %dma_wait3A_241 = tpu.memref_slice %arg3[%dma_wait3A_240] : memref<800000xi32, #tpu.memory_space<hbm>> -> memref<10000xi32, #tpu.memory_space<hbm>>
      %dma_wait3A_242 = arith.constant 0 : i32
      %dma_wait3A_243 = tpu.memref_slice %arg7[%dma_wait3A_242] : memref<10000xi32, #tpu.memory_space<vmem>> -> memref<10000xi32, #tpu.memory_space<vmem>>
      %dma_wait3A_244 = arith.constant 0 : i32
      %dma_wait3A_245 = tpu.memref_slice %arg3[%dma_wait3A_244] : memref<800000xi32, #tpu.memory_space<hbm>> -> memref<10000xi32, #tpu.memory_space<hbm>>
      tpu.wait_dma2 semaphore(%arg11 : memref<!tpu.dma_semaphore, #tpu.memory_space<semaphore_mem>>) src(%dma_wait3A_245 : memref<10000xi32, #tpu.memory_space<hbm>>) dst(%dma_wait3A_243 : memref<10000xi32, #tpu.memory_space<vmem>>)
      %dma_wait3A_246 = arith.constant 0 : i32
      %dma_wait3A_247 = tpu.memref_slice %arg2[%dma_wait3A_246] : memref<6400000xf32, #tpu.memory_space<hbm>> -> memref<10000xf32, #tpu.memory_space<hbm>>
      %dma_wait3A_248 = arith.constant 0 : i32
      %dma_wait3A_249 = tpu.memref_slice %arg2[%dma_wait3A_248] : memref<6400000xf32, #tpu.memory_space<hbm>> -> memref<10000xf32, #tpu.memory_space<hbm>>
      tpu.wait_dma2 semaphore(%arg11 : memref<!tpu.dma_semaphore, #tpu.memory_space<semaphore_mem>>) src(%dma_wait3A_249 : memref<10000xf32, #tpu.memory_space<hbm>>) dst(%arg9 : memref<10000xf32, #tpu.memory_space<vmem>>)
      %scan3A_250 = arith.constant 0 : i32
      %scan3A_251 = arith.constant 0 : i32
      %scan3A_252 = arith.constant 25 : i32
      %scan3A_253 = arith.addi %scan3A_251, %scan3A_252 : i32
      %scan3A_254 = arith.constant 1 : i32
      scf.for %scan3A_283 = %scan3A_251 to %scan3A_253 step %scan3A_254  : i32 {
        %mul3A_284 = arith.constant 400 : i32
        %mul3A_285 = arith.muli %scan3A_283, %mul3A_284 : i32
        %add3A_286 = arith.constant 0 : i32
        %add3A_287 = arith.addi %mul3A_285, %add3A_286 : i32
        %get3A_288 = arith.index_cast %add3A_287 : i32 to index
        %get3A_289 = tpu.vector_load %arg7[%get3A_288] {strides = array<i32>} : memref<10000xi32, #tpu.memory_space<vmem>>, vector<16xi32>,
        %get3A_290 = arith.index_cast %add3A_287 : i32 to index
        %get3A_291 = tpu.vector_load %arg9[%get3A_290] {strides = array<i32>} : memref<10000xf32, #tpu.memory_space<vmem>>, vector<16xf32>,
        tpu.vector_store_idx %arg6[%get3A_289], %get3A_291 {add = true} : memref<32768xf32, #tpu.memory_space<vmem>>[vector<16xi32>], vector<16xf32>,
        %mul3A_292 = arith.constant 400 : i32
        %mul3A_293 = arith.muli %scan3A_283, %mul3A_292 : i32
        %add3A_294 = arith.constant 16 : i32
        %add3A_295 = arith.addi %mul3A_293, %add3A_294 : i32
        %get3A_296 = arith.index_cast %add3A_295 : i32 to index
        %get3A_297 = tpu.vector_load %arg7[%get3A_296] {strides = array<i32>} : memref<10000xi32, #tpu.memory_space<vmem>>, vector<16xi32>,
        %get3A_298 = arith.index_cast %add3A_295 : i32 to index
        %get3A_299 = tpu.vector_load %arg9[%get3A_298] {strides = array<i32>} : memref<10000xf32, #tpu.memory_space<vmem>>, vector<16xf32>,
        tpu.vector_store_idx %arg6[%get3A_297], %get3A_299 {add = true} : memref<32768xf32, #tpu.memory_space<vmem>>[vector<16xi32>], vector<16xf32>,
        %mul3A_300 = arith.constant 400 : i32
        %mul3A_301 = arith.muli %scan3A_283, %mul3A_300 : i32
        %add3A_302 = arith.constant 32 : i32
        %add3A_303 = arith.addi %mul3A_301, %add3A_302 : i32
        %get3A_304 = arith.index_cast %add3A_303 : i32 to index
        %get3A_305 = tpu.vector_load %arg7[%get3A_304] {strides = array<i32>} : memref<10000xi32, #tpu.memory_space<vmem>>, vector<16xi32>,
        %get3A_306 = arith.index_cast %add3A_303 : i32 to index
        %get3A_307 = tpu.vector_load %arg9[%get3A_306] {strides = array<i32>} : memref<10000xf32, #tpu.memory_space<vmem>>, vector<16xf32>,
        tpu.vector_store_idx %arg6[%get3A_305], %get3A_307 {add = true} : memref<32768xf32, #tpu.memory_space<vmem>>[vector<16xi32>], vector<16xf32>,
        %mul3A_308 = arith.constant 400 : i32
        %mul3A_309 = arith.muli %scan3A_283, %mul3A_308 : i32
        %add3A_310 = arith.constant 48 : i32
        %add3A_311 = arith.addi %mul3A_309, %add3A_310 : i32
        %get3A_312 = arith.index_cast %add3A_311 : i32 to index
        %get3A_313 = tpu.vector_load %arg7[%get3A_312] {strides = array<i32>} : memref<10000xi32, #tpu.memory_space<vmem>>, vector<16xi32>,
        %get3A_314 = arith.index_cast %add3A_311 : i32 to index
        %get3A_315 = tpu.vector_load %arg9[%get3A_314] {strides = array<i32>} : memref<10000xf32, #tpu.memory_space<vmem>>, vector<16xf32>,
        tpu.vector_store_idx %arg6[%get3A_313], %get3A_315 {add = true} : memref<32768xf32, #tpu.memory_space<vmem>>[vector<16xi32>], vector<16xf32>,
        %mul3A_316 = arith.constant 400 : i32
        %mul3A_317 = arith.muli %scan3A_283, %mul3A_316 : i32
        %add3A_318 = arith.constant 64 : i32
        %add3A_319 = arith.addi %mul3A_317, %add3A_318 : i32
        %get3A_320 = arith.index_cast %add3A_319 : i32 to index
        %get3A_321 = tpu.vector_load %arg7[%get3A_320] {strides = array<i32>} : memref<10000xi32, #tpu.memory_space<vmem>>, vector<16xi32>,
        %get3A_322 = arith.index_cast %add3A_319 : i32 to index
        %get3A_323 = tpu.vector_load %arg9[%get3A_322] {strides = array<i32>} : memref<10000xf32, #tpu.memory_space<vmem>>, vector<16xf32>,
        tpu.vector_store_idx %arg6[%get3A_321], %get3A_323 {add = true} : memref<32768xf32, #tpu.memory_space<vmem>>[vector<16xi32>], vector<16xf32>,
        %mul3A_324 = arith.constant 400 : i32
        %mul3A_325 = arith.muli %scan3A_283, %mul3A_324 : i32
        %add3A_326 = arith.constant 80 : i32
        %add3A_327 = arith.addi %mul3A_325, %add3A_326 : i32
        %get3A_328 = arith.index_cast %add3A_327 : i32 to index
        %get3A_329 = tpu.vector_load %arg7[%get3A_328] {strides = array<i32>} : memref<10000xi32, #tpu.memory_space<vmem>>, vector<16xi32>,
        %get3A_330 = arith.index_cast %add3A_327 : i32 to index
        %get3A_331 = tpu.vector_load %arg9[%get3A_330] {strides = array<i32>} : memref<10000xf32, #tpu.memory_space<vmem>>, vector<16xf32>,
        tpu.vector_store_idx %arg6[%get3A_329], %get3A_331 {add = true} : memref<32768xf32, #tpu.memory_space<vmem>>[vector<16xi32>], vector<16xf32>,
        %mul3A_332 = arith.constant 400 : i32
        %mul3A_333 = arith.muli %scan3A_283, %mul3A_332 : i32
        %add3A_334 = arith.constant 96 : i32
        %add3A_335 = arith.addi %mul3A_333, %add3A_334 : i32
        %get3A_336 = arith.index_cast %add3A_335 : i32 to index
        %get3A_337 = tpu.vector_load %arg7[%get3A_336] {strides = array<i32>} : memref<10000xi32, #tpu.memory_space<vmem>>, vector<16xi32>,
        %get3A_338 = arith.index_cast %add3A_335 : i32 to index
        %get3A_339 = tpu.vector_load %arg9[%get3A_338] {strides = array<i32>} : memref<10000xf32, #tpu.memory_space<vmem>>, vector<16xf32>,
        tpu.vector_store_idx %arg6[%get3A_337], %get3A_339 {add = true} : memref<32768xf32, #tpu.memory_space<vmem>>[vector<16xi32>], vector<16xf32>,
        %mul3A_340 = arith.constant 400 : i32
        %mul3A_341 = arith.muli %scan3A_283, %mul3A_340 : i32
        %add3A_342 = arith.constant 112 : i32
        %add3A_343 = arith.addi %mul3A_341, %add3A_342 : i32
        %get3A_344 = arith.index_cast %add3A_343 : i32 to index
        %get3A_345 = tpu.vector_load %arg7[%get3A_344] {strides = array<i32>} : memref<10000xi32, #tpu.memory_space<vmem>>, vector<16xi32>,
        %get3A_346 = arith.index_cast %add3A_343 : i32 to index
        %get3A_347 = tpu.vector_load %arg9[%get3A_346] {strides = array<i32>} : memref<10000xf32, #tpu.memory_space<vmem>>, vector<16xf32>,
        tpu.vector_store_idx %arg6[%get3A_345], %get3A_347 {add = true} : memref<32768xf32, #tpu.memory_space<vmem>>[vector<16xi32>], vector<16xf32>,
        %mul3A_348 = arith.constant 400 : i32
        %mul3A_349 = arith.muli %scan3A_283, %mul3A_348 : i32
        %add3A_350 = arith.constant 128 : i32
        %add3A_351 = arith.addi %mul3A_349, %add3A_350 : i32
        %get3A_352 = arith.index_cast %add3A_351 : i32 to index
        %get3A_353 = tpu.vector_load %arg7[%get3A_352] {strides = array<i32>} : memref<10000xi32, #tpu.memory_space<vmem>>, vector<16xi32>,
        %get3A_354 = arith.index_cast %add3A_351 : i32 to index
        %get3A_355 = tpu.vector_load %arg9[%get3A_354] {strides = array<i32>} : memref<10000xf32, #tpu.memory_space<vmem>>, vector<16xf32>,
        tpu.vector_store_idx %arg6[%get3A_353], %get3A_355 {add = true} : memref<32768xf32, #tpu.memory_space<vmem>>[vector<16xi32>], vector<16xf32>,
        %mul3A_356 = arith.constant 400 : i32
        %mul3A_357 = arith.muli %scan3A_283, %mul3A_356 : i32
        %add3A_358 = arith.constant 144 : i32
        %add3A_359 = arith.addi %mul3A_357, %add3A_358 : i32
        %get3A_360 = arith.index_cast %add3A_359 : i32 to index
        %get3A_361 = tpu.vector_load %arg7[%get3A_360] {strides = array<i32>} : memref<10000xi32, #tpu.memory_space<vmem>>, vector<16xi32>,
        %get3A_362 = arith.index_cast %add3A_359 : i32 to index
        %get3A_363 = tpu.vector_load %arg9[%get3A_362] {strides = array<i32>} : memref<10000xf32, #tpu.memory_space<vmem>>, vector<16xf32>,
        tpu.vector_store_idx %arg6[%get3A_361], %get3A_363 {add = true} : memref<32768xf32, #tpu.memory_space<vmem>>[vector<16xi32>], vector<16xf32>,
        %mul3A_364 = arith.constant 400 : i32
        %mul3A_365 = arith.muli %scan3A_283, %mul3A_364 : i32
        %add3A_366 = arith.constant 160 : i32
        %add3A_367 = arith.addi %mul3A_365, %add3A_366 : i32
        %get3A_368 = arith.index_cast %add3A_367 : i32 to index
        %get3A_369 = tpu.vector_load %arg7[%get3A_368] {strides = array<i32>} : memref<10000xi32, #tpu.memory_space<vmem>>, vector<16xi32>,
        %get3A_370 = arith.index_cast %add3A_367 : i32 to index
        %get3A_371 = tpu.vector_load %arg9[%get3A_370] {strides = array<i32>} : memref<10000xf32, #tpu.memory_space<vmem>>, vector<16xf32>,
        tpu.vector_store_idx %arg6[%get3A_369], %get3A_371 {add = true} : memref<32768xf32, #tpu.memory_space<vmem>>[vector<16xi32>], vector<16xf32>,
        %mul3A_372 = arith.constant 400 : i32
        %mul3A_373 = arith.muli %scan3A_283, %mul3A_372 : i32
        %add3A_374 = arith.constant 176 : i32
        %add3A_375 = arith.addi %mul3A_373, %add3A_374 : i32
        %get3A_376 = arith.index_cast %add3A_375 : i32 to index
        %get3A_377 = tpu.vector_load %arg7[%get3A_376] {strides = array<i32>} : memref<10000xi32, #tpu.memory_space<vmem>>, vector<16xi32>,
        %get3A_378 = arith.index_cast %add3A_375 : i32 to index
        %get3A_379 = tpu.vector_load %arg9[%get3A_378] {strides = array<i32>} : memref<10000xf32, #tpu.memory_space<vmem>>, vector<16xf32>,
        tpu.vector_store_idx %arg6[%get3A_377], %get3A_379 {add = true} : memref<32768xf32, #tpu.memory_space<vmem>>[vector<16xi32>], vector<16xf32>,
        %mul3A_380 = arith.constant 400 : i32
        %mul3A_381 = arith.muli %scan3A_283, %mul3A_380 : i32
        %add3A_382 = arith.constant 192 : i32
        %add3A_383 = arith.addi %mul3A_381, %add3A_382 : i32
        %get3A_384 = arith.index_cast %add3A_383 : i32 to index
        %get3A_385 = tpu.vector_load %arg7[%get3A_384] {strides = array<i32>} : memref<10000xi32, #tpu.memory_space<vmem>>, vector<16xi32>,
        %get3A_386 = arith.index_cast %add3A_383 : i32 to index
        %get3A_387 = tpu.vector_load %arg9[%get3A_386] {strides = array<i32>} : memref<10000xf32, #tpu.memory_space<vmem>>, vector<16xf32>,
        tpu.vector_store_idx %arg6[%get3A_385], %get3A_387 {add = true} : memref<32768xf32, #tpu.memory_space<vmem>>[vector<16xi32>], vector<16xf32>,
        %mul3A_388 = arith.constant 400 : i32
        %mul3A_389 = arith.muli %scan3A_283, %mul3A_388 : i32
        %add3A_390 = arith.constant 208 : i32
        %add3A_391 = arith.addi %mul3A_389, %add3A_390 : i32
        %get3A_392 = arith.index_cast %add3A_391 : i32 to index
        %get3A_393 = tpu.vector_load %arg7[%get3A_392] {strides = array<i32>} : memref<10000xi32, #tpu.memory_space<vmem>>, vector<16xi32>,
        %get3A_394 = arith.index_cast %add3A_391 : i32 to index
        %get3A_395 = tpu.vector_load %arg9[%get3A_394] {strides = array<i32>} : memref<10000xf32, #tpu.memory_space<vmem>>, vector<16xf32>,
        tpu.vector_store_idx %arg6[%get3A_393], %get3A_395 {add = true} : memref<32768xf32, #tpu.memory_space<vmem>>[vector<16xi32>], vector<16xf32>,
        %mul3A_396 = arith.constant 400 : i32
        %mul3A_397 = arith.muli %scan3A_283, %mul3A_396 : i32
        %add3A_398 = arith.constant 224 : i32
        %add3A_399 = arith.addi %mul3A_397, %add3A_398 : i32
        %get3A_400 = arith.index_cast %add3A_399 : i32 to index
        %get3A_401 = tpu.vector_load %arg7[%get3A_400] {strides = array<i32>} : memref<10000xi32, #tpu.memory_space<vmem>>, vector<16xi32>,
        %get3A_402 = arith.index_cast %add3A_399 : i32 to index
        %get3A_403 = tpu.vector_load %arg9[%get3A_402] {strides = array<i32>} : memref<10000xf32, #tpu.memory_space<vmem>>, vector<16xf32>,
        tpu.vector_store_idx %arg6[%get3A_401], %get3A_403 {add = true} : memref<32768xf32, #tpu.memory_space<vmem>>[vector<16xi32>], vector<16xf32>,
        %mul3A_404 = arith.constant 400 : i32
        %mul3A_405 = arith.muli %scan3A_283, %mul3A_404 : i32
        %add3A_406 = arith.constant 240 : i32
        %add3A_407 = arith.addi %mul3A_405, %add3A_406 : i32
        %get3A_408 = arith.index_cast %add3A_407 : i32 to index
        %get3A_409 = tpu.vector_load %arg7[%get3A_408] {strides = array<i32>} : memref<10000xi32, #tpu.memory_space<vmem>>, vector<16xi32>,
        %get3A_410 = arith.index_cast %add3A_407 : i32 to index
        %get3A_411 = tpu.vector_load %arg9[%get3A_410] {strides = array<i32>} : memref<10000xf32, #tpu.memory_space<vmem>>, vector<16xf32>,
        tpu.vector_store_idx %arg6[%get3A_409], %get3A_411 {add = true} : memref<32768xf32, #tpu.memory_space<vmem>>[vector<16xi32>], vector<16xf32>,
        %mul3A_412 = arith.constant 400 : i32
        %mul3A_413 = arith.muli %scan3A_283, %mul3A_412 : i32
        %add3A_414 = arith.constant 256 : i32
        %add3A_415 = arith.addi %mul3A_413, %add3A_414 : i32
        %get3A_416 = arith.index_cast %add3A_415 : i32 to index
        %get3A_417 = tpu.vector_load %arg7[%get3A_416] {strides = array<i32>} : memref<10000xi32, #tpu.memory_space<vmem>>, vector<16xi32>,
        %get3A_418 = arith.index_cast %add3A_415 : i32 to index
        %get3A_419 = tpu.vector_load %arg9[%get3A_418] {strides = array<i32>} : memref<10000xf32, #tpu.memory_space<vmem>>, vector<16xf32>,
        tpu.vector_store_idx %arg6[%get3A_417], %get3A_419 {add = true} : memref<32768xf32, #tpu.memory_space<vmem>>[vector<16xi32>], vector<16xf32>,
        %mul3A_420 = arith.constant 400 : i32
        %mul3A_421 = arith.muli %scan3A_283, %mul3A_420 : i32
        %add3A_422 = arith.constant 272 : i32
        %add3A_423 = arith.addi %mul3A_421, %add3A_422 : i32
        %get3A_424 = arith.index_cast %add3A_423 : i32 to index
        %get3A_425 = tpu.vector_load %arg7[%get3A_424] {strides = array<i32>} : memref<10000xi32, #tpu.memory_space<vmem>>, vector<16xi32>,
        %get3A_426 = arith.index_cast %add3A_423 : i32 to index
        %get3A_427 = tpu.vector_load %arg9[%get3A_426] {strides = array<i32>} : memref<10000xf32, #tpu.memory_space<vmem>>, vector<16xf32>,
        tpu.vector_store_idx %arg6[%get3A_425], %get3A_427 {add = true} : memref<32768xf32, #tpu.memory_space<vmem>>[vector<16xi32>], vector<16xf32>,
        %mul3A_428 = arith.constant 400 : i32
        %mul3A_429 = arith.muli %scan3A_283, %mul3A_428 : i32
        %add3A_430 = arith.constant 288 : i32
        %add3A_431 = arith.addi %mul3A_429, %add3A_430 : i32
        %get3A_432 = arith.index_cast %add3A_431 : i32 to index
        %get3A_433 = tpu.vector_load %arg7[%get3A_432] {strides = array<i32>} : memref<10000xi32, #tpu.memory_space<vmem>>, vector<16xi32>,
        %get3A_434 = arith.index_cast %add3A_431 : i32 to index
        %get3A_435 = tpu.vector_load %arg9[%get3A_434] {strides = array<i32>} : memref<10000xf32, #tpu.memory_space<vmem>>, vector<16xf32>,
        tpu.vector_store_idx %arg6[%get3A_433], %get3A_435 {add = true} : memref<32768xf32, #tpu.memory_space<vmem>>[vector<16xi32>], vector<16xf32>,
        %mul3A_436 = arith.constant 400 : i32
        %mul3A_437 = arith.muli %scan3A_283, %mul3A_436 : i32
        %add3A_438 = arith.constant 304 : i32
        %add3A_439 = arith.addi %mul3A_437, %add3A_438 : i32
        %get3A_440 = arith.index_cast %add3A_439 : i32 to index
        %get3A_441 = tpu.vector_load %arg7[%get3A_440] {strides = array<i32>} : memref<10000xi32, #tpu.memory_space<vmem>>, vector<16xi32>,
        %get3A_442 = arith.index_cast %add3A_439 : i32 to index
        %get3A_443 = tpu.vector_load %arg9[%get3A_442] {strides = array<i32>} : memref<10000xf32, #tpu.memory_space<vmem>>, vector<16xf32>,
        tpu.vector_store_idx %arg6[%get3A_441], %get3A_443 {add = true} : memref<32768xf32, #tpu.memory_space<vmem>>[vector<16xi32>], vector<16xf32>,
        %mul3A_444 = arith.constant 400 : i32
        %mul3A_445 = arith.muli %scan3A_283, %mul3A_444 : i32
        %add3A_446 = arith.constant 320 : i32
        %add3A_447 = arith.addi %mul3A_445, %add3A_446 : i32
        %get3A_448 = arith.index_cast %add3A_447 : i32 to index
        %get3A_449 = tpu.vector_load %arg7[%get3A_448] {strides = array<i32>} : memref<10000xi32, #tpu.memory_space<vmem>>, vector<16xi32>,
        %get3A_450 = arith.index_cast %add3A_447 : i32 to index
        %get3A_451 = tpu.vector_load %arg9[%get3A_450] {strides = array<i32>} : memref<10000xf32, #tpu.memory_space<vmem>>, vector<16xf32>,
        tpu.vector_store_idx %arg6[%get3A_449], %get3A_451 {add = true} : memref<32768xf32, #tpu.memory_space<vmem>>[vector<16xi32>], vector<16xf32>,
        %mul3A_452 = arith.constant 400 : i32
        %mul3A_453 = arith.muli %scan3A_283, %mul3A_452 : i32
        %add3A_454 = arith.constant 336 : i32
        %add3A_455 = arith.addi %mul3A_453, %add3A_454 : i32
        %get3A_456 = arith.index_cast %add3A_455 : i32 to index
        %get3A_457 = tpu.vector_load %arg7[%get3A_456] {strides = array<i32>} : memref<10000xi32, #tpu.memory_space<vmem>>, vector<16xi32>,
        %get3A_458 = arith.index_cast %add3A_455 : i32 to index
        %get3A_459 = tpu.vector_load %arg9[%get3A_458] {strides = array<i32>} : memref<10000xf32, #tpu.memory_space<vmem>>, vector<16xf32>,
        tpu.vector_store_idx %arg6[%get3A_457], %get3A_459 {add = true} : memref<32768xf32, #tpu.memory_space<vmem>>[vector<16xi32>], vector<16xf32>,
        %mul3A_460 = arith.constant 400 : i32
        %mul3A_461 = arith.muli %scan3A_283, %mul3A_460 : i32
        %add3A_462 = arith.constant 352 : i32
        %add3A_463 = arith.addi %mul3A_461, %add3A_462 : i32
        %get3A_464 = arith.index_cast %add3A_463 : i32 to index
        %get3A_465 = tpu.vector_load %arg7[%get3A_464] {strides = array<i32>} : memref<10000xi32, #tpu.memory_space<vmem>>, vector<16xi32>,
        %get3A_466 = arith.index_cast %add3A_463 : i32 to index
        %get3A_467 = tpu.vector_load %arg9[%get3A_466] {strides = array<i32>} : memref<10000xf32, #tpu.memory_space<vmem>>, vector<16xf32>,
        tpu.vector_store_idx %arg6[%get3A_465], %get3A_467 {add = true} : memref<32768xf32, #tpu.memory_space<vmem>>[vector<16xi32>], vector<16xf32>,
        %mul3A_468 = arith.constant 400 : i32
        %mul3A_469 = arith.muli %scan3A_283, %mul3A_468 : i32
        %add3A_470 = arith.constant 368 : i32
        %add3A_471 = arith.addi %mul3A_469, %add3A_470 : i32
        %get3A_472 = arith.index_cast %add3A_471 : i32 to index
        %get3A_473 = tpu.vector_load %arg7[%get3A_472] {strides = array<i32>} : memref<10000xi32, #tpu.memory_space<vmem>>, vector<16xi32>,
        %get3A_474 = arith.index_cast %add3A_471 : i32 to index
        %get3A_475 = tpu.vector_load %arg9[%get3A_474] {strides = array<i32>} : memref<10000xf32, #tpu.memory_space<vmem>>, vector<16xf32>,
        tpu.vector_store_idx %arg6[%get3A_473], %get3A_475 {add = true} : memref<32768xf32, #tpu.memory_space<vmem>>[vector<16xi32>], vector<16xf32>,
        %mul3A_476 = arith.constant 400 : i32
        %mul3A_477 = arith.muli %scan3A_283, %mul3A_476 : i32
        %add3A_478 = arith.constant 384 : i32
        %add3A_479 = arith.addi %mul3A_477, %add3A_478 : i32
        %get3A_480 = arith.index_cast %add3A_479 : i32 to index
        %get3A_481 = tpu.vector_load %arg7[%get3A_480] {strides = array<i32>} : memref<10000xi32, #tpu.memory_space<vmem>>, vector<16xi32>,
        %get3A_482 = arith.index_cast %add3A_479 : i32 to index
        %get3A_483 = tpu.vector_load %arg9[%get3A_482] {strides = array<i32>} : memref<10000xf32, #tpu.memory_space<vmem>>, vector<16xf32>,
        tpu.vector_store_idx %arg6[%get3A_481], %get3A_483 {add = true} : memref<32768xf32, #tpu.memory_space<vmem>>[vector<16xi32>], vector<16xf32>,
      }
      %scan3A_255 = arith.constant 25 : i32
      %mul3A_256 = arith.constant 2 : i32
      %mul3A_257 = arith.muli %mul3A_256, %scan3A_221 : i32
      %add3A_258 = arith.constant 2 : i32
      %add3A_259 = arith.addi %mul3A_257, %add3A_258 : i32
      %lt3A_260 = arith.constant 10 : i32
      %lt3A_261 = arith.cmpi slt, %add3A_259, %lt3A_260 : i32
      %convert_element_type3A_262 = arith.extui %lt3A_261 : i1 to i32
      %cond3A_263 = arith.constant 0 : i32
      %cond3A_264 = arith.cmpi ne, %convert_element_type3A_262, %cond3A_263 : i32
      scf.if %cond3A_264 {
        %mul3A_283 = arith.constant 2 : i32
        %mul3A_284 = arith.muli %mul3A_283, %scan3A_221 : i32
        %add3A_285 = arith.constant 2 : i32
        %add3A_286 = arith.addi %mul3A_284, %add3A_285 : i32
        %mul3A_287 = arith.constant 10000 : i32
        %mul3A_288 = arith.muli %add3A_286, %mul3A_287 : i32
        %add3A_289 = arith.addi %mul3A_25, %mul3A_288 : i32
        %dma_start3A_290 = arith.constant 0 : i32
        %dma_start3A_291 = tpu.memref_slice %arg7[%dma_start3A_290] : memref<10000xi32, #tpu.memory_space<vmem>> -> memref<10000xi32, #tpu.memory_space<vmem>>
        %dma_start3A_292 = tpu.memref_slice %arg3[%add3A_289] : memref<800000xi32, #tpu.memory_space<hbm>> -> memref<10000xi32, #tpu.memory_space<hbm>>
        %dma_start3A_293 = arith.constant 0 : i32
        %dma_start3A_294 = tpu.memref_slice %arg7[%dma_start3A_293] : memref<10000xi32, #tpu.memory_space<vmem>> -> memref<10000xi32, #tpu.memory_space<vmem>>
        %dma_start3A_295 = tpu.memref_slice %arg3[%add3A_289] : memref<800000xi32, #tpu.memory_space<hbm>> -> memref<10000xi32, #tpu.memory_space<hbm>>
        tpu.enqueue_dma source(%dma_start3A_295 : memref<10000xi32, #tpu.memory_space<hbm>>) target(%dma_start3A_294 : memref<10000xi32, #tpu.memory_space<vmem>>) target_semaphore(%arg11 : memref<!tpu.dma_semaphore, #tpu.memory_space<semaphore_mem>>)
        %add3A_296 = arith.addi %mul3A_27, %mul3A_288 : i32
        %dma_start3A_297 = tpu.memref_slice %arg2[%add3A_296] : memref<6400000xf32, #tpu.memory_space<hbm>> -> memref<10000xf32, #tpu.memory_space<hbm>>
        %dma_start3A_298 = tpu.memref_slice %arg2[%add3A_296] : memref<6400000xf32, #tpu.memory_space<hbm>> -> memref<10000xf32, #tpu.memory_space<hbm>>
        tpu.enqueue_dma source(%dma_start3A_298 : memref<10000xf32, #tpu.memory_space<hbm>>) target(%arg9 : memref<10000xf32, #tpu.memory_space<vmem>>) target_semaphore(%arg11 : memref<!tpu.dma_semaphore, #tpu.memory_space<semaphore_mem>>)
      } else {
      }
      %dma_wait3A_265 = arith.constant 0 : i32
      %dma_wait3A_266 = tpu.memref_slice %arg8[%dma_wait3A_265] : memref<10000xi32, #tpu.memory_space<vmem>> -> memref<10000xi32, #tpu.memory_space<vmem>>
      %dma_wait3A_267 = arith.constant 0 : i32
      %dma_wait3A_268 = tpu.memref_slice %arg3[%dma_wait3A_267] : memref<800000xi32, #tpu.memory_space<hbm>> -> memref<10000xi32, #tpu.memory_space<hbm>>
      %dma_wait3A_269 = arith.constant 0 : i32
      %dma_wait3A_270 = tpu.memref_slice %arg8[%dma_wait3A_269] : memref<10000xi32, #tpu.memory_space<vmem>> -> memref<10000xi32, #tpu.memory_space<vmem>>
      %dma_wait3A_271 = arith.constant 0 : i32
      %dma_wait3A_272 = tpu.memref_slice %arg3[%dma_wait3A_271] : memref<800000xi32, #tpu.memory_space<hbm>> -> memref<10000xi32, #tpu.memory_space<hbm>>
      tpu.wait_dma2 semaphore(%arg12 : memref<!tpu.dma_semaphore, #tpu.memory_space<semaphore_mem>>) src(%dma_wait3A_272 : memref<10000xi32, #tpu.memory_space<hbm>>) dst(%dma_wait3A_270 : memref<10000xi32, #tpu.memory_space<vmem>>)
      %dma_wait3A_273 = arith.constant 0 : i32
      %dma_wait3A_274 = tpu.memref_slice %arg2[%dma_wait3A_273] : memref<6400000xf32, #tpu.memory_space<hbm>> -> memref<10000xf32, #tpu.memory_space<hbm>>
      %dma_wait3A_275 = arith.constant 0 : i32
      %dma_wait3A_276 = tpu.memref_slice %arg2[%dma_wait3A_275] : memref<6400000xf32, #tpu.memory_space<hbm>> -> memref<10000xf32, #tpu.memory_space<hbm>>
      tpu.wait_dma2 semaphore(%arg12 : memref<!tpu.dma_semaphore, #tpu.memory_space<semaphore_mem>>) src(%dma_wait3A_276 : memref<10000xf32, #tpu.memory_space<hbm>>) dst(%arg10 : memref<10000xf32, #tpu.memory_space<vmem>>)
      %scan3A_277 = arith.constant 0 : i32
      %scan3A_278 = arith.constant 0 : i32
      %scan3A_279 = arith.constant 25 : i32
      %scan3A_280 = arith.addi %scan3A_278, %scan3A_279 : i32
      %scan3A_281 = arith.constant 1 : i32
      scf.for %scan3A_283 = %scan3A_278 to %scan3A_280 step %scan3A_281  : i32 {
        %mul3A_284 = arith.constant 400 : i32
        %mul3A_285 = arith.muli %scan3A_283, %mul3A_284 : i32
        %add3A_286 = arith.constant 0 : i32
        %add3A_287 = arith.addi %mul3A_285, %add3A_286 : i32
        %get3A_288 = arith.index_cast %add3A_287 : i32 to index
        %get3A_289 = tpu.vector_load %arg8[%get3A_288] {strides = array<i32>} : memref<10000xi32, #tpu.memory_space<vmem>>, vector<16xi32>,
        %get3A_290 = arith.index_cast %add3A_287 : i32 to index
        %get3A_291 = tpu.vector_load %arg10[%get3A_290] {strides = array<i32>} : memref<10000xf32, #tpu.memory_space<vmem>>, vector<16xf32>,
        tpu.vector_store_idx %arg6[%get3A_289], %get3A_291 {add = true} : memref<32768xf32, #tpu.memory_space<vmem>>[vector<16xi32>], vector<16xf32>,
        %mul3A_292 = arith.constant 400 : i32
        %mul3A_293 = arith.muli %scan3A_283, %mul3A_292 : i32
        %add3A_294 = arith.constant 16 : i32
        %add3A_295 = arith.addi %mul3A_293, %add3A_294 : i32
        %get3A_296 = arith.index_cast %add3A_295 : i32 to index
        %get3A_297 = tpu.vector_load %arg8[%get3A_296] {strides = array<i32>} : memref<10000xi32, #tpu.memory_space<vmem>>, vector<16xi32>,
        %get3A_298 = arith.index_cast %add3A_295 : i32 to index
        %get3A_299 = tpu.vector_load %arg10[%get3A_298] {strides = array<i32>} : memref<10000xf32, #tpu.memory_space<vmem>>, vector<16xf32>,
        tpu.vector_store_idx %arg6[%get3A_297], %get3A_299 {add = true} : memref<32768xf32, #tpu.memory_space<vmem>>[vector<16xi32>], vector<16xf32>,
        %mul3A_300 = arith.constant 400 : i32
        %mul3A_301 = arith.muli %scan3A_283, %mul3A_300 : i32
        %add3A_302 = arith.constant 32 : i32
        %add3A_303 = arith.addi %mul3A_301, %add3A_302 : i32
        %get3A_304 = arith.index_cast %add3A_303 : i32 to index
        %get3A_305 = tpu.vector_load %arg8[%get3A_304] {strides = array<i32>} : memref<10000xi32, #tpu.memory_space<vmem>>, vector<16xi32>,
        %get3A_306 = arith.index_cast %add3A_303 : i32 to index
        %get3A_307 = tpu.vector_load %arg10[%get3A_306] {strides = array<i32>} : memref<10000xf32, #tpu.memory_space<vmem>>, vector<16xf32>,
        tpu.vector_store_idx %arg6[%get3A_305], %get3A_307 {add = true} : memref<32768xf32, #tpu.memory_space<vmem>>[vector<16xi32>], vector<16xf32>,
        %mul3A_308 = arith.constant 400 : i32
        %mul3A_309 = arith.muli %scan3A_283, %mul3A_308 : i32
        %add3A_310 = arith.constant 48 : i32
        %add3A_311 = arith.addi %mul3A_309, %add3A_310 : i32
        %get3A_312 = arith.index_cast %add3A_311 : i32 to index
        %get3A_313 = tpu.vector_load %arg8[%get3A_312] {strides = array<i32>} : memref<10000xi32, #tpu.memory_space<vmem>>, vector<16xi32>,
        %get3A_314 = arith.index_cast %add3A_311 : i32 to index
        %get3A_315 = tpu.vector_load %arg10[%get3A_314] {strides = array<i32>} : memref<10000xf32, #tpu.memory_space<vmem>>, vector<16xf32>,
        tpu.vector_store_idx %arg6[%get3A_313], %get3A_315 {add = true} : memref<32768xf32, #tpu.memory_space<vmem>>[vector<16xi32>], vector<16xf32>,
        %mul3A_316 = arith.constant 400 : i32
        %mul3A_317 = arith.muli %scan3A_283, %mul3A_316 : i32
        %add3A_318 = arith.constant 64 : i32
        %add3A_319 = arith.addi %mul3A_317, %add3A_318 : i32
        %get3A_320 = arith.index_cast %add3A_319 : i32 to index
        %get3A_321 = tpu.vector_load %arg8[%get3A_320] {strides = array<i32>} : memref<10000xi32, #tpu.memory_space<vmem>>, vector<16xi32>,
        %get3A_322 = arith.index_cast %add3A_319 : i32 to index
        %get3A_323 = tpu.vector_load %arg10[%get3A_322] {strides = array<i32>} : memref<10000xf32, #tpu.memory_space<vmem>>, vector<16xf32>,
        tpu.vector_store_idx %arg6[%get3A_321], %get3A_323 {add = true} : memref<32768xf32, #tpu.memory_space<vmem>>[vector<16xi32>], vector<16xf32>,
        %mul3A_324 = arith.constant 400 : i32
        %mul3A_325 = arith.muli %scan3A_283, %mul3A_324 : i32
        %add3A_326 = arith.constant 80 : i32
        %add3A_327 = arith.addi %mul3A_325, %add3A_326 : i32
        %get3A_328 = arith.index_cast %add3A_327 : i32 to index
        %get3A_329 = tpu.vector_load %arg8[%get3A_328] {strides = array<i32>} : memref<10000xi32, #tpu.memory_space<vmem>>, vector<16xi32>,
        %get3A_330 = arith.index_cast %add3A_327 : i32 to index
        %get3A_331 = tpu.vector_load %arg10[%get3A_330] {strides = array<i32>} : memref<10000xf32, #tpu.memory_space<vmem>>, vector<16xf32>,
        tpu.vector_store_idx %arg6[%get3A_329], %get3A_331 {add = true} : memref<32768xf32, #tpu.memory_space<vmem>>[vector<16xi32>], vector<16xf32>,
        %mul3A_332 = arith.constant 400 : i32
        %mul3A_333 = arith.muli %scan3A_283, %mul3A_332 : i32
        %add3A_334 = arith.constant 96 : i32
        %add3A_335 = arith.addi %mul3A_333, %add3A_334 : i32
        %get3A_336 = arith.index_cast %add3A_335 : i32 to index
        %get3A_337 = tpu.vector_load %arg8[%get3A_336] {strides = array<i32>} : memref<10000xi32, #tpu.memory_space<vmem>>, vector<16xi32>,
        %get3A_338 = arith.index_cast %add3A_335 : i32 to index
        %get3A_339 = tpu.vector_load %arg10[%get3A_338] {strides = array<i32>} : memref<10000xf32, #tpu.memory_space<vmem>>, vector<16xf32>,
        tpu.vector_store_idx %arg6[%get3A_337], %get3A_339 {add = true} : memref<32768xf32, #tpu.memory_space<vmem>>[vector<16xi32>], vector<16xf32>,
        %mul3A_340 = arith.constant 400 : i32
        %mul3A_341 = arith.muli %scan3A_283, %mul3A_340 : i32
        %add3A_342 = arith.constant 112 : i32
        %add3A_343 = arith.addi %mul3A_341, %add3A_342 : i32
        %get3A_344 = arith.index_cast %add3A_343 : i32 to index
        %get3A_345 = tpu.vector_load %arg8[%get3A_344] {strides = array<i32>} : memref<10000xi32, #tpu.memory_space<vmem>>, vector<16xi32>,
        %get3A_346 = arith.index_cast %add3A_343 : i32 to index
        %get3A_347 = tpu.vector_load %arg10[%get3A_346] {strides = array<i32>} : memref<10000xf32, #tpu.memory_space<vmem>>, vector<16xf32>,
        tpu.vector_store_idx %arg6[%get3A_345], %get3A_347 {add = true} : memref<32768xf32, #tpu.memory_space<vmem>>[vector<16xi32>], vector<16xf32>,
        %mul3A_348 = arith.constant 400 : i32
        %mul3A_349 = arith.muli %scan3A_283, %mul3A_348 : i32
        %add3A_350 = arith.constant 128 : i32
        %add3A_351 = arith.addi %mul3A_349, %add3A_350 : i32
        %get3A_352 = arith.index_cast %add3A_351 : i32 to index
        %get3A_353 = tpu.vector_load %arg8[%get3A_352] {strides = array<i32>} : memref<10000xi32, #tpu.memory_space<vmem>>, vector<16xi32>,
        %get3A_354 = arith.index_cast %add3A_351 : i32 to index
        %get3A_355 = tpu.vector_load %arg10[%get3A_354] {strides = array<i32>} : memref<10000xf32, #tpu.memory_space<vmem>>, vector<16xf32>,
        tpu.vector_store_idx %arg6[%get3A_353], %get3A_355 {add = true} : memref<32768xf32, #tpu.memory_space<vmem>>[vector<16xi32>], vector<16xf32>,
        %mul3A_356 = arith.constant 400 : i32
        %mul3A_357 = arith.muli %scan3A_283, %mul3A_356 : i32
        %add3A_358 = arith.constant 144 : i32
        %add3A_359 = arith.addi %mul3A_357, %add3A_358 : i32
        %get3A_360 = arith.index_cast %add3A_359 : i32 to index
        %get3A_361 = tpu.vector_load %arg8[%get3A_360] {strides = array<i32>} : memref<10000xi32, #tpu.memory_space<vmem>>, vector<16xi32>,
        %get3A_362 = arith.index_cast %add3A_359 : i32 to index
        %get3A_363 = tpu.vector_load %arg10[%get3A_362] {strides = array<i32>} : memref<10000xf32, #tpu.memory_space<vmem>>, vector<16xf32>,
        tpu.vector_store_idx %arg6[%get3A_361], %get3A_363 {add = true} : memref<32768xf32, #tpu.memory_space<vmem>>[vector<16xi32>], vector<16xf32>,
        %mul3A_364 = arith.constant 400 : i32
        %mul3A_365 = arith.muli %scan3A_283, %mul3A_364 : i32
        %add3A_366 = arith.constant 160 : i32
        %add3A_367 = arith.addi %mul3A_365, %add3A_366 : i32
        %get3A_368 = arith.index_cast %add3A_367 : i32 to index
        %get3A_369 = tpu.vector_load %arg8[%get3A_368] {strides = array<i32>} : memref<10000xi32, #tpu.memory_space<vmem>>, vector<16xi32>,
        %get3A_370 = arith.index_cast %add3A_367 : i32 to index
        %get3A_371 = tpu.vector_load %arg10[%get3A_370] {strides = array<i32>} : memref<10000xf32, #tpu.memory_space<vmem>>, vector<16xf32>,
        tpu.vector_store_idx %arg6[%get3A_369], %get3A_371 {add = true} : memref<32768xf32, #tpu.memory_space<vmem>>[vector<16xi32>], vector<16xf32>,
        %mul3A_372 = arith.constant 400 : i32
        %mul3A_373 = arith.muli %scan3A_283, %mul3A_372 : i32
        %add3A_374 = arith.constant 176 : i32
        %add3A_375 = arith.addi %mul3A_373, %add3A_374 : i32
        %get3A_376 = arith.index_cast %add3A_375 : i32 to index
        %get3A_377 = tpu.vector_load %arg8[%get3A_376] {strides = array<i32>} : memref<10000xi32, #tpu.memory_space<vmem>>, vector<16xi32>,
        %get3A_378 = arith.index_cast %add3A_375 : i32 to index
        %get3A_379 = tpu.vector_load %arg10[%get3A_378] {strides = array<i32>} : memref<10000xf32, #tpu.memory_space<vmem>>, vector<16xf32>,
        tpu.vector_store_idx %arg6[%get3A_377], %get3A_379 {add = true} : memref<32768xf32, #tpu.memory_space<vmem>>[vector<16xi32>], vector<16xf32>,
        %mul3A_380 = arith.constant 400 : i32
        %mul3A_381 = arith.muli %scan3A_283, %mul3A_380 : i32
        %add3A_382 = arith.constant 192 : i32
        %add3A_383 = arith.addi %mul3A_381, %add3A_382 : i32
        %get3A_384 = arith.index_cast %add3A_383 : i32 to index
        %get3A_385 = tpu.vector_load %arg8[%get3A_384] {strides = array<i32>} : memref<10000xi32, #tpu.memory_space<vmem>>, vector<16xi32>,
        %get3A_386 = arith.index_cast %add3A_383 : i32 to index
        %get3A_387 = tpu.vector_load %arg10[%get3A_386] {strides = array<i32>} : memref<10000xf32, #tpu.memory_space<vmem>>, vector<16xf32>,
        tpu.vector_store_idx %arg6[%get3A_385], %get3A_387 {add = true} : memref<32768xf32, #tpu.memory_space<vmem>>[vector<16xi32>], vector<16xf32>,
        %mul3A_388 = arith.constant 400 : i32
        %mul3A_389 = arith.muli %scan3A_283, %mul3A_388 : i32
        %add3A_390 = arith.constant 208 : i32
        %add3A_391 = arith.addi %mul3A_389, %add3A_390 : i32
        %get3A_392 = arith.index_cast %add3A_391 : i32 to index
        %get3A_393 = tpu.vector_load %arg8[%get3A_392] {strides = array<i32>} : memref<10000xi32, #tpu.memory_space<vmem>>, vector<16xi32>,
        %get3A_394 = arith.index_cast %add3A_391 : i32 to index
        %get3A_395 = tpu.vector_load %arg10[%get3A_394] {strides = array<i32>} : memref<10000xf32, #tpu.memory_space<vmem>>, vector<16xf32>,
        tpu.vector_store_idx %arg6[%get3A_393], %get3A_395 {add = true} : memref<32768xf32, #tpu.memory_space<vmem>>[vector<16xi32>], vector<16xf32>,
        %mul3A_396 = arith.constant 400 : i32
        %mul3A_397 = arith.muli %scan3A_283, %mul3A_396 : i32
        %add3A_398 = arith.constant 224 : i32
        %add3A_399 = arith.addi %mul3A_397, %add3A_398 : i32
        %get3A_400 = arith.index_cast %add3A_399 : i32 to index
        %get3A_401 = tpu.vector_load %arg8[%get3A_400] {strides = array<i32>} : memref<10000xi32, #tpu.memory_space<vmem>>, vector<16xi32>,
        %get3A_402 = arith.index_cast %add3A_399 : i32 to index
        %get3A_403 = tpu.vector_load %arg10[%get3A_402] {strides = array<i32>} : memref<10000xf32, #tpu.memory_space<vmem>>, vector<16xf32>,
        tpu.vector_store_idx %arg6[%get3A_401], %get3A_403 {add = true} : memref<32768xf32, #tpu.memory_space<vmem>>[vector<16xi32>], vector<16xf32>,
        %mul3A_404 = arith.constant 400 : i32
        %mul3A_405 = arith.muli %scan3A_283, %mul3A_404 : i32
        %add3A_406 = arith.constant 240 : i32
        %add3A_407 = arith.addi %mul3A_405, %add3A_406 : i32
        %get3A_408 = arith.index_cast %add3A_407 : i32 to index
        %get3A_409 = tpu.vector_load %arg8[%get3A_408] {strides = array<i32>} : memref<10000xi32, #tpu.memory_space<vmem>>, vector<16xi32>,
        %get3A_410 = arith.index_cast %add3A_407 : i32 to index
        %get3A_411 = tpu.vector_load %arg10[%get3A_410] {strides = array<i32>} : memref<10000xf32, #tpu.memory_space<vmem>>, vector<16xf32>,
        tpu.vector_store_idx %arg6[%get3A_409], %get3A_411 {add = true} : memref<32768xf32, #tpu.memory_space<vmem>>[vector<16xi32>], vector<16xf32>,
        %mul3A_412 = arith.constant 400 : i32
        %mul3A_413 = arith.muli %scan3A_283, %mul3A_412 : i32
        %add3A_414 = arith.constant 256 : i32
        %add3A_415 = arith.addi %mul3A_413, %add3A_414 : i32
        %get3A_416 = arith.index_cast %add3A_415 : i32 to index
        %get3A_417 = tpu.vector_load %arg8[%get3A_416] {strides = array<i32>} : memref<10000xi32, #tpu.memory_space<vmem>>, vector<16xi32>,
        %get3A_418 = arith.index_cast %add3A_415 : i32 to index
        %get3A_419 = tpu.vector_load %arg10[%get3A_418] {strides = array<i32>} : memref<10000xf32, #tpu.memory_space<vmem>>, vector<16xf32>,
        tpu.vector_store_idx %arg6[%get3A_417], %get3A_419 {add = true} : memref<32768xf32, #tpu.memory_space<vmem>>[vector<16xi32>], vector<16xf32>,
        %mul3A_420 = arith.constant 400 : i32
        %mul3A_421 = arith.muli %scan3A_283, %mul3A_420 : i32
        %add3A_422 = arith.constant 272 : i32
        %add3A_423 = arith.addi %mul3A_421, %add3A_422 : i32
        %get3A_424 = arith.index_cast %add3A_423 : i32 to index
        %get3A_425 = tpu.vector_load %arg8[%get3A_424] {strides = array<i32>} : memref<10000xi32, #tpu.memory_space<vmem>>, vector<16xi32>,
        %get3A_426 = arith.index_cast %add3A_423 : i32 to index
        %get3A_427 = tpu.vector_load %arg10[%get3A_426] {strides = array<i32>} : memref<10000xf32, #tpu.memory_space<vmem>>, vector<16xf32>,
        tpu.vector_store_idx %arg6[%get3A_425], %get3A_427 {add = true} : memref<32768xf32, #tpu.memory_space<vmem>>[vector<16xi32>], vector<16xf32>,
        %mul3A_428 = arith.constant 400 : i32
        %mul3A_429 = arith.muli %scan3A_283, %mul3A_428 : i32
        %add3A_430 = arith.constant 288 : i32
        %add3A_431 = arith.addi %mul3A_429, %add3A_430 : i32
        %get3A_432 = arith.index_cast %add3A_431 : i32 to index
        %get3A_433 = tpu.vector_load %arg8[%get3A_432] {strides = array<i32>} : memref<10000xi32, #tpu.memory_space<vmem>>, vector<16xi32>,
        %get3A_434 = arith.index_cast %add3A_431 : i32 to index
        %get3A_435 = tpu.vector_load %arg10[%get3A_434] {strides = array<i32>} : memref<10000xf32, #tpu.memory_space<vmem>>, vector<16xf32>,
        tpu.vector_store_idx %arg6[%get3A_433], %get3A_435 {add = true} : memref<32768xf32, #tpu.memory_space<vmem>>[vector<16xi32>], vector<16xf32>,
        %mul3A_436 = arith.constant 400 : i32
        %mul3A_437 = arith.muli %scan3A_283, %mul3A_436 : i32
        %add3A_438 = arith.constant 304 : i32
        %add3A_439 = arith.addi %mul3A_437, %add3A_438 : i32
        %get3A_440 = arith.index_cast %add3A_439 : i32 to index
        %get3A_441 = tpu.vector_load %arg8[%get3A_440] {strides = array<i32>} : memref<10000xi32, #tpu.memory_space<vmem>>, vector<16xi32>,
        %get3A_442 = arith.index_cast %add3A_439 : i32 to index
        %get3A_443 = tpu.vector_load %arg10[%get3A_442] {strides = array<i32>} : memref<10000xf32, #tpu.memory_space<vmem>>, vector<16xf32>,
        tpu.vector_store_idx %arg6[%get3A_441], %get3A_443 {add = true} : memref<32768xf32, #tpu.memory_space<vmem>>[vector<16xi32>], vector<16xf32>,
        %mul3A_444 = arith.constant 400 : i32
        %mul3A_445 = arith.muli %scan3A_283, %mul3A_444 : i32
        %add3A_446 = arith.constant 320 : i32
        %add3A_447 = arith.addi %mul3A_445, %add3A_446 : i32
        %get3A_448 = arith.index_cast %add3A_447 : i32 to index
        %get3A_449 = tpu.vector_load %arg8[%get3A_448] {strides = array<i32>} : memref<10000xi32, #tpu.memory_space<vmem>>, vector<16xi32>,
        %get3A_450 = arith.index_cast %add3A_447 : i32 to index
        %get3A_451 = tpu.vector_load %arg10[%get3A_450] {strides = array<i32>} : memref<10000xf32, #tpu.memory_space<vmem>>, vector<16xf32>,
        tpu.vector_store_idx %arg6[%get3A_449], %get3A_451 {add = true} : memref<32768xf32, #tpu.memory_space<vmem>>[vector<16xi32>], vector<16xf32>,
        %mul3A_452 = arith.constant 400 : i32
        %mul3A_453 = arith.muli %scan3A_283, %mul3A_452 : i32
        %add3A_454 = arith.constant 336 : i32
        %add3A_455 = arith.addi %mul3A_453, %add3A_454 : i32
        %get3A_456 = arith.index_cast %add3A_455 : i32 to index
        %get3A_457 = tpu.vector_load %arg8[%get3A_456] {strides = array<i32>} : memref<10000xi32, #tpu.memory_space<vmem>>, vector<16xi32>,
        %get3A_458 = arith.index_cast %add3A_455 : i32 to index
        %get3A_459 = tpu.vector_load %arg10[%get3A_458] {strides = array<i32>} : memref<10000xf32, #tpu.memory_space<vmem>>, vector<16xf32>,
        tpu.vector_store_idx %arg6[%get3A_457], %get3A_459 {add = true} : memref<32768xf32, #tpu.memory_space<vmem>>[vector<16xi32>], vector<16xf32>,
        %mul3A_460 = arith.constant 400 : i32
        %mul3A_461 = arith.muli %scan3A_283, %mul3A_460 : i32
        %add3A_462 = arith.constant 352 : i32
        %add3A_463 = arith.addi %mul3A_461, %add3A_462 : i32
        %get3A_464 = arith.index_cast %add3A_463 : i32 to index
        %get3A_465 = tpu.vector_load %arg8[%get3A_464] {strides = array<i32>} : memref<10000xi32, #tpu.memory_space<vmem>>, vector<16xi32>,
        %get3A_466 = arith.index_cast %add3A_463 : i32 to index
        %get3A_467 = tpu.vector_load %arg10[%get3A_466] {strides = array<i32>} : memref<10000xf32, #tpu.memory_space<vmem>>, vector<16xf32>,
        tpu.vector_store_idx %arg6[%get3A_465], %get3A_467 {add = true} : memref<32768xf32, #tpu.memory_space<vmem>>[vector<16xi32>], vector<16xf32>,
        %mul3A_468 = arith.constant 400 : i32
        %mul3A_469 = arith.muli %scan3A_283, %mul3A_468 : i32
        %add3A_470 = arith.constant 368 : i32
        %add3A_471 = arith.addi %mul3A_469, %add3A_470 : i32
        %get3A_472 = arith.index_cast %add3A_471 : i32 to index
        %get3A_473 = tpu.vector_load %arg8[%get3A_472] {strides = array<i32>} : memref<10000xi32, #tpu.memory_space<vmem>>, vector<16xi32>,
        %get3A_474 = arith.index_cast %add3A_471 : i32 to index
        %get3A_475 = tpu.vector_load %arg10[%get3A_474] {strides = array<i32>} : memref<10000xf32, #tpu.memory_space<vmem>>, vector<16xf32>,
        tpu.vector_store_idx %arg6[%get3A_473], %get3A_475 {add = true} : memref<32768xf32, #tpu.memory_space<vmem>>[vector<16xi32>], vector<16xf32>,
        %mul3A_476 = arith.constant 400 : i32
        %mul3A_477 = arith.muli %scan3A_283, %mul3A_476 : i32
        %add3A_478 = arith.constant 384 : i32
        %add3A_479 = arith.addi %mul3A_477, %add3A_478 : i32
        %get3A_480 = arith.index_cast %add3A_479 : i32 to index
        %get3A_481 = tpu.vector_load %arg8[%get3A_480] {strides = array<i32>} : memref<10000xi32, #tpu.memory_space<vmem>>, vector<16xi32>,
        %get3A_482 = arith.index_cast %add3A_479 : i32 to index
        %get3A_483 = tpu.vector_load %arg10[%get3A_482] {strides = array<i32>} : memref<10000xf32, #tpu.memory_space<vmem>>, vector<16xf32>,
        tpu.vector_store_idx %arg6[%get3A_481], %get3A_483 {add = true} : memref<32768xf32, #tpu.memory_space<vmem>>[vector<16xi32>], vector<16xf32>,
      }
      %scan3A_282 = arith.constant 25 : i32
    }
    %scan3A_51 = arith.constant 5 : i32
    %dma_start3A_52 = tpu.memref_slice %arg4[%mul3A_29] : memref<2097152xf32, #tpu.memory_space<hbm>> -> memref<32768xf32, #tpu.memory_space<hbm>>
    %dma_start3A_53 = tpu.memref_slice %arg4[%mul3A_29] : memref<2097152xf32, #tpu.memory_space<hbm>> -> memref<32768xf32, #tpu.memory_space<hbm>>
    tpu.enqueue_dma source(%arg6 : memref<32768xf32, #tpu.memory_space<vmem>>) target(%dma_start3A_53 : memref<32768xf32, #tpu.memory_space<hbm>>) target_semaphore(%arg13 : memref<!tpu.dma_semaphore, #tpu.memory_space<semaphore_mem>>)
    %add3A_54 = arith.constant 32 : i32
    %add3A_55 = arith.addi %add3A, %add3A_54 : i32
    %jit3A_56 = arith.constant 16 : i32
    %div3A_57 = arith.divsi %add3A_55, %jit3A_56 : i32
    %sign3A_58 = arith.constant 0 : i32
    %sign3A_59 = arith.cmpi sgt, %add3A_55, %sign3A_58 : i32
    %sign3A_60 = arith.extui %sign3A_59 : i1 to i32
    %sign3A_61 = arith.constant 0 : i32
    %sign3A_62 = arith.cmpi slt, %add3A_55, %sign3A_61 : i32
    %sign3A_63 = arith.extui %sign3A_62 : i1 to i32
    %sign3A_64 = arith.subi %sign3A_60, %sign3A_63 : i32
    %sign3A_65 = arith.constant 0 : i32
    %sign3A_66 = arith.cmpi sgt, %jit3A_56, %sign3A_65 : i32
    %sign3A_67 = arith.extui %sign3A_66 : i1 to i32
    %sign3A_68 = arith.constant 0 : i32
    %sign3A_69 = arith.cmpi slt, %jit3A_56, %sign3A_68 : i32
    %sign3A_70 = arith.extui %sign3A_69 : i1 to i32
    %sign3A_71 = arith.subi %sign3A_67, %sign3A_70 : i32
    %ne3A_72 = arith.cmpi ne, %sign3A_64, %sign3A_71 : i32
    %rem3A_73 = arith.remsi %add3A_55, %jit3A_56 : i32
    %ne3A_74 = arith.constant 0 : i32
    %ne3A_75 = arith.cmpi ne, %rem3A_73, %ne3A_74 : i32
    %and3A_76 = arith.andi %ne3A_72, %ne3A_75 : i1
    %sub3A_77 = arith.constant 1 : i32
    %sub3A_78 = arith.subi %div3A_57, %sub3A_77 : i32
    %select_n3A_79 = arith.select %and3A_76, %sub3A_78, %div3A_57 : i32
    %add3A_80 = arith.constant 0 : i32
    %add3A_81 = arith.addi %add3A_80, %select_n3A_79 : i32
    %mul3A_82 = arith.constant 100000 : i32
    %mul3A_83 = arith.muli %add3A_81, %mul3A_82 : i32
    %mul3A_84 = arith.constant 100000 : i32
    %mul3A_85 = arith.muli %add3A_55, %mul3A_84 : i32
    %mul3A_86 = arith.constant 32768 : i32
    %mul3A_87 = arith.muli %add3A_55, %mul3A_86 : i32
    %add3A_88 = arith.constant 0 : i32
    %add3A_89 = arith.addi %mul3A_83, %add3A_88 : i32
    %dma_start3A_90 = arith.constant 0 : i32
    %dma_start3A_91 = tpu.memref_slice %arg7[%dma_start3A_90] : memref<10000xi32, #tpu.memory_space<vmem>> -> memref<10000xi32, #tpu.memory_space<vmem>>
    %dma_start3A_92 = tpu.memref_slice %arg3[%add3A_89] : memref<800000xi32, #tpu.memory_space<hbm>> -> memref<10000xi32, #tpu.memory_space<hbm>>
    %dma_start3A_93 = arith.constant 0 : i32
    %dma_start3A_94 = tpu.memref_slice %arg7[%dma_start3A_93] : memref<10000xi32, #tpu.memory_space<vmem>> -> memref<10000xi32, #tpu.memory_space<vmem>>
    %dma_start3A_95 = tpu.memref_slice %arg3[%add3A_89] : memref<800000xi32, #tpu.memory_space<hbm>> -> memref<10000xi32, #tpu.memory_space<hbm>>
    tpu.enqueue_dma source(%dma_start3A_95 : memref<10000xi32, #tpu.memory_space<hbm>>) target(%dma_start3A_94 : memref<10000xi32, #tpu.memory_space<vmem>>) target_semaphore(%arg11 : memref<!tpu.dma_semaphore, #tpu.memory_space<semaphore_mem>>)
    %add3A_96 = arith.constant 0 : i32
    %add3A_97 = arith.addi %mul3A_85, %add3A_96 : i32
    %dma_start3A_98 = tpu.memref_slice %arg2[%add3A_97] : memref<6400000xf32, #tpu.memory_space<hbm>> -> memref<10000xf32, #tpu.memory_space<hbm>>
    %dma_start3A_99 = tpu.memref_slice %arg2[%add3A_97] : memref<6400000xf32, #tpu.memory_space<hbm>> -> memref<10000xf32, #tpu.memory_space<hbm>>
    tpu.enqueue_dma source(%dma_start3A_99 : memref<10000xf32, #tpu.memory_space<hbm>>) target(%arg9 : memref<10000xf32, #tpu.memory_space<vmem>>) target_semaphore(%arg11 : memref<!tpu.dma_semaphore, #tpu.memory_space<semaphore_mem>>)
    %dma_wait3A = arith.constant 0 : i32
    %dma_wait3A_100 = tpu.memref_slice %arg4[%dma_wait3A] : memref<2097152xf32, #tpu.memory_space<hbm>> -> memref<32768xf32, #tpu.memory_space<hbm>>
    %dma_wait3A_101 = arith.constant 0 : i32
    %dma_wait3A_102 = tpu.memref_slice %arg4[%dma_wait3A_101] : memref<2097152xf32, #tpu.memory_space<hbm>> -> memref<32768xf32, #tpu.memory_space<hbm>>
    tpu.wait_dma2 semaphore(%arg13 : memref<!tpu.dma_semaphore, #tpu.memory_space<semaphore_mem>>) src(%dma_wait3A_102 : memref<32768xf32, #tpu.memory_space<hbm>>) dst(%arg6 : memref<32768xf32, #tpu.memory_space<vmem>>)
    %scan3A_103 = arith.constant 0 : i32
    %scan3A_104 = arith.constant 0 : i32
    %scan3A_105 = arith.constant 128 : i32
    %scan3A_106 = arith.addi %scan3A_104, %scan3A_105 : i32
    %scan3A_107 = arith.constant 1 : i32
    scf.for %scan3A_221 = %scan3A_104 to %scan3A_106 step %scan3A_107  : i32 {
      %mul3A_222 = arith.constant 256 : i32
      %mul3A_223 = arith.muli %scan3A_221, %mul3A_222 : i32
      %add3A_224 = arith.constant 0 : i32
      %add3A_225 = arith.addi %mul3A_223, %add3A_224 : i32
      %swap3A = arith.index_cast %add3A_225 : i32 to index
      %swap3A_226 = tpu.vector_load %arg6[%swap3A] {strides = array<i32>} : memref<32768xf32, #tpu.memory_space<vmem>>, vector<16xf32>,
      tpu.vector_store %arg6[%swap3A], %broadcast_in_dim3A_3 {strides = array<i32>} : memref<32768xf32, #tpu.memory_space<vmem>>, vector<16xf32>,
      %mul3A_227 = arith.constant 256 : i32
      %mul3A_228 = arith.muli %scan3A_221, %mul3A_227 : i32
      %add3A_229 = arith.constant 16 : i32
      %add3A_230 = arith.addi %mul3A_228, %add3A_229 : i32
      %swap3A_231 = arith.index_cast %add3A_230 : i32 to index
      %swap3A_232 = tpu.vector_load %arg6[%swap3A_231] {strides = array<i32>} : memref<32768xf32, #tpu.memory_space<vmem>>, vector<16xf32>,
      tpu.vector_store %arg6[%swap3A_231], %broadcast_in_dim3A_3 {strides = array<i32>} : memref<32768xf32, #tpu.memory_space<vmem>>, vector<16xf32>,
      %mul3A_233 = arith.constant 256 : i32
      %mul3A_234 = arith.muli %scan3A_221, %mul3A_233 : i32
      %add3A_235 = arith.constant 32 : i32
      %add3A_236 = arith.addi %mul3A_234, %add3A_235 : i32
      %swap3A_237 = arith.index_cast %add3A_236 : i32 to index
      %swap3A_238 = tpu.vector_load %arg6[%swap3A_237] {strides = array<i32>} : memref<32768xf32, #tpu.memory_space<vmem>>, vector<16xf32>,
      tpu.vector_store %arg6[%swap3A_237], %broadcast_in_dim3A_3 {strides = array<i32>} : memref<32768xf32, #tpu.memory_space<vmem>>, vector<16xf32>,
      %mul3A_239 = arith.constant 256 : i32
      %mul3A_240 = arith.muli %scan3A_221, %mul3A_239 : i32
      %add3A_241 = arith.constant 48 : i32
      %add3A_242 = arith.addi %mul3A_240, %add3A_241 : i32
      %swap3A_243 = arith.index_cast %add3A_242 : i32 to index
      %swap3A_244 = tpu.vector_load %arg6[%swap3A_243] {strides = array<i32>} : memref<32768xf32, #tpu.memory_space<vmem>>, vector<16xf32>,
      tpu.vector_store %arg6[%swap3A_243], %broadcast_in_dim3A_3 {strides = array<i32>} : memref<32768xf32, #tpu.memory_space<vmem>>, vector<16xf32>,
      %mul3A_245 = arith.constant 256 : i32
      %mul3A_246 = arith.muli %scan3A_221, %mul3A_245 : i32
      %add3A_247 = arith.constant 64 : i32
      %add3A_248 = arith.addi %mul3A_246, %add3A_247 : i32
      %swap3A_249 = arith.index_cast %add3A_248 : i32 to index
      %swap3A_250 = tpu.vector_load %arg6[%swap3A_249] {strides = array<i32>} : memref<32768xf32, #tpu.memory_space<vmem>>, vector<16xf32>,
      tpu.vector_store %arg6[%swap3A_249], %broadcast_in_dim3A_3 {strides = array<i32>} : memref<32768xf32, #tpu.memory_space<vmem>>, vector<16xf32>,
      %mul3A_251 = arith.constant 256 : i32
      %mul3A_252 = arith.muli %scan3A_221, %mul3A_251 : i32
      %add3A_253 = arith.constant 80 : i32
      %add3A_254 = arith.addi %mul3A_252, %add3A_253 : i32
      %swap3A_255 = arith.index_cast %add3A_254 : i32 to index
      %swap3A_256 = tpu.vector_load %arg6[%swap3A_255] {strides = array<i32>} : memref<32768xf32, #tpu.memory_space<vmem>>, vector<16xf32>,
      tpu.vector_store %arg6[%swap3A_255], %broadcast_in_dim3A_3 {strides = array<i32>} : memref<32768xf32, #tpu.memory_space<vmem>>, vector<16xf32>,
      %mul3A_257 = arith.constant 256 : i32
      %mul3A_258 = arith.muli %scan3A_221, %mul3A_257 : i32
      %add3A_259 = arith.constant 96 : i32
      %add3A_260 = arith.addi %mul3A_258, %add3A_259 : i32
      %swap3A_261 = arith.index_cast %add3A_260 : i32 to index
      %swap3A_262 = tpu.vector_load %arg6[%swap3A_261] {strides = array<i32>} : memref<32768xf32, #tpu.memory_space<vmem>>, vector<16xf32>,
      tpu.vector_store %arg6[%swap3A_261], %broadcast_in_dim3A_3 {strides = array<i32>} : memref<32768xf32, #tpu.memory_space<vmem>>, vector<16xf32>,
      %mul3A_263 = arith.constant 256 : i32
      %mul3A_264 = arith.muli %scan3A_221, %mul3A_263 : i32
      %add3A_265 = arith.constant 112 : i32
      %add3A_266 = arith.addi %mul3A_264, %add3A_265 : i32
      %swap3A_267 = arith.index_cast %add3A_266 : i32 to index
      %swap3A_268 = tpu.vector_load %arg6[%swap3A_267] {strides = array<i32>} : memref<32768xf32, #tpu.memory_space<vmem>>, vector<16xf32>,
      tpu.vector_store %arg6[%swap3A_267], %broadcast_in_dim3A_3 {strides = array<i32>} : memref<32768xf32, #tpu.memory_space<vmem>>, vector<16xf32>,
      %mul3A_269 = arith.constant 256 : i32
      %mul3A_270 = arith.muli %scan3A_221, %mul3A_269 : i32
      %add3A_271 = arith.constant 128 : i32
      %add3A_272 = arith.addi %mul3A_270, %add3A_271 : i32
      %swap3A_273 = arith.index_cast %add3A_272 : i32 to index
      %swap3A_274 = tpu.vector_load %arg6[%swap3A_273] {strides = array<i32>} : memref<32768xf32, #tpu.memory_space<vmem>>, vector<16xf32>,
      tpu.vector_store %arg6[%swap3A_273], %broadcast_in_dim3A_3 {strides = array<i32>} : memref<32768xf32, #tpu.memory_space<vmem>>, vector<16xf32>,
      %mul3A_275 = arith.constant 256 : i32
      %mul3A_276 = arith.muli %scan3A_221, %mul3A_275 : i32
      %add3A_277 = arith.constant 144 : i32
      %add3A_278 = arith.addi %mul3A_276, %add3A_277 : i32
      %swap3A_279 = arith.index_cast %add3A_278 : i32 to index
      %swap3A_280 = tpu.vector_load %arg6[%swap3A_279] {strides = array<i32>} : memref<32768xf32, #tpu.memory_space<vmem>>, vector<16xf32>,
      tpu.vector_store %arg6[%swap3A_279], %broadcast_in_dim3A_3 {strides = array<i32>} : memref<32768xf32, #tpu.memory_space<vmem>>, vector<16xf32>,
      %mul3A_281 = arith.constant 256 : i32
      %mul3A_282 = arith.muli %scan3A_221, %mul3A_281 : i32
      %add3A_283 = arith.constant 160 : i32
      %add3A_284 = arith.addi %mul3A_282, %add3A_283 : i32
      %swap3A_285 = arith.index_cast %add3A_284 : i32 to index
      %swap3A_286 = tpu.vector_load %arg6[%swap3A_285] {strides = array<i32>} : memref<32768xf32, #tpu.memory_space<vmem>>, vector<16xf32>,
      tpu.vector_store %arg6[%swap3A_285], %broadcast_in_dim3A_3 {strides = array<i32>} : memref<32768xf32, #tpu.memory_space<vmem>>, vector<16xf32>,
      %mul3A_287 = arith.constant 256 : i32
      %mul3A_288 = arith.muli %scan3A_221, %mul3A_287 : i32
      %add3A_289 = arith.constant 176 : i32
      %add3A_290 = arith.addi %mul3A_288, %add3A_289 : i32
      %swap3A_291 = arith.index_cast %add3A_290 : i32 to index
      %swap3A_292 = tpu.vector_load %arg6[%swap3A_291] {strides = array<i32>} : memref<32768xf32, #tpu.memory_space<vmem>>, vector<16xf32>,
      tpu.vector_store %arg6[%swap3A_291], %broadcast_in_dim3A_3 {strides = array<i32>} : memref<32768xf32, #tpu.memory_space<vmem>>, vector<16xf32>,
      %mul3A_293 = arith.constant 256 : i32
      %mul3A_294 = arith.muli %scan3A_221, %mul3A_293 : i32
      %add3A_295 = arith.constant 192 : i32
      %add3A_296 = arith.addi %mul3A_294, %add3A_295 : i32
      %swap3A_297 = arith.index_cast %add3A_296 : i32 to index
      %swap3A_298 = tpu.vector_load %arg6[%swap3A_297] {strides = array<i32>} : memref<32768xf32, #tpu.memory_space<vmem>>, vector<16xf32>,
      tpu.vector_store %arg6[%swap3A_297], %broadcast_in_dim3A_3 {strides = array<i32>} : memref<32768xf32, #tpu.memory_space<vmem>>, vector<16xf32>,
      %mul3A_299 = arith.constant 256 : i32
      %mul3A_300 = arith.muli %scan3A_221, %mul3A_299 : i32
      %add3A_301 = arith.constant 208 : i32
      %add3A_302 = arith.addi %mul3A_300, %add3A_301 : i32
      %swap3A_303 = arith.index_cast %add3A_302 : i32 to index
      %swap3A_304 = tpu.vector_load %arg6[%swap3A_303] {strides = array<i32>} : memref<32768xf32, #tpu.memory_space<vmem>>, vector<16xf32>,
      tpu.vector_store %arg6[%swap3A_303], %broadcast_in_dim3A_3 {strides = array<i32>} : memref<32768xf32, #tpu.memory_space<vmem>>, vector<16xf32>,
      %mul3A_305 = arith.constant 256 : i32
      %mul3A_306 = arith.muli %scan3A_221, %mul3A_305 : i32
      %add3A_307 = arith.constant 224 : i32
      %add3A_308 = arith.addi %mul3A_306, %add3A_307 : i32
      %swap3A_309 = arith.index_cast %add3A_308 : i32 to index
      %swap3A_310 = tpu.vector_load %arg6[%swap3A_309] {strides = array<i32>} : memref<32768xf32, #tpu.memory_space<vmem>>, vector<16xf32>,
      tpu.vector_store %arg6[%swap3A_309], %broadcast_in_dim3A_3 {strides = array<i32>} : memref<32768xf32, #tpu.memory_space<vmem>>, vector<16xf32>,
      %mul3A_311 = arith.constant 256 : i32
      %mul3A_312 = arith.muli %scan3A_221, %mul3A_311 : i32
      %add3A_313 = arith.constant 240 : i32
      %add3A_314 = arith.addi %mul3A_312, %add3A_313 : i32
      %swap3A_315 = arith.index_cast %add3A_314 : i32 to index
      %swap3A_316 = tpu.vector_load %arg6[%swap3A_315] {strides = array<i32>} : memref<32768xf32, #tpu.memory_space<vmem>>, vector<16xf32>,
      tpu.vector_store %arg6[%swap3A_315], %broadcast_in_dim3A_3 {strides = array<i32>} : memref<32768xf32, #tpu.memory_space<vmem>>, vector<16xf32>,
    }
    %scan3A_108 = arith.constant 128 : i32
    %scan3A_109 = arith.constant 0 : i32
    %scan3A_110 = arith.constant 0 : i32
    %scan3A_111 = arith.constant 5 : i32
    %scan3A_112 = arith.addi %scan3A_110, %scan3A_111 : i32
    %scan3A_113 = arith.constant 1 : i32
    scf.for %scan3A_221 = %scan3A_110 to %scan3A_112 step %scan3A_113  : i32 {
      %mul3A_222 = arith.constant 2 : i32
      %mul3A_223 = arith.muli %mul3A_222, %scan3A_221 : i32
      %add3A_224 = arith.constant 1 : i32
      %add3A_225 = arith.addi %mul3A_223, %add3A_224 : i32
      %mul3A_226 = arith.constant 10000 : i32
      %mul3A_227 = arith.muli %add3A_225, %mul3A_226 : i32
      %add3A_228 = arith.addi %mul3A_83, %mul3A_227 : i32
      %dma_start3A_229 = arith.constant 0 : i32
      %dma_start3A_230 = tpu.memref_slice %arg8[%dma_start3A_229] : memref<10000xi32, #tpu.memory_space<vmem>> -> memref<10000xi32, #tpu.memory_space<vmem>>
      %dma_start3A_231 = tpu.memref_slice %arg3[%add3A_228] : memref<800000xi32, #tpu.memory_space<hbm>> -> memref<10000xi32, #tpu.memory_space<hbm>>
      %dma_start3A_232 = arith.constant 0 : i32
      %dma_start3A_233 = tpu.memref_slice %arg8[%dma_start3A_232] : memref<10000xi32, #tpu.memory_space<vmem>> -> memref<10000xi32, #tpu.memory_space<vmem>>
      %dma_start3A_234 = tpu.memref_slice %arg3[%add3A_228] : memref<800000xi32, #tpu.memory_space<hbm>> -> memref<10000xi32, #tpu.memory_space<hbm>>
      tpu.enqueue_dma source(%dma_start3A_234 : memref<10000xi32, #tpu.memory_space<hbm>>) target(%dma_start3A_233 : memref<10000xi32, #tpu.memory_space<vmem>>) target_semaphore(%arg12 : memref<!tpu.dma_semaphore, #tpu.memory_space<semaphore_mem>>)
      %add3A_235 = arith.addi %mul3A_85, %mul3A_227 : i32
      %dma_start3A_236 = tpu.memref_slice %arg2[%add3A_235] : memref<6400000xf32, #tpu.memory_space<hbm>> -> memref<10000xf32, #tpu.memory_space<hbm>>
      %dma_start3A_237 = tpu.memref_slice %arg2[%add3A_235] : memref<6400000xf32, #tpu.memory_space<hbm>> -> memref<10000xf32, #tpu.memory_space<hbm>>
      tpu.enqueue_dma source(%dma_start3A_237 : memref<10000xf32, #tpu.memory_space<hbm>>) target(%arg10 : memref<10000xf32, #tpu.memory_space<vmem>>) target_semaphore(%arg12 : memref<!tpu.dma_semaphore, #tpu.memory_space<semaphore_mem>>)
      %dma_wait3A_238 = arith.constant 0 : i32
      %dma_wait3A_239 = tpu.memref_slice %arg7[%dma_wait3A_238] : memref<10000xi32, #tpu.memory_space<vmem>> -> memref<10000xi32, #tpu.memory_space<vmem>>
      %dma_wait3A_240 = arith.constant 0 : i32
      %dma_wait3A_241 = tpu.memref_slice %arg3[%dma_wait3A_240] : memref<800000xi32, #tpu.memory_space<hbm>> -> memref<10000xi32, #tpu.memory_space<hbm>>
      %dma_wait3A_242 = arith.constant 0 : i32
      %dma_wait3A_243 = tpu.memref_slice %arg7[%dma_wait3A_242] : memref<10000xi32, #tpu.memory_space<vmem>> -> memref<10000xi32, #tpu.memory_space<vmem>>
      %dma_wait3A_244 = arith.constant 0 : i32
      %dma_wait3A_245 = tpu.memref_slice %arg3[%dma_wait3A_244] : memref<800000xi32, #tpu.memory_space<hbm>> -> memref<10000xi32, #tpu.memory_space<hbm>>
      tpu.wait_dma2 semaphore(%arg11 : memref<!tpu.dma_semaphore, #tpu.memory_space<semaphore_mem>>) src(%dma_wait3A_245 : memref<10000xi32, #tpu.memory_space<hbm>>) dst(%dma_wait3A_243 : memref<10000xi32, #tpu.memory_space<vmem>>)
      %dma_wait3A_246 = arith.constant 0 : i32
      %dma_wait3A_247 = tpu.memref_slice %arg2[%dma_wait3A_246] : memref<6400000xf32, #tpu.memory_space<hbm>> -> memref<10000xf32, #tpu.memory_space<hbm>>
      %dma_wait3A_248 = arith.constant 0 : i32
      %dma_wait3A_249 = tpu.memref_slice %arg2[%dma_wait3A_248] : memref<6400000xf32, #tpu.memory_space<hbm>> -> memref<10000xf32, #tpu.memory_space<hbm>>
      tpu.wait_dma2 semaphore(%arg11 : memref<!tpu.dma_semaphore, #tpu.memory_space<semaphore_mem>>) src(%dma_wait3A_249 : memref<10000xf32, #tpu.memory_space<hbm>>) dst(%arg9 : memref<10000xf32, #tpu.memory_space<vmem>>)
      %scan3A_250 = arith.constant 0 : i32
      %scan3A_251 = arith.constant 0 : i32
      %scan3A_252 = arith.constant 25 : i32
      %scan3A_253 = arith.addi %scan3A_251, %scan3A_252 : i32
      %scan3A_254 = arith.constant 1 : i32
      scf.for %scan3A_283 = %scan3A_251 to %scan3A_253 step %scan3A_254  : i32 {
        %mul3A_284 = arith.constant 400 : i32
        %mul3A_285 = arith.muli %scan3A_283, %mul3A_284 : i32
        %add3A_286 = arith.constant 0 : i32
        %add3A_287 = arith.addi %mul3A_285, %add3A_286 : i32
        %get3A_288 = arith.index_cast %add3A_287 : i32 to index
        %get3A_289 = tpu.vector_load %arg7[%get3A_288] {strides = array<i32>} : memref<10000xi32, #tpu.memory_space<vmem>>, vector<16xi32>,
        %get3A_290 = arith.index_cast %add3A_287 : i32 to index
        %get3A_291 = tpu.vector_load %arg9[%get3A_290] {strides = array<i32>} : memref<10000xf32, #tpu.memory_space<vmem>>, vector<16xf32>,
        tpu.vector_store_idx %arg6[%get3A_289], %get3A_291 {add = true} : memref<32768xf32, #tpu.memory_space<vmem>>[vector<16xi32>], vector<16xf32>,
        %mul3A_292 = arith.constant 400 : i32
        %mul3A_293 = arith.muli %scan3A_283, %mul3A_292 : i32
        %add3A_294 = arith.constant 16 : i32
        %add3A_295 = arith.addi %mul3A_293, %add3A_294 : i32
        %get3A_296 = arith.index_cast %add3A_295 : i32 to index
        %get3A_297 = tpu.vector_load %arg7[%get3A_296] {strides = array<i32>} : memref<10000xi32, #tpu.memory_space<vmem>>, vector<16xi32>,
        %get3A_298 = arith.index_cast %add3A_295 : i32 to index
        %get3A_299 = tpu.vector_load %arg9[%get3A_298] {strides = array<i32>} : memref<10000xf32, #tpu.memory_space<vmem>>, vector<16xf32>,
        tpu.vector_store_idx %arg6[%get3A_297], %get3A_299 {add = true} : memref<32768xf32, #tpu.memory_space<vmem>>[vector<16xi32>], vector<16xf32>,
        %mul3A_300 = arith.constant 400 : i32
        %mul3A_301 = arith.muli %scan3A_283, %mul3A_300 : i32
        %add3A_302 = arith.constant 32 : i32
        %add3A_303 = arith.addi %mul3A_301, %add3A_302 : i32
        %get3A_304 = arith.index_cast %add3A_303 : i32 to index
        %get3A_305 = tpu.vector_load %arg7[%get3A_304] {strides = array<i32>} : memref<10000xi32, #tpu.memory_space<vmem>>, vector<16xi32>,
        %get3A_306 = arith.index_cast %add3A_303 : i32 to index
        %get3A_307 = tpu.vector_load %arg9[%get3A_306] {strides = array<i32>} : memref<10000xf32, #tpu.memory_space<vmem>>, vector<16xf32>,
        tpu.vector_store_idx %arg6[%get3A_305], %get3A_307 {add = true} : memref<32768xf32, #tpu.memory_space<vmem>>[vector<16xi32>], vector<16xf32>,
        %mul3A_308 = arith.constant 400 : i32
        %mul3A_309 = arith.muli %scan3A_283, %mul3A_308 : i32
        %add3A_310 = arith.constant 48 : i32
        %add3A_311 = arith.addi %mul3A_309, %add3A_310 : i32
        %get3A_312 = arith.index_cast %add3A_311 : i32 to index
        %get3A_313 = tpu.vector_load %arg7[%get3A_312] {strides = array<i32>} : memref<10000xi32, #tpu.memory_space<vmem>>, vector<16xi32>,
        %get3A_314 = arith.index_cast %add3A_311 : i32 to index
        %get3A_315 = tpu.vector_load %arg9[%get3A_314] {strides = array<i32>} : memref<10000xf32, #tpu.memory_space<vmem>>, vector<16xf32>,
        tpu.vector_store_idx %arg6[%get3A_313], %get3A_315 {add = true} : memref<32768xf32, #tpu.memory_space<vmem>>[vector<16xi32>], vector<16xf32>,
        %mul3A_316 = arith.constant 400 : i32
        %mul3A_317 = arith.muli %scan3A_283, %mul3A_316 : i32
        %add3A_318 = arith.constant 64 : i32
        %add3A_319 = arith.addi %mul3A_317, %add3A_318 : i32
        %get3A_320 = arith.index_cast %add3A_319 : i32 to index
        %get3A_321 = tpu.vector_load %arg7[%get3A_320] {strides = array<i32>} : memref<10000xi32, #tpu.memory_space<vmem>>, vector<16xi32>,
        %get3A_322 = arith.index_cast %add3A_319 : i32 to index
        %get3A_323 = tpu.vector_load %arg9[%get3A_322] {strides = array<i32>} : memref<10000xf32, #tpu.memory_space<vmem>>, vector<16xf32>,
        tpu.vector_store_idx %arg6[%get3A_321], %get3A_323 {add = true} : memref<32768xf32, #tpu.memory_space<vmem>>[vector<16xi32>], vector<16xf32>,
        %mul3A_324 = arith.constant 400 : i32
        %mul3A_325 = arith.muli %scan3A_283, %mul3A_324 : i32
        %add3A_326 = arith.constant 80 : i32
        %add3A_327 = arith.addi %mul3A_325, %add3A_326 : i32
        %get3A_328 = arith.index_cast %add3A_327 : i32 to index
        %get3A_329 = tpu.vector_load %arg7[%get3A_328] {strides = array<i32>} : memref<10000xi32, #tpu.memory_space<vmem>>, vector<16xi32>,
        %get3A_330 = arith.index_cast %add3A_327 : i32 to index
        %get3A_331 = tpu.vector_load %arg9[%get3A_330] {strides = array<i32>} : memref<10000xf32, #tpu.memory_space<vmem>>, vector<16xf32>,
        tpu.vector_store_idx %arg6[%get3A_329], %get3A_331 {add = true} : memref<32768xf32, #tpu.memory_space<vmem>>[vector<16xi32>], vector<16xf32>,
        %mul3A_332 = arith.constant 400 : i32
        %mul3A_333 = arith.muli %scan3A_283, %mul3A_332 : i32
        %add3A_334 = arith.constant 96 : i32
        %add3A_335 = arith.addi %mul3A_333, %add3A_334 : i32
        %get3A_336 = arith.index_cast %add3A_335 : i32 to index
        %get3A_337 = tpu.vector_load %arg7[%get3A_336] {strides = array<i32>} : memref<10000xi32, #tpu.memory_space<vmem>>, vector<16xi32>,
        %get3A_338 = arith.index_cast %add3A_335 : i32 to index
        %get3A_339 = tpu.vector_load %arg9[%get3A_338] {strides = array<i32>} : memref<10000xf32, #tpu.memory_space<vmem>>, vector<16xf32>,
        tpu.vector_store_idx %arg6[%get3A_337], %get3A_339 {add = true} : memref<32768xf32, #tpu.memory_space<vmem>>[vector<16xi32>], vector<16xf32>,
        %mul3A_340 = arith.constant 400 : i32
        %mul3A_341 = arith.muli %scan3A_283, %mul3A_340 : i32
        %add3A_342 = arith.constant 112 : i32
        %add3A_343 = arith.addi %mul3A_341, %add3A_342 : i32
        %get3A_344 = arith.index_cast %add3A_343 : i32 to index
        %get3A_345 = tpu.vector_load %arg7[%get3A_344] {strides = array<i32>} : memref<10000xi32, #tpu.memory_space<vmem>>, vector<16xi32>,
        %get3A_346 = arith.index_cast %add3A_343 : i32 to index
        %get3A_347 = tpu.vector_load %arg9[%get3A_346] {strides = array<i32>} : memref<10000xf32, #tpu.memory_space<vmem>>, vector<16xf32>,
        tpu.vector_store_idx %arg6[%get3A_345], %get3A_347 {add = true} : memref<32768xf32, #tpu.memory_space<vmem>>[vector<16xi32>], vector<16xf32>,
        %mul3A_348 = arith.constant 400 : i32
        %mul3A_349 = arith.muli %scan3A_283, %mul3A_348 : i32
        %add3A_350 = arith.constant 128 : i32
        %add3A_351 = arith.addi %mul3A_349, %add3A_350 : i32
        %get3A_352 = arith.index_cast %add3A_351 : i32 to index
        %get3A_353 = tpu.vector_load %arg7[%get3A_352] {strides = array<i32>} : memref<10000xi32, #tpu.memory_space<vmem>>, vector<16xi32>,
        %get3A_354 = arith.index_cast %add3A_351 : i32 to index
        %get3A_355 = tpu.vector_load %arg9[%get3A_354] {strides = array<i32>} : memref<10000xf32, #tpu.memory_space<vmem>>, vector<16xf32>,
        tpu.vector_store_idx %arg6[%get3A_353], %get3A_355 {add = true} : memref<32768xf32, #tpu.memory_space<vmem>>[vector<16xi32>], vector<16xf32>,
        %mul3A_356 = arith.constant 400 : i32
        %mul3A_357 = arith.muli %scan3A_283, %mul3A_356 : i32
        %add3A_358 = arith.constant 144 : i32
        %add3A_359 = arith.addi %mul3A_357, %add3A_358 : i32
        %get3A_360 = arith.index_cast %add3A_359 : i32 to index
        %get3A_361 = tpu.vector_load %arg7[%get3A_360] {strides = array<i32>} : memref<10000xi32, #tpu.memory_space<vmem>>, vector<16xi32>,
        %get3A_362 = arith.index_cast %add3A_359 : i32 to index
        %get3A_363 = tpu.vector_load %arg9[%get3A_362] {strides = array<i32>} : memref<10000xf32, #tpu.memory_space<vmem>>, vector<16xf32>,
        tpu.vector_store_idx %arg6[%get3A_361], %get3A_363 {add = true} : memref<32768xf32, #tpu.memory_space<vmem>>[vector<16xi32>], vector<16xf32>,
        %mul3A_364 = arith.constant 400 : i32
        %mul3A_365 = arith.muli %scan3A_283, %mul3A_364 : i32
        %add3A_366 = arith.constant 160 : i32
        %add3A_367 = arith.addi %mul3A_365, %add3A_366 : i32
        %get3A_368 = arith.index_cast %add3A_367 : i32 to index
        %get3A_369 = tpu.vector_load %arg7[%get3A_368] {strides = array<i32>} : memref<10000xi32, #tpu.memory_space<vmem>>, vector<16xi32>,
        %get3A_370 = arith.index_cast %add3A_367 : i32 to index
        %get3A_371 = tpu.vector_load %arg9[%get3A_370] {strides = array<i32>} : memref<10000xf32, #tpu.memory_space<vmem>>, vector<16xf32>,
        tpu.vector_store_idx %arg6[%get3A_369], %get3A_371 {add = true} : memref<32768xf32, #tpu.memory_space<vmem>>[vector<16xi32>], vector<16xf32>,
        %mul3A_372 = arith.constant 400 : i32
        %mul3A_373 = arith.muli %scan3A_283, %mul3A_372 : i32
        %add3A_374 = arith.constant 176 : i32
        %add3A_375 = arith.addi %mul3A_373, %add3A_374 : i32
        %get3A_376 = arith.index_cast %add3A_375 : i32 to index
        %get3A_377 = tpu.vector_load %arg7[%get3A_376] {strides = array<i32>} : memref<10000xi32, #tpu.memory_space<vmem>>, vector<16xi32>,
        %get3A_378 = arith.index_cast %add3A_375 : i32 to index
        %get3A_379 = tpu.vector_load %arg9[%get3A_378] {strides = array<i32>} : memref<10000xf32, #tpu.memory_space<vmem>>, vector<16xf32>,
        tpu.vector_store_idx %arg6[%get3A_377], %get3A_379 {add = true} : memref<32768xf32, #tpu.memory_space<vmem>>[vector<16xi32>], vector<16xf32>,
        %mul3A_380 = arith.constant 400 : i32
        %mul3A_381 = arith.muli %scan3A_283, %mul3A_380 : i32
        %add3A_382 = arith.constant 192 : i32
        %add3A_383 = arith.addi %mul3A_381, %add3A_382 : i32
        %get3A_384 = arith.index_cast %add3A_383 : i32 to index
        %get3A_385 = tpu.vector_load %arg7[%get3A_384] {strides = array<i32>} : memref<10000xi32, #tpu.memory_space<vmem>>, vector<16xi32>,
        %get3A_386 = arith.index_cast %add3A_383 : i32 to index
        %get3A_387 = tpu.vector_load %arg9[%get3A_386] {strides = array<i32>} : memref<10000xf32, #tpu.memory_space<vmem>>, vector<16xf32>,
        tpu.vector_store_idx %arg6[%get3A_385], %get3A_387 {add = true} : memref<32768xf32, #tpu.memory_space<vmem>>[vector<16xi32>], vector<16xf32>,
        %mul3A_388 = arith.constant 400 : i32
        %mul3A_389 = arith.muli %scan3A_283, %mul3A_388 : i32
        %add3A_390 = arith.constant 208 : i32
        %add3A_391 = arith.addi %mul3A_389, %add3A_390 : i32
        %get3A_392 = arith.index_cast %add3A_391 : i32 to index
        %get3A_393 = tpu.vector_load %arg7[%get3A_392] {strides = array<i32>} : memref<10000xi32, #tpu.memory_space<vmem>>, vector<16xi32>,
        %get3A_394 = arith.index_cast %add3A_391 : i32 to index
        %get3A_395 = tpu.vector_load %arg9[%get3A_394] {strides = array<i32>} : memref<10000xf32, #tpu.memory_space<vmem>>, vector<16xf32>,
        tpu.vector_store_idx %arg6[%get3A_393], %get3A_395 {add = true} : memref<32768xf32, #tpu.memory_space<vmem>>[vector<16xi32>], vector<16xf32>,
        %mul3A_396 = arith.constant 400 : i32
        %mul3A_397 = arith.muli %scan3A_283, %mul3A_396 : i32
        %add3A_398 = arith.constant 224 : i32
        %add3A_399 = arith.addi %mul3A_397, %add3A_398 : i32
        %get3A_400 = arith.index_cast %add3A_399 : i32 to index
        %get3A_401 = tpu.vector_load %arg7[%get3A_400] {strides = array<i32>} : memref<10000xi32, #tpu.memory_space<vmem>>, vector<16xi32>,
        %get3A_402 = arith.index_cast %add3A_399 : i32 to index
        %get3A_403 = tpu.vector_load %arg9[%get3A_402] {strides = array<i32>} : memref<10000xf32, #tpu.memory_space<vmem>>, vector<16xf32>,
        tpu.vector_store_idx %arg6[%get3A_401], %get3A_403 {add = true} : memref<32768xf32, #tpu.memory_space<vmem>>[vector<16xi32>], vector<16xf32>,
        %mul3A_404 = arith.constant 400 : i32
        %mul3A_405 = arith.muli %scan3A_283, %mul3A_404 : i32
        %add3A_406 = arith.constant 240 : i32
        %add3A_407 = arith.addi %mul3A_405, %add3A_406 : i32
        %get3A_408 = arith.index_cast %add3A_407 : i32 to index
        %get3A_409 = tpu.vector_load %arg7[%get3A_408] {strides = array<i32>} : memref<10000xi32, #tpu.memory_space<vmem>>, vector<16xi32>,
        %get3A_410 = arith.index_cast %add3A_407 : i32 to index
        %get3A_411 = tpu.vector_load %arg9[%get3A_410] {strides = array<i32>} : memref<10000xf32, #tpu.memory_space<vmem>>, vector<16xf32>,
        tpu.vector_store_idx %arg6[%get3A_409], %get3A_411 {add = true} : memref<32768xf32, #tpu.memory_space<vmem>>[vector<16xi32>], vector<16xf32>,
        %mul3A_412 = arith.constant 400 : i32
        %mul3A_413 = arith.muli %scan3A_283, %mul3A_412 : i32
        %add3A_414 = arith.constant 256 : i32
        %add3A_415 = arith.addi %mul3A_413, %add3A_414 : i32
        %get3A_416 = arith.index_cast %add3A_415 : i32 to index
        %get3A_417 = tpu.vector_load %arg7[%get3A_416] {strides = array<i32>} : memref<10000xi32, #tpu.memory_space<vmem>>, vector<16xi32>,
        %get3A_418 = arith.index_cast %add3A_415 : i32 to index
        %get3A_419 = tpu.vector_load %arg9[%get3A_418] {strides = array<i32>} : memref<10000xf32, #tpu.memory_space<vmem>>, vector<16xf32>,
        tpu.vector_store_idx %arg6[%get3A_417], %get3A_419 {add = true} : memref<32768xf32, #tpu.memory_space<vmem>>[vector<16xi32>], vector<16xf32>,
        %mul3A_420 = arith.constant 400 : i32
        %mul3A_421 = arith.muli %scan3A_283, %mul3A_420 : i32
        %add3A_422 = arith.constant 272 : i32
        %add3A_423 = arith.addi %mul3A_421, %add3A_422 : i32
        %get3A_424 = arith.index_cast %add3A_423 : i32 to index
        %get3A_425 = tpu.vector_load %arg7[%get3A_424] {strides = array<i32>} : memref<10000xi32, #tpu.memory_space<vmem>>, vector<16xi32>,
        %get3A_426 = arith.index_cast %add3A_423 : i32 to index
        %get3A_427 = tpu.vector_load %arg9[%get3A_426] {strides = array<i32>} : memref<10000xf32, #tpu.memory_space<vmem>>, vector<16xf32>,
        tpu.vector_store_idx %arg6[%get3A_425], %get3A_427 {add = true} : memref<32768xf32, #tpu.memory_space<vmem>>[vector<16xi32>], vector<16xf32>,
        %mul3A_428 = arith.constant 400 : i32
        %mul3A_429 = arith.muli %scan3A_283, %mul3A_428 : i32
        %add3A_430 = arith.constant 288 : i32
        %add3A_431 = arith.addi %mul3A_429, %add3A_430 : i32
        %get3A_432 = arith.index_cast %add3A_431 : i32 to index
        %get3A_433 = tpu.vector_load %arg7[%get3A_432] {strides = array<i32>} : memref<10000xi32, #tpu.memory_space<vmem>>, vector<16xi32>,
        %get3A_434 = arith.index_cast %add3A_431 : i32 to index
        %get3A_435 = tpu.vector_load %arg9[%get3A_434] {strides = array<i32>} : memref<10000xf32, #tpu.memory_space<vmem>>, vector<16xf32>,
        tpu.vector_store_idx %arg6[%get3A_433], %get3A_435 {add = true} : memref<32768xf32, #tpu.memory_space<vmem>>[vector<16xi32>], vector<16xf32>,
        %mul3A_436 = arith.constant 400 : i32
        %mul3A_437 = arith.muli %scan3A_283, %mul3A_436 : i32
        %add3A_438 = arith.constant 304 : i32
        %add3A_439 = arith.addi %mul3A_437, %add3A_438 : i32
        %get3A_440 = arith.index_cast %add3A_439 : i32 to index
        %get3A_441 = tpu.vector_load %arg7[%get3A_440] {strides = array<i32>} : memref<10000xi32, #tpu.memory_space<vmem>>, vector<16xi32>,
        %get3A_442 = arith.index_cast %add3A_439 : i32 to index
        %get3A_443 = tpu.vector_load %arg9[%get3A_442] {strides = array<i32>} : memref<10000xf32, #tpu.memory_space<vmem>>, vector<16xf32>,
        tpu.vector_store_idx %arg6[%get3A_441], %get3A_443 {add = true} : memref<32768xf32, #tpu.memory_space<vmem>>[vector<16xi32>], vector<16xf32>,
        %mul3A_444 = arith.constant 400 : i32
        %mul3A_445 = arith.muli %scan3A_283, %mul3A_444 : i32
        %add3A_446 = arith.constant 320 : i32
        %add3A_447 = arith.addi %mul3A_445, %add3A_446 : i32
        %get3A_448 = arith.index_cast %add3A_447 : i32 to index
        %get3A_449 = tpu.vector_load %arg7[%get3A_448] {strides = array<i32>} : memref<10000xi32, #tpu.memory_space<vmem>>, vector<16xi32>,
        %get3A_450 = arith.index_cast %add3A_447 : i32 to index
        %get3A_451 = tpu.vector_load %arg9[%get3A_450] {strides = array<i32>} : memref<10000xf32, #tpu.memory_space<vmem>>, vector<16xf32>,
        tpu.vector_store_idx %arg6[%get3A_449], %get3A_451 {add = true} : memref<32768xf32, #tpu.memory_space<vmem>>[vector<16xi32>], vector<16xf32>,
        %mul3A_452 = arith.constant 400 : i32
        %mul3A_453 = arith.muli %scan3A_283, %mul3A_452 : i32
        %add3A_454 = arith.constant 336 : i32
        %add3A_455 = arith.addi %mul3A_453, %add3A_454 : i32
        %get3A_456 = arith.index_cast %add3A_455 : i32 to index
        %get3A_457 = tpu.vector_load %arg7[%get3A_456] {strides = array<i32>} : memref<10000xi32, #tpu.memory_space<vmem>>, vector<16xi32>,
        %get3A_458 = arith.index_cast %add3A_455 : i32 to index
        %get3A_459 = tpu.vector_load %arg9[%get3A_458] {strides = array<i32>} : memref<10000xf32, #tpu.memory_space<vmem>>, vector<16xf32>,
        tpu.vector_store_idx %arg6[%get3A_457], %get3A_459 {add = true} : memref<32768xf32, #tpu.memory_space<vmem>>[vector<16xi32>], vector<16xf32>,
        %mul3A_460 = arith.constant 400 : i32
        %mul3A_461 = arith.muli %scan3A_283, %mul3A_460 : i32
        %add3A_462 = arith.constant 352 : i32
        %add3A_463 = arith.addi %mul3A_461, %add3A_462 : i32
        %get3A_464 = arith.index_cast %add3A_463 : i32 to index
        %get3A_465 = tpu.vector_load %arg7[%get3A_464] {strides = array<i32>} : memref<10000xi32, #tpu.memory_space<vmem>>, vector<16xi32>,
        %get3A_466 = arith.index_cast %add3A_463 : i32 to index
        %get3A_467 = tpu.vector_load %arg9[%get3A_466] {strides = array<i32>} : memref<10000xf32, #tpu.memory_space<vmem>>, vector<16xf32>,
        tpu.vector_store_idx %arg6[%get3A_465], %get3A_467 {add = true} : memref<32768xf32, #tpu.memory_space<vmem>>[vector<16xi32>], vector<16xf32>,
        %mul3A_468 = arith.constant 400 : i32
        %mul3A_469 = arith.muli %scan3A_283, %mul3A_468 : i32
        %add3A_470 = arith.constant 368 : i32
        %add3A_471 = arith.addi %mul3A_469, %add3A_470 : i32
        %get3A_472 = arith.index_cast %add3A_471 : i32 to index
        %get3A_473 = tpu.vector_load %arg7[%get3A_472] {strides = array<i32>} : memref<10000xi32, #tpu.memory_space<vmem>>, vector<16xi32>,
        %get3A_474 = arith.index_cast %add3A_471 : i32 to index
        %get3A_475 = tpu.vector_load %arg9[%get3A_474] {strides = array<i32>} : memref<10000xf32, #tpu.memory_space<vmem>>, vector<16xf32>,
        tpu.vector_store_idx %arg6[%get3A_473], %get3A_475 {add = true} : memref<32768xf32, #tpu.memory_space<vmem>>[vector<16xi32>], vector<16xf32>,
        %mul3A_476 = arith.constant 400 : i32
        %mul3A_477 = arith.muli %scan3A_283, %mul3A_476 : i32
        %add3A_478 = arith.constant 384 : i32
        %add3A_479 = arith.addi %mul3A_477, %add3A_478 : i32
        %get3A_480 = arith.index_cast %add3A_479 : i32 to index
        %get3A_481 = tpu.vector_load %arg7[%get3A_480] {strides = array<i32>} : memref<10000xi32, #tpu.memory_space<vmem>>, vector<16xi32>,
        %get3A_482 = arith.index_cast %add3A_479 : i32 to index
        %get3A_483 = tpu.vector_load %arg9[%get3A_482] {strides = array<i32>} : memref<10000xf32, #tpu.memory_space<vmem>>, vector<16xf32>,
        tpu.vector_store_idx %arg6[%get3A_481], %get3A_483 {add = true} : memref<32768xf32, #tpu.memory_space<vmem>>[vector<16xi32>], vector<16xf32>,
      }
      %scan3A_255 = arith.constant 25 : i32
      %mul3A_256 = arith.constant 2 : i32
      %mul3A_257 = arith.muli %mul3A_256, %scan3A_221 : i32
      %add3A_258 = arith.constant 2 : i32
      %add3A_259 = arith.addi %mul3A_257, %add3A_258 : i32
      %lt3A_260 = arith.constant 10 : i32
      %lt3A_261 = arith.cmpi slt, %add3A_259, %lt3A_260 : i32
      %convert_element_type3A_262 = arith.extui %lt3A_261 : i1 to i32
      %cond3A_263 = arith.constant 0 : i32
      %cond3A_264 = arith.cmpi ne, %convert_element_type3A_262, %cond3A_263 : i32
      scf.if %cond3A_264 {
        %mul3A_283 = arith.constant 2 : i32
        %mul3A_284 = arith.muli %mul3A_283, %scan3A_221 : i32
        %add3A_285 = arith.constant 2 : i32
        %add3A_286 = arith.addi %mul3A_284, %add3A_285 : i32
        %mul3A_287 = arith.constant 10000 : i32
        %mul3A_288 = arith.muli %add3A_286, %mul3A_287 : i32
        %add3A_289 = arith.addi %mul3A_83, %mul3A_288 : i32
        %dma_start3A_290 = arith.constant 0 : i32
        %dma_start3A_291 = tpu.memref_slice %arg7[%dma_start3A_290] : memref<10000xi32, #tpu.memory_space<vmem>> -> memref<10000xi32, #tpu.memory_space<vmem>>
        %dma_start3A_292 = tpu.memref_slice %arg3[%add3A_289] : memref<800000xi32, #tpu.memory_space<hbm>> -> memref<10000xi32, #tpu.memory_space<hbm>>
        %dma_start3A_293 = arith.constant 0 : i32
        %dma_start3A_294 = tpu.memref_slice %arg7[%dma_start3A_293] : memref<10000xi32, #tpu.memory_space<vmem>> -> memref<10000xi32, #tpu.memory_space<vmem>>
        %dma_start3A_295 = tpu.memref_slice %arg3[%add3A_289] : memref<800000xi32, #tpu.memory_space<hbm>> -> memref<10000xi32, #tpu.memory_space<hbm>>
        tpu.enqueue_dma source(%dma_start3A_295 : memref<10000xi32, #tpu.memory_space<hbm>>) target(%dma_start3A_294 : memref<10000xi32, #tpu.memory_space<vmem>>) target_semaphore(%arg11 : memref<!tpu.dma_semaphore, #tpu.memory_space<semaphore_mem>>)
        %add3A_296 = arith.addi %mul3A_85, %mul3A_288 : i32
        %dma_start3A_297 = tpu.memref_slice %arg2[%add3A_296] : memref<6400000xf32, #tpu.memory_space<hbm>> -> memref<10000xf32, #tpu.memory_space<hbm>>
        %dma_start3A_298 = tpu.memref_slice %arg2[%add3A_296] : memref<6400000xf32, #tpu.memory_space<hbm>> -> memref<10000xf32, #tpu.memory_space<hbm>>
        tpu.enqueue_dma source(%dma_start3A_298 : memref<10000xf32, #tpu.memory_space<hbm>>) target(%arg9 : memref<10000xf32, #tpu.memory_space<vmem>>) target_semaphore(%arg11 : memref<!tpu.dma_semaphore, #tpu.memory_space<semaphore_mem>>)
      } else {
      }
      %dma_wait3A_265 = arith.constant 0 : i32
      %dma_wait3A_266 = tpu.memref_slice %arg8[%dma_wait3A_265] : memref<10000xi32, #tpu.memory_space<vmem>> -> memref<10000xi32, #tpu.memory_space<vmem>>
      %dma_wait3A_267 = arith.constant 0 : i32
      %dma_wait3A_268 = tpu.memref_slice %arg3[%dma_wait3A_267] : memref<800000xi32, #tpu.memory_space<hbm>> -> memref<10000xi32, #tpu.memory_space<hbm>>
      %dma_wait3A_269 = arith.constant 0 : i32
      %dma_wait3A_270 = tpu.memref_slice %arg8[%dma_wait3A_269] : memref<10000xi32, #tpu.memory_space<vmem>> -> memref<10000xi32, #tpu.memory_space<vmem>>
      %dma_wait3A_271 = arith.constant 0 : i32
      %dma_wait3A_272 = tpu.memref_slice %arg3[%dma_wait3A_271] : memref<800000xi32, #tpu.memory_space<hbm>> -> memref<10000xi32, #tpu.memory_space<hbm>>
      tpu.wait_dma2 semaphore(%arg12 : memref<!tpu.dma_semaphore, #tpu.memory_space<semaphore_mem>>) src(%dma_wait3A_272 : memref<10000xi32, #tpu.memory_space<hbm>>) dst(%dma_wait3A_270 : memref<10000xi32, #tpu.memory_space<vmem>>)
      %dma_wait3A_273 = arith.constant 0 : i32
      %dma_wait3A_274 = tpu.memref_slice %arg2[%dma_wait3A_273] : memref<6400000xf32, #tpu.memory_space<hbm>> -> memref<10000xf32, #tpu.memory_space<hbm>>
      %dma_wait3A_275 = arith.constant 0 : i32
      %dma_wait3A_276 = tpu.memref_slice %arg2[%dma_wait3A_275] : memref<6400000xf32, #tpu.memory_space<hbm>> -> memref<10000xf32, #tpu.memory_space<hbm>>
      tpu.wait_dma2 semaphore(%arg12 : memref<!tpu.dma_semaphore, #tpu.memory_space<semaphore_mem>>) src(%dma_wait3A_276 : memref<10000xf32, #tpu.memory_space<hbm>>) dst(%arg10 : memref<10000xf32, #tpu.memory_space<vmem>>)
      %scan3A_277 = arith.constant 0 : i32
      %scan3A_278 = arith.constant 0 : i32
      %scan3A_279 = arith.constant 25 : i32
      %scan3A_280 = arith.addi %scan3A_278, %scan3A_279 : i32
      %scan3A_281 = arith.constant 1 : i32
      scf.for %scan3A_283 = %scan3A_278 to %scan3A_280 step %scan3A_281  : i32 {
        %mul3A_284 = arith.constant 400 : i32
        %mul3A_285 = arith.muli %scan3A_283, %mul3A_284 : i32
        %add3A_286 = arith.constant 0 : i32
        %add3A_287 = arith.addi %mul3A_285, %add3A_286 : i32
        %get3A_288 = arith.index_cast %add3A_287 : i32 to index
        %get3A_289 = tpu.vector_load %arg8[%get3A_288] {strides = array<i32>} : memref<10000xi32, #tpu.memory_space<vmem>>, vector<16xi32>,
        %get3A_290 = arith.index_cast %add3A_287 : i32 to index
        %get3A_291 = tpu.vector_load %arg10[%get3A_290] {strides = array<i32>} : memref<10000xf32, #tpu.memory_space<vmem>>, vector<16xf32>,
        tpu.vector_store_idx %arg6[%get3A_289], %get3A_291 {add = true} : memref<32768xf32, #tpu.memory_space<vmem>>[vector<16xi32>], vector<16xf32>,
        %mul3A_292 = arith.constant 400 : i32
        %mul3A_293 = arith.muli %scan3A_283, %mul3A_292 : i32
        %add3A_294 = arith.constant 16 : i32
        %add3A_295 = arith.addi %mul3A_293, %add3A_294 : i32
        %get3A_296 = arith.index_cast %add3A_295 : i32 to index
        %get3A_297 = tpu.vector_load %arg8[%get3A_296] {strides = array<i32>} : memref<10000xi32, #tpu.memory_space<vmem>>, vector<16xi32>,
        %get3A_298 = arith.index_cast %add3A_295 : i32 to index
        %get3A_299 = tpu.vector_load %arg10[%get3A_298] {strides = array<i32>} : memref<10000xf32, #tpu.memory_space<vmem>>, vector<16xf32>,
        tpu.vector_store_idx %arg6[%get3A_297], %get3A_299 {add = true} : memref<32768xf32, #tpu.memory_space<vmem>>[vector<16xi32>], vector<16xf32>,
        %mul3A_300 = arith.constant 400 : i32
        %mul3A_301 = arith.muli %scan3A_283, %mul3A_300 : i32
        %add3A_302 = arith.constant 32 : i32
        %add3A_303 = arith.addi %mul3A_301, %add3A_302 : i32
        %get3A_304 = arith.index_cast %add3A_303 : i32 to index
        %get3A_305 = tpu.vector_load %arg8[%get3A_304] {strides = array<i32>} : memref<10000xi32, #tpu.memory_space<vmem>>, vector<16xi32>,
        %get3A_306 = arith.index_cast %add3A_303 : i32 to index
        %get3A_307 = tpu.vector_load %arg10[%get3A_306] {strides = array<i32>} : memref<10000xf32, #tpu.memory_space<vmem>>, vector<16xf32>,
        tpu.vector_store_idx %arg6[%get3A_305], %get3A_307 {add = true} : memref<32768xf32, #tpu.memory_space<vmem>>[vector<16xi32>], vector<16xf32>,
        %mul3A_308 = arith.constant 400 : i32
        %mul3A_309 = arith.muli %scan3A_283, %mul3A_308 : i32
        %add3A_310 = arith.constant 48 : i32
        %add3A_311 = arith.addi %mul3A_309, %add3A_310 : i32
        %get3A_312 = arith.index_cast %add3A_311 : i32 to index
        %get3A_313 = tpu.vector_load %arg8[%get3A_312] {strides = array<i32>} : memref<10000xi32, #tpu.memory_space<vmem>>, vector<16xi32>,
        %get3A_314 = arith.index_cast %add3A_311 : i32 to index
        %get3A_315 = tpu.vector_load %arg10[%get3A_314] {strides = array<i32>} : memref<10000xf32, #tpu.memory_space<vmem>>, vector<16xf32>,
        tpu.vector_store_idx %arg6[%get3A_313], %get3A_315 {add = true} : memref<32768xf32, #tpu.memory_space<vmem>>[vector<16xi32>], vector<16xf32>,
        %mul3A_316 = arith.constant 400 : i32
        %mul3A_317 = arith.muli %scan3A_283, %mul3A_316 : i32
        %add3A_318 = arith.constant 64 : i32
        %add3A_319 = arith.addi %mul3A_317, %add3A_318 : i32
        %get3A_320 = arith.index_cast %add3A_319 : i32 to index
        %get3A_321 = tpu.vector_load %arg8[%get3A_320] {strides = array<i32>} : memref<10000xi32, #tpu.memory_space<vmem>>, vector<16xi32>,
        %get3A_322 = arith.index_cast %add3A_319 : i32 to index
        %get3A_323 = tpu.vector_load %arg10[%get3A_322] {strides = array<i32>} : memref<10000xf32, #tpu.memory_space<vmem>>, vector<16xf32>,
        tpu.vector_store_idx %arg6[%get3A_321], %get3A_323 {add = true} : memref<32768xf32, #tpu.memory_space<vmem>>[vector<16xi32>], vector<16xf32>,
        %mul3A_324 = arith.constant 400 : i32
        %mul3A_325 = arith.muli %scan3A_283, %mul3A_324 : i32
        %add3A_326 = arith.constant 80 : i32
        %add3A_327 = arith.addi %mul3A_325, %add3A_326 : i32
        %get3A_328 = arith.index_cast %add3A_327 : i32 to index
        %get3A_329 = tpu.vector_load %arg8[%get3A_328] {strides = array<i32>} : memref<10000xi32, #tpu.memory_space<vmem>>, vector<16xi32>,
        %get3A_330 = arith.index_cast %add3A_327 : i32 to index
        %get3A_331 = tpu.vector_load %arg10[%get3A_330] {strides = array<i32>} : memref<10000xf32, #tpu.memory_space<vmem>>, vector<16xf32>,
        tpu.vector_store_idx %arg6[%get3A_329], %get3A_331 {add = true} : memref<32768xf32, #tpu.memory_space<vmem>>[vector<16xi32>], vector<16xf32>,
        %mul3A_332 = arith.constant 400 : i32
        %mul3A_333 = arith.muli %scan3A_283, %mul3A_332 : i32
        %add3A_334 = arith.constant 96 : i32
        %add3A_335 = arith.addi %mul3A_333, %add3A_334 : i32
        %get3A_336 = arith.index_cast %add3A_335 : i32 to index
        %get3A_337 = tpu.vector_load %arg8[%get3A_336] {strides = array<i32>} : memref<10000xi32, #tpu.memory_space<vmem>>, vector<16xi32>,
        %get3A_338 = arith.index_cast %add3A_335 : i32 to index
        %get3A_339 = tpu.vector_load %arg10[%get3A_338] {strides = array<i32>} : memref<10000xf32, #tpu.memory_space<vmem>>, vector<16xf32>,
        tpu.vector_store_idx %arg6[%get3A_337], %get3A_339 {add = true} : memref<32768xf32, #tpu.memory_space<vmem>>[vector<16xi32>], vector<16xf32>,
        %mul3A_340 = arith.constant 400 : i32
        %mul3A_341 = arith.muli %scan3A_283, %mul3A_340 : i32
        %add3A_342 = arith.constant 112 : i32
        %add3A_343 = arith.addi %mul3A_341, %add3A_342 : i32
        %get3A_344 = arith.index_cast %add3A_343 : i32 to index
        %get3A_345 = tpu.vector_load %arg8[%get3A_344] {strides = array<i32>} : memref<10000xi32, #tpu.memory_space<vmem>>, vector<16xi32>,
        %get3A_346 = arith.index_cast %add3A_343 : i32 to index
        %get3A_347 = tpu.vector_load %arg10[%get3A_346] {strides = array<i32>} : memref<10000xf32, #tpu.memory_space<vmem>>, vector<16xf32>,
        tpu.vector_store_idx %arg6[%get3A_345], %get3A_347 {add = true} : memref<32768xf32, #tpu.memory_space<vmem>>[vector<16xi32>], vector<16xf32>,
        %mul3A_348 = arith.constant 400 : i32
        %mul3A_349 = arith.muli %scan3A_283, %mul3A_348 : i32
        %add3A_350 = arith.constant 128 : i32
        %add3A_351 = arith.addi %mul3A_349, %add3A_350 : i32
        %get3A_352 = arith.index_cast %add3A_351 : i32 to index
        %get3A_353 = tpu.vector_load %arg8[%get3A_352] {strides = array<i32>} : memref<10000xi32, #tpu.memory_space<vmem>>, vector<16xi32>,
        %get3A_354 = arith.index_cast %add3A_351 : i32 to index
        %get3A_355 = tpu.vector_load %arg10[%get3A_354] {strides = array<i32>} : memref<10000xf32, #tpu.memory_space<vmem>>, vector<16xf32>,
        tpu.vector_store_idx %arg6[%get3A_353], %get3A_355 {add = true} : memref<32768xf32, #tpu.memory_space<vmem>>[vector<16xi32>], vector<16xf32>,
        %mul3A_356 = arith.constant 400 : i32
        %mul3A_357 = arith.muli %scan3A_283, %mul3A_356 : i32
        %add3A_358 = arith.constant 144 : i32
        %add3A_359 = arith.addi %mul3A_357, %add3A_358 : i32
        %get3A_360 = arith.index_cast %add3A_359 : i32 to index
        %get3A_361 = tpu.vector_load %arg8[%get3A_360] {strides = array<i32>} : memref<10000xi32, #tpu.memory_space<vmem>>, vector<16xi32>,
        %get3A_362 = arith.index_cast %add3A_359 : i32 to index
        %get3A_363 = tpu.vector_load %arg10[%get3A_362] {strides = array<i32>} : memref<10000xf32, #tpu.memory_space<vmem>>, vector<16xf32>,
        tpu.vector_store_idx %arg6[%get3A_361], %get3A_363 {add = true} : memref<32768xf32, #tpu.memory_space<vmem>>[vector<16xi32>], vector<16xf32>,
        %mul3A_364 = arith.constant 400 : i32
        %mul3A_365 = arith.muli %scan3A_283, %mul3A_364 : i32
        %add3A_366 = arith.constant 160 : i32
        %add3A_367 = arith.addi %mul3A_365, %add3A_366 : i32
        %get3A_368 = arith.index_cast %add3A_367 : i32 to index
        %get3A_369 = tpu.vector_load %arg8[%get3A_368] {strides = array<i32>} : memref<10000xi32, #tpu.memory_space<vmem>>, vector<16xi32>,
        %get3A_370 = arith.index_cast %add3A_367 : i32 to index
        %get3A_371 = tpu.vector_load %arg10[%get3A_370] {strides = array<i32>} : memref<10000xf32, #tpu.memory_space<vmem>>, vector<16xf32>,
        tpu.vector_store_idx %arg6[%get3A_369], %get3A_371 {add = true} : memref<32768xf32, #tpu.memory_space<vmem>>[vector<16xi32>], vector<16xf32>,
        %mul3A_372 = arith.constant 400 : i32
        %mul3A_373 = arith.muli %scan3A_283, %mul3A_372 : i32
        %add3A_374 = arith.constant 176 : i32
        %add3A_375 = arith.addi %mul3A_373, %add3A_374 : i32
        %get3A_376 = arith.index_cast %add3A_375 : i32 to index
        %get3A_377 = tpu.vector_load %arg8[%get3A_376] {strides = array<i32>} : memref<10000xi32, #tpu.memory_space<vmem>>, vector<16xi32>,
        %get3A_378 = arith.index_cast %add3A_375 : i32 to index
        %get3A_379 = tpu.vector_load %arg10[%get3A_378] {strides = array<i32>} : memref<10000xf32, #tpu.memory_space<vmem>>, vector<16xf32>,
        tpu.vector_store_idx %arg6[%get3A_377], %get3A_379 {add = true} : memref<32768xf32, #tpu.memory_space<vmem>>[vector<16xi32>], vector<16xf32>,
        %mul3A_380 = arith.constant 400 : i32
        %mul3A_381 = arith.muli %scan3A_283, %mul3A_380 : i32
        %add3A_382 = arith.constant 192 : i32
        %add3A_383 = arith.addi %mul3A_381, %add3A_382 : i32
        %get3A_384 = arith.index_cast %add3A_383 : i32 to index
        %get3A_385 = tpu.vector_load %arg8[%get3A_384] {strides = array<i32>} : memref<10000xi32, #tpu.memory_space<vmem>>, vector<16xi32>,
        %get3A_386 = arith.index_cast %add3A_383 : i32 to index
        %get3A_387 = tpu.vector_load %arg10[%get3A_386] {strides = array<i32>} : memref<10000xf32, #tpu.memory_space<vmem>>, vector<16xf32>,
        tpu.vector_store_idx %arg6[%get3A_385], %get3A_387 {add = true} : memref<32768xf32, #tpu.memory_space<vmem>>[vector<16xi32>], vector<16xf32>,
        %mul3A_388 = arith.constant 400 : i32
        %mul3A_389 = arith.muli %scan3A_283, %mul3A_388 : i32
        %add3A_390 = arith.constant 208 : i32
        %add3A_391 = arith.addi %mul3A_389, %add3A_390 : i32
        %get3A_392 = arith.index_cast %add3A_391 : i32 to index
        %get3A_393 = tpu.vector_load %arg8[%get3A_392] {strides = array<i32>} : memref<10000xi32, #tpu.memory_space<vmem>>, vector<16xi32>,
        %get3A_394 = arith.index_cast %add3A_391 : i32 to index
        %get3A_395 = tpu.vector_load %arg10[%get3A_394] {strides = array<i32>} : memref<10000xf32, #tpu.memory_space<vmem>>, vector<16xf32>,
        tpu.vector_store_idx %arg6[%get3A_393], %get3A_395 {add = true} : memref<32768xf32, #tpu.memory_space<vmem>>[vector<16xi32>], vector<16xf32>,
        %mul3A_396 = arith.constant 400 : i32
        %mul3A_397 = arith.muli %scan3A_283, %mul3A_396 : i32
        %add3A_398 = arith.constant 224 : i32
        %add3A_399 = arith.addi %mul3A_397, %add3A_398 : i32
        %get3A_400 = arith.index_cast %add3A_399 : i32 to index
        %get3A_401 = tpu.vector_load %arg8[%get3A_400] {strides = array<i32>} : memref<10000xi32, #tpu.memory_space<vmem>>, vector<16xi32>,
        %get3A_402 = arith.index_cast %add3A_399 : i32 to index
        %get3A_403 = tpu.vector_load %arg10[%get3A_402] {strides = array<i32>} : memref<10000xf32, #tpu.memory_space<vmem>>, vector<16xf32>,
        tpu.vector_store_idx %arg6[%get3A_401], %get3A_403 {add = true} : memref<32768xf32, #tpu.memory_space<vmem>>[vector<16xi32>], vector<16xf32>,
        %mul3A_404 = arith.constant 400 : i32
        %mul3A_405 = arith.muli %scan3A_283, %mul3A_404 : i32
        %add3A_406 = arith.constant 240 : i32
        %add3A_407 = arith.addi %mul3A_405, %add3A_406 : i32
        %get3A_408 = arith.index_cast %add3A_407 : i32 to index
        %get3A_409 = tpu.vector_load %arg8[%get3A_408] {strides = array<i32>} : memref<10000xi32, #tpu.memory_space<vmem>>, vector<16xi32>,
        %get3A_410 = arith.index_cast %add3A_407 : i32 to index
        %get3A_411 = tpu.vector_load %arg10[%get3A_410] {strides = array<i32>} : memref<10000xf32, #tpu.memory_space<vmem>>, vector<16xf32>,
        tpu.vector_store_idx %arg6[%get3A_409], %get3A_411 {add = true} : memref<32768xf32, #tpu.memory_space<vmem>>[vector<16xi32>], vector<16xf32>,
        %mul3A_412 = arith.constant 400 : i32
        %mul3A_413 = arith.muli %scan3A_283, %mul3A_412 : i32
        %add3A_414 = arith.constant 256 : i32
        %add3A_415 = arith.addi %mul3A_413, %add3A_414 : i32
        %get3A_416 = arith.index_cast %add3A_415 : i32 to index
        %get3A_417 = tpu.vector_load %arg8[%get3A_416] {strides = array<i32>} : memref<10000xi32, #tpu.memory_space<vmem>>, vector<16xi32>,
        %get3A_418 = arith.index_cast %add3A_415 : i32 to index
        %get3A_419 = tpu.vector_load %arg10[%get3A_418] {strides = array<i32>} : memref<10000xf32, #tpu.memory_space<vmem>>, vector<16xf32>,
        tpu.vector_store_idx %arg6[%get3A_417], %get3A_419 {add = true} : memref<32768xf32, #tpu.memory_space<vmem>>[vector<16xi32>], vector<16xf32>,
        %mul3A_420 = arith.constant 400 : i32
        %mul3A_421 = arith.muli %scan3A_283, %mul3A_420 : i32
        %add3A_422 = arith.constant 272 : i32
        %add3A_423 = arith.addi %mul3A_421, %add3A_422 : i32
        %get3A_424 = arith.index_cast %add3A_423 : i32 to index
        %get3A_425 = tpu.vector_load %arg8[%get3A_424] {strides = array<i32>} : memref<10000xi32, #tpu.memory_space<vmem>>, vector<16xi32>,
        %get3A_426 = arith.index_cast %add3A_423 : i32 to index
        %get3A_427 = tpu.vector_load %arg10[%get3A_426] {strides = array<i32>} : memref<10000xf32, #tpu.memory_space<vmem>>, vector<16xf32>,
        tpu.vector_store_idx %arg6[%get3A_425], %get3A_427 {add = true} : memref<32768xf32, #tpu.memory_space<vmem>>[vector<16xi32>], vector<16xf32>,
        %mul3A_428 = arith.constant 400 : i32
        %mul3A_429 = arith.muli %scan3A_283, %mul3A_428 : i32
        %add3A_430 = arith.constant 288 : i32
        %add3A_431 = arith.addi %mul3A_429, %add3A_430 : i32
        %get3A_432 = arith.index_cast %add3A_431 : i32 to index
        %get3A_433 = tpu.vector_load %arg8[%get3A_432] {strides = array<i32>} : memref<10000xi32, #tpu.memory_space<vmem>>, vector<16xi32>,
        %get3A_434 = arith.index_cast %add3A_431 : i32 to index
        %get3A_435 = tpu.vector_load %arg10[%get3A_434] {strides = array<i32>} : memref<10000xf32, #tpu.memory_space<vmem>>, vector<16xf32>,
        tpu.vector_store_idx %arg6[%get3A_433], %get3A_435 {add = true} : memref<32768xf32, #tpu.memory_space<vmem>>[vector<16xi32>], vector<16xf32>,
        %mul3A_436 = arith.constant 400 : i32
        %mul3A_437 = arith.muli %scan3A_283, %mul3A_436 : i32
        %add3A_438 = arith.constant 304 : i32
        %add3A_439 = arith.addi %mul3A_437, %add3A_438 : i32
        %get3A_440 = arith.index_cast %add3A_439 : i32 to index
        %get3A_441 = tpu.vector_load %arg8[%get3A_440] {strides = array<i32>} : memref<10000xi32, #tpu.memory_space<vmem>>, vector<16xi32>,
        %get3A_442 = arith.index_cast %add3A_439 : i32 to index
        %get3A_443 = tpu.vector_load %arg10[%get3A_442] {strides = array<i32>} : memref<10000xf32, #tpu.memory_space<vmem>>, vector<16xf32>,
        tpu.vector_store_idx %arg6[%get3A_441], %get3A_443 {add = true} : memref<32768xf32, #tpu.memory_space<vmem>>[vector<16xi32>], vector<16xf32>,
        %mul3A_444 = arith.constant 400 : i32
        %mul3A_445 = arith.muli %scan3A_283, %mul3A_444 : i32
        %add3A_446 = arith.constant 320 : i32
        %add3A_447 = arith.addi %mul3A_445, %add3A_446 : i32
        %get3A_448 = arith.index_cast %add3A_447 : i32 to index
        %get3A_449 = tpu.vector_load %arg8[%get3A_448] {strides = array<i32>} : memref<10000xi32, #tpu.memory_space<vmem>>, vector<16xi32>,
        %get3A_450 = arith.index_cast %add3A_447 : i32 to index
        %get3A_451 = tpu.vector_load %arg10[%get3A_450] {strides = array<i32>} : memref<10000xf32, #tpu.memory_space<vmem>>, vector<16xf32>,
        tpu.vector_store_idx %arg6[%get3A_449], %get3A_451 {add = true} : memref<32768xf32, #tpu.memory_space<vmem>>[vector<16xi32>], vector<16xf32>,
        %mul3A_452 = arith.constant 400 : i32
        %mul3A_453 = arith.muli %scan3A_283, %mul3A_452 : i32
        %add3A_454 = arith.constant 336 : i32
        %add3A_455 = arith.addi %mul3A_453, %add3A_454 : i32
        %get3A_456 = arith.index_cast %add3A_455 : i32 to index
        %get3A_457 = tpu.vector_load %arg8[%get3A_456] {strides = array<i32>} : memref<10000xi32, #tpu.memory_space<vmem>>, vector<16xi32>,
        %get3A_458 = arith.index_cast %add3A_455 : i32 to index
        %get3A_459 = tpu.vector_load %arg10[%get3A_458] {strides = array<i32>} : memref<10000xf32, #tpu.memory_space<vmem>>, vector<16xf32>,
        tpu.vector_store_idx %arg6[%get3A_457], %get3A_459 {add = true} : memref<32768xf32, #tpu.memory_space<vmem>>[vector<16xi32>], vector<16xf32>,
        %mul3A_460 = arith.constant 400 : i32
        %mul3A_461 = arith.muli %scan3A_283, %mul3A_460 : i32
        %add3A_462 = arith.constant 352 : i32
        %add3A_463 = arith.addi %mul3A_461, %add3A_462 : i32
        %get3A_464 = arith.index_cast %add3A_463 : i32 to index
        %get3A_465 = tpu.vector_load %arg8[%get3A_464] {strides = array<i32>} : memref<10000xi32, #tpu.memory_space<vmem>>, vector<16xi32>,
        %get3A_466 = arith.index_cast %add3A_463 : i32 to index
        %get3A_467 = tpu.vector_load %arg10[%get3A_466] {strides = array<i32>} : memref<10000xf32, #tpu.memory_space<vmem>>, vector<16xf32>,
        tpu.vector_store_idx %arg6[%get3A_465], %get3A_467 {add = true} : memref<32768xf32, #tpu.memory_space<vmem>>[vector<16xi32>], vector<16xf32>,
        %mul3A_468 = arith.constant 400 : i32
        %mul3A_469 = arith.muli %scan3A_283, %mul3A_468 : i32
        %add3A_470 = arith.constant 368 : i32
        %add3A_471 = arith.addi %mul3A_469, %add3A_470 : i32
        %get3A_472 = arith.index_cast %add3A_471 : i32 to index
        %get3A_473 = tpu.vector_load %arg8[%get3A_472] {strides = array<i32>} : memref<10000xi32, #tpu.memory_space<vmem>>, vector<16xi32>,
        %get3A_474 = arith.index_cast %add3A_471 : i32 to index
        %get3A_475 = tpu.vector_load %arg10[%get3A_474] {strides = array<i32>} : memref<10000xf32, #tpu.memory_space<vmem>>, vector<16xf32>,
        tpu.vector_store_idx %arg6[%get3A_473], %get3A_475 {add = true} : memref<32768xf32, #tpu.memory_space<vmem>>[vector<16xi32>], vector<16xf32>,
        %mul3A_476 = arith.constant 400 : i32
        %mul3A_477 = arith.muli %scan3A_283, %mul3A_476 : i32
        %add3A_478 = arith.constant 384 : i32
        %add3A_479 = arith.addi %mul3A_477, %add3A_478 : i32
        %get3A_480 = arith.index_cast %add3A_479 : i32 to index
        %get3A_481 = tpu.vector_load %arg8[%get3A_480] {strides = array<i32>} : memref<10000xi32, #tpu.memory_space<vmem>>, vector<16xi32>,
        %get3A_482 = arith.index_cast %add3A_479 : i32 to index
        %get3A_483 = tpu.vector_load %arg10[%get3A_482] {strides = array<i32>} : memref<10000xf32, #tpu.memory_space<vmem>>, vector<16xf32>,
        tpu.vector_store_idx %arg6[%get3A_481], %get3A_483 {add = true} : memref<32768xf32, #tpu.memory_space<vmem>>[vector<16xi32>], vector<16xf32>,
      }
      %scan3A_282 = arith.constant 25 : i32
    }
    %scan3A_114 = arith.constant 5 : i32
    %dma_start3A_115 = tpu.memref_slice %arg4[%mul3A_87] : memref<2097152xf32, #tpu.memory_space<hbm>> -> memref<32768xf32, #tpu.memory_space<hbm>>
    %dma_start3A_116 = tpu.memref_slice %arg4[%mul3A_87] : memref<2097152xf32, #tpu.memory_space<hbm>> -> memref<32768xf32, #tpu.memory_space<hbm>>
    tpu.enqueue_dma source(%arg6 : memref<32768xf32, #tpu.memory_space<vmem>>) target(%dma_start3A_116 : memref<32768xf32, #tpu.memory_space<hbm>>) target_semaphore(%arg13 : memref<!tpu.dma_semaphore, #tpu.memory_space<semaphore_mem>>)
    %jit3A_117 = arith.constant 8 : i32
    %div3A_118 = arith.divsi %add3A, %jit3A_117 : i32
    %sign3A_119 = arith.constant 0 : i32
    %sign3A_120 = arith.cmpi sgt, %add3A, %sign3A_119 : i32
    %sign3A_121 = arith.extui %sign3A_120 : i1 to i32
    %sign3A_122 = arith.constant 0 : i32
    %sign3A_123 = arith.cmpi slt, %add3A, %sign3A_122 : i32
    %sign3A_124 = arith.extui %sign3A_123 : i1 to i32
    %sign3A_125 = arith.subi %sign3A_121, %sign3A_124 : i32
    %sign3A_126 = arith.constant 0 : i32
    %sign3A_127 = arith.cmpi sgt, %jit3A_117, %sign3A_126 : i32
    %sign3A_128 = arith.extui %sign3A_127 : i1 to i32
    %sign3A_129 = arith.constant 0 : i32
    %sign3A_130 = arith.cmpi slt, %jit3A_117, %sign3A_129 : i32
    %sign3A_131 = arith.extui %sign3A_130 : i1 to i32
    %sign3A_132 = arith.subi %sign3A_128, %sign3A_131 : i32
    %ne3A_133 = arith.cmpi ne, %sign3A_125, %sign3A_132 : i32
    %rem3A_134 = arith.remsi %add3A, %jit3A_117 : i32
    %ne3A_135 = arith.constant 0 : i32
    %ne3A_136 = arith.cmpi ne, %rem3A_134, %ne3A_135 : i32
    %and3A_137 = arith.andi %ne3A_133, %ne3A_136 : i1
    %sub3A_138 = arith.constant 1 : i32
    %sub3A_139 = arith.subi %div3A_118, %sub3A_138 : i32
    %select_n3A_140 = arith.select %and3A_137, %sub3A_139, %div3A_118 : i32
    %jit3A_141 = arith.constant 8 : i32
    %eq3A = arith.constant 0 : i32
    %eq3A_142 = arith.cmpi eq, %jit3A_141, %eq3A : i32
    %jit3A_143 = arith.constant 1 : i32
    %select_n3A_144 = arith.select %eq3A_142, %jit3A_143, %jit3A_141 : i32
    %rem3A_145 = arith.remsi %add3A, %select_n3A_144 : i32
    %ne3A_146 = arith.constant 0 : i32
    %ne3A_147 = arith.cmpi ne, %rem3A_145, %ne3A_146 : i32
    %lt3A = arith.constant 0 : i32
    %lt3A_148 = arith.cmpi slt, %rem3A_145, %lt3A : i32
    %lt3A_149 = arith.constant 0 : i32
    %lt3A_150 = arith.cmpi slt, %select_n3A_144, %lt3A_149 : i32
    %ne3A_151 = arith.xori %lt3A_148, %lt3A_150 : i1
    %and3A_152 = arith.andi %ne3A_151, %ne3A_147 : i1
    %add3A_153 = arith.addi %rem3A_145, %select_n3A_144 : i32
    %select_n3A_154 = arith.select %and3A_152, %add3A_153, %rem3A_145 : i32
    %add3A_155 = arith.constant 0 : i32
    %add3A_156 = arith.addi %add3A_155, %select_n3A_140 : i32
    %mul3A_157 = arith.constant 100000 : i32
    %mul3A_158 = arith.muli %add3A_156, %mul3A_157 : i32
    %mul3A_159 = arith.constant 12512 : i32
    %mul3A_160 = arith.muli %select_n3A_154, %mul3A_159 : i32
    %add3A_161 = arith.addi %mul3A_158, %mul3A_160 : i32
    %add3A_162 = arith.constant 0 : i32
    %add3A_163 = arith.addi %add3A_161, %add3A_162 : i32
    %dma_start3A_164 = arith.constant 0 : i32
    %dma_start3A_165 = tpu.memref_slice %arg7[%dma_start3A_164] : memref<10000xi32, #tpu.memory_space<vmem>> -> memref<6256xi32, #tpu.memory_space<vmem>>
    %dma_start3A_166 = tpu.memref_slice %arg3[%add3A_163] : memref<800000xi32, #tpu.memory_space<hbm>> -> memref<6256xi32, #tpu.memory_space<hbm>>
    %dma_start3A_167 = arith.constant 0 : i32
    %dma_start3A_168 = tpu.memref_slice %arg7[%dma_start3A_167] : memref<10000xi32, #tpu.memory_space<vmem>> -> memref<6256xi32, #tpu.memory_space<vmem>>
    %dma_start3A_169 = tpu.memref_slice %arg3[%add3A_163] : memref<800000xi32, #tpu.memory_space<hbm>> -> memref<6256xi32, #tpu.memory_space<hbm>>
    tpu.enqueue_dma source(%dma_start3A_169 : memref<6256xi32, #tpu.memory_space<hbm>>) target(%dma_start3A_168 : memref<6256xi32, #tpu.memory_space<vmem>>) target_semaphore(%arg11 : memref<!tpu.dma_semaphore, #tpu.memory_space<semaphore_mem>>)
    %dma_wait3A_170 = arith.constant 0 : i32
    %dma_wait3A_171 = tpu.memref_slice %arg4[%dma_wait3A_170] : memref<2097152xf32, #tpu.memory_space<hbm>> -> memref<32768xf32, #tpu.memory_space<hbm>>
    %dma_wait3A_172 = arith.constant 0 : i32
    %dma_wait3A_173 = tpu.memref_slice %arg4[%dma_wait3A_172] : memref<2097152xf32, #tpu.memory_space<hbm>> -> memref<32768xf32, #tpu.memory_space<hbm>>
    tpu.wait_dma2 semaphore(%arg13 : memref<!tpu.dma_semaphore, #tpu.memory_space<semaphore_mem>>) src(%dma_wait3A_173 : memref<32768xf32, #tpu.memory_space<hbm>>) dst(%arg6 : memref<32768xf32, #tpu.memory_space<vmem>>)
    %scan3A_174 = arith.constant 0 : i32
    %scan3A_175 = arith.constant 0 : i32
    %scan3A_176 = arith.constant 128 : i32
    %scan3A_177 = arith.addi %scan3A_175, %scan3A_176 : i32
    %scan3A_178 = arith.constant 1 : i32
    scf.for %scan3A_221 = %scan3A_175 to %scan3A_177 step %scan3A_178  : i32 {
      %mul3A_222 = arith.constant 256 : i32
      %mul3A_223 = arith.muli %scan3A_221, %mul3A_222 : i32
      %add3A_224 = arith.constant 0 : i32
      %add3A_225 = arith.addi %mul3A_223, %add3A_224 : i32
      %swap3A = arith.index_cast %add3A_225 : i32 to index
      %swap3A_226 = tpu.vector_load %arg6[%swap3A] {strides = array<i32>} : memref<32768xf32, #tpu.memory_space<vmem>>, vector<16xf32>,
      tpu.vector_store %arg6[%swap3A], %broadcast_in_dim3A_3 {strides = array<i32>} : memref<32768xf32, #tpu.memory_space<vmem>>, vector<16xf32>,
      %mul3A_227 = arith.constant 256 : i32
      %mul3A_228 = arith.muli %scan3A_221, %mul3A_227 : i32
      %add3A_229 = arith.constant 16 : i32
      %add3A_230 = arith.addi %mul3A_228, %add3A_229 : i32
      %swap3A_231 = arith.index_cast %add3A_230 : i32 to index
      %swap3A_232 = tpu.vector_load %arg6[%swap3A_231] {strides = array<i32>} : memref<32768xf32, #tpu.memory_space<vmem>>, vector<16xf32>,
      tpu.vector_store %arg6[%swap3A_231], %broadcast_in_dim3A_3 {strides = array<i32>} : memref<32768xf32, #tpu.memory_space<vmem>>, vector<16xf32>,
      %mul3A_233 = arith.constant 256 : i32
      %mul3A_234 = arith.muli %scan3A_221, %mul3A_233 : i32
      %add3A_235 = arith.constant 32 : i32
      %add3A_236 = arith.addi %mul3A_234, %add3A_235 : i32
      %swap3A_237 = arith.index_cast %add3A_236 : i32 to index
      %swap3A_238 = tpu.vector_load %arg6[%swap3A_237] {strides = array<i32>} : memref<32768xf32, #tpu.memory_space<vmem>>, vector<16xf32>,
      tpu.vector_store %arg6[%swap3A_237], %broadcast_in_dim3A_3 {strides = array<i32>} : memref<32768xf32, #tpu.memory_space<vmem>>, vector<16xf32>,
      %mul3A_239 = arith.constant 256 : i32
      %mul3A_240 = arith.muli %scan3A_221, %mul3A_239 : i32
      %add3A_241 = arith.constant 48 : i32
      %add3A_242 = arith.addi %mul3A_240, %add3A_241 : i32
      %swap3A_243 = arith.index_cast %add3A_242 : i32 to index
      %swap3A_244 = tpu.vector_load %arg6[%swap3A_243] {strides = array<i32>} : memref<32768xf32, #tpu.memory_space<vmem>>, vector<16xf32>,
      tpu.vector_store %arg6[%swap3A_243], %broadcast_in_dim3A_3 {strides = array<i32>} : memref<32768xf32, #tpu.memory_space<vmem>>, vector<16xf32>,
      %mul3A_245 = arith.constant 256 : i32
      %mul3A_246 = arith.muli %scan3A_221, %mul3A_245 : i32
      %add3A_247 = arith.constant 64 : i32
      %add3A_248 = arith.addi %mul3A_246, %add3A_247 : i32
      %swap3A_249 = arith.index_cast %add3A_248 : i32 to index
      %swap3A_250 = tpu.vector_load %arg6[%swap3A_249] {strides = array<i32>} : memref<32768xf32, #tpu.memory_space<vmem>>, vector<16xf32>,
      tpu.vector_store %arg6[%swap3A_249], %broadcast_in_dim3A_3 {strides = array<i32>} : memref<32768xf32, #tpu.memory_space<vmem>>, vector<16xf32>,
      %mul3A_251 = arith.constant 256 : i32
      %mul3A_252 = arith.muli %scan3A_221, %mul3A_251 : i32
      %add3A_253 = arith.constant 80 : i32
      %add3A_254 = arith.addi %mul3A_252, %add3A_253 : i32
      %swap3A_255 = arith.index_cast %add3A_254 : i32 to index
      %swap3A_256 = tpu.vector_load %arg6[%swap3A_255] {strides = array<i32>} : memref<32768xf32, #tpu.memory_space<vmem>>, vector<16xf32>,
      tpu.vector_store %arg6[%swap3A_255], %broadcast_in_dim3A_3 {strides = array<i32>} : memref<32768xf32, #tpu.memory_space<vmem>>, vector<16xf32>,
      %mul3A_257 = arith.constant 256 : i32
      %mul3A_258 = arith.muli %scan3A_221, %mul3A_257 : i32
      %add3A_259 = arith.constant 96 : i32
      %add3A_260 = arith.addi %mul3A_258, %add3A_259 : i32
      %swap3A_261 = arith.index_cast %add3A_260 : i32 to index
      %swap3A_262 = tpu.vector_load %arg6[%swap3A_261] {strides = array<i32>} : memref<32768xf32, #tpu.memory_space<vmem>>, vector<16xf32>,
      tpu.vector_store %arg6[%swap3A_261], %broadcast_in_dim3A_3 {strides = array<i32>} : memref<32768xf32, #tpu.memory_space<vmem>>, vector<16xf32>,
      %mul3A_263 = arith.constant 256 : i32
      %mul3A_264 = arith.muli %scan3A_221, %mul3A_263 : i32
      %add3A_265 = arith.constant 112 : i32
      %add3A_266 = arith.addi %mul3A_264, %add3A_265 : i32
      %swap3A_267 = arith.index_cast %add3A_266 : i32 to index
      %swap3A_268 = tpu.vector_load %arg6[%swap3A_267] {strides = array<i32>} : memref<32768xf32, #tpu.memory_space<vmem>>, vector<16xf32>,
      tpu.vector_store %arg6[%swap3A_267], %broadcast_in_dim3A_3 {strides = array<i32>} : memref<32768xf32, #tpu.memory_space<vmem>>, vector<16xf32>,
      %mul3A_269 = arith.constant 256 : i32
      %mul3A_270 = arith.muli %scan3A_221, %mul3A_269 : i32
      %add3A_271 = arith.constant 128 : i32
      %add3A_272 = arith.addi %mul3A_270, %add3A_271 : i32
      %swap3A_273 = arith.index_cast %add3A_272 : i32 to index
      %swap3A_274 = tpu.vector_load %arg6[%swap3A_273] {strides = array<i32>} : memref<32768xf32, #tpu.memory_space<vmem>>, vector<16xf32>,
      tpu.vector_store %arg6[%swap3A_273], %broadcast_in_dim3A_3 {strides = array<i32>} : memref<32768xf32, #tpu.memory_space<vmem>>, vector<16xf32>,
      %mul3A_275 = arith.constant 256 : i32
      %mul3A_276 = arith.muli %scan3A_221, %mul3A_275 : i32
      %add3A_277 = arith.constant 144 : i32
      %add3A_278 = arith.addi %mul3A_276, %add3A_277 : i32
      %swap3A_279 = arith.index_cast %add3A_278 : i32 to index
      %swap3A_280 = tpu.vector_load %arg6[%swap3A_279] {strides = array<i32>} : memref<32768xf32, #tpu.memory_space<vmem>>, vector<16xf32>,
      tpu.vector_store %arg6[%swap3A_279], %broadcast_in_dim3A_3 {strides = array<i32>} : memref<32768xf32, #tpu.memory_space<vmem>>, vector<16xf32>,
      %mul3A_281 = arith.constant 256 : i32
      %mul3A_282 = arith.muli %scan3A_221, %mul3A_281 : i32
      %add3A_283 = arith.constant 160 : i32
      %add3A_284 = arith.addi %mul3A_282, %add3A_283 : i32
      %swap3A_285 = arith.index_cast %add3A_284 : i32 to index
      %swap3A_286 = tpu.vector_load %arg6[%swap3A_285] {strides = array<i32>} : memref<32768xf32, #tpu.memory_space<vmem>>, vector<16xf32>,
      tpu.vector_store %arg6[%swap3A_285], %broadcast_in_dim3A_3 {strides = array<i32>} : memref<32768xf32, #tpu.memory_space<vmem>>, vector<16xf32>,
      %mul3A_287 = arith.constant 256 : i32
      %mul3A_288 = arith.muli %scan3A_221, %mul3A_287 : i32
      %add3A_289 = arith.constant 176 : i32
      %add3A_290 = arith.addi %mul3A_288, %add3A_289 : i32
      %swap3A_291 = arith.index_cast %add3A_290 : i32 to index
      %swap3A_292 = tpu.vector_load %arg6[%swap3A_291] {strides = array<i32>} : memref<32768xf32, #tpu.memory_space<vmem>>, vector<16xf32>,
      tpu.vector_store %arg6[%swap3A_291], %broadcast_in_dim3A_3 {strides = array<i32>} : memref<32768xf32, #tpu.memory_space<vmem>>, vector<16xf32>,
      %mul3A_293 = arith.constant 256 : i32
      %mul3A_294 = arith.muli %scan3A_221, %mul3A_293 : i32
      %add3A_295 = arith.constant 192 : i32
      %add3A_296 = arith.addi %mul3A_294, %add3A_295 : i32
      %swap3A_297 = arith.index_cast %add3A_296 : i32 to index
      %swap3A_298 = tpu.vector_load %arg6[%swap3A_297] {strides = array<i32>} : memref<32768xf32, #tpu.memory_space<vmem>>, vector<16xf32>,
      tpu.vector_store %arg6[%swap3A_297], %broadcast_in_dim3A_3 {strides = array<i32>} : memref<32768xf32, #tpu.memory_space<vmem>>, vector<16xf32>,
      %mul3A_299 = arith.constant 256 : i32
      %mul3A_300 = arith.muli %scan3A_221, %mul3A_299 : i32
      %add3A_301 = arith.constant 208 : i32
      %add3A_302 = arith.addi %mul3A_300, %add3A_301 : i32
      %swap3A_303 = arith.index_cast %add3A_302 : i32 to index
      %swap3A_304 = tpu.vector_load %arg6[%swap3A_303] {strides = array<i32>} : memref<32768xf32, #tpu.memory_space<vmem>>, vector<16xf32>,
      tpu.vector_store %arg6[%swap3A_303], %broadcast_in_dim3A_3 {strides = array<i32>} : memref<32768xf32, #tpu.memory_space<vmem>>, vector<16xf32>,
      %mul3A_305 = arith.constant 256 : i32
      %mul3A_306 = arith.muli %scan3A_221, %mul3A_305 : i32
      %add3A_307 = arith.constant 224 : i32
      %add3A_308 = arith.addi %mul3A_306, %add3A_307 : i32
      %swap3A_309 = arith.index_cast %add3A_308 : i32 to index
      %swap3A_310 = tpu.vector_load %arg6[%swap3A_309] {strides = array<i32>} : memref<32768xf32, #tpu.memory_space<vmem>>, vector<16xf32>,
      tpu.vector_store %arg6[%swap3A_309], %broadcast_in_dim3A_3 {strides = array<i32>} : memref<32768xf32, #tpu.memory_space<vmem>>, vector<16xf32>,
      %mul3A_311 = arith.constant 256 : i32
      %mul3A_312 = arith.muli %scan3A_221, %mul3A_311 : i32
      %add3A_313 = arith.constant 240 : i32
      %add3A_314 = arith.addi %mul3A_312, %add3A_313 : i32
      %swap3A_315 = arith.index_cast %add3A_314 : i32 to index
      %swap3A_316 = tpu.vector_load %arg6[%swap3A_315] {strides = array<i32>} : memref<32768xf32, #tpu.memory_space<vmem>>, vector<16xf32>,
      tpu.vector_store %arg6[%swap3A_315], %broadcast_in_dim3A_3 {strides = array<i32>} : memref<32768xf32, #tpu.memory_space<vmem>>, vector<16xf32>,
    }
    %scan3A_179 = arith.constant 128 : i32
    %lt3A_180 = arith.constant 7 : i32
    %lt3A_181 = arith.cmpi slt, %select_n3A_154, %lt3A_180 : i32
    %convert_element_type3A = arith.extui %lt3A_181 : i1 to i32
    %cond3A = arith.constant 0 : i32
    %cond3A_182 = arith.cmpi ne, %convert_element_type3A, %cond3A : i32
    scf.if %cond3A_182 {
      %add3A_221 = arith.constant 6256 : i32
      %add3A_222 = arith.addi %add3A_161, %add3A_221 : i32
      %dma_start3A_223 = arith.constant 0 : i32
      %dma_start3A_224 = tpu.memref_slice %arg8[%dma_start3A_223] : memref<10000xi32, #tpu.memory_space<vmem>> -> memref<6256xi32, #tpu.memory_space<vmem>>
      %dma_start3A_225 = tpu.memref_slice %arg3[%add3A_222] : memref<800000xi32, #tpu.memory_space<hbm>> -> memref<6256xi32, #tpu.memory_space<hbm>>
      %dma_start3A_226 = arith.constant 0 : i32
      %dma_start3A_227 = tpu.memref_slice %arg8[%dma_start3A_226] : memref<10000xi32, #tpu.memory_space<vmem>> -> memref<6256xi32, #tpu.memory_space<vmem>>
      %dma_start3A_228 = tpu.memref_slice %arg3[%add3A_222] : memref<800000xi32, #tpu.memory_space<hbm>> -> memref<6256xi32, #tpu.memory_space<hbm>>
      tpu.enqueue_dma source(%dma_start3A_228 : memref<6256xi32, #tpu.memory_space<hbm>>) target(%dma_start3A_227 : memref<6256xi32, #tpu.memory_space<vmem>>) target_semaphore(%arg12 : memref<!tpu.dma_semaphore, #tpu.memory_space<semaphore_mem>>)
    } else {
    }
    %eq3A_183 = arith.constant 7 : i32
    %eq3A_184 = arith.cmpi eq, %select_n3A_154, %eq3A_183 : i32
    %convert_element_type3A_185 = arith.extui %eq3A_184 : i1 to i32
    %cond3A_186 = arith.constant 0 : i32
    %cond3A_187 = arith.cmpi ne, %convert_element_type3A_185, %cond3A_186 : i32
    scf.if %cond3A_187 {
      %add3A_221 = arith.constant 6256 : i32
      %add3A_222 = arith.addi %add3A_161, %add3A_221 : i32
      %dma_start3A_223 = arith.constant 0 : i32
      %dma_start3A_224 = tpu.memref_slice %arg8[%dma_start3A_223] : memref<10000xi32, #tpu.memory_space<vmem>> -> memref<6160xi32, #tpu.memory_space<vmem>>
      %dma_start3A_225 = tpu.memref_slice %arg3[%add3A_222] : memref<800000xi32, #tpu.memory_space<hbm>> -> memref<6160xi32, #tpu.memory_space<hbm>>
      %dma_start3A_226 = arith.constant 0 : i32
      %dma_start3A_227 = tpu.memref_slice %arg8[%dma_start3A_226] : memref<10000xi32, #tpu.memory_space<vmem>> -> memref<6160xi32, #tpu.memory_space<vmem>>
      %dma_start3A_228 = tpu.memref_slice %arg3[%add3A_222] : memref<800000xi32, #tpu.memory_space<hbm>> -> memref<6160xi32, #tpu.memory_space<hbm>>
      tpu.enqueue_dma source(%dma_start3A_228 : memref<6160xi32, #tpu.memory_space<hbm>>) target(%dma_start3A_227 : memref<6160xi32, #tpu.memory_space<vmem>>) target_semaphore(%arg12 : memref<!tpu.dma_semaphore, #tpu.memory_space<semaphore_mem>>)
    } else {
    }
    %dma_wait3A_188 = arith.constant 0 : i32
    %dma_wait3A_189 = tpu.memref_slice %arg7[%dma_wait3A_188] : memref<10000xi32, #tpu.memory_space<vmem>> -> memref<6256xi32, #tpu.memory_space<vmem>>
    %dma_wait3A_190 = arith.constant 0 : i32
    %dma_wait3A_191 = tpu.memref_slice %arg3[%dma_wait3A_190] : memref<800000xi32, #tpu.memory_space<hbm>> -> memref<6256xi32, #tpu.memory_space<hbm>>
    %dma_wait3A_192 = arith.constant 0 : i32
    %dma_wait3A_193 = tpu.memref_slice %arg7[%dma_wait3A_192] : memref<10000xi32, #tpu.memory_space<vmem>> -> memref<6256xi32, #tpu.memory_space<vmem>>
    %dma_wait3A_194 = arith.constant 0 : i32
    %dma_wait3A_195 = tpu.memref_slice %arg3[%dma_wait3A_194] : memref<800000xi32, #tpu.memory_space<hbm>> -> memref<6256xi32, #tpu.memory_space<hbm>>
    tpu.wait_dma2 semaphore(%arg11 : memref<!tpu.dma_semaphore, #tpu.memory_space<semaphore_mem>>) src(%dma_wait3A_195 : memref<6256xi32, #tpu.memory_space<hbm>>) dst(%dma_wait3A_193 : memref<6256xi32, #tpu.memory_space<vmem>>)
    %scan3A_196 = arith.constant 0 : i32
    %scan3A_197 = arith.constant 0 : i32
    %scan3A_198 = arith.constant 195 : i32
    %scan3A_199 = arith.addi %scan3A_197, %scan3A_198 : i32
    %scan3A_200 = arith.constant 1 : i32
    scf.for %scan3A_221 = %scan3A_197 to %scan3A_199 step %scan3A_200  : i32 {
      %mul3A_222 = arith.constant 32 : i32
      %mul3A_223 = arith.muli %scan3A_221, %mul3A_222 : i32
      %add3A_224 = arith.constant 0 : i32
      %add3A_225 = arith.addi %mul3A_223, %add3A_224 : i32
      %get3A_226 = arith.index_cast %add3A_225 : i32 to index
      %get3A_227 = tpu.vector_load %arg7[%get3A_226] {strides = array<i32>} : memref<10000xi32, #tpu.memory_space<vmem>>, vector<16xi32>,
      tpu.vector_store_idx %arg6[%get3A_227], %broadcast_in_dim3A_1 {add = true} : memref<32768xf32, #tpu.memory_space<vmem>>[vector<16xi32>], vector<16xf32>,
      %mul3A_228 = arith.constant 32 : i32
      %mul3A_229 = arith.muli %scan3A_221, %mul3A_228 : i32
      %add3A_230 = arith.constant 16 : i32
      %add3A_231 = arith.addi %mul3A_229, %add3A_230 : i32
      %get3A_232 = arith.index_cast %add3A_231 : i32 to index
      %get3A_233 = tpu.vector_load %arg7[%get3A_232] {strides = array<i32>} : memref<10000xi32, #tpu.memory_space<vmem>>, vector<16xi32>,
      tpu.vector_store_idx %arg6[%get3A_233], %broadcast_in_dim3A_1 {add = true} : memref<32768xf32, #tpu.memory_space<vmem>>[vector<16xi32>], vector<16xf32>,
    }
    %scan3A_201 = arith.constant 195 : i32
    %get3A = arith.constant 6240 : index
    %get3A_202 = tpu.vector_load %arg7[%get3A] {strides = array<i32>} : memref<10000xi32, #tpu.memory_space<vmem>>, vector<16xi32>,
    tpu.vector_store_idx %arg6[%get3A_202], %broadcast_in_dim3A_1 {add = true} : memref<32768xf32, #tpu.memory_space<vmem>>[vector<16xi32>], vector<16xf32>,
    %lt3A_203 = arith.constant 7 : i32
    %lt3A_204 = arith.cmpi slt, %select_n3A_154, %lt3A_203 : i32
    %convert_element_type3A_205 = arith.extui %lt3A_204 : i1 to i32
    %cond3A_206 = arith.constant 0 : i32
    %cond3A_207 = arith.cmpi ne, %convert_element_type3A_205, %cond3A_206 : i32
    scf.if %cond3A_207 {
      %dma_wait3A_221 = arith.constant 0 : i32
      %dma_wait3A_222 = tpu.memref_slice %arg8[%dma_wait3A_221] : memref<10000xi32, #tpu.memory_space<vmem>> -> memref<6256xi32, #tpu.memory_space<vmem>>
      %dma_wait3A_223 = arith.constant 0 : i32
      %dma_wait3A_224 = tpu.memref_slice %arg3[%dma_wait3A_223] : memref<800000xi32, #tpu.memory_space<hbm>> -> memref<6256xi32, #tpu.memory_space<hbm>>
      %dma_wait3A_225 = arith.constant 0 : i32
      %dma_wait3A_226 = tpu.memref_slice %arg8[%dma_wait3A_225] : memref<10000xi32, #tpu.memory_space<vmem>> -> memref<6256xi32, #tpu.memory_space<vmem>>
      %dma_wait3A_227 = arith.constant 0 : i32
      %dma_wait3A_228 = tpu.memref_slice %arg3[%dma_wait3A_227] : memref<800000xi32, #tpu.memory_space<hbm>> -> memref<6256xi32, #tpu.memory_space<hbm>>
      tpu.wait_dma2 semaphore(%arg12 : memref<!tpu.dma_semaphore, #tpu.memory_space<semaphore_mem>>) src(%dma_wait3A_228 : memref<6256xi32, #tpu.memory_space<hbm>>) dst(%dma_wait3A_226 : memref<6256xi32, #tpu.memory_space<vmem>>)
      %scan3A_229 = arith.constant 0 : i32
      %scan3A_230 = arith.constant 0 : i32
      %scan3A_231 = arith.constant 195 : i32
      %scan3A_232 = arith.addi %scan3A_230, %scan3A_231 : i32
      %scan3A_233 = arith.constant 1 : i32
      scf.for %scan3A_237 = %scan3A_230 to %scan3A_232 step %scan3A_233  : i32 {
        %mul3A_238 = arith.constant 32 : i32
        %mul3A_239 = arith.muli %scan3A_237, %mul3A_238 : i32
        %add3A_240 = arith.constant 0 : i32
        %add3A_241 = arith.addi %mul3A_239, %add3A_240 : i32
        %get3A_242 = arith.index_cast %add3A_241 : i32 to index
        %get3A_243 = tpu.vector_load %arg8[%get3A_242] {strides = array<i32>} : memref<10000xi32, #tpu.memory_space<vmem>>, vector<16xi32>,
        tpu.vector_store_idx %arg6[%get3A_243], %broadcast_in_dim3A_1 {add = true} : memref<32768xf32, #tpu.memory_space<vmem>>[vector<16xi32>], vector<16xf32>,
        %mul3A_244 = arith.constant 32 : i32
        %mul3A_245 = arith.muli %scan3A_237, %mul3A_244 : i32
        %add3A_246 = arith.constant 16 : i32
        %add3A_247 = arith.addi %mul3A_245, %add3A_246 : i32
        %get3A_248 = arith.index_cast %add3A_247 : i32 to index
        %get3A_249 = tpu.vector_load %arg8[%get3A_248] {strides = array<i32>} : memref<10000xi32, #tpu.memory_space<vmem>>, vector<16xi32>,
        tpu.vector_store_idx %arg6[%get3A_249], %broadcast_in_dim3A_1 {add = true} : memref<32768xf32, #tpu.memory_space<vmem>>[vector<16xi32>], vector<16xf32>,
      }
      %scan3A_234 = arith.constant 195 : i32
      %get3A_235 = arith.constant 6240 : index
      %get3A_236 = tpu.vector_load %arg8[%get3A_235] {strides = array<i32>} : memref<10000xi32, #tpu.memory_space<vmem>>, vector<16xi32>,
      tpu.vector_store_idx %arg6[%get3A_236], %broadcast_in_dim3A_1 {add = true} : memref<32768xf32, #tpu.memory_space<vmem>>[vector<16xi32>], vector<16xf32>,
    } else {
    }
    %eq3A_208 = arith.constant 7 : i32
    %eq3A_209 = arith.cmpi eq, %select_n3A_154, %eq3A_208 : i32
    %convert_element_type3A_210 = arith.extui %eq3A_209 : i1 to i32
    %cond3A_211 = arith.constant 0 : i32
    %cond3A_212 = arith.cmpi ne, %convert_element_type3A_210, %cond3A_211 : i32
    scf.if %cond3A_212 {
      %dma_wait3A_221 = arith.constant 0 : i32
      %dma_wait3A_222 = tpu.memref_slice %arg8[%dma_wait3A_221] : memref<10000xi32, #tpu.memory_space<vmem>> -> memref<6160xi32, #tpu.memory_space<vmem>>
      %dma_wait3A_223 = arith.constant 0 : i32
      %dma_wait3A_224 = tpu.memref_slice %arg3[%dma_wait3A_223] : memref<800000xi32, #tpu.memory_space<hbm>> -> memref<6160xi32, #tpu.memory_space<hbm>>
      %dma_wait3A_225 = arith.constant 0 : i32
      %dma_wait3A_226 = tpu.memref_slice %arg8[%dma_wait3A_225] : memref<10000xi32, #tpu.memory_space<vmem>> -> memref<6160xi32, #tpu.memory_space<vmem>>
      %dma_wait3A_227 = arith.constant 0 : i32
      %dma_wait3A_228 = tpu.memref_slice %arg3[%dma_wait3A_227] : memref<800000xi32, #tpu.memory_space<hbm>> -> memref<6160xi32, #tpu.memory_space<hbm>>
      tpu.wait_dma2 semaphore(%arg12 : memref<!tpu.dma_semaphore, #tpu.memory_space<semaphore_mem>>) src(%dma_wait3A_228 : memref<6160xi32, #tpu.memory_space<hbm>>) dst(%dma_wait3A_226 : memref<6160xi32, #tpu.memory_space<vmem>>)
      %scan3A_229 = arith.constant 0 : i32
      %scan3A_230 = arith.constant 0 : i32
      %scan3A_231 = arith.constant 192 : i32
      %scan3A_232 = arith.addi %scan3A_230, %scan3A_231 : i32
      %scan3A_233 = arith.constant 1 : i32
      scf.for %scan3A_237 = %scan3A_230 to %scan3A_232 step %scan3A_233  : i32 {
        %mul3A_238 = arith.constant 32 : i32
        %mul3A_239 = arith.muli %scan3A_237, %mul3A_238 : i32
        %add3A_240 = arith.constant 0 : i32
        %add3A_241 = arith.addi %mul3A_239, %add3A_240 : i32
        %get3A_242 = arith.index_cast %add3A_241 : i32 to index
        %get3A_243 = tpu.vector_load %arg8[%get3A_242] {strides = array<i32>} : memref<10000xi32, #tpu.memory_space<vmem>>, vector<16xi32>,
        tpu.vector_store_idx %arg6[%get3A_243], %broadcast_in_dim3A_1 {add = true} : memref<32768xf32, #tpu.memory_space<vmem>>[vector<16xi32>], vector<16xf32>,
        %mul3A_244 = arith.constant 32 : i32
        %mul3A_245 = arith.muli %scan3A_237, %mul3A_244 : i32
        %add3A_246 = arith.constant 16 : i32
        %add3A_247 = arith.addi %mul3A_245, %add3A_246 : i32
        %get3A_248 = arith.index_cast %add3A_247 : i32 to index
        %get3A_249 = tpu.vector_load %arg8[%get3A_248] {strides = array<i32>} : memref<10000xi32, #tpu.memory_space<vmem>>, vector<16xi32>,
        tpu.vector_store_idx %arg6[%get3A_249], %broadcast_in_dim3A_1 {add = true} : memref<32768xf32, #tpu.memory_space<vmem>>[vector<16xi32>], vector<16xf32>,
      }
      %scan3A_234 = arith.constant 192 : i32
      %get3A_235 = arith.constant 6144 : index
      %get3A_236 = tpu.vector_load %arg8[%get3A_235] {strides = array<i32>} : memref<10000xi32, #tpu.memory_space<vmem>>, vector<16xi32>,
      tpu.vector_store_idx %arg6[%get3A_236], %broadcast_in_dim3A_1 {add = true} : memref<32768xf32, #tpu.memory_space<vmem>>[vector<16xi32>], vector<16xf32>,
    } else {
    }
    %mul3A_213 = arith.constant 32768 : i32
    %mul3A_214 = arith.muli %add3A, %mul3A_213 : i32
    %dma_start3A_215 = tpu.memref_slice %arg5[%mul3A_214] : memref<1048576xf32, #tpu.memory_space<hbm>> -> memref<32768xf32, #tpu.memory_space<hbm>>
    %dma_start3A_216 = tpu.memref_slice %arg5[%mul3A_214] : memref<1048576xf32, #tpu.memory_space<hbm>> -> memref<32768xf32, #tpu.memory_space<hbm>>
    tpu.enqueue_dma source(%arg6 : memref<32768xf32, #tpu.memory_space<vmem>>) target(%dma_start3A_216 : memref<32768xf32, #tpu.memory_space<hbm>>) target_semaphore(%arg13 : memref<!tpu.dma_semaphore, #tpu.memory_space<semaphore_mem>>)
    %dma_wait3A_217 = arith.constant 0 : i32
    %dma_wait3A_218 = tpu.memref_slice %arg4[%dma_wait3A_217] : memref<2097152xf32, #tpu.memory_space<hbm>> -> memref<32768xf32, #tpu.memory_space<hbm>>
    %dma_wait3A_219 = arith.constant 0 : i32
    %dma_wait3A_220 = tpu.memref_slice %arg4[%dma_wait3A_219] : memref<2097152xf32, #tpu.memory_space<hbm>> -> memref<32768xf32, #tpu.memory_space<hbm>>
    tpu.wait_dma2 semaphore(%arg13 : memref<!tpu.dma_semaphore, #tpu.memory_space<semaphore_mem>>) src(%dma_wait3A_220 : memref<32768xf32, #tpu.memory_space<hbm>>) dst(%arg6 : memref<32768xf32, #tpu.memory_space<vmem>>)
    return
  }
}

module attributes {stable_mosaic.version = 14 : i64} {
  func.func @_prep_body(%arg0: i32, %arg1: memref<1x3x8x12500xf32, #tpu.memory_space<vmem>>, %arg2: memref<1x3x8x12500xf32, #tpu.memory_space<vmem>>, %arg3: memref<1x8x12500xi32, #tpu.memory_space<vmem>>) attributes {dimension_semantics = [#tpu.dimension_semantics<arbitrary>], iteration_bounds = array<i64: 8>, scalar_prefetch = 0 : i64, scratch_operands = 0 : i64, tpu.core_type = #tpu.core_type<tc>, window_params = [{transform_indices = @transform_0, window_bounds = array<i64: 1, 3, 8, 12500>}, {transform_indices = @transform_1, window_bounds = array<i64: 1, 3, 8, 12500>}, {transform_indices = @transform_2, window_bounds = array<i64: 1, 8, 12500>}]} {
    %get3A = arith.constant 0 : index
    %get3A_0 = arith.constant 0 : index
    %get3A_1 = arith.constant 0 : index
    %get3A_2 = arith.constant 0 : index
    %get3A_3 = vector.load %arg1[%get3A, %get3A_0, %get3A_1, %get3A_2] : memref<1x3x8x12500xf32, #tpu.memory_space<vmem>>, vector<1x3x8x12500xf32>
    %get3A_4 = vector.shape_cast %get3A_3 : vector<1x3x8x12500xf32> to vector<3x8x12500xf32>
    %reduce_sum3A = arith.constant dense<0.000000e+00> : vector<3xf32>
    %reduce_sum3A_5 = vector.multi_reduction <add>, %get3A_4, %reduce_sum3A [1, 2] : vector<3x8x12500xf32> to vector<3xf32>
    %broadcast_in_dim3A = vector.shape_cast %reduce_sum3A_5 : vector<3xf32> to vector<3x1x1xf32>
    %mul3A = arith.constant 9.99999974E-6 : f32
    %mul3A_6 = vector.broadcast %mul3A : f32 to vector<3x1x1xf32>
    %mul3A_7 = arith.mulf %broadcast_in_dim3A, %mul3A_6 : vector<3x1x1xf32>
    %sub3A = vector.broadcast %mul3A_7 : vector<3x1x1xf32> to vector<3x8x12500xf32>
    %sub3A_8 = arith.subf %get3A_4, %sub3A : vector<3x8x12500xf32>
    %slice3A = vector.extract_strided_slice %sub3A_8 {offsets = [0, 0, 0], sizes = [1, 8, 12500], strides = [1, 1, 1]} : vector<3x8x12500xf32> to vector<1x8x12500xf32>
    %squeeze3A = vector.shape_cast %slice3A : vector<1x8x12500xf32> to vector<8x12500xf32>
    %slice3A_9 = vector.extract_strided_slice %sub3A_8 {offsets = [1, 0, 0], sizes = [1, 8, 12500], strides = [1, 1, 1]} : vector<3x8x12500xf32> to vector<1x8x12500xf32>
    %squeeze3A_10 = vector.shape_cast %slice3A_9 : vector<1x8x12500xf32> to vector<8x12500xf32>
    %slice3A_11 = vector.extract_strided_slice %sub3A_8 {offsets = [2, 0, 0], sizes = [1, 8, 12500], strides = [1, 1, 1]} : vector<3x8x12500xf32> to vector<1x8x12500xf32>
    %squeeze3A_12 = vector.shape_cast %slice3A_11 : vector<1x8x12500xf32> to vector<8x12500xf32>
    %mul3A_13 = arith.mulf %squeeze3A, %squeeze3A : vector<8x12500xf32>
    %mul3A_14 = arith.mulf %squeeze3A_10, %squeeze3A_10 : vector<8x12500xf32>
    %add3A = arith.addf %mul3A_13, %mul3A_14 : vector<8x12500xf32>
    %mul3A_15 = arith.mulf %squeeze3A_12, %squeeze3A_12 : vector<8x12500xf32>
    %add3A_16 = arith.addf %add3A, %mul3A_15 : vector<8x12500xf32>
    %reduce_max3A = vector.shape_cast %add3A_16 : vector<8x12500xf32> to vector<1x8x12500xf32>
    %reduce_max3A_17 = arith.constant dense<0xFF800000> : vector<1xf32>
    %reduce_max3A_18 = vector.multi_reduction <maximumf>, %reduce_max3A, %reduce_max3A_17 [1, 2] : vector<1x8x12500xf32> to vector<1xf32>
    %reduce_max3A_19 = vector.shape_cast %reduce_max3A_18 : vector<1xf32> to vector<1x1x1xf32>
    %reduce_max3A_20 = vector.extract %reduce_max3A_19[0, 0, 0] : f32 from vector<1x1x1xf32>
    %sqrt3A = math.sqrt %reduce_max3A_20 : f32
    %add3A_21 = arith.constant 9.99999968E-21 : f32
    %add3A_22 = arith.addf %sqrt3A, %add3A_21 : f32
    %div3A = arith.constant 1.000000e+00 : f32
    %div3A_23 = arith.divf %div3A, %add3A_22 : f32
    %mul3A_24 = vector.broadcast %div3A_23 : f32 to vector<3x8x12500xf32>
    %mul3A_25 = arith.mulf %sub3A_8, %mul3A_24 : vector<3x8x12500xf32>
    %swap3A = arith.constant 0 : index
    %swap3A_26 = arith.constant 0 : index
    %swap3A_27 = arith.constant 0 : index
    %swap3A_28 = arith.constant 0 : index
    %swap3A_29 = vector.load %arg2[%swap3A, %swap3A_26, %swap3A_27, %swap3A_28] : memref<1x3x8x12500xf32, #tpu.memory_space<vmem>>, vector<1x3x8x12500xf32>
    %swap3A_30 = vector.shape_cast %swap3A_29 : vector<1x3x8x12500xf32> to vector<3x8x12500xf32>
    %swap3A_31 = vector.shape_cast %mul3A_25 : vector<3x8x12500xf32> to vector<1x3x8x12500xf32>
    tpu.vector_store %arg2[%swap3A, %swap3A_26, %swap3A_27, %swap3A_28], %swap3A_31 {strides = array<i32>} : memref<1x3x8x12500xf32, #tpu.memory_space<vmem>>, vector<1x3x8x12500xf32>,
    %slice3A_32 = vector.extract_strided_slice %mul3A_25 {offsets = [0, 0, 0], sizes = [1, 8, 12500], strides = [1, 1, 1]} : vector<3x8x12500xf32> to vector<1x8x12500xf32>
    %squeeze3A_33 = vector.shape_cast %slice3A_32 : vector<1x8x12500xf32> to vector<8x12500xf32>
    %slice3A_34 = vector.extract_strided_slice %mul3A_25 {offsets = [1, 0, 0], sizes = [1, 8, 12500], strides = [1, 1, 1]} : vector<3x8x12500xf32> to vector<1x8x12500xf32>
    %squeeze3A_35 = vector.shape_cast %slice3A_34 : vector<1x8x12500xf32> to vector<8x12500xf32>
    %slice3A_36 = vector.extract_strided_slice %mul3A_25 {offsets = [2, 0, 0], sizes = [1, 8, 12500], strides = [1, 1, 1]} : vector<3x8x12500xf32> to vector<1x8x12500xf32>
    %squeeze3A_37 = vector.shape_cast %slice3A_36 : vector<1x8x12500xf32> to vector<8x12500xf32>
    %mul3A_38 = arith.mulf %squeeze3A_33, %squeeze3A_33 : vector<8x12500xf32>
    %mul3A_39 = arith.mulf %squeeze3A_35, %squeeze3A_35 : vector<8x12500xf32>
    %add3A_40 = arith.addf %mul3A_38, %mul3A_39 : vector<8x12500xf32>
    %mul3A_41 = arith.mulf %squeeze3A_37, %squeeze3A_37 : vector<8x12500xf32>
    %add3A_42 = arith.addf %add3A_40, %mul3A_41 : vector<8x12500xf32>
    %sqrt3A_43 = math.sqrt %add3A_42 : vector<8x12500xf32>
    %sqrt3A_44 = math.sqrt %add3A_40 : vector<8x12500xf32>
    %abs3A = math.absf %squeeze3A_37 : vector<8x12500xf32>
    %max3A = arith.maximumf %abs3A, %sqrt3A_44 : vector<8x12500xf32>
    %min3A = arith.minimumf %abs3A, %sqrt3A_44 : vector<8x12500xf32>
    %mul3A_45 = arith.constant 0.414213568 : f32
    %mul3A_46 = vector.broadcast %mul3A_45 : f32 to vector<8x12500xf32>
    %mul3A_47 = arith.mulf %mul3A_46, %max3A : vector<8x12500xf32>
    %gt3A = arith.cmpf ogt, %min3A, %mul3A_47 : vector<8x12500xf32>
    %sub3A_48 = arith.subf %min3A, %max3A : vector<8x12500xf32>
    %select_n3A = arith.select %gt3A, %sub3A_48, %min3A : vector<8x12500xi1>, vector<8x12500xf32>
    %add3A_49 = arith.addf %min3A, %max3A : vector<8x12500xf32>
    %select_n3A_50 = arith.select %gt3A, %add3A_49, %max3A : vector<8x12500xi1>, vector<8x12500xf32>
    %gt3A_51 = arith.constant 0.000000e+00 : f32
    %gt3A_52 = vector.broadcast %gt3A_51 : f32 to vector<8x12500xf32>
    %gt3A_53 = arith.cmpf ogt, %select_n3A_50, %gt3A_52 : vector<8x12500xf32>
    %jit3A = arith.constant 1.000000e+00 : f32
    %broadcast_in_dim3A_54 = vector.broadcast %jit3A : f32 to vector<8x12500xf32>
    %select_n3A_55 = arith.select %gt3A_53, %select_n3A_50, %broadcast_in_dim3A_54 : vector<8x12500xi1>, vector<8x12500xf32>
    %div3A_56 = arith.divf %select_n3A, %select_n3A_55 : vector<8x12500xf32>
    %mul3A_57 = arith.mulf %div3A_56, %div3A_56 : vector<8x12500xf32>
    %mul3A_58 = arith.constant 0.0805374458 : f32
    %mul3A_59 = vector.broadcast %mul3A_58 : f32 to vector<8x12500xf32>
    %mul3A_60 = arith.mulf %mul3A_59, %mul3A_57 : vector<8x12500xf32>
    %sub3A_61 = arith.constant 0.138776854 : f32
    %sub3A_62 = vector.broadcast %sub3A_61 : f32 to vector<8x12500xf32>
    %sub3A_63 = arith.subf %mul3A_60, %sub3A_62 : vector<8x12500xf32>
    %mul3A_64 = arith.mulf %sub3A_63, %mul3A_57 : vector<8x12500xf32>
    %add3A_65 = arith.constant 0.199777111 : f32
    %add3A_66 = vector.broadcast %add3A_65 : f32 to vector<8x12500xf32>
    %add3A_67 = arith.addf %mul3A_64, %add3A_66 : vector<8x12500xf32>
    %mul3A_68 = arith.mulf %add3A_67, %mul3A_57 : vector<8x12500xf32>
    %sub3A_69 = arith.constant 0.333329499 : f32
    %sub3A_70 = vector.broadcast %sub3A_69 : f32 to vector<8x12500xf32>
    %sub3A_71 = arith.subf %mul3A_68, %sub3A_70 : vector<8x12500xf32>
    %mul3A_72 = arith.mulf %sub3A_71, %mul3A_57 : vector<8x12500xf32>
    %mul3A_73 = arith.mulf %mul3A_72, %div3A_56 : vector<8x12500xf32>
    %add3A_74 = arith.addf %mul3A_73, %div3A_56 : vector<8x12500xf32>
    %jit3A_75 = arith.constant 0.785398185 : f32
    %jit3A_76 = arith.constant 0.000000e+00 : f32
    %broadcast_in_dim3A_77 = vector.broadcast %jit3A_75 : f32 to vector<8x12500xf32>
    %broadcast_in_dim3A_78 = vector.broadcast %jit3A_76 : f32 to vector<8x12500xf32>
    %select_n3A_79 = arith.select %gt3A, %broadcast_in_dim3A_77, %broadcast_in_dim3A_78 : vector<8x12500xi1>, vector<8x12500xf32>
    %add3A_80 = arith.addf %add3A_74, %select_n3A_79 : vector<8x12500xf32>
    %gt3A_81 = arith.cmpf ogt, %sqrt3A_44, %abs3A : vector<8x12500xf32>
    %sub3A_82 = arith.constant 1.57079637 : f32
    %sub3A_83 = vector.broadcast %sub3A_82 : f32 to vector<8x12500xf32>
    %sub3A_84 = arith.subf %sub3A_83, %add3A_80 : vector<8x12500xf32>
    %select_n3A_85 = arith.select %gt3A_81, %sub3A_84, %add3A_80 : vector<8x12500xi1>, vector<8x12500xf32>
    %lt3A = arith.constant 0.000000e+00 : f32
    %lt3A_86 = vector.broadcast %lt3A : f32 to vector<8x12500xf32>
    %lt3A_87 = arith.cmpf olt, %squeeze3A_37, %lt3A_86 : vector<8x12500xf32>
    %sub3A_88 = arith.constant 3.14159274 : f32
    %sub3A_89 = vector.broadcast %sub3A_88 : f32 to vector<8x12500xf32>
    %sub3A_90 = arith.subf %sub3A_89, %select_n3A_85 : vector<8x12500xf32>
    %select_n3A_91 = arith.select %lt3A_87, %sub3A_90, %select_n3A_85 : vector<8x12500xi1>, vector<8x12500xf32>
    %abs3A_92 = math.absf %squeeze3A_33 : vector<8x12500xf32>
    %abs3A_93 = math.absf %squeeze3A_35 : vector<8x12500xf32>
    %max3A_94 = arith.maximumf %abs3A_92, %abs3A_93 : vector<8x12500xf32>
    %min3A_95 = arith.minimumf %abs3A_92, %abs3A_93 : vector<8x12500xf32>
    %mul3A_96 = arith.constant 0.414213568 : f32
    %mul3A_97 = vector.broadcast %mul3A_96 : f32 to vector<8x12500xf32>
    %mul3A_98 = arith.mulf %mul3A_97, %max3A_94 : vector<8x12500xf32>
    %gt3A_99 = arith.cmpf ogt, %min3A_95, %mul3A_98 : vector<8x12500xf32>
    %sub3A_100 = arith.subf %min3A_95, %max3A_94 : vector<8x12500xf32>
    %select_n3A_101 = arith.select %gt3A_99, %sub3A_100, %min3A_95 : vector<8x12500xi1>, vector<8x12500xf32>
    %add3A_102 = arith.addf %min3A_95, %max3A_94 : vector<8x12500xf32>
    %select_n3A_103 = arith.select %gt3A_99, %add3A_102, %max3A_94 : vector<8x12500xi1>, vector<8x12500xf32>
    %gt3A_104 = arith.constant 0.000000e+00 : f32
    %gt3A_105 = vector.broadcast %gt3A_104 : f32 to vector<8x12500xf32>
    %gt3A_106 = arith.cmpf ogt, %select_n3A_103, %gt3A_105 : vector<8x12500xf32>
    %jit3A_107 = arith.constant 1.000000e+00 : f32
    %broadcast_in_dim3A_108 = vector.broadcast %jit3A_107 : f32 to vector<8x12500xf32>
    %select_n3A_109 = arith.select %gt3A_106, %select_n3A_103, %broadcast_in_dim3A_108 : vector<8x12500xi1>, vector<8x12500xf32>
    %div3A_110 = arith.divf %select_n3A_101, %select_n3A_109 : vector<8x12500xf32>
    %mul3A_111 = arith.mulf %div3A_110, %div3A_110 : vector<8x12500xf32>
    %mul3A_112 = arith.constant 0.0805374458 : f32
    %mul3A_113 = vector.broadcast %mul3A_112 : f32 to vector<8x12500xf32>
    %mul3A_114 = arith.mulf %mul3A_113, %mul3A_111 : vector<8x12500xf32>
    %sub3A_115 = arith.constant 0.138776854 : f32
    %sub3A_116 = vector.broadcast %sub3A_115 : f32 to vector<8x12500xf32>
    %sub3A_117 = arith.subf %mul3A_114, %sub3A_116 : vector<8x12500xf32>
    %mul3A_118 = arith.mulf %sub3A_117, %mul3A_111 : vector<8x12500xf32>
    %add3A_119 = arith.constant 0.199777111 : f32
    %add3A_120 = vector.broadcast %add3A_119 : f32 to vector<8x12500xf32>
    %add3A_121 = arith.addf %mul3A_118, %add3A_120 : vector<8x12500xf32>
    %mul3A_122 = arith.mulf %add3A_121, %mul3A_111 : vector<8x12500xf32>
    %sub3A_123 = arith.constant 0.333329499 : f32
    %sub3A_124 = vector.broadcast %sub3A_123 : f32 to vector<8x12500xf32>
    %sub3A_125 = arith.subf %mul3A_122, %sub3A_124 : vector<8x12500xf32>
    %mul3A_126 = arith.mulf %sub3A_125, %mul3A_111 : vector<8x12500xf32>
    %mul3A_127 = arith.mulf %mul3A_126, %div3A_110 : vector<8x12500xf32>
    %add3A_128 = arith.addf %mul3A_127, %div3A_110 : vector<8x12500xf32>
    %jit3A_129 = arith.constant 0.785398185 : f32
    %jit3A_130 = arith.constant 0.000000e+00 : f32
    %broadcast_in_dim3A_131 = vector.broadcast %jit3A_129 : f32 to vector<8x12500xf32>
    %broadcast_in_dim3A_132 = vector.broadcast %jit3A_130 : f32 to vector<8x12500xf32>
    %select_n3A_133 = arith.select %gt3A_99, %broadcast_in_dim3A_131, %broadcast_in_dim3A_132 : vector<8x12500xi1>, vector<8x12500xf32>
    %add3A_134 = arith.addf %add3A_128, %select_n3A_133 : vector<8x12500xf32>
    %gt3A_135 = arith.cmpf ogt, %abs3A_93, %abs3A_92 : vector<8x12500xf32>
    %sub3A_136 = arith.constant 1.57079637 : f32
    %sub3A_137 = vector.broadcast %sub3A_136 : f32 to vector<8x12500xf32>
    %sub3A_138 = arith.subf %sub3A_137, %add3A_134 : vector<8x12500xf32>
    %select_n3A_139 = arith.select %gt3A_135, %sub3A_138, %add3A_134 : vector<8x12500xi1>, vector<8x12500xf32>
    %lt3A_140 = arith.constant 0.000000e+00 : f32
    %lt3A_141 = vector.broadcast %lt3A_140 : f32 to vector<8x12500xf32>
    %lt3A_142 = arith.cmpf olt, %squeeze3A_33, %lt3A_141 : vector<8x12500xf32>
    %sub3A_143 = arith.constant 3.14159274 : f32
    %sub3A_144 = vector.broadcast %sub3A_143 : f32 to vector<8x12500xf32>
    %sub3A_145 = arith.subf %sub3A_144, %select_n3A_139 : vector<8x12500xf32>
    %select_n3A_146 = arith.select %lt3A_142, %sub3A_145, %select_n3A_139 : vector<8x12500xi1>, vector<8x12500xf32>
    %lt3A_147 = arith.constant 0.000000e+00 : f32
    %lt3A_148 = vector.broadcast %lt3A_147 : f32 to vector<8x12500xf32>
    %lt3A_149 = arith.cmpf olt, %squeeze3A_35, %lt3A_148 : vector<8x12500xf32>
    %neg3A = arith.constant 0.000000e+00 : f32
    %neg3A_150 = vector.broadcast %neg3A : f32 to vector<8x12500xf32>
    %neg3A_151 = arith.subf %neg3A_150, %select_n3A_146 : vector<8x12500xf32>
    %select_n3A_152 = arith.select %lt3A_149, %neg3A_151, %select_n3A_146 : vector<8x12500xi1>, vector<8x12500xf32>
    %mul3A_153 = arith.constant 3.200000e+01 : f32
    %mul3A_154 = vector.broadcast %mul3A_153 : f32 to vector<8x12500xf32>
    %mul3A_155 = arith.mulf %sqrt3A_43, %mul3A_154 : vector<8x12500xf32>
    %convert_element_type3A = arith.fptosi %mul3A_155 : vector<8x12500xf32> to vector<8x12500xi32>
    %jit3A_156 = arith.constant 0 : i32
    %jit3A_157 = arith.constant 31 : i32
    %max3A_158 = vector.broadcast %jit3A_156 : i32 to vector<8x12500xi32>
    %max3A_159 = arith.maxsi %max3A_158, %convert_element_type3A : vector<8x12500xi32>
    %min3A_160 = vector.broadcast %jit3A_157 : i32 to vector<8x12500xi32>
    %min3A_161 = arith.minsi %min3A_160, %max3A_159 : vector<8x12500xi32>
    %div3A_162 = arith.constant 3.14159274 : f32
    %div3A_163 = vector.broadcast %div3A_162 : f32 to vector<8x12500xf32>
    %div3A_164 = arith.divf %select_n3A_91, %div3A_163 : vector<8x12500xf32>
    %mul3A_165 = arith.constant 3.200000e+01 : f32
    %mul3A_166 = vector.broadcast %mul3A_165 : f32 to vector<8x12500xf32>
    %mul3A_167 = arith.mulf %div3A_164, %mul3A_166 : vector<8x12500xf32>
    %convert_element_type3A_168 = arith.fptosi %mul3A_167 : vector<8x12500xf32> to vector<8x12500xi32>
    %jit3A_169 = arith.constant 0 : i32
    %jit3A_170 = arith.constant 31 : i32
    %max3A_171 = vector.broadcast %jit3A_169 : i32 to vector<8x12500xi32>
    %max3A_172 = arith.maxsi %max3A_171, %convert_element_type3A_168 : vector<8x12500xi32>
    %min3A_173 = vector.broadcast %jit3A_170 : i32 to vector<8x12500xi32>
    %min3A_174 = arith.minsi %min3A_173, %max3A_172 : vector<8x12500xi32>
    %add3A_175 = arith.constant 3.14159274 : f32
    %add3A_176 = vector.broadcast %add3A_175 : f32 to vector<8x12500xf32>
    %add3A_177 = arith.addf %select_n3A_152, %add3A_176 : vector<8x12500xf32>
    %div3A_178 = arith.constant 6.28318548 : f32
    %div3A_179 = vector.broadcast %div3A_178 : f32 to vector<8x12500xf32>
    %div3A_180 = arith.divf %add3A_177, %div3A_179 : vector<8x12500xf32>
    %mul3A_181 = arith.constant 3.200000e+01 : f32
    %mul3A_182 = vector.broadcast %mul3A_181 : f32 to vector<8x12500xf32>
    %mul3A_183 = arith.mulf %div3A_180, %mul3A_182 : vector<8x12500xf32>
    %convert_element_type3A_184 = arith.fptosi %mul3A_183 : vector<8x12500xf32> to vector<8x12500xi32>
    %jit3A_185 = arith.constant 0 : i32
    %jit3A_186 = arith.constant 31 : i32
    %max3A_187 = vector.broadcast %jit3A_185 : i32 to vector<8x12500xi32>
    %max3A_188 = arith.maxsi %max3A_187, %convert_element_type3A_184 : vector<8x12500xi32>
    %min3A_189 = vector.broadcast %jit3A_186 : i32 to vector<8x12500xi32>
    %min3A_190 = arith.minsi %min3A_189, %max3A_188 : vector<8x12500xi32>
    %mul3A_191 = arith.constant 1024 : i32
    %mul3A_192 = vector.broadcast %mul3A_191 : i32 to vector<8x12500xi32>
    %mul3A_193 = arith.muli %min3A_161, %mul3A_192 : vector<8x12500xi32>
    %mul3A_194 = arith.constant 32 : i32
    %mul3A_195 = vector.broadcast %mul3A_194 : i32 to vector<8x12500xi32>
    %mul3A_196 = arith.muli %min3A_174, %mul3A_195 : vector<8x12500xi32>
    %add3A_197 = arith.addi %mul3A_193, %mul3A_196 : vector<8x12500xi32>
    %add3A_198 = arith.addi %add3A_197, %min3A_190 : vector<8x12500xi32>
    %swap3A_199 = arith.constant 0 : index
    %swap3A_200 = arith.constant 0 : index
    %swap3A_201 = arith.constant 0 : index
    %swap3A_202 = vector.load %arg3[%swap3A_199, %swap3A_200, %swap3A_201] : memref<1x8x12500xi32, #tpu.memory_space<vmem>>, vector<1x8x12500xi32>
    %swap3A_203 = vector.shape_cast %swap3A_202 : vector<1x8x12500xi32> to vector<8x12500xi32>
    %swap3A_204 = vector.shape_cast %add3A_198 : vector<8x12500xi32> to vector<1x8x12500xi32>
    tpu.vector_store %arg3[%swap3A_199, %swap3A_200, %swap3A_201], %swap3A_204 {strides = array<i32>} : memref<1x8x12500xi32, #tpu.memory_space<vmem>>, vector<1x8x12500xi32>,
    return
  }
  func.func @transform_0(%arg0: i32) -> (i32, i32, i32, i32) {
    %c0_i32 = arith.constant 0 : i32
    %c0_i32_0 = arith.constant 0 : i32
    %c0_i32_1 = arith.constant 0 : i32
    %c0_i32_2 = arith.constant 0 : i32
    return %arg0, %c0_i32, %c0_i32_0, %c0_i32_1 : i32, i32, i32, i32
  }
  func.func @transform_1(%arg0: i32) -> (i32, i32, i32, i32) {
    %c0_i32 = arith.constant 0 : i32
    %c0_i32_0 = arith.constant 0 : i32
    %c0_i32_1 = arith.constant 0 : i32
    %c0_i32_2 = arith.constant 0 : i32
    return %arg0, %c0_i32, %c0_i32_0, %c0_i32_1 : i32, i32, i32, i32
  }
  func.func @transform_2(%arg0: i32) -> (i32, i32, i32) {
    %c0_i32 = arith.constant 0 : i32
    %c0_i32_0 = arith.constant 0 : i32
    %c0_i32_1 = arith.constant 0 : i32
    return %arg0, %c0_i32, %c0_i32_0 : i32, i32, i32
  }
}

module attributes {stable_mosaic.version = 14 : i64} {
  func.func @_fin_body(%arg0: i32, %arg1: memref<1x16x32768xf32, #tpu.memory_space<vmem>>, %arg2: memref<1x8x32768xf32, #tpu.memory_space<vmem>>, %arg3: memref<1x16x32768xf32, #tpu.memory_space<vmem>>) attributes {dimension_semantics = [#tpu.dimension_semantics<arbitrary>], iteration_bounds = array<i64: 4>, scalar_prefetch = 0 : i64, scratch_operands = 0 : i64, tpu.core_type = #tpu.core_type<tc>, window_params = [{transform_indices = @transform_0, window_bounds = array<i64: 1, 16, 32768>}, {transform_indices = @transform_1, window_bounds = array<i64: 1, 8, 32768>}, {transform_indices = @transform_2, window_bounds = array<i64: 1, 16, 32768>}]} {
    %get3A = arith.constant 0 : index
    %get3A_0 = arith.constant 0 : index
    %get3A_1 = arith.constant 0 : index
    %get3A_2 = vector.load %arg1[%get3A, %get3A_0, %get3A_1] : memref<1x16x32768xf32, #tpu.memory_space<vmem>>, vector<1x16x32768xf32>
    %get3A_3 = vector.shape_cast %get3A_2 : vector<1x16x32768xf32> to vector<16x32768xf32>
    %get3A_4 = arith.constant 0 : index
    %get3A_5 = arith.constant 0 : index
    %get3A_6 = arith.constant 0 : index
    %get3A_7 = vector.load %arg2[%get3A_4, %get3A_5, %get3A_6] : memref<1x8x32768xf32, #tpu.memory_space<vmem>>, vector<1x8x32768xf32>
    %get3A_8 = vector.shape_cast %get3A_7 : vector<1x8x32768xf32> to vector<8x32768xf32>
    %reduce_sum3A = arith.constant dense<0.000000e+00> : vector<32768xf32>
    %reduce_sum3A_9 = vector.multi_reduction <add>, %get3A_8, %reduce_sum3A [0] : vector<8x32768xf32> to vector<32768xf32>
    %broadcast_in_dim3A = vector.shape_cast %reduce_sum3A_9 : vector<32768xf32> to vector<1x32768xf32>
    %max3A = arith.constant 1.000000e+00 : f32
    %max3A_10 = vector.broadcast %max3A : f32 to vector<1x32768xf32>
    %max3A_11 = arith.maximumf %broadcast_in_dim3A, %max3A_10 : vector<1x32768xf32>
    %div3A = vector.broadcast %max3A_11 : vector<1x32768xf32> to vector<16x32768xf32>
    %div3A_12 = arith.divf %get3A_3, %div3A : vector<16x32768xf32>
    %swap3A = arith.constant 0 : index
    %swap3A_13 = arith.constant 0 : index
    %swap3A_14 = arith.constant 0 : index
    %swap3A_15 = vector.load %arg3[%swap3A, %swap3A_13, %swap3A_14] : memref<1x16x32768xf32, #tpu.memory_space<vmem>>, vector<1x16x32768xf32>
    %swap3A_16 = vector.shape_cast %swap3A_15 : vector<1x16x32768xf32> to vector<16x32768xf32>
    %swap3A_17 = vector.shape_cast %div3A_12 : vector<16x32768xf32> to vector<1x16x32768xf32>
    tpu.vector_store %arg3[%swap3A, %swap3A_13, %swap3A_14], %swap3A_17 {strides = array<i32>} : memref<1x16x32768xf32, #tpu.memory_space<vmem>>, vector<1x16x32768xf32>,
    return
  }
  func.func @transform_0(%arg0: i32) -> (i32, i32, i32) {
    %c0_i32 = arith.constant 0 : i32
    %c0_i32_0 = arith.constant 0 : i32
    %c0_i32_1 = arith.constant 0 : i32
    return %arg0, %c0_i32, %c0_i32_0 : i32, i32, i32
  }
  func.func @transform_1(%arg0: i32) -> (i32, i32, i32) {
    %c0_i32 = arith.constant 0 : i32
    %c0_i32_0 = arith.constant 0 : i32
    %c0_i32_1 = arith.constant 0 : i32
    return %arg0, %c0_i32, %c0_i32_0 : i32, i32, i32
  }
  func.func @transform_2(%arg0: i32) -> (i32, i32, i32) {
    %c0_i32 = arith.constant 0 : i32
    %c0_i32_0 = arith.constant 0 : i32
    %c0_i32_1 = arith.constant 0 : i32
    return %arg0, %c0_i32, %c0_i32_0 : i32, i32, i32
  }
}

</mosaic_0001>

<sc_bundles>
// kernel: kernel.10.cloned.1.call-start
scs
__scs_entry_jumppad:
0x0: {  	(pc) =	sbr.rel $0x88, $3  }
0x1: {  	(tag) =	ssettag $0x0;
	lr =	simm.s32 $0x1  }
0x2: {  	[smem:$0x3F9F] =	sst lr;
	_ =	strace $0xD0000000  }
0x3: {  	_ = 	snop  }
0x4: {  	_ = 	snop  }
0x5: {  	_ = 	snop  }
0x6: {  	_ = 	snop  }
0x7: {  	_ = 	snop  }
__scs_overlays_trampoline_lowered:
0x8: {  	[smem:$0x3FAE] =	sst s0  }
0x9: {  	[smem:$0x3FAF] =	sst s1  }
0xa: {  	[smem:$0x3FB0] =	sst s2  }
0xb: {  	[smem:$0x3FB1] =	sst s3  }
0xc: {  	[smem:$0x3FB2] =	sst s4  }
0xd: {  	[smem:$0x3FB3] =	sst s5  }
0xe: {  	[smem:$0x3FB4] =	sst s6  }
0xf: {  	[smem:$0x3FB5] =	sst s7  }
0x10: {  	[smem:$0x3FB6] =	sst s8  }
0x11: {  	[smem:$0x3FB7] =	sst s9;
	s0 =	simm.s32 @!p0 $0x0  }
0x12: {  	s1 =	sld [smem:$0x3F9D];
	s0 =	simm.s32 @p0 $0x1  }
0x13: {  	[smem:$0x3FB8] =	sst s0;
	s0 =	simm.s32 @!p1 $0x0  }
0x14: {  	s2 =	sld [smem:$0x3F9C];
	s0 =	simm.s32 @p1 $0x1  }
0x15: {  	[smem:$0x3FB9] =	sst s0;
	s0 =	simm.s32 @!p2 $0x0  }
0x16: {  	s3 =	sld [smem:$0x3FDB];
	s0 =	simm.s32 @p2 $0x1  }
0x17: {  	s4 =	simm.s32 $0x1BF5;
	[smem:$0x3FBB] =	sst s0  }
0x18: {  	s0 =	sld [smem:$0x3F9E];
	_ =	swait.ge [sflag:s4], $0x0  }
0x19: {  	s7 =	sld [smem:$0x3F9F]  }
0x1a: {  	s8 =	sadd.s32 $0xFFFFE003, lr  }
0x1b: {  	s9 =	sadd.s32 $0xFFFFFEF7, lr;
	s5 =	simm.s32 $0xFFFFFFFF;
	p2 =	slt.u32 s8, $0xFFFFF086  }
0x1c: {  	p1 =	slt.u32 s9, $0xF7A;
	s5 =	simm.s32 @!p2 $0x0  }
0x1d: {  	s5 =	simm.s32 @p1 $0x1;
	p0 =	seq.s32 s7, s2  }
0x1e: {  	s7 =	smul.u32 @!p0 $0xF7A, s2;
	p2 =	seq.s32 @!p0 s5, $0x0  }
0x1f: {  	s9 =	smul.u32 $0xF7A, s1;
	s8 =	simm.s32 @!p0 $0x1BF5;
	p2 =	por !p2, p0  }
0x20: {  	[sflag:s8] =	ssyncset.s32 @!p0 $0xFFFFF086;
	s6 =	sadd.s32 @!p0 s3, s7;
	s7 =	simm.s32 @!p0 $0x108  }
0x21: {  	s3 =	sadd.s32 s3, s9;
	s6 =	sadd.s32 @!p0 $0x88, s6;
	s7 =	simm.s32 @p2 $0x1082  }
0x22: {  	[simem:s7], [sflag:s8] =	dma.local @!p0 [hbm:s6], $0xF7A  }
0x23: {  	s9 =	sor.u32 $0xD0000000, s2;
	s6 =	simm.s32 $0x108;
	_ =	swait.ge @!p0 [sflag:s8], $0x0  }
0x24: {  	s3 =	sadd.s32 $0x88, s3;
	s6 =	simm.s32 @!p1 $0x1082;
	[sflag:s4] =	ssyncset.s32 $0xFFFFF086  }
0x25: {  	[simem:s6], [sflag:s4] =	dma.local [hbm:s3], $0xF7A  }
0x26: {  	[smem:$0x3F9F] =	sst s1;
	(tag) =	ssettag s2;
	_ =	strace s9  }
0x27: {  	s1 =	sld [smem:$0x3FAF]  }
0x28: {  	s2 =	sld [smem:$0x3FB0]  }
0x29: {  	s4 =	sld [smem:$0x3FB2]  }
0x2a: {  	p0 =	seq.s32 s5, $0x0;
	s5 =	sld [smem:$0x3FB3]  }
0x2b: {  	s6 =	sld [smem:$0x3FB4]  }
0x2c: {  	s7 =	sld [smem:$0x3FB5]  }
0x2d: {  	s3 =	simm.s32 $0x108;
	s8 =	sld [smem:$0x3FB6]  }
0x2e: {  	s3 =	simm.s32 @!p0 $0x1082;
	s9 =	sld [smem:$0x3FB7]  }
0x2f: {  	lr =	sadd.s32 s0, s3;
	s0 =	sld [smem:$0x3FAE]  }
0x30: {  	s3 =	sld [smem:$0x3FB1]  }
0x31: {  	[smem:$0x3FBA] =	sst s10  }
0x32: {  	s10 =	sld [smem:$0x3FB8];
	_ =	sdelay $0x3  }
0x33: {  	p0 =	seq.s32 s10, $0x1;
	s10 =	sld [smem:$0x3FBA];
	_ =	sdelay $0x3  }
0x34: {  	[smem:$0x3FBA] =	sst s10  }
0x35: {  	s10 =	sld [smem:$0x3FB9];
	_ =	sdelay $0x3  }
0x36: {  	p1 =	seq.s32 s10, $0x1;
	s10 =	sld [smem:$0x3FBA];
	_ =	sdelay $0x3  }
0x37: {  	[smem:$0x3FBA] =	sst s10  }
0x38: {  	s10 =	sld [smem:$0x3FBB]  }
0x39: {  	_ = 	snop;
	(pc) =	sbr.ind lr, $3  }
0x3a: {  	_ = 	snop  }
0x3b: {  	_ = 	snop  }
0x3c: {  	p2 =	seq.s32 s10, $0x1;
	s10 =	sld [smem:$0x3FBA]  }
0x3d: {  	_ =	shalt  }
0x3e: {  	_ =	shalt  }
0x3f: {  	_ =	shalt  }
0x40: {  	_ =	shalt  }
0x41: {  	_ =	shalt  }
0x42: {  	_ =	shalt  }
0x43: {  	_ =	shalt  }
0x44: {  	_ =	shalt  }
0x45: {  	_ =	shalt  }
0x46: {  	_ =	shalt  }
0x47: {  	_ =	shalt  }
0x48: {  	_ =	shalt  }
0x49: {  	_ =	shalt  }
0x4a: {  	_ =	shalt  }
0x4b: {  	_ =	shalt  }
0x4c: {  	_ =	shalt  }
0x4d: {  	_ =	shalt  }
0x4e: {  	_ =	shalt  }
0x4f: {  	_ =	shalt  }
0x50: {  	_ =	shalt  }
0x51: {  	_ =	shalt  }
0x52: {  	_ =	shalt  }
0x53: {  	_ =	shalt  }
0x54: {  	_ =	shalt  }
0x55: {  	_ =	shalt  }
0x56: {  	_ =	shalt  }
0x57: {  	_ =	shalt  }
0x58: {  	_ =	shalt  }
0x59: {  	_ =	shalt  }
0x5a: {  	_ =	shalt  }
0x5b: {  	_ =	shalt  }
0x5c: {  	_ =	shalt  }
0x5d: {  	_ =	shalt  }
0x5e: {  	_ =	shalt  }
0x5f: {  	_ =	shalt  }
0x60: {  	_ =	shalt  }
0x61: {  	_ =	shalt  }
0x62: {  	_ =	shalt  }
0x63: {  	_ =	shalt  }
0x64: {  	_ =	shalt  }
0x65: {  	_ =	shalt  }
0x66: {  	_ =	shalt  }
0x67: {  	_ =	shalt  }
0x68: {  	_ =	shalt  }
0x69: {  	_ =	shalt  }
0x6a: {  	_ =	shalt  }
0x6b: {  	_ =	shalt  }
0x6c: {  	_ =	shalt  }
0x6d: {  	_ =	shalt  }
0x6e: {  	_ =	shalt  }
0x6f: {  	_ =	shalt  }
0x70: {  	_ =	shalt  }
0x71: {  	_ =	shalt  }
0x72: {  	_ =	shalt  }
0x73: {  	_ =	shalt  }
0x74: {  	_ =	shalt  }
0x75: {  	_ =	shalt  }
0x76: {  	_ =	shalt  }
0x77: {  	_ =	shalt  }
0x78: {  	_ =	shalt  }
0x79: {  	_ =	shalt  }
0x7a: {  	_ =	shalt  }
0x7b: {  	_ =	shalt  }
0x7c: {  	_ =	shalt  }
0x7d: {  	_ =	shalt  }
0x7e: {  	_ =	shalt  }
0x7f: {  	_ =	shalt  }
0x80: {  	_ =	shalt  }
0x81: {  	_ =	shalt  }
0x82: {  	_ =	shalt  }
0x83: {  	_ =	shalt  }
0x84: {  	_ =	shalt  }
0x85: {  	_ =	shalt  }
0x86: {  	_ =	shalt  }
0x87: {  	_ =	shalt  }
.Lfunc_end0:
.L_simem_size_0:
called_computation.1_lowered:
.L_overlay_start_0:
0x88: {  	s2 =	sld [smem:$0x3FD9]  }
0x89: {  	s3 =	sld [smem:$0x3FFE];
	_ =	sdelay $0x1  }
0x8a: {  	s1 =	srdreg.scid  }
0x8b: {  	s0 =	sand.u32 $0x1, s1  }
0x8c: {  	s15 =	sshll.u32 s0, $0xA;
	s2 =	sadd.s32 s3, s2  }
0x8d: {  	s2 =	sadd.s32 s2, s15  }
0x8e: {  	[smem:$0x3FC6] =	sst s2  }
0x8f: {  	_ = 	snop  }
0x90: {  	s2 =	sld [smem:$0x3FD0];
	_ =	sdelay $0x2  }
0x91: {  	s16 =	simm.s32 $0xB;
	s4 =	simm.s32 $0x10  }
0x92: {  	[smem:s4], [sflag:s16] =	dma.local [hbm:s2], $0x1  }
0x93: {  	_ =	swait.eq [sflag:s16], $0x1  }
0x94: {  	[sflag:s16] =	ssyncset.done $0x0  }
0x95: {  	[sflag:s16] =	ssyncadd.s32 $0xFFFFFFFF  }
0x96: {  	s17 =	sld [smem:$0x10];
	(tm) =	ssettm $0x1  }
0x97: {  	s18 =	sld [smem:$0x3FFB];
	_ =	sdelay $0x3  }
0x98: {  	_ =	strace s18  }
0x99: {  	s2 =	sld [smem:$0x3FFC];
	_ =	sdelay $0x3  }
0x9a: {  	_ =	strace s2  }
0x9b: {  	s2 =	sld [smem:$0x3FFD];
	_ =	sdelay $0x3  }
0x9c: {  	_ =	strace s2  }
0x9d: {  	_ =	strace $0x8FFFFFFF  }
0x9e: {  	s19 =	sld [smem:$0x3FDB];
	_ =	sdelay $0x1  }
0x9f: {  	s20 =	simm.s32 $_scs_section_size  }
0xa0: {  	s5 =	simm.s32 $_size__tile_overlayer_lowered;
	s6 =	simm.s32 $_tile_overlayer_lowered  }
0xa1: {  	s7 =	simm.s32 $0x1BFF;
	s21 =	sshll.u32 s6, $0x1;
	s4 =	sadd.s32 s20, s19  }
0xa2: {  	s22 =	simm.s32 $0x0;
	s5 =	sshll.u32 s5, $0x1;
	s6 =	sadd.s32 s21, s4  }
0xa3: {  	[timem:s22], [sflag:s7] =	dma.local [hbm:s6], s5  }
0xa4: {  	_ =	swait.ge [sflag:s7], s5  }
0xa5: {  	s5 =	ssub.s32 $0x0, s5;
	[sflag:s7] =	ssyncset.done $0x0  }
0xa6: {  	[sflag:s7] =	ssyncadd.s32 s5;
	_ =	sdelay $0x1  }
0xa7: {  	s23 =	simm.s32 $0x1B8B  }
0xa8: {  	_ =	swait.ge [sflag:s23], $0x1  }
0xa9: {  	[sflag:s23] =	ssyncset.done $0x0  }
0xaa: {  	[sflag:s23] =	ssyncadd.s32 $0xFFFFFFFF  }
0xab: {  	s5 =	sld [smem:$0x0]  }
0xac: {  	s6 =	sand.u32 $0xFFFFFFFE, s1  }
0xad: {  	p0 =	sne.s32 s1, s6  }
0xae: {  	s6 =	sshll.u32 @p0 s6, $0xE  }
0xaf: {  	s6 =	sadd.s32 @p0 $0x11B8D, s6;
	s7 =	sshll.u32 @p0 s5, $0x11  }
0xb0: {  	s6 =	sor.u32 @p0 s7, s6  }
0xb1: {  	[sflag:s6] =	ssyncadd.remote.s32 @p0 $0x1;
	_ =	sdelay $0x1  }
0xb2: {  	s6 =	simm.s32 @p0 $0x1B8D  }
0xb3: {  	_ =	swait.eq @p0 [sflag:s6], $0x1  }
0xb4: {  	[sflag:s6] =	ssyncadd.s32 @p0 $0xFFFFFFFF  }
0xb5: {  	s7 =	sshll.u32 @!p0 s1, $0xE  }
0xb6: {  	s7 =	sor.u32 @!p0 $0x4000, s7;
	s6 =	simm.s32 @!p0 $0x1B8D  }
0xb7: {  	s5 =	sshll.u32 @!p0 s5, $0x11;
	s7 =	sadd.s32 @!p0 $0x11B8D, s7;
	_ =	swait.eq @!p0 [sflag:s6], $0x1  }
0xb8: {  	s5 =	sor.u32 @!p0 s5, s7;
	[sflag:s6] =	ssyncadd.s32 @!p0 $0xFFFFFFFF  }
0xb9: {  	s25 =	simm.s32 $0x1B8E;
	s24 =	sld [smem:$0x3FFE];
	[sflag:s5] =	ssyncadd.remote.s32 @!p0 $0x1  }
0xba: {  	s26 =	simm.s32 $execute0_lowered;
	[smem:$0x3FD2] =	sst s25  }
0xbb: {  	s6 =	sshll.u32 s26, $0x1;
	_ =	strace $0x80000049;
	[dreg:$0x1] =	wrdreg $0xFFFFFFFF  }
0xbc: {  	s28 =	simm.s32 $_size_execute0_lowered;
	s4 =	sadd.s32 s4, s6;
	[dreg:$0x0] =	wrdreg $0x0  }
0xbd: {  	s6 =	sshll.u32 s28, $0x1;
	[dreg:$0x2] =	wrdreg s4  }
0xbe: {  	[dreg:$0x3] =	wrdreg s6  }
0xbf: {  	[dreg:$0x4] =	wrdreg $0xC0  }
0xc0: {  	_ =	task [dreg:s22], $0x5FFFF  }
0xc1: {  	[dreg:$0x1] =	wrdreg $0xFFFFFFFF  }
0xc2: {  	[dreg:$0x0] =	wrdreg $0x60  }
0xc3: {  	[dreg:$0x2] =	wrdreg s17  }
0xc4: {  	[dreg:$0x3] =	wrdreg s24  }
0xc5: {  	[dreg:$0x4] =	wrdreg $0xA  }
0xc6: {  	_ =	task.clear_ibuf [dreg:s22], $0x5FFFF;
	_ =	strace $0x90000049  }
0xc7: {  	s29 =	simm.s32 $0xA;
	_ =	strace $0x8000004B  }
0xc8: {  	_ =	swait.ge [sflag:s29], $0x1  }
0xc9: {  	[sflag:s29] =	ssyncadd.s32 $0xFFFFFFFF  }
0xca: {  	_ =	strace $0x9000004B  }
0xcb: {  	_ =	sfence  }
0xcc: {  	s30 =	sld [smem:$0x0];
	_ =	sdelay $0x2  }
0xcd: {  	s31 =	sshll.u32 s1, $0xD;
	s1 =	sshrl.u32 s1, $0x2  }
0xce: {  	s4 =	sand.u32 $0x4000, s31;
	s1 =	sadd.s32 s1, s30  }
0xcf: {  	s0 =	sor.u32 s4, s0;
	s1 =	sshll.u32 s1, $0x11  }
0xd0: {  	s0 =	sor.u32 s1, s0  }
0xd1: {  	s0 =	sadd.s32 $0x8F2B, s0  }
0xd2: {  	[sflag:s0] =	ssyncadd.remote.s32 $0x1  }
0xd3: {  	_ =	sfence.sel $0xFFFF  }
0xd4: {  	[dreg:$0x0] =	wrdreg $0xFFFFFFFF;
	(pc) =	sbr.abs _section_cstart, $3  }
0xd5: {  	[dreg:$0x1] =	wrdreg $0xFFFFFFFF  }
0xd6: {  	_ =	task.clear_ibuf [dreg:s22], $0x2FFFF;
	_ =	strace $0x9FFFFFFF  }
0xd7: {  	(tm) =	ssettm $0x7FFFFFFF  }
tec
execute0_lowered:
.L_overlay_start_1:
0x0: {  	(tag) =	ssettag $0x1  }
0x1: {  	s2 =	rddreg [dreg:$0x0]  }
0x2: {  	s0 =	rddreg [dreg:$0x1]  }
0x3: {  	s1 =	srdreg.scid;
	s10 =	stileid.u32;
	s3 =	simm.s32 $0x0  }
0x4: {  	s19 =	simm.s32 $0x8000;
	s20 =	simm.s32 $0xCF00;
	s21 =	simm.s32 $0xA780  }
0x5: {  	s22 =	simm.s32 $0xF680;
	s23 =	simm.s32 $0x1;
	s24 =	simm.s32 $0x2  }
0x6: {  	s26 =	simm.s32 $0x0;
	s1 =	sand.u32 $0x1, s1;
	s4 =	sshll.u32 s10, $0x1  }
0x7: {  	[smem:$0x7FF] =	sst s3;
	s14 =	sadd.s32 $0x1A400, s0;
	s5 =	sshrl.u32 s10, $0x3  }
0x8: {  	s28 =	sshrl.u32 s10, $0x2;
	s7 =	sor.u32 s1, s4;
	_ =	strace $0x8000004A  }
0x9: {  	s4 =	sadd.s32 $0x1C00, s0;
	s1 =	ssub.s32 $0x2, s1;
	s6 =	smul.u32 $0x186A0, s5  }
0xa: {  	s12 =	smul.u32 $0x186A0, s28;
	s11 =	sshll.u32 s7, $0xC;
	s13 =	sor.u32 $0x20, s7  }
0xb: {  	s8 =	sshrl.u32 s1, $0x1;
	s5 =	smul.u32 $0x186A0, s7;
	s25 =	sand.u32 $0x7, s7  }
0xc: {  	s0 =	sadd.s32 s11, s0;
	s9 =	sshrl.u32 s13, $0x4;
	s15 =	smul.u32 $0x30E0, s25  }
0xd: {  	s1 =	ssub.s32 s1, s8;
	s6 =	sadd.s32 $0x61A80, s6;
	s10 =	smul.u32 $0x186A0, s13  }
0xe: {  	s11 =	sadd.s32 s14, s11;
	s17 =	sshll.u32 s13, $0xC;
	p0 =	seq.s32 s25, $0x7  }
0xf: {  	s25 =	simm.s32 $0x3;
	s9 =	smul.u32 $0x186A0, s9;
	s29 =	sshrl.u32 s6, $0x3  }
0x10: {  	s30 =	sshrl.u32 s5, $0x3;
	s14 =	sadd.s32 s14, s17;
	s17 =	sadd.s32 $0x5A400, s0  }
.Ltmp0:
0x11: {  	s7 =	sadd.s32 s4, s29;
	s8 =	sadd.s32 s2, s30;
	(pc) =	sbr.rel .LBB2_1-.Ltmp0, $4  }
0x12: {  	s15 =	sadd.s32 s15, s12;
	s31 =	sshrl.u32 s10, $0x3;
	s9 =	sadd.s32 $0x61A80, s9  }
0x13: {  	[dreg:$0x3] =	wrdreg s7;
	s15 =	sshrl.u32 s15, $0x3;
	s16 =	sshrl.u32 s9, $0x3  }
0x14: {  	s13 =	sadd.s32 s2, s31;
	s18 =	sadd.s32 s4, s15;
	s12 =	sadd.s32 s4, s16  }
0x15: {  	v0 =	vimm.f32 $0.0e+00;
	v1 =	vimm.f32 $1.000000000e+00;
	s15 =	sadd.s32 $0xC350, s18;
	s16 =	sadd.s32 $0xC65E, s18;
	s18 =	smax.u32 s1, $0x1  }
.LBB2_28:
0x16: {  	v2 =	vld [tilespmem:s0+$0x0];
	_ =	sdelay $0x5  }
0x17: {  	s26 =	sadd.s32 $0x1, s26  }
0x18: {  	p1 =	sne.s32 s26, s18  }
.Ltmp1:
0x19: {  	[tilespmem:v2+s3+$0x0] =	vst.idx.add.f32.msk $0xffff, v1;
	(pc) =	sbr.rel @!p1 .LBB2_29-.Ltmp1, $4  }
0x1a: {  	[hbm4b:s17+s3] =	stream.linear.scatter [tilespmem:s3], [sflag:$0x3], $0x8000, $0x38;
	[tilespmem:$0x11E00] =	vst v63  }
0x1b: {  	_ =	swait.ge [sflag:s25], $0x8000  }
0x1c: {  	[sflag:s25] =	ssyncset.done $0x0  }
0x1d: {  	[sflag:s25] =	ssyncadd.s32 $0xFFFF8000  }
.LBB2_1:
0x1e: {  	s0 =	rddreg [dreg:$0x3]  }
0x1f: {  	[tilespmem:s19], [sflag:$0x1] =	stream.linear.gather [hbm4b:s0+s3], $0x2710, $0x38;
	[tilespmem:$0x11E00] =	vst v63  }
0x20: {  	s1 =	simm.s32 $0x400;
	s0 =	simm.s32 $0x0  }
0x21: {  	[tilespmem:s20], [sflag:$0x1] =	stream.linear.gather [hbm4b:s8+s3], $0x2710, $0x38;
	[tilespmem:$0x11E00] =	vst v63  }
.LBB2_2:
0x22: {  	p1 =	sne.s32 s1, $0x1FC00;
	[tilespmem:s0+$0xF0] =	vst v0  }
0x23: {  	[tilespmem:s0+$0x0] =	vst v0  }
0x24: {  	[tilespmem:s0+$0x10] =	vst v0  }
0x25: {  	[tilespmem:s0+$0x20] =	vst v0  }
0x26: {  	[tilespmem:s0+$0x30] =	vst v0  }
0x27: {  	[tilespmem:s0+$0x40] =	vst v0  }
0x28: {  	[tilespmem:s0+$0x50] =	vst v0  }
0x29: {  	[tilespmem:s0+$0x60] =	vst v0  }
0x2a: {  	[tilespmem:s0+$0x70] =	vst v0  }
0x2b: {  	[tilespmem:s0+$0x80] =	vst v0  }
0x2c: {  	[tilespmem:s0+$0x90] =	vst v0  }
.Ltmp2:
0x2d: {  	[tilespmem:s0+$0xA0] =	vst v0;
	(pc) =	sbr.rel @p1 .LBB2_2-.Ltmp2, $4  }
0x2e: {  	[tilespmem:s0+$0xB0] =	vst v0  }
0x2f: {  	[tilespmem:s0+$0xC0] =	vst v0  }
0x30: {  	[tilespmem:s0+$0xD0] =	vst v0  }
0x31: {  	[tilespmem:s0+$0xE0] =	vst v0;
	s0 =	sshra.s32 s1, $0x2;
	s1 =	sadd.s32 $0x400, s1  }
0x32: {  	[tilespmem:s0+$0xF0] =	vst v0  }
0x33: {  	[tilespmem:s0+$0x0] =	vst v0  }
0x34: {  	[tilespmem:s0+$0x10] =	vst v0  }
0x35: {  	[tilespmem:s0+$0x20] =	vst v0  }
0x36: {  	[tilespmem:s0+$0x30] =	vst v0  }
0x37: {  	[tilespmem:s0+$0x40] =	vst v0  }
0x38: {  	[tilespmem:s0+$0x50] =	vst v0  }
0x39: {  	[tilespmem:s0+$0x60] =	vst v0  }
0x3a: {  	[tilespmem:s0+$0x70] =	vst v0  }
0x3b: {  	[tilespmem:s0+$0x80] =	vst v0  }
0x3c: {  	[tilespmem:s0+$0x90] =	vst v0  }
0x3d: {  	[tilespmem:s0+$0xA0] =	vst v0  }
0x3e: {  	[tilespmem:s0+$0xB0] =	vst v0  }
0x3f: {  	[tilespmem:s0+$0xC0] =	vst v0  }
0x40: {  	[tilespmem:s0+$0xD0] =	vst v0  }
0x41: {  	s28 =	simm.s32 $0x0;
	[tilespmem:s0+$0xE0] =	vst v0;
	s29 =	simm.s32 $0x0  }
.LBB2_4:
0x42: {  	s30 =	smul.u32 $0x4E20, s29;
	_ =	sdelay $0x1  }
0x43: {  	s0 =	sadd.s32 $0x2710, s30  }
0x44: {  	s1 =	sadd.s32 s6, s0  }
0x45: {  	s0 =	sadd.s32 s5, s0;
	s1 =	sshrl.u32 s1, $0x3  }
0x46: {  	s0 =	sshrl.u32 s0, $0x3;
	s1 =	sadd.s32 s4, s1  }
0x47: {  	[tilespmem:s21], [sflag:$0x2] =	stream.linear.gather [hbm4b:s1+s28], $0x2710, $0x38;
	[tilespmem:$0x11E00] =	vst v63  }
0x48: {  	s0 =	sadd.s32 s2, s0  }
0x49: {  	[tilespmem:s22], [sflag:$0x2] =	stream.linear.gather [hbm4b:s0+s28], $0x2710, $0x38;
	[tilespmem:$0x11E00] =	vst v63  }
0x4a: {  	_ =	swait.ge [sflag:s23], $0x2710  }
0x4b: {  	[sflag:s23] =	ssyncset.done $0x0  }
0x4c: {  	[sflag:s23] =	ssyncadd.s32 $0xFFFFD8F0  }
0x4d: {  	_ =	swait.ge [sflag:s23], $0x2710  }
0x4e: {  	s31 =	simm.s32 $0x80C0;
	[sflag:s23] =	ssyncset.done $0x0  }
0x4f: {  	s1 =	simm.s32 $0x0;
	s0 =	simm.s32 $0xCFC0;
	[sflag:s23] =	ssyncadd.s32 $0xFFFFD8F0  }
.LBB2_5:
0x50: {  	v2 =	vld [tilespmem:s31+$0xFFFFFF40];
	_ =	sdelay $0x2  }
0x51: {  	v3 =	vld [tilespmem:s0+$0xFFFFFF40];
	_ =	sdelay $0x4  }
0x52: {  	[tilespmem:v2+s3+$0x0] =	vst.idx.add.f32.msk $0xffff, v3  }
0x53: {  	v2 =	vld [tilespmem:s31+$0xFFFFFF50];
	_ =	sdelay $0x2  }
0x54: {  	v3 =	vld [tilespmem:s0+$0xFFFFFF50];
	_ =	sdelay $0x4  }
0x55: {  	[tilespmem:v2+s3+$0x0] =	vst.idx.add.f32.msk $0xffff, v3  }
0x56: {  	v2 =	vld [tilespmem:s31+$0xFFFFFF60];
	_ =	sdelay $0x2  }
0x57: {  	v3 =	vld [tilespmem:s0+$0xFFFFFF60];
	_ =	sdelay $0x4  }
0x58: {  	[tilespmem:v2+s3+$0x0] =	vst.idx.add.f32.msk $0xffff, v3  }
0x59: {  	v2 =	vld [tilespmem:s31+$0xFFFFFF70];
	_ =	sdelay $0x2  }
0x5a: {  	v3 =	vld [tilespmem:s0+$0xFFFFFF70];
	_ =	sdelay $0x4  }
0x5b: {  	[tilespmem:v2+s3+$0x0] =	vst.idx.add.f32.msk $0xffff, v3  }
0x5c: {  	v2 =	vld [tilespmem:s31+$0xFFFFFF80];
	_ =	sdelay $0x2  }
0x5d: {  	v3 =	vld [tilespmem:s0+$0xFFFFFF80];
	_ =	sdelay $0x4  }
0x5e: {  	[tilespmem:v2+s3+$0x0] =	vst.idx.add.f32.msk $0xffff, v3  }
0x5f: {  	v2 =	vld [tilespmem:s31+$0xFFFFFF90];
	_ =	sdelay $0x2  }
0x60: {  	v3 =	vld [tilespmem:s0+$0xFFFFFF90];
	_ =	sdelay $0x4  }
0x61: {  	[tilespmem:v2+s3+$0x0] =	vst.idx.add.f32.msk $0xffff, v3  }
0x62: {  	v2 =	vld [tilespmem:s31+$0xFFFFFFA0];
	_ =	sdelay $0x2  }
0x63: {  	v3 =	vld [tilespmem:s0+$0xFFFFFFA0];
	_ =	sdelay $0x4  }
0x64: {  	[tilespmem:v2+s3+$0x0] =	vst.idx.add.f32.msk $0xffff, v3  }
0x65: {  	v2 =	vld [tilespmem:s31+$0xFFFFFFB0];
	_ =	sdelay $0x2  }
0x66: {  	v3 =	vld [tilespmem:s0+$0xFFFFFFB0];
	_ =	sdelay $0x4  }
0x67: {  	s7 =	sand.u32 $0x3FF0, s1;
	[tilespmem:v2+s3+$0x0] =	vst.idx.add.f32.msk $0xffff, v3  }
0x68: {  	v2 =	vld [tilespmem:s7+$0x8080];
	_ =	sdelay $0x2  }
0x69: {  	v3 =	vld [tilespmem:s7+$0xCF80];
	_ =	sdelay $0x4  }
0x6a: {  	[tilespmem:v2+s3+$0x0] =	vst.idx.add.f32.msk $0xffff, v3  }
0x6b: {  	v2 =	vld [tilespmem:s31+$0xFFFFFFD0];
	_ =	sdelay $0x2  }
0x6c: {  	v3 =	vld [tilespmem:s0+$0xFFFFFFD0];
	_ =	sdelay $0x4  }
0x6d: {  	[tilespmem:v2+s3+$0x0] =	vst.idx.add.f32.msk $0xffff, v3  }
0x6e: {  	v2 =	vld [tilespmem:s31+$0xFFFFFFE0];
	_ =	sdelay $0x2  }
0x6f: {  	v3 =	vld [tilespmem:s0+$0xFFFFFFE0];
	_ =	sdelay $0x4  }
0x70: {  	[tilespmem:v2+s3+$0x0] =	vst.idx.add.f32.msk $0xffff, v3  }
0x71: {  	v2 =	vld [tilespmem:s31+$0xFFFFFFF0];
	_ =	sdelay $0x2  }
0x72: {  	v3 =	vld [tilespmem:s0+$0xFFFFFFF0];
	_ =	sdelay $0x4  }
0x73: {  	[tilespmem:v2+s3+$0x0] =	vst.idx.add.f32.msk $0xffff, v3  }
0x74: {  	v2 =	vld [tilespmem:s31+$0x0];
	_ =	sdelay $0x2  }
0x75: {  	v3 =	vld [tilespmem:s0+$0x0];
	_ =	sdelay $0x4  }
0x76: {  	[tilespmem:v2+s3+$0x0] =	vst.idx.add.f32.msk $0xffff, v3  }
0x77: {  	v2 =	vld [tilespmem:s31+$0x10];
	_ =	sdelay $0x2  }
0x78: {  	v3 =	vld [tilespmem:s0+$0x10];
	_ =	sdelay $0x4  }
0x79: {  	[tilespmem:v2+s3+$0x0] =	vst.idx.add.f32.msk $0xffff, v3  }
0x7a: {  	v2 =	vld [tilespmem:s31+$0x20];
	_ =	sdelay $0x2  }
0x7b: {  	v3 =	vld [tilespmem:s0+$0x20];
	_ =	sdelay $0x4  }
0x7c: {  	[tilespmem:v2+s3+$0x0] =	vst.idx.add.f32.msk $0xffff, v3  }
0x7d: {  	v2 =	vld [tilespmem:s31+$0x30];
	_ =	sdelay $0x2  }
0x7e: {  	v3 =	vld [tilespmem:s0+$0x30];
	_ =	sdelay $0x4  }
0x7f: {  	[tilespmem:v2+s3+$0x0] =	vst.idx.add.f32.msk $0xffff, v3  }
0x80: {  	v2 =	vld [tilespmem:s7+$0x8100];
	_ =	sdelay $0x2  }
0x81: {  	v3 =	vld [tilespmem:s7+$0xD000];
	_ =	sdelay $0x4  }
0x82: {  	[tilespmem:v2+s3+$0x0] =	vst.idx.add.f32.msk $0xffff, v3  }
0x83: {  	v2 =	vld [tilespmem:s31+$0x50];
	_ =	sdelay $0x2  }
0x84: {  	v3 =	vld [tilespmem:s0+$0x50];
	_ =	sdelay $0x4  }
0x85: {  	[tilespmem:v2+s3+$0x0] =	vst.idx.add.f32.msk $0xffff, v3  }
0x86: {  	v2 =	vld [tilespmem:s31+$0x60];
	_ =	sdelay $0x2  }
0x87: {  	v3 =	vld [tilespmem:s0+$0x60];
	_ =	sdelay $0x4  }
0x88: {  	[tilespmem:v2+s3+$0x0] =	vst.idx.add.f32.msk $0xffff, v3  }
0x89: {  	v2 =	vld [tilespmem:s31+$0x70];
	_ =	sdelay $0x2  }
0x8a: {  	v3 =	vld [tilespmem:s0+$0x70];
	_ =	sdelay $0x4  }
0x8b: {  	[tilespmem:v2+s3+$0x0] =	vst.idx.add.f32.msk $0xffff, v3  }
0x8c: {  	v2 =	vld [tilespmem:s31+$0x80];
	_ =	sdelay $0x2  }
0x8d: {  	v3 =	vld [tilespmem:s0+$0x80];
	_ =	sdelay $0x4  }
0x8e: {  	[tilespmem:v2+s3+$0x0] =	vst.idx.add.f32.msk $0xffff, v3  }
0x8f: {  	v2 =	vld [tilespmem:s31+$0x90];
	_ =	sdelay $0x2  }
0x90: {  	v3 =	vld [tilespmem:s0+$0x90];
	_ =	sdelay $0x4  }
0x91: {  	[tilespmem:v2+s3+$0x0] =	vst.idx.add.f32.msk $0xffff, v3  }
0x92: {  	v2 =	vld [tilespmem:s31+$0xA0];
	_ =	sdelay $0x2  }
0x93: {  	v3 =	vld [tilespmem:s0+$0xA0];
	_ =	sdelay $0x4  }
0x94: {  	[tilespmem:v2+s3+$0x0] =	vst.idx.add.f32.msk $0xffff, v3  }
0x95: {  	v2 =	vld [tilespmem:s31+$0xB0];
	_ =	sdelay $0x2  }
0x96: {  	v3 =	vld [tilespmem:s0+$0xB0];
	_ =	sdelay $0x4  }
0x97: {  	[tilespmem:v2+s3+$0x0] =	vst.idx.add.f32.msk $0xffff, v3  }
0x98: {  	v2 =	vld [tilespmem:s7+$0x8180];
	_ =	sdelay $0x2  }
0x99: {  	p1 =	sne.s32 s1, $0x2580;
	v3 =	vld [tilespmem:s7+$0xD080]  }
.Ltmp3:
0x9a: {  	_ = 	snop;
	(pc) =	sbr.rel @p1 .LBB2_5-.Ltmp3, $2  }
0x9b: {  	_ =	sdelay $0x2  }
0x9c: {  	s1 =	sadd.s32 $0x190, s1;
	s31 =	sadd.s32 $0x190, s31;
	s0 =	sadd.s32 $0x190, s0;
	[tilespmem:v2+s3+$0x0] =	vst.idx.add.f32.msk $0xffff, v3  }
0x9d: {  	p1 =	seq.s32 s29, $0x4  }
0x9e: {  	s0 =	sadd.s32 @!p1 $0x4E20, s30  }
0x9f: {  	s1 =	sadd.s32 @!p1 s6, s0  }
0xa0: {  	s7 =	simm.s32 @!p1 $0x0;
	s0 =	sadd.s32 @!p1 s5, s0;
	s1 =	sshrl.u32 @!p1 s1, $0x3  }
0xa1: {  	s30 =	simm.s32 @!p1 $0x8000;
	s0 =	sshrl.u32 @!p1 s0, $0x3;
	s1 =	sadd.s32 @!p1 s4, s1  }
0xa2: {  	[tilespmem:s30], [sflag:$0x1] =	stream.linear.gather @!p1 [hbm4b:s1+s7], $0x2710, $0x38;
	[tilespmem:$0x11E00] =	vst v63  }
0xa3: {  	s0 =	sadd.s32 @!p1 s2, s0;
	s1 =	simm.s32 @!p1 $0xCF00  }
0xa4: {  	[tilespmem:s1], [sflag:$0x1] =	stream.linear.gather @!p1 [hbm4b:s0+s7], $0x2710, $0x38;
	[tilespmem:$0x11E00] =	vst v63  }
0xa5: {  	_ =	swait.ge [sflag:s24], $0x2710  }
0xa6: {  	[sflag:s24] =	ssyncset.done $0x0  }
0xa7: {  	[sflag:s24] =	ssyncadd.s32 $0xFFFFD8F0  }
0xa8: {  	_ =	swait.ge [sflag:s24], $0x2710  }
0xa9: {  	s30 =	simm.s32 $0x0;
	[sflag:s24] =	ssyncset.done $0x0  }
0xaa: {  	s0 =	simm.s32 $0xA840;
	s1 =	simm.s32 $0xF740;
	[sflag:s24] =	ssyncadd.s32 $0xFFFFD8F0  }
.LBB2_7:
0xab: {  	v2 =	vld [tilespmem:s0+$0xFFFFFF40];
	_ =	sdelay $0x2  }
0xac: {  	v3 =	vld [tilespmem:s1+$0xFFFFFF40];
	_ =	sdelay $0x4  }
0xad: {  	[tilespmem:v2+s3+$0x0] =	vst.idx.add.f32.msk $0xffff, v3  }
0xae: {  	v2 =	vld [tilespmem:s0+$0xFFFFFF50];
	_ =	sdelay $0x2  }
0xaf: {  	v3 =	vld [tilespmem:s1+$0xFFFFFF50];
	_ =	sdelay $0x4  }
0xb0: {  	[tilespmem:v2+s3+$0x0] =	vst.idx.add.f32.msk $0xffff, v3  }
0xb1: {  	v2 =	vld [tilespmem:s0+$0xFFFFFF60];
	_ =	sdelay $0x2  }
0xb2: {  	v3 =	vld [tilespmem:s1+$0xFFFFFF60];
	_ =	sdelay $0x4  }
0xb3: {  	[tilespmem:v2+s3+$0x0] =	vst.idx.add.f32.msk $0xffff, v3  }
0xb4: {  	v2 =	vld [tilespmem:s0+$0xFFFFFF70];
	_ =	sdelay $0x2  }
0xb5: {  	v3 =	vld [tilespmem:s1+$0xFFFFFF70];
	_ =	sdelay $0x4  }
0xb6: {  	[tilespmem:v2+s3+$0x0] =	vst.idx.add.f32.msk $0xffff, v3  }
0xb7: {  	v2 =	vld [tilespmem:s0+$0xFFFFFF80];
	_ =	sdelay $0x2  }
0xb8: {  	v3 =	vld [tilespmem:s1+$0xFFFFFF80];
	_ =	sdelay $0x4  }
0xb9: {  	[tilespmem:v2+s3+$0x0] =	vst.idx.add.f32.msk $0xffff, v3  }
0xba: {  	v2 =	vld [tilespmem:s0+$0xFFFFFF90];
	_ =	sdelay $0x2  }
0xbb: {  	v3 =	vld [tilespmem:s1+$0xFFFFFF90];
	_ =	sdelay $0x4  }
0xbc: {  	[tilespmem:v2+s3+$0x0] =	vst.idx.add.f32.msk $0xffff, v3  }
0xbd: {  	v2 =	vld [tilespmem:s0+$0xFFFFFFA0];
	_ =	sdelay $0x2  }
0xbe: {  	v3 =	vld [tilespmem:s1+$0xFFFFFFA0];
	_ =	sdelay $0x4  }
0xbf: {  	[tilespmem:v2+s3+$0x0] =	vst.idx.add.f32.msk $0xffff, v3  }
0xc0: {  	v2 =	vld [tilespmem:s0+$0xFFFFFFB0];
	_ =	sdelay $0x2  }
0xc1: {  	v3 =	vld [tilespmem:s1+$0xFFFFFFB0];
	_ =	sdelay $0x4  }
0xc2: {  	s7 =	sand.u32 $0x3FF0, s30;
	[tilespmem:v2+s3+$0x0] =	vst.idx.add.f32.msk $0xffff, v3  }
0xc3: {  	v2 =	vld [tilespmem:s7+$0xA800];
	_ =	sdelay $0x2  }
0xc4: {  	v3 =	vld [tilespmem:s7+$0xF700];
	_ =	sdelay $0x4  }
0xc5: {  	[tilespmem:v2+s3+$0x0] =	vst.idx.add.f32.msk $0xffff, v3  }
0xc6: {  	v2 =	vld [tilespmem:s0+$0xFFFFFFD0];
	_ =	sdelay $0x2  }
0xc7: {  	v3 =	vld [tilespmem:s1+$0xFFFFFFD0];
	_ =	sdelay $0x4  }
0xc8: {  	[tilespmem:v2+s3+$0x0] =	vst.idx.add.f32.msk $0xffff, v3  }
0xc9: {  	v2 =	vld [tilespmem:s0+$0xFFFFFFE0];
	_ =	sdelay $0x2  }
0xca: {  	v3 =	vld [tilespmem:s1+$0xFFFFFFE0];
	_ =	sdelay $0x4  }
0xcb: {  	[tilespmem:v2+s3+$0x0] =	vst.idx.add.f32.msk $0xffff, v3  }
0xcc: {  	v2 =	vld [tilespmem:s0+$0xFFFFFFF0];
	_ =	sdelay $0x2  }
0xcd: {  	v3 =	vld [tilespmem:s1+$0xFFFFFFF0];
	_ =	sdelay $0x4  }
0xce: {  	[tilespmem:v2+s3+$0x0] =	vst.idx.add.f32.msk $0xffff, v3  }
0xcf: {  	v2 =	vld [tilespmem:s0+$0x0];
	_ =	sdelay $0x2  }
0xd0: {  	v3 =	vld [tilespmem:s1+$0x0];
	_ =	sdelay $0x4  }
0xd1: {  	[tilespmem:v2+s3+$0x0] =	vst.idx.add.f32.msk $0xffff, v3  }
0xd2: {  	v2 =	vld [tilespmem:s0+$0x10];
	_ =	sdelay $0x2  }
0xd3: {  	v3 =	vld [tilespmem:s1+$0x10];
	_ =	sdelay $0x4  }
0xd4: {  	[tilespmem:v2+s3+$0x0] =	vst.idx.add.f32.msk $0xffff, v3  }
0xd5: {  	v2 =	vld [tilespmem:s0+$0x20];
	_ =	sdelay $0x2  }
0xd6: {  	v3 =	vld [tilespmem:s1+$0x20];
	_ =	sdelay $0x4  }
0xd7: {  	[tilespmem:v2+s3+$0x0] =	vst.idx.add.f32.msk $0xffff, v3  }
0xd8: {  	v2 =	vld [tilespmem:s0+$0x30];
	_ =	sdelay $0x2  }
0xd9: {  	v3 =	vld [tilespmem:s1+$0x30];
	_ =	sdelay $0x4  }
0xda: {  	[tilespmem:v2+s3+$0x0] =	vst.idx.add.f32.msk $0xffff, v3  }
0xdb: {  	v2 =	vld [tilespmem:s7+$0xA880];
	_ =	sdelay $0x2  }
0xdc: {  	v3 =	vld [tilespmem:s7+$0xF780];
	_ =	sdelay $0x4  }
0xdd: {  	[tilespmem:v2+s3+$0x0] =	vst.idx.add.f32.msk $0xffff, v3  }
0xde: {  	v2 =	vld [tilespmem:s0+$0x50];
	_ =	sdelay $0x2  }
0xdf: {  	v3 =	vld [tilespmem:s1+$0x50];
	_ =	sdelay $0x4  }
0xe0: {  	[tilespmem:v2+s3+$0x0] =	vst.idx.add.f32.msk $0xffff, v3  }
0xe1: {  	v2 =	vld [tilespmem:s0+$0x60];
	_ =	sdelay $0x2  }
0xe2: {  	v3 =	vld [tilespmem:s1+$0x60];
	_ =	sdelay $0x4  }
0xe3: {  	[tilespmem:v2+s3+$0x0] =	vst.idx.add.f32.msk $0xffff, v3  }
0xe4: {  	v2 =	vld [tilespmem:s0+$0x70];
	_ =	sdelay $0x2  }
0xe5: {  	v3 =	vld [tilespmem:s1+$0x70];
	_ =	sdelay $0x4  }
0xe6: {  	[tilespmem:v2+s3+$0x0] =	vst.idx.add.f32.msk $0xffff, v3  }
0xe7: {  	v2 =	vld [tilespmem:s0+$0x80];
	_ =	sdelay $0x2  }
0xe8: {  	v3 =	vld [tilespmem:s1+$0x80];
	_ =	sdelay $0x4  }
0xe9: {  	[tilespmem:v2+s3+$0x0] =	vst.idx.add.f32.msk $0xffff, v3  }
0xea: {  	v2 =	vld [tilespmem:s0+$0x90];
	_ =	sdelay $0x2  }
0xeb: {  	v3 =	vld [tilespmem:s1+$0x90];
	_ =	sdelay $0x4  }
0xec: {  	[tilespmem:v2+s3+$0x0] =	vst.idx.add.f32.msk $0xffff, v3  }
0xed: {  	v2 =	vld [tilespmem:s0+$0xA0];
	_ =	sdelay $0x2  }
0xee: {  	v3 =	vld [tilespmem:s1+$0xA0];
	_ =	sdelay $0x4  }
0xef: {  	[tilespmem:v2+s3+$0x0] =	vst.idx.add.f32.msk $0xffff, v3  }
0xf0: {  	v2 =	vld [tilespmem:s0+$0xB0];
	_ =	sdelay $0x2  }
0xf1: {  	v3 =	vld [tilespmem:s1+$0xB0];
	_ =	sdelay $0x4  }
0xf2: {  	[tilespmem:v2+s3+$0x0] =	vst.idx.add.f32.msk $0xffff, v3  }
0xf3: {  	v2 =	vld [tilespmem:s7+$0xA900];
	_ =	sdelay $0x2  }
0xf4: {  	p1 =	sne.s32 s30, $0x2580;
	v3 =	vld [tilespmem:s7+$0xF800]  }
.Ltmp4:
0xf5: {  	_ = 	snop;
	(pc) =	sbr.rel @p1 .LBB2_7-.Ltmp4, $2  }
0xf6: {  	_ =	sdelay $0x2  }
0xf7: {  	s30 =	sadd.s32 $0x190, s30;
	s0 =	sadd.s32 $0x190, s0;
	s1 =	sadd.s32 $0x190, s1;
	[tilespmem:v2+s3+$0x0] =	vst.idx.add.f32.msk $0xffff, v3  }
0xf8: {  	s29 =	sadd.s32 $0x1, s29  }
0xf9: {  	p1 =	sne.s32 s29, $0x5  }
.Ltmp5:
0xfa: {  	_ = 	snop;
	(pc) =	sbr.rel @p1 .LBB2_4-.Ltmp5, $1  }
0xfb: {  	_ =	sdelay $0x3  }
0xfc: {  	s28 =	simm.s32 $0x0  }
0xfd: {  	[hbm4b:s11+s28] =	stream.linear.scatter [tilespmem:s28], [sflag:$0x3], $0x8000, $0x38;
	[tilespmem:$0x11E00] =	vst v63  }
0xfe: {  	_ = 	snop  }
0xff: {  	[tilespmem:s19], [sflag:$0x1] =	stream.linear.gather [hbm4b:s12+s28], $0x2710, $0x38;
	[tilespmem:$0x11E00] =	vst v63  }
0x100: {  	_ = 	snop  }
0x101: {  	[tilespmem:s20], [sflag:$0x1] =	stream.linear.gather [hbm4b:s13+s28], $0x2710, $0x38;
	[tilespmem:$0x11E00] =	vst v63  }
0x102: {  	_ =	swait.ge [sflag:s25], $0x8000  }
0x103: {  	[sflag:s25] =	ssyncset.done $0x0  }
0x104: {  	s0 =	simm.s32 $0x0;
	s1 =	simm.s32 $0x400;
	[sflag:s25] =	ssyncadd.s32 $0xFFFF8000  }
.LBB2_10:
0x105: {  	p1 =	sne.s32 s1, $0x1FC00;
	[tilespmem:s0+$0xF0] =	vst v0  }
0x106: {  	[tilespmem:s0+$0x0] =	vst v0  }
0x107: {  	[tilespmem:s0+$0x10] =	vst v0  }
0x108: {  	[tilespmem:s0+$0x20] =	vst v0  }
0x109: {  	[tilespmem:s0+$0x30] =	vst v0  }
0x10a: {  	[tilespmem:s0+$0x40] =	vst v0  }
0x10b: {  	[tilespmem:s0+$0x50] =	vst v0  }
0x10c: {  	[tilespmem:s0+$0x60] =	vst v0  }
0x10d: {  	[tilespmem:s0+$0x70] =	vst v0  }
0x10e: {  	[tilespmem:s0+$0x80] =	vst v0  }
0x10f: {  	[tilespmem:s0+$0x90] =	vst v0  }
.Ltmp6:
0x110: {  	[tilespmem:s0+$0xA0] =	vst v0;
	(pc) =	sbr.rel @p1 .LBB2_10-.Ltmp6, $4  }
0x111: {  	[tilespmem:s0+$0xB0] =	vst v0  }
0x112: {  	[tilespmem:s0+$0xC0] =	vst v0  }
0x113: {  	[tilespmem:s0+$0xD0] =	vst v0  }
0x114: {  	[tilespmem:s0+$0xE0] =	vst v0;
	s0 =	sshra.s32 s1, $0x2;
	s1 =	sadd.s32 $0x400, s1  }
0x115: {  	[tilespmem:s0+$0xF0] =	vst v0  }
0x116: {  	[tilespmem:s0+$0x0] =	vst v0  }
0x117: {  	[tilespmem:s0+$0x10] =	vst v0  }
0x118: {  	[tilespmem:s0+$0x20] =	vst v0  }
0x119: {  	[tilespmem:s0+$0x30] =	vst v0  }
0x11a: {  	[tilespmem:s0+$0x40] =	vst v0  }
0x11b: {  	[tilespmem:s0+$0x50] =	vst v0  }
0x11c: {  	[tilespmem:s0+$0x60] =	vst v0  }
0x11d: {  	[tilespmem:s0+$0x70] =	vst v0  }
0x11e: {  	[tilespmem:s0+$0x80] =	vst v0  }
0x11f: {  	[tilespmem:s0+$0x90] =	vst v0  }
0x120: {  	[tilespmem:s0+$0xA0] =	vst v0  }
0x121: {  	[tilespmem:s0+$0xB0] =	vst v0  }
0x122: {  	[tilespmem:s0+$0xC0] =	vst v0  }
0x123: {  	[tilespmem:s0+$0xD0] =	vst v0  }
0x124: {  	[tilespmem:s0+$0xE0] =	vst v0  }
.LBB2_12:
0x125: {  	s29 =	smul.u32 $0x4E20, s28;
	_ =	sdelay $0x1  }
0x126: {  	s0 =	sadd.s32 $0x2710, s29  }
0x127: {  	s1 =	sadd.s32 s9, s0  }
0x128: {  	s0 =	sadd.s32 s10, s0;
	s1 =	sshrl.u32 s1, $0x3  }
0x129: {  	s30 =	simm.s32 $0x0;
	s0 =	sshrl.u32 s0, $0x3;
	s1 =	sadd.s32 s4, s1  }
0x12a: {  	[tilespmem:s21], [sflag:$0x2] =	stream.linear.gather [hbm4b:s1+s30], $0x2710, $0x38;
	[tilespmem:$0x11E00] =	vst v63  }
0x12b: {  	s0 =	sadd.s32 s2, s0  }
0x12c: {  	[tilespmem:s22], [sflag:$0x2] =	stream.linear.gather [hbm4b:s0+s30], $0x2710, $0x38;
	[tilespmem:$0x11E00] =	vst v63  }
0x12d: {  	_ =	swait.ge [sflag:s23], $0x2710  }
0x12e: {  	[sflag:s23] =	ssyncset.done $0x0  }
0x12f: {  	[sflag:s23] =	ssyncadd.s32 $0xFFFFD8F0  }
0x130: {  	_ =	swait.ge [sflag:s23], $0x2710  }
0x131: {  	[sflag:s23] =	ssyncset.done $0x0  }
0x132: {  	s1 =	simm.s32 $0xCFC0;
	s0 =	simm.s32 $0x80C0;
	[sflag:s23] =	ssyncadd.s32 $0xFFFFD8F0  }
.LBB2_13:
0x133: {  	v2 =	vld [tilespmem:s0+$0xFFFFFF40];
	_ =	sdelay $0x2  }
0x134: {  	v3 =	vld [tilespmem:s1+$0xFFFFFF40];
	_ =	sdelay $0x4  }
0x135: {  	[tilespmem:v2+s3+$0x0] =	vst.idx.add.f32.msk $0xffff, v3  }
0x136: {  	v2 =	vld [tilespmem:s0+$0xFFFFFF50];
	_ =	sdelay $0x2  }
0x137: {  	v3 =	vld [tilespmem:s1+$0xFFFFFF50];
	_ =	sdelay $0x4  }
0x138: {  	[tilespmem:v2+s3+$0x0] =	vst.idx.add.f32.msk $0xffff, v3  }
0x139: {  	v2 =	vld [tilespmem:s0+$0xFFFFFF60];
	_ =	sdelay $0x2  }
0x13a: {  	v3 =	vld [tilespmem:s1+$0xFFFFFF60];
	_ =	sdelay $0x4  }
0x13b: {  	[tilespmem:v2+s3+$0x0] =	vst.idx.add.f32.msk $0xffff, v3  }
0x13c: {  	v2 =	vld [tilespmem:s0+$0xFFFFFF70];
	_ =	sdelay $0x2  }
0x13d: {  	v3 =	vld [tilespmem:s1+$0xFFFFFF70];
	_ =	sdelay $0x4  }
0x13e: {  	[tilespmem:v2+s3+$0x0] =	vst.idx.add.f32.msk $0xffff, v3  }
0x13f: {  	v2 =	vld [tilespmem:s0+$0xFFFFFF80];
	_ =	sdelay $0x2  }
0x140: {  	v3 =	vld [tilespmem:s1+$0xFFFFFF80];
	_ =	sdelay $0x4  }
0x141: {  	[tilespmem:v2+s3+$0x0] =	vst.idx.add.f32.msk $0xffff, v3  }
0x142: {  	v2 =	vld [tilespmem:s0+$0xFFFFFF90];
	_ =	sdelay $0x2  }
0x143: {  	v3 =	vld [tilespmem:s1+$0xFFFFFF90];
	_ =	sdelay $0x4  }
0x144: {  	[tilespmem:v2+s3+$0x0] =	vst.idx.add.f32.msk $0xffff, v3  }
0x145: {  	v2 =	vld [tilespmem:s0+$0xFFFFFFA0];
	_ =	sdelay $0x2  }
0x146: {  	v3 =	vld [tilespmem:s1+$0xFFFFFFA0];
	_ =	sdelay $0x4  }
0x147: {  	[tilespmem:v2+s3+$0x0] =	vst.idx.add.f32.msk $0xffff, v3  }
0x148: {  	v2 =	vld [tilespmem:s0+$0xFFFFFFB0];
	_ =	sdelay $0x2  }
0x149: {  	v3 =	vld [tilespmem:s1+$0xFFFFFFB0];
	_ =	sdelay $0x4  }
0x14a: {  	s7 =	sand.u32 $0x3FF0, s30;
	[tilespmem:v2+s3+$0x0] =	vst.idx.add.f32.msk $0xffff, v3  }
0x14b: {  	v2 =	vld [tilespmem:s7+$0x8080];
	_ =	sdelay $0x2  }
0x14c: {  	v3 =	vld [tilespmem:s7+$0xCF80];
	_ =	sdelay $0x4  }
0x14d: {  	[tilespmem:v2+s3+$0x0] =	vst.idx.add.f32.msk $0xffff, v3  }
0x14e: {  	v2 =	vld [tilespmem:s0+$0xFFFFFFD0];
	_ =	sdelay $0x2  }
0x14f: {  	v3 =	vld [tilespmem:s1+$0xFFFFFFD0];
	_ =	sdelay $0x4  }
0x150: {  	[tilespmem:v2+s3+$0x0] =	vst.idx.add.f32.msk $0xffff, v3  }
0x151: {  	v2 =	vld [tilespmem:s0+$0xFFFFFFE0];
	_ =	sdelay $0x2  }
0x152: {  	v3 =	vld [tilespmem:s1+$0xFFFFFFE0];
	_ =	sdelay $0x4  }
0x153: {  	[tilespmem:v2+s3+$0x0] =	vst.idx.add.f32.msk $0xffff, v3  }
0x154: {  	v2 =	vld [tilespmem:s0+$0xFFFFFFF0];
	_ =	sdelay $0x2  }
0x155: {  	v3 =	vld [tilespmem:s1+$0xFFFFFFF0];
	_ =	sdelay $0x4  }
0x156: {  	[tilespmem:v2+s3+$0x0] =	vst.idx.add.f32.msk $0xffff, v3  }
0x157: {  	v2 =	vld [tilespmem:s0+$0x0];
	_ =	sdelay $0x2  }
0x158: {  	v3 =	vld [tilespmem:s1+$0x0];
	_ =	sdelay $0x4  }
0x159: {  	[tilespmem:v2+s3+$0x0] =	vst.idx.add.f32.msk $0xffff, v3  }
0x15a: {  	v2 =	vld [tilespmem:s0+$0x10];
	_ =	sdelay $0x2  }
0x15b: {  	v3 =	vld [tilespmem:s1+$0x10];
	_ =	sdelay $0x4  }
0x15c: {  	[tilespmem:v2+s3+$0x0] =	vst.idx.add.f32.msk $0xffff, v3  }
0x15d: {  	v2 =	vld [tilespmem:s0+$0x20];
	_ =	sdelay $0x2  }
0x15e: {  	v3 =	vld [tilespmem:s1+$0x20];
	_ =	sdelay $0x4  }
0x15f: {  	[tilespmem:v2+s3+$0x0] =	vst.idx.add.f32.msk $0xffff, v3  }
0x160: {  	v2 =	vld [tilespmem:s0+$0x30];
	_ =	sdelay $0x2  }
0x161: {  	v3 =	vld [tilespmem:s1+$0x30];
	_ =	sdelay $0x4  }
0x162: {  	[tilespmem:v2+s3+$0x0] =	vst.idx.add.f32.msk $0xffff, v3  }
0x163: {  	v2 =	vld [tilespmem:s7+$0x8100];
	_ =	sdelay $0x2  }
0x164: {  	v3 =	vld [tilespmem:s7+$0xD000];
	_ =	sdelay $0x4  }
0x165: {  	[tilespmem:v2+s3+$0x0] =	vst.idx.add.f32.msk $0xffff, v3  }
0x166: {  	v2 =	vld [tilespmem:s0+$0x50];
	_ =	sdelay $0x2  }
0x167: {  	v3 =	vld [tilespmem:s1+$0x50];
	_ =	sdelay $0x4  }
0x168: {  	[tilespmem:v2+s3+$0x0] =	vst.idx.add.f32.msk $0xffff, v3  }
0x169: {  	v2 =	vld [tilespmem:s0+$0x60];
	_ =	sdelay $0x2  }
0x16a: {  	v3 =	vld [tilespmem:s1+$0x60];
	_ =	sdelay $0x4  }
0x16b: {  	[tilespmem:v2+s3+$0x0] =	vst.idx.add.f32.msk $0xffff, v3  }
0x16c: {  	v2 =	vld [tilespmem:s0+$0x70];
	_ =	sdelay $0x2  }
0x16d: {  	v3 =	vld [tilespmem:s1+$0x70];
	_ =	sdelay $0x4  }
0x16e: {  	[tilespmem:v2+s3+$0x0] =	vst.idx.add.f32.msk $0xffff, v3  }
0x16f: {  	v2 =	vld [tilespmem:s0+$0x80];
	_ =	sdelay $0x2  }
0x170: {  	v3 =	vld [tilespmem:s1+$0x80];
	_ =	sdelay $0x4  }
0x171: {  	[tilespmem:v2+s3+$0x0] =	vst.idx.add.f32.msk $0xffff, v3  }
0x172: {  	v2 =	vld [tilespmem:s0+$0x90];
	_ =	sdelay $0x2  }
0x173: {  	v3 =	vld [tilespmem:s1+$0x90];
	_ =	sdelay $0x4  }
0x174: {  	[tilespmem:v2+s3+$0x0] =	vst.idx.add.f32.msk $0xffff, v3  }
0x175: {  	v2 =	vld [tilespmem:s0+$0xA0];
	_ =	sdelay $0x2  }
0x176: {  	v3 =	vld [tilespmem:s1+$0xA0];
	_ =	sdelay $0x4  }
0x177: {  	[tilespmem:v2+s3+$0x0] =	vst.idx.add.f32.msk $0xffff, v3  }
0x178: {  	v2 =	vld [tilespmem:s0+$0xB0];
	_ =	sdelay $0x2  }
0x179: {  	v3 =	vld [tilespmem:s1+$0xB0];
	_ =	sdelay $0x4  }
0x17a: {  	[tilespmem:v2+s3+$0x0] =	vst.idx.add.f32.msk $0xffff, v3  }
0x17b: {  	v2 =	vld [tilespmem:s7+$0x8180];
	_ =	sdelay $0x2  }
0x17c: {  	p1 =	sne.s32 s30, $0x2580;
	v3 =	vld [tilespmem:s7+$0xD080]  }
.Ltmp7:
0x17d: {  	_ = 	snop;
	(pc) =	sbr.rel @p1 .LBB2_13-.Ltmp7, $2  }
0x17e: {  	_ =	sdelay $0x2  }
0x17f: {  	s30 =	sadd.s32 $0x190, s30;
	s0 =	sadd.s32 $0x190, s0;
	s1 =	sadd.s32 $0x190, s1;
	[tilespmem:v2+s3+$0x0] =	vst.idx.add.f32.msk $0xffff, v3  }
0x180: {  	p1 =	seq.s32 s28, $0x4  }
0x181: {  	s0 =	sadd.s32 @!p1 $0x4E20, s29  }
0x182: {  	s1 =	sadd.s32 @!p1 s9, s0  }
0x183: {  	s7 =	simm.s32 @!p1 $0x0;
	s0 =	sadd.s32 @!p1 s10, s0;
	s1 =	sshrl.u32 @!p1 s1, $0x3  }
0x184: {  	s29 =	simm.s32 @!p1 $0x8000;
	s0 =	sshrl.u32 @!p1 s0, $0x3;
	s1 =	sadd.s32 @!p1 s4, s1  }
0x185: {  	[tilespmem:s29], [sflag:$0x1] =	stream.linear.gather @!p1 [hbm4b:s1+s7], $0x2710, $0x38;
	[tilespmem:$0x11E00] =	vst v63  }
0x186: {  	s0 =	sadd.s32 @!p1 s2, s0;
	s1 =	simm.s32 @!p1 $0xCF00  }
0x187: {  	[tilespmem:s1], [sflag:$0x1] =	stream.linear.gather @!p1 [hbm4b:s0+s7], $0x2710, $0x38;
	[tilespmem:$0x11E00] =	vst v63  }
0x188: {  	_ =	swait.ge [sflag:s24], $0x2710  }
0x189: {  	[sflag:s24] =	ssyncset.done $0x0  }
0x18a: {  	[sflag:s24] =	ssyncadd.s32 $0xFFFFD8F0  }
0x18b: {  	_ =	swait.ge [sflag:s24], $0x2710  }
0x18c: {  	s29 =	simm.s32 $0x0;
	[sflag:s24] =	ssyncset.done $0x0  }
0x18d: {  	s0 =	simm.s32 $0xA840;
	s1 =	simm.s32 $0xF740;
	[sflag:s24] =	ssyncadd.s32 $0xFFFFD8F0  }
.LBB2_15:
0x18e: {  	v2 =	vld [tilespmem:s0+$0xFFFFFF40];
	_ =	sdelay $0x2  }
0x18f: {  	v3 =	vld [tilespmem:s1+$0xFFFFFF40];
	_ =	sdelay $0x4  }
0x190: {  	[tilespmem:v2+s3+$0x0] =	vst.idx.add.f32.msk $0xffff, v3  }
0x191: {  	v2 =	vld [tilespmem:s0+$0xFFFFFF50];
	_ =	sdelay $0x2  }
0x192: {  	v3 =	vld [tilespmem:s1+$0xFFFFFF50];
	_ =	sdelay $0x4  }
0x193: {  	[tilespmem:v2+s3+$0x0] =	vst.idx.add.f32.msk $0xffff, v3  }
0x194: {  	v2 =	vld [tilespmem:s0+$0xFFFFFF60];
	_ =	sdelay $0x2  }
0x195: {  	v3 =	vld [tilespmem:s1+$0xFFFFFF60];
	_ =	sdelay $0x4  }
0x196: {  	[tilespmem:v2+s3+$0x0] =	vst.idx.add.f32.msk $0xffff, v3  }
0x197: {  	v2 =	vld [tilespmem:s0+$0xFFFFFF70];
	_ =	sdelay $0x2  }
0x198: {  	v3 =	vld [tilespmem:s1+$0xFFFFFF70];
	_ =	sdelay $0x4  }
0x199: {  	[tilespmem:v2+s3+$0x0] =	vst.idx.add.f32.msk $0xffff, v3  }
0x19a: {  	v2 =	vld [tilespmem:s0+$0xFFFFFF80];
	_ =	sdelay $0x2  }
0x19b: {  	v3 =	vld [tilespmem:s1+$0xFFFFFF80];
	_ =	sdelay $0x4  }
0x19c: {  	[tilespmem:v2+s3+$0x0] =	vst.idx.add.f32.msk $0xffff, v3  }
0x19d: {  	v2 =	vld [tilespmem:s0+$0xFFFFFF90];
	_ =	sdelay $0x2  }
0x19e: {  	v3 =	vld [tilespmem:s1+$0xFFFFFF90];
	_ =	sdelay $0x4  }
0x19f: {  	[tilespmem:v2+s3+$0x0] =	vst.idx.add.f32.msk $0xffff, v3  }
0x1a0: {  	v2 =	vld [tilespmem:s0+$0xFFFFFFA0];
	_ =	sdelay $0x2  }
0x1a1: {  	v3 =	vld [tilespmem:s1+$0xFFFFFFA0];
	_ =	sdelay $0x4  }
0x1a2: {  	[tilespmem:v2+s3+$0x0] =	vst.idx.add.f32.msk $0xffff, v3  }
0x1a3: {  	v2 =	vld [tilespmem:s0+$0xFFFFFFB0];
	_ =	sdelay $0x2  }
0x1a4: {  	v3 =	vld [tilespmem:s1+$0xFFFFFFB0];
	_ =	sdelay $0x4  }
0x1a5: {  	s7 =	sand.u32 $0x3FF0, s29;
	[tilespmem:v2+s3+$0x0] =	vst.idx.add.f32.msk $0xffff, v3  }
0x1a6: {  	v2 =	vld [tilespmem:s7+$0xA800];
	_ =	sdelay $0x2  }
0x1a7: {  	v3 =	vld [tilespmem:s7+$0xF700];
	_ =	sdelay $0x4  }
0x1a8: {  	[tilespmem:v2+s3+$0x0] =	vst.idx.add.f32.msk $0xffff, v3  }
0x1a9: {  	v2 =	vld [tilespmem:s0+$0xFFFFFFD0];
	_ =	sdelay $0x2  }
0x1aa: {  	v3 =	vld [tilespmem:s1+$0xFFFFFFD0];
	_ =	sdelay $0x4  }
0x1ab: {  	[tilespmem:v2+s3+$0x0] =	vst.idx.add.f32.msk $0xffff, v3  }
0x1ac: {  	v2 =	vld [tilespmem:s0+$0xFFFFFFE0];
	_ =	sdelay $0x2  }
0x1ad: {  	v3 =	vld [tilespmem:s1+$0xFFFFFFE0];
	_ =	sdelay $0x4  }
0x1ae: {  	[tilespmem:v2+s3+$0x0] =	vst.idx.add.f32.msk $0xffff, v3  }
0x1af: {  	v2 =	vld [tilespmem:s0+$0xFFFFFFF0];
	_ =	sdelay $0x2  }
0x1b0: {  	v3 =	vld [tilespmem:s1+$0xFFFFFFF0];
	_ =	sdelay $0x4  }
0x1b1: {  	[tilespmem:v2+s3+$0x0] =	vst.idx.add.f32.msk $0xffff, v3  }
0x1b2: {  	v2 =	vld [tilespmem:s0+$0x0];
	_ =	sdelay $0x2  }
0x1b3: {  	v3 =	vld [tilespmem:s1+$0x0];
	_ =	sdelay $0x4  }
0x1b4: {  	[tilespmem:v2+s3+$0x0] =	vst.idx.add.f32.msk $0xffff, v3  }
0x1b5: {  	v2 =	vld [tilespmem:s0+$0x10];
	_ =	sdelay $0x2  }
0x1b6: {  	v3 =	vld [tilespmem:s1+$0x10];
	_ =	sdelay $0x4  }
0x1b7: {  	[tilespmem:v2+s3+$0x0] =	vst.idx.add.f32.msk $0xffff, v3  }
0x1b8: {  	v2 =	vld [tilespmem:s0+$0x20];
	_ =	sdelay $0x2  }
0x1b9: {  	v3 =	vld [tilespmem:s1+$0x20];
	_ =	sdelay $0x4  }
0x1ba: {  	[tilespmem:v2+s3+$0x0] =	vst.idx.add.f32.msk $0xffff, v3  }
0x1bb: {  	v2 =	vld [tilespmem:s0+$0x30];
	_ =	sdelay $0x2  }
0x1bc: {  	v3 =	vld [tilespmem:s1+$0x30];
	_ =	sdelay $0x4  }
0x1bd: {  	[tilespmem:v2+s3+$0x0] =	vst.idx.add.f32.msk $0xffff, v3  }
0x1be: {  	v2 =	vld [tilespmem:s7+$0xA880];
	_ =	sdelay $0x2  }
0x1bf: {  	v3 =	vld [tilespmem:s7+$0xF780];
	_ =	sdelay $0x4  }
0x1c0: {  	[tilespmem:v2+s3+$0x0] =	vst.idx.add.f32.msk $0xffff, v3  }
0x1c1: {  	v2 =	vld [tilespmem:s0+$0x50];
	_ =	sdelay $0x2  }
0x1c2: {  	v3 =	vld [tilespmem:s1+$0x50];
	_ =	sdelay $0x4  }
0x1c3: {  	[tilespmem:v2+s3+$0x0] =	vst.idx.add.f32.msk $0xffff, v3  }
0x1c4: {  	v2 =	vld [tilespmem:s0+$0x60];
	_ =	sdelay $0x2  }
0x1c5: {  	v3 =	vld [tilespmem:s1+$0x60];
	_ =	sdelay $0x4  }
0x1c6: {  	[tilespmem:v2+s3+$0x0] =	vst.idx.add.f32.msk $0xffff, v3  }
0x1c7: {  	v2 =	vld [tilespmem:s0+$0x70];
	_ =	sdelay $0x2  }
0x1c8: {  	v3 =	vld [tilespmem:s1+$0x70];
	_ =	sdelay $0x4  }
0x1c9: {  	[tilespmem:v2+s3+$0x0] =	vst.idx.add.f32.msk $0xffff, v3  }
0x1ca: {  	v2 =	vld [tilespmem:s0+$0x80];
	_ =	sdelay $0x2  }
0x1cb: {  	v3 =	vld [tilespmem:s1+$0x80];
	_ =	sdelay $0x4  }
0x1cc: {  	[tilespmem:v2+s3+$0x0] =	vst.idx.add.f32.msk $0xffff, v3  }
0x1cd: {  	v2 =	vld [tilespmem:s0+$0x90];
	_ =	sdelay $0x2  }
0x1ce: {  	v3 =	vld [tilespmem:s1+$0x90];
	_ =	sdelay $0x4  }
0x1cf: {  	[tilespmem:v2+s3+$0x0] =	vst.idx.add.f32.msk $0xffff, v3  }
0x1d0: {  	v2 =	vld [tilespmem:s0+$0xA0];
	_ =	sdelay $0x2  }
0x1d1: {  	v3 =	vld [tilespmem:s1+$0xA0];
	_ =	sdelay $0x4  }
0x1d2: {  	[tilespmem:v2+s3+$0x0] =	vst.idx.add.f32.msk $0xffff, v3  }
0x1d3: {  	v2 =	vld [tilespmem:s0+$0xB0];
	_ =	sdelay $0x2  }
0x1d4: {  	v3 =	vld [tilespmem:s1+$0xB0];
	_ =	sdelay $0x4  }
0x1d5: {  	[tilespmem:v2+s3+$0x0] =	vst.idx.add.f32.msk $0xffff, v3  }
0x1d6: {  	v2 =	vld [tilespmem:s7+$0xA900];
	_ =	sdelay $0x2  }
0x1d7: {  	p1 =	sne.s32 s29, $0x2580;
	v3 =	vld [tilespmem:s7+$0xF800]  }
.Ltmp8:
0x1d8: {  	_ = 	snop;
	(pc) =	sbr.rel @p1 .LBB2_15-.Ltmp8, $2  }
0x1d9: {  	_ =	sdelay $0x2  }
0x1da: {  	s29 =	sadd.s32 $0x190, s29;
	s0 =	sadd.s32 $0x190, s0;
	s1 =	sadd.s32 $0x190, s1;
	[tilespmem:v2+s3+$0x0] =	vst.idx.add.f32.msk $0xffff, v3  }
0x1db: {  	s28 =	sadd.s32 $0x1, s28  }
0x1dc: {  	p1 =	sne.s32 s28, $0x5  }
.Ltmp9:
0x1dd: {  	_ = 	snop;
	(pc) =	sbr.rel @p1 .LBB2_12-.Ltmp9, $1  }
0x1de: {  	_ =	sdelay $0x3  }
0x1df: {  	s0 =	simm.s32 $0x0  }
0x1e0: {  	[hbm4b:s14+s0] =	stream.linear.scatter [tilespmem:s0], [sflag:$0x3], $0x8000, $0x38;
	[tilespmem:$0x11E00] =	vst v63  }
0x1e1: {  	_ = 	snop  }
0x1e2: {  	[tilespmem:s19], [sflag:$0x1] =	stream.linear.gather [hbm4b:s15+s0], $0x1870, $0x38;
	[tilespmem:$0x11E00] =	vst v63  }
0x1e3: {  	_ =	swait.ge [sflag:s25], $0x8000  }
0x1e4: {  	[sflag:s25] =	ssyncset.done $0x0  }
0x1e5: {  	s1 =	simm.s32 $0x400;
	s0 =	simm.s32 $0x0;
	[sflag:s25] =	ssyncadd.s32 $0xFFFF8000  }
.LBB2_18:
0x1e6: {  	p1 =	sne.s32 s1, $0x1FC00;
	[tilespmem:s0+$0xF0] =	vst v0  }
0x1e7: {  	[tilespmem:s0+$0x0] =	vst v0  }
0x1e8: {  	[tilespmem:s0+$0x10] =	vst v0  }
0x1e9: {  	[tilespmem:s0+$0x20] =	vst v0  }
0x1ea: {  	[tilespmem:s0+$0x30] =	vst v0  }
0x1eb: {  	[tilespmem:s0+$0x40] =	vst v0  }
0x1ec: {  	[tilespmem:s0+$0x50] =	vst v0  }
0x1ed: {  	[tilespmem:s0+$0x60] =	vst v0  }
0x1ee: {  	[tilespmem:s0+$0x70] =	vst v0  }
0x1ef: {  	[tilespmem:s0+$0x80] =	vst v0  }
0x1f0: {  	[tilespmem:s0+$0x90] =	vst v0  }
.Ltmp10:
0x1f1: {  	[tilespmem:s0+$0xA0] =	vst v0;
	(pc) =	sbr.rel @p1 .LBB2_18-.Ltmp10, $4  }
0x1f2: {  	[tilespmem:s0+$0xB0] =	vst v0  }
0x1f3: {  	[tilespmem:s0+$0xC0] =	vst v0  }
0x1f4: {  	[tilespmem:s0+$0xD0] =	vst v0  }
0x1f5: {  	[tilespmem:s0+$0xE0] =	vst v0;
	s0 =	sshra.s32 s1, $0x2;
	s1 =	sadd.s32 $0x400, s1  }
0x1f6: {  	[tilespmem:s0+$0xF0] =	vst v0  }
0x1f7: {  	[tilespmem:s0+$0x0] =	vst v0  }
0x1f8: {  	[tilespmem:s0+$0x10] =	vst v0  }
0x1f9: {  	[tilespmem:s0+$0x20] =	vst v0  }
0x1fa: {  	[tilespmem:s0+$0x30] =	vst v0  }
0x1fb: {  	[tilespmem:s0+$0x40] =	vst v0  }
0x1fc: {  	[tilespmem:s0+$0x50] =	vst v0  }
0x1fd: {  	[tilespmem:s0+$0x60] =	vst v0  }
0x1fe: {  	[tilespmem:s0+$0x70] =	vst v0  }
0x1ff: {  	[tilespmem:s0+$0x80] =	vst v0  }
0x200: {  	[tilespmem:s0+$0x90] =	vst v0  }
0x201: {  	[tilespmem:s0+$0xA0] =	vst v0  }
0x202: {  	[tilespmem:s0+$0xB0] =	vst v0  }
0x203: {  	[tilespmem:s0+$0xC0] =	vst v0  }
0x204: {  	[tilespmem:s0+$0xD0] =	vst v0  }
0x205: {  	[tilespmem:s0+$0xE0] =	vst v0;
	s0 =	simm.s32 @p0 $0x0;
	s1 =	simm.s32 @p0 $0xA780  }
0x206: {  	[tilespmem:s1], [sflag:$0x2] =	stream.linear.gather @p0 [hbm4b:s16+s0], $0x1810, $0x38;
	[tilespmem:$0x11E00] =	vst v63  }
0x207: {  	s0 =	simm.s32 @!p0 $0x0;
	s1 =	simm.s32 @!p0 $0xA780  }
0x208: {  	[tilespmem:s1], [sflag:$0x2] =	stream.linear.gather @!p0 [hbm4b:s16+s0], $0x1870, $0x38;
	[tilespmem:$0x11E00] =	vst v63  }
0x209: {  	_ =	swait.ge [sflag:s23], $0x1870  }
0x20a: {  	[sflag:s23] =	ssyncset.done $0x0  }
0x20b: {  	s1 =	simm.s32 $0x0;
	s0 =	simm.s32 $0x80;
	[sflag:s23] =	ssyncadd.s32 $0xFFFFE790  }
.LBB2_20:
0x20c: {  	p1 =	sne.s32 s0, $0x6100;
	v2 =	vld [tilespmem:s1+$0x8000];
	_ =	sdelay $0x7  }
0x20d: {  	[tilespmem:v2+s3+$0x0] =	vst.idx.add.f32.msk $0xffff, v1  }
0x20e: {  	v2 =	vld [tilespmem:s1+$0x8010];
	_ =	sdelay $0x3  }
.Ltmp11:
0x20f: {  	(pc) =	sbr.rel @p1 .LBB2_20-.Ltmp11, $2  }
0x210: {  	_ =	sdelay $0x2  }
0x211: {  	s1 =	sshra.s32 s0, $0x2;
	s0 =	sadd.s32 $0x80, s0;
	[tilespmem:v2+s3+$0x0] =	vst.idx.add.f32.msk $0xffff, v1  }
0x212: {  	v2 =	vld [tilespmem:s1+$0x8000];
	_ =	sdelay $0x7  }
0x213: {  	[tilespmem:v2+s3+$0x0] =	vst.idx.add.f32.msk $0xffff, v1  }
0x214: {  	v2 =	vld [tilespmem:s1+$0x8010];
	_ =	sdelay $0x7  }
0x215: {  	[tilespmem:v2+s3+$0x0] =	vst.idx.add.f32.msk $0xffff, v1  }
0x216: {  	v2 =	vld [tilespmem:$0x9860];
	_ =	sdelay $0x3  }
.Ltmp12:
0x217: {  	_ = 	snop;
	(pc) =	sbr.rel @!p0 .LBB2_22-.Ltmp12, $2  }
0x218: {  	_ =	sdelay $0x2  }
0x219: {  	[tilespmem:v2+s3+$0x0] =	vst.idx.add.f32.msk $0xffff, v1  }
0x21a: {  	_ =	swait.ge [sflag:s24], $0x1810  }
0x21b: {  	[sflag:s24] =	ssyncset.done $0x0  }
0x21c: {  	s0 =	simm.s32 $0x0;
	[sflag:s24] =	ssyncadd.s32 $0xFFFFE7F0  }
.LBB2_26:
0x21d: {  	s1 =	sshra.s32 s0, $0x2  }
0x21e: {  	v2 =	vld [tilespmem:s1+$0xA780];
	_ =	sdelay $0x7  }
0x21f: {  	[tilespmem:v2+s3+$0x0] =	vst.idx.add.f32.msk $0xffff, v1  }
0x220: {  	v2 =	vld [tilespmem:s1+$0xA790];
	_ =	sdelay $0x2  }
0x221: {  	p1 =	sne.s32 s0, $0x5F80  }
.Ltmp13:
0x222: {  	_ = 	snop;
	(pc) =	sbr.rel @p1 .LBB2_26-.Ltmp13, $2  }
0x223: {  	_ =	sdelay $0x2  }
0x224: {  	s0 =	sadd.s32 $0x80, s0;
	[tilespmem:v2+s3+$0x0] =	vst.idx.add.f32.msk $0xffff, v1  }
.Ltmp14:
0x225: {  	(pc) =	sbr.rel .LBB2_28-.Ltmp14, $2  }
0x226: {  	_ =	sdelay $0x2  }
0x227: {  	s0 =	simm.s32 $0xBF80  }
.LBB2_22:
0x228: {  	_ =	swait.ge [sflag:s24], $0x1870  }
0x229: {  	[sflag:s24] =	ssyncset.done $0x0  }
0x22a: {  	s0 =	simm.s32 $0x0;
	[sflag:s24] =	ssyncadd.s32 $0xFFFFE790  }
.LBB2_23:
0x22b: {  	s1 =	sshra.s32 s0, $0x2  }
0x22c: {  	v2 =	vld [tilespmem:s1+$0xA780];
	_ =	sdelay $0x7  }
0x22d: {  	[tilespmem:v2+s3+$0x0] =	vst.idx.add.f32.msk $0xffff, v1  }
0x22e: {  	v2 =	vld [tilespmem:s1+$0xA790];
	_ =	sdelay $0x2  }
0x22f: {  	p1 =	seq.s32 s0, $0x6100  }
.Ltmp15:
0x230: {  	_ = 	snop;
	(pc) =	sbr.rel @!p1 .LBB2_23-.Ltmp15, $2  }
0x231: {  	_ =	sdelay $0x2  }
0x232: {  	s0 =	sadd.s32 $0x80, s0;
	[tilespmem:v2+s3+$0x0] =	vst.idx.add.f32.msk $0xffff, v1  }
.Ltmp16:
0x233: {  	(pc) =	sbr.rel .LBB2_28-.Ltmp16, $2  }
0x234: {  	_ =	sdelay $0x2  }
0x235: {  	s0 =	simm.s32 $0xBFE0  }
.LBB2_29:
0x236: {  	_ =	sfence.sel $0x180000  }
0x237: {  	[bflag:$0x0] =	sbarrier.arrive $0xFFFF  }
0x238: {  	_ =	strace $0x9000004A  }
0x239: {  	s0 =	stileid.u32;
	[bflag:$0x2] =	sbarrier.arrive $0xFFFF  }
0x23a: {  	p0 =	sne.s32 s0, $0x0;
	s0 =	rddreg [dreg:$0x2]  }
0x23b: {  	s0 =	sadd.s32 @!p0 $0x100000, s0  }
0x23c: {  	[sflag:s0] =	ssyncadd.tile.s32 @!p0 $0x1;
	_ =	shalt  }
.Lfunc_end2:
_tile_overlayer_lowered:
.L_overlay_start_2:
0x23d: {  	(tag) =	ssettag $0x2  }
0x23e: {  	s0 =	rddreg [dreg:$0x0];
	s2 =	stileid.u32  }
0x23f: {  	s1 =	rddreg [dreg:$0x1];
	p0 =	sne.s32 s2, $0x0  }
0x240: {  	s3 =	rddreg [dreg:$0x2];
	[bflag:$0x3] =	sbarrier.arrive $0xFFFF;
	s2 =	simm.s32 @!p0 $0x1C04  }
0x241: {  	[timem:s3], [sflag:s2] =	dma.local @!p0 [hbm:s0], s1  }
0x242: {  	s0 =	simm.s32 @!p0 $0x4  }
0x243: {  	_ =	swait.ge @!p0 [sflag:s0], s1  }
0x244: {  	s1 =	ssub.s32 @!p0 $0x0, s1;
	[sflag:s0] =	ssyncset.done @!p0 $0x0  }
0x245: {  	[sflag:s0] =	ssyncadd.s32 @!p0 s1  }
0x246: {  	[bflag:$0x3] =	sbarrier.arrive $0xFFFF  }
0x247: {  	_ =	shalt  }

// kernel: kernel.7.cloned.1.call-start
scs
__scs_entry_jumppad:
0x0: {  	(pc) =	sbr.rel $0x88, $3  }
0x1: {  	(tag) =	ssettag $0x0;
	lr =	simm.s32 $0x1  }
0x2: {  	[smem:$0x3F9F] =	sst lr;
	_ =	strace $0xD0000000  }
0x3: {  	_ = 	snop  }
0x4: {  	_ = 	snop  }
0x5: {  	_ = 	snop  }
0x6: {  	_ = 	snop  }
0x7: {  	_ = 	snop  }
__scs_overlays_trampoline_lowered:
0x8: {  	[smem:$0x3FAE] =	sst s0  }
0x9: {  	[smem:$0x3FAF] =	sst s1  }
0xa: {  	[smem:$0x3FB0] =	sst s2  }
0xb: {  	[smem:$0x3FB1] =	sst s3  }
0xc: {  	[smem:$0x3FB2] =	sst s4  }
0xd: {  	[smem:$0x3FB3] =	sst s5  }
0xe: {  	[smem:$0x3FB4] =	sst s6  }
0xf: {  	[smem:$0x3FB5] =	sst s7  }
0x10: {  	[smem:$0x3FB6] =	sst s8  }
0x11: {  	[smem:$0x3FB7] =	sst s9;
	s0 =	simm.s32 @!p0 $0x0  }
0x12: {  	s1 =	sld [smem:$0x3F9D];
	s0 =	simm.s32 @p0 $0x1  }
0x13: {  	[smem:$0x3FB8] =	sst s0;
	s0 =	simm.s32 @!p1 $0x0  }
0x14: {  	s2 =	sld [smem:$0x3F9C];
	s0 =	simm.s32 @p1 $0x1  }
0x15: {  	[smem:$0x3FB9] =	sst s0;
	s0 =	simm.s32 @!p2 $0x0  }
0x16: {  	s3 =	sld [smem:$0x3FDB];
	s0 =	simm.s32 @p2 $0x1  }
0x17: {  	s4 =	simm.s32 $0x1BF5;
	[smem:$0x3FBB] =	sst s0  }
0x18: {  	s0 =	sld [smem:$0x3F9E];
	_ =	swait.ge [sflag:s4], $0x0  }
0x19: {  	s7 =	sld [smem:$0x3F9F]  }
0x1a: {  	s8 =	sadd.s32 $0xFFFFE003, lr  }
0x1b: {  	s9 =	sadd.s32 $0xFFFFFEF7, lr;
	s5 =	simm.s32 $0xFFFFFFFF;
	p2 =	slt.u32 s8, $0xFFFFF086  }
0x1c: {  	p1 =	slt.u32 s9, $0xF7A;
	s5 =	simm.s32 @!p2 $0x0  }
0x1d: {  	s5 =	simm.s32 @p1 $0x1;
	p0 =	seq.s32 s7, s2  }
0x1e: {  	s7 =	smul.u32 @!p0 $0xF7A, s2;
	p2 =	seq.s32 @!p0 s5, $0x0  }
0x1f: {  	s9 =	smul.u32 $0xF7A, s1;
	s8 =	simm.s32 @!p0 $0x1BF5;
	p2 =	por !p2, p0  }
0x20: {  	[sflag:s8] =	ssyncset.s32 @!p0 $0xFFFFF086;
	s6 =	sadd.s32 @!p0 s3, s7;
	s7 =	simm.s32 @!p0 $0x108  }
0x21: {  	s3 =	sadd.s32 s3, s9;
	s6 =	sadd.s32 @!p0 $0x88, s6;
	s7 =	simm.s32 @p2 $0x1082  }
0x22: {  	[simem:s7], [sflag:s8] =	dma.local @!p0 [hbm:s6], $0xF7A  }
0x23: {  	s9 =	sor.u32 $0xD0000000, s2;
	s6 =	simm.s32 $0x108;
	_ =	swait.ge @!p0 [sflag:s8], $0x0  }
0x24: {  	s3 =	sadd.s32 $0x88, s3;
	s6 =	simm.s32 @!p1 $0x1082;
	[sflag:s4] =	ssyncset.s32 $0xFFFFF086  }
0x25: {  	[simem:s6], [sflag:s4] =	dma.local [hbm:s3], $0xF7A  }
0x26: {  	[smem:$0x3F9F] =	sst s1;
	(tag) =	ssettag s2;
	_ =	strace s9  }
0x27: {  	s1 =	sld [smem:$0x3FAF]  }
0x28: {  	s2 =	sld [smem:$0x3FB0]  }
0x29: {  	s4 =	sld [smem:$0x3FB2]  }
0x2a: {  	p0 =	seq.s32 s5, $0x0;
	s5 =	sld [smem:$0x3FB3]  }
0x2b: {  	s6 =	sld [smem:$0x3FB4]  }
0x2c: {  	s7 =	sld [smem:$0x3FB5]  }
0x2d: {  	s3 =	simm.s32 $0x108;
	s8 =	sld [smem:$0x3FB6]  }
0x2e: {  	s3 =	simm.s32 @!p0 $0x1082;
	s9 =	sld [smem:$0x3FB7]  }
0x2f: {  	lr =	sadd.s32 s0, s3;
	s0 =	sld [smem:$0x3FAE]  }
0x30: {  	s3 =	sld [smem:$0x3FB1]  }
0x31: {  	[smem:$0x3FBA] =	sst s10  }
0x32: {  	s10 =	sld [smem:$0x3FB8];
	_ =	sdelay $0x3  }
0x33: {  	p0 =	seq.s32 s10, $0x1;
	s10 =	sld [smem:$0x3FBA];
	_ =	sdelay $0x3  }
0x34: {  	[smem:$0x3FBA] =	sst s10  }
0x35: {  	s10 =	sld [smem:$0x3FB9];
	_ =	sdelay $0x3  }
0x36: {  	p1 =	seq.s32 s10, $0x1;
	s10 =	sld [smem:$0x3FBA];
	_ =	sdelay $0x3  }
0x37: {  	[smem:$0x3FBA] =	sst s10  }
0x38: {  	s10 =	sld [smem:$0x3FBB]  }
0x39: {  	_ = 	snop;
	(pc) =	sbr.ind lr, $3  }
0x3a: {  	_ = 	snop  }
0x3b: {  	_ = 	snop  }
0x3c: {  	p2 =	seq.s32 s10, $0x1;
	s10 =	sld [smem:$0x3FBA]  }
0x3d: {  	_ =	shalt  }
0x3e: {  	_ =	shalt  }
0x3f: {  	_ =	shalt  }
0x40: {  	_ =	shalt  }
0x41: {  	_ =	shalt  }
0x42: {  	_ =	shalt  }
0x43: {  	_ =	shalt  }
0x44: {  	_ =	shalt  }
0x45: {  	_ =	shalt  }
0x46: {  	_ =	shalt  }
0x47: {  	_ =	shalt  }
0x48: {  	_ =	shalt  }
0x49: {  	_ =	shalt  }
0x4a: {  	_ =	shalt  }
0x4b: {  	_ =	shalt  }
0x4c: {  	_ =	shalt  }
0x4d: {  	_ =	shalt  }
0x4e: {  	_ =	shalt  }
0x4f: {  	_ =	shalt  }
0x50: {  	_ =	shalt  }
0x51: {  	_ =	shalt  }
0x52: {  	_ =	shalt  }
0x53: {  	_ =	shalt  }
0x54: {  	_ =	shalt  }
0x55: {  	_ =	shalt  }
0x56: {  	_ =	shalt  }
0x57: {  	_ =	shalt  }
0x58: {  	_ =	shalt  }
0x59: {  	_ =	shalt  }
0x5a: {  	_ =	shalt  }
0x5b: {  	_ =	shalt  }
0x5c: {  	_ =	shalt  }
0x5d: {  	_ =	shalt  }
0x5e: {  	_ =	shalt  }
0x5f: {  	_ =	shalt  }
0x60: {  	_ =	shalt  }
0x61: {  	_ =	shalt  }
0x62: {  	_ =	shalt  }
0x63: {  	_ =	shalt  }
0x64: {  	_ =	shalt  }
0x65: {  	_ =	shalt  }
0x66: {  	_ =	shalt  }
0x67: {  	_ =	shalt  }
0x68: {  	_ =	shalt  }
0x69: {  	_ =	shalt  }
0x6a: {  	_ =	shalt  }
0x6b: {  	_ =	shalt  }
0x6c: {  	_ =	shalt  }
0x6d: {  	_ =	shalt  }
0x6e: {  	_ =	shalt  }
0x6f: {  	_ =	shalt  }
0x70: {  	_ =	shalt  }
0x71: {  	_ =	shalt  }
0x72: {  	_ =	shalt  }
0x73: {  	_ =	shalt  }
0x74: {  	_ =	shalt  }
0x75: {  	_ =	shalt  }
0x76: {  	_ =	shalt  }
0x77: {  	_ =	shalt  }
0x78: {  	_ =	shalt  }
0x79: {  	_ =	shalt  }
0x7a: {  	_ =	shalt  }
0x7b: {  	_ =	shalt  }
0x7c: {  	_ =	shalt  }
0x7d: {  	_ =	shalt  }
0x7e: {  	_ =	shalt  }
0x7f: {  	_ =	shalt  }
0x80: {  	_ =	shalt  }
0x81: {  	_ =	shalt  }
0x82: {  	_ =	shalt  }
0x83: {  	_ =	shalt  }
0x84: {  	_ =	shalt  }
0x85: {  	_ =	shalt  }
0x86: {  	_ =	shalt  }
0x87: {  	_ =	shalt  }
.Lfunc_end0:
.L_simem_size_0:
called_computation_lowered:
.L_overlay_start_0:
0x88: {  	s2 =	sld [smem:$0x3FD9]  }
0x89: {  	s3 =	sld [smem:$0x3FFE];
	_ =	sdelay $0x1  }
0x8a: {  	s1 =	srdreg.scid  }
0x8b: {  	s0 =	sand.u32 $0x1, s1  }
0x8c: {  	s16 =	sshll.u32 s0, $0xA;
	s2 =	sadd.s32 s3, s2  }
0x8d: {  	s2 =	sadd.s32 s2, s16  }
0x8e: {  	[smem:$0x3FC6] =	sst s2  }
0x8f: {  	_ = 	snop  }
0x90: {  	(tm) =	ssettm $0x1  }
0x91: {  	s17 =	sld [smem:$0x3FFB];
	_ =	sdelay $0x3  }
0x92: {  	_ =	strace s17  }
0x93: {  	s2 =	sld [smem:$0x3FFC];
	_ =	sdelay $0x3  }
0x94: {  	_ =	strace s2  }
0x95: {  	s2 =	sld [smem:$0x3FFD];
	_ =	sdelay $0x3  }
0x96: {  	_ =	strace s2  }
0x97: {  	_ =	strace $0x8FFFFFFF  }
0x98: {  	s18 =	sld [smem:$0x3FDB];
	_ =	sdelay $0x1  }
0x99: {  	s19 =	simm.s32 $_scs_section_size  }
0x9a: {  	s4 =	simm.s32 $_size__tile_overlayer_lowered;
	s5 =	simm.s32 $_tile_overlayer_lowered  }
0x9b: {  	s22 =	simm.s32 $0x1BFF;
	s21 =	sshll.u32 s5, $0x1;
	s2 =	sadd.s32 s19, s18  }
0x9c: {  	s6 =	simm.s32 $0x0;
	s20 =	sshll.u32 s4, $0x1;
	s4 =	sadd.s32 s21, s2  }
0x9d: {  	[timem:s6], [sflag:s22] =	dma.local [hbm:s4], s20  }
0x9e: {  	_ =	swait.ge [sflag:s22], s20  }
0x9f: {  	s3 =	ssub.s32 $0x0, s20;
	[sflag:s22] =	ssyncset.done $0x0  }
0xa0: {  	[sflag:s22] =	ssyncadd.s32 s3;
	_ =	sdelay $0x1  }
0xa1: {  	s23 =	simm.s32 $0x1B8B  }
0xa2: {  	_ =	swait.ge [sflag:s23], $0x1  }
0xa3: {  	[sflag:s23] =	ssyncset.done $0x0  }
0xa4: {  	s25 =	simm.s32 $0x1B8E;
	s24 =	sld [smem:$0x3FFE];
	[sflag:s23] =	ssyncadd.s32 $0xFFFFFFFF  }
0xa5: {  	s26 =	simm.s32 $execute0_lowered;
	[smem:$0x3FD2] =	sst s25  }
0xa6: {  	s4 =	sshll.u32 s26, $0x1;
	_ =	strace $0x80000046;
	[dreg:$0x1] =	wrdreg $0xFFFFFFFF  }
0xa7: {  	s28 =	simm.s32 $_size_execute0_lowered;
	s2 =	sadd.s32 s2, s4;
	[dreg:$0x0] =	wrdreg $0x0  }
0xa8: {  	s4 =	sshll.u32 s28, $0x1;
	[dreg:$0x2] =	wrdreg s2  }
0xa9: {  	[dreg:$0x3] =	wrdreg s4  }
0xaa: {  	[dreg:$0x4] =	wrdreg $0xC0  }
0xab: {  	_ =	task [dreg:s6], $0x5FFFF  }
0xac: {  	[dreg:$0x1] =	wrdreg $0xFFFFFFFF  }
0xad: {  	[dreg:$0x0] =	wrdreg $0x60  }
0xae: {  	[dreg:$0x2] =	wrdreg s24  }
0xaf: {  	[dreg:$0x3] =	wrdreg $0x9  }
0xb0: {  	_ =	task.clear_ibuf [dreg:s6], $0x4FFFF;
	_ =	strace $0x90000046  }
0xb1: {  	s29 =	simm.s32 $0x9;
	_ =	strace $0x80000048  }
0xb2: {  	_ =	swait.ge [sflag:s29], $0x1  }
0xb3: {  	[sflag:s29] =	ssyncadd.s32 $0xFFFFFFFF  }
0xb4: {  	_ =	strace $0x90000048  }
0xb5: {  	_ =	sfence  }
0xb6: {  	s30 =	sld [smem:$0x0];
	_ =	sdelay $0x2  }
0xb7: {  	s31 =	sshll.u32 s1, $0xD;
	s1 =	sshrl.u32 s1, $0x2  }
0xb8: {  	s3 =	sand.u32 $0x4000, s31;
	s1 =	sadd.s32 s1, s30  }
0xb9: {  	s0 =	sor.u32 s3, s0;
	s1 =	sshll.u32 s1, $0x11  }
0xba: {  	s0 =	sor.u32 s1, s0  }
0xbb: {  	s0 =	sadd.s32 $0x8F2B, s0  }
0xbc: {  	[sflag:s0] =	ssyncadd.remote.s32 $0x1  }
0xbd: {  	_ =	sfence.sel $0xFFFF  }
0xbe: {  	[dreg:$0x0] =	wrdreg $0xFFFFFFFF;
	(pc) =	sbr.abs _section_cstart, $3  }
0xbf: {  	[dreg:$0x1] =	wrdreg $0xFFFFFFFF  }
0xc0: {  	_ =	task.clear_ibuf [dreg:s6], $0x2FFFF;
	_ =	strace $0x9FFFFFFF  }
0xc1: {  	(tm) =	ssettm $0x7FFFFFFF  }
tec
execute0_lowered:
.L_overlay_start_1:
0x0: {  	(tag) =	ssettag $0x1  }
0x1: {  	s0 =	rddreg [dreg:$0x0];
	s2 =	simm.s32 $0x0  }
0x2: {  	s1 =	srdreg.scid;
	s10 =	stileid.u32;
	s19 =	simm.s32 $0x8000  }
0x3: {  	s20 =	simm.s32 $0xCF00;
	s21 =	simm.s32 $0xA780;
	s22 =	simm.s32 $0xF680  }
0x4: {  	s23 =	simm.s32 $0x1;
	s24 =	simm.s32 $0x2;
	[smem:$0x7FF] =	sst s2  }
0x5: {  	s1 =	sand.u32 $0x1, s1;
	s3 =	sshll.u32 s10, $0x1;
	s4 =	sadd.s32 $0x1C00, s0  }
0x6: {  	s14 =	sadd.s32 $0x1A1200, s0;
	s5 =	sshrl.u32 s10, $0x3;
	s26 =	sshrl.u32 s10, $0x2  }
0x7: {  	_ =	strace $0x80000047;
	s8 =	sor.u32 s1, s3;
	s5 =	smul.u32 $0x186A0, s5  }
0x8: {  	s3 =	sadd.s32 $0xDDC00, s0;
	s1 =	ssub.s32 $0x2, s1;
	s15 =	smul.u32 $0x186A0, s26  }
0x9: {  	s26 =	simm.s32 $0x0;
	s11 =	sshll.u32 s8, $0xC;
	s13 =	sor.u32 $0x20, s8  }
0xa: {  	s7 =	sshrl.u32 s1, $0x1;
	s6 =	smul.u32 $0x186A0, s8;
	s25 =	sand.u32 $0x7, s8  }
0xb: {  	s0 =	sadd.s32 s11, s0;
	s9 =	sshrl.u32 s13, $0x4;
	s16 =	smul.u32 $0x30E0, s25  }
0xc: {  	s1 =	ssub.s32 s1, s7;
	s28 =	sshrl.u32 s5, $0x3;
	s10 =	smul.u32 $0x186A0, s13  }
0xd: {  	s11 =	sadd.s32 s14, s11;
	s17 =	sshll.u32 s13, $0xC;
	p0 =	seq.s32 s25, $0x7  }
0xe: {  	s25 =	simm.s32 $0x3;
	s7 =	smul.u32 $0x186A0, s9;
	s29 =	sadd.s32 s4, s28  }
.Ltmp0:
0xf: {  	s30 =	sshrl.u32 s6, $0x3;
	s14 =	sadd.s32 s14, s17;
	(pc) =	sbr.rel .LBB2_1-.Ltmp0, $4  }
0x10: {  	s17 =	sadd.s32 $0x1E1200, s0;
	s18 =	smax.u32 s1, $0x1;
	s15 =	sadd.s32 s15, s16  }
0x11: {  	[dreg:$0x2] =	wrdreg s29;
	s9 =	sadd.s32 s3, s30;
	s15 =	sshrl.u32 s15, $0x3  }
0x12: {  	s31 =	sshrl.u32 s10, $0x3;
	s12 =	sshrl.u32 s7, $0x3;
	s15 =	sadd.s32 s4, s15  }
0x13: {  	v0 =	vimm.f32 $0.0e+00;
	v1 =	vimm.f32 $1.000000000e+00;
	s13 =	sadd.s32 s3, s31;
	s12 =	sadd.s32 s4, s12;
	s16 =	sadd.s32 $0x30E, s15  }
.LBB2_28:
0x14: {  	v2 =	vld [tilespmem:s0+$0x0];
	_ =	sdelay $0x5  }
0x15: {  	s26 =	sadd.s32 $0x1, s26  }
0x16: {  	p1 =	sne.s32 s26, s18  }
.Ltmp1:
0x17: {  	[tilespmem:v2+s2+$0x0] =	vst.idx.add.f32.msk $0xffff, v1;
	(pc) =	sbr.rel @!p1 .LBB2_29-.Ltmp1, $4  }
0x18: {  	[hbm4b:s17+s2] =	stream.linear.scatter [tilespmem:s2], [sflag:$0x3], $0x8000, $0x38;
	[tilespmem:$0x11E00] =	vst v63  }
0x19: {  	_ =	swait.ge [sflag:s25], $0x8000  }
0x1a: {  	[sflag:s25] =	ssyncset.done $0x0  }
0x1b: {  	[sflag:s25] =	ssyncadd.s32 $0xFFFF8000  }
.LBB2_1:
0x1c: {  	s0 =	rddreg [dreg:$0x2]  }
0x1d: {  	[tilespmem:s19], [sflag:$0x1] =	stream.linear.gather [hbm4b:s0+s2], $0x2710, $0x38;
	[tilespmem:$0x11E00] =	vst v63  }
0x1e: {  	s1 =	simm.s32 $0x400;
	s0 =	simm.s32 $0x0  }
0x1f: {  	[tilespmem:s20], [sflag:$0x1] =	stream.linear.gather [hbm4b:s9+s2], $0x2710, $0x38;
	[tilespmem:$0x11E00] =	vst v63  }
.LBB2_2:
0x20: {  	p1 =	sne.s32 s1, $0x1FC00;
	[tilespmem:s0+$0xF0] =	vst v0  }
0x21: {  	[tilespmem:s0+$0x0] =	vst v0  }
0x22: {  	[tilespmem:s0+$0x10] =	vst v0  }
0x23: {  	[tilespmem:s0+$0x20] =	vst v0  }
0x24: {  	[tilespmem:s0+$0x30] =	vst v0  }
0x25: {  	[tilespmem:s0+$0x40] =	vst v0  }
0x26: {  	[tilespmem:s0+$0x50] =	vst v0  }
0x27: {  	[tilespmem:s0+$0x60] =	vst v0  }
0x28: {  	[tilespmem:s0+$0x70] =	vst v0  }
0x29: {  	[tilespmem:s0+$0x80] =	vst v0  }
0x2a: {  	[tilespmem:s0+$0x90] =	vst v0  }
.Ltmp2:
0x2b: {  	[tilespmem:s0+$0xA0] =	vst v0;
	(pc) =	sbr.rel @p1 .LBB2_2-.Ltmp2, $4  }
0x2c: {  	[tilespmem:s0+$0xB0] =	vst v0  }
0x2d: {  	[tilespmem:s0+$0xC0] =	vst v0  }
0x2e: {  	[tilespmem:s0+$0xD0] =	vst v0  }
0x2f: {  	[tilespmem:s0+$0xE0] =	vst v0;
	s0 =	sshra.s32 s1, $0x2;
	s1 =	sadd.s32 $0x400, s1  }
0x30: {  	[tilespmem:s0+$0xF0] =	vst v0  }
0x31: {  	[tilespmem:s0+$0x0] =	vst v0  }
0x32: {  	[tilespmem:s0+$0x10] =	vst v0  }
0x33: {  	[tilespmem:s0+$0x20] =	vst v0  }
0x34: {  	[tilespmem:s0+$0x30] =	vst v0  }
0x35: {  	[tilespmem:s0+$0x40] =	vst v0  }
0x36: {  	[tilespmem:s0+$0x50] =	vst v0  }
0x37: {  	[tilespmem:s0+$0x60] =	vst v0  }
0x38: {  	[tilespmem:s0+$0x70] =	vst v0  }
0x39: {  	[tilespmem:s0+$0x80] =	vst v0  }
0x3a: {  	[tilespmem:s0+$0x90] =	vst v0  }
0x3b: {  	[tilespmem:s0+$0xA0] =	vst v0  }
0x3c: {  	[tilespmem:s0+$0xB0] =	vst v0  }
0x3d: {  	[tilespmem:s0+$0xC0] =	vst v0  }
0x3e: {  	[tilespmem:s0+$0xD0] =	vst v0  }
0x3f: {  	s28 =	simm.s32 $0x0;
	[tilespmem:s0+$0xE0] =	vst v0;
	s29 =	simm.s32 $0x0  }
.LBB2_4:
0x40: {  	s30 =	smul.u32 $0x4E20, s29;
	_ =	sdelay $0x1  }
0x41: {  	s0 =	sadd.s32 $0x2710, s30  }
0x42: {  	s1 =	sadd.s32 s5, s0  }
0x43: {  	s0 =	sadd.s32 s6, s0;
	s1 =	sshrl.u32 s1, $0x3  }
0x44: {  	s0 =	sshrl.u32 s0, $0x3;
	s1 =	sadd.s32 s4, s1  }
0x45: {  	[tilespmem:s21], [sflag:$0x2] =	stream.linear.gather [hbm4b:s1+s28], $0x2710, $0x38;
	[tilespmem:$0x11E00] =	vst v63  }
0x46: {  	s0 =	sadd.s32 s3, s0  }
0x47: {  	[tilespmem:s22], [sflag:$0x2] =	stream.linear.gather [hbm4b:s0+s28], $0x2710, $0x38;
	[tilespmem:$0x11E00] =	vst v63  }
0x48: {  	_ =	swait.ge [sflag:s23], $0x2710  }
0x49: {  	[sflag:s23] =	ssyncset.done $0x0  }
0x4a: {  	[sflag:s23] =	ssyncadd.s32 $0xFFFFD8F0  }
0x4b: {  	_ =	swait.ge [sflag:s23], $0x2710  }
0x4c: {  	s31 =	simm.s32 $0x80C0;
	[sflag:s23] =	ssyncset.done $0x0  }
0x4d: {  	s1 =	simm.s32 $0x0;
	s0 =	simm.s32 $0xCFC0;
	[sflag:s23] =	ssyncadd.s32 $0xFFFFD8F0  }
.LBB2_5:
0x4e: {  	v2 =	vld [tilespmem:s31+$0xFFFFFF40];
	_ =	sdelay $0x2  }
0x4f: {  	v3 =	vld [tilespmem:s0+$0xFFFFFF40];
	_ =	sdelay $0x4  }
0x50: {  	[tilespmem:v2+s2+$0x0] =	vst.idx.add.f32.msk $0xffff, v3  }
0x51: {  	v2 =	vld [tilespmem:s31+$0xFFFFFF50];
	_ =	sdelay $0x2  }
0x52: {  	v3 =	vld [tilespmem:s0+$0xFFFFFF50];
	_ =	sdelay $0x4  }
0x53: {  	[tilespmem:v2+s2+$0x0] =	vst.idx.add.f32.msk $0xffff, v3  }
0x54: {  	v2 =	vld [tilespmem:s31+$0xFFFFFF60];
	_ =	sdelay $0x2  }
0x55: {  	v3 =	vld [tilespmem:s0+$0xFFFFFF60];
	_ =	sdelay $0x4  }
0x56: {  	[tilespmem:v2+s2+$0x0] =	vst.idx.add.f32.msk $0xffff, v3  }
0x57: {  	v2 =	vld [tilespmem:s31+$0xFFFFFF70];
	_ =	sdelay $0x2  }
0x58: {  	v3 =	vld [tilespmem:s0+$0xFFFFFF70];
	_ =	sdelay $0x4  }
0x59: {  	[tilespmem:v2+s2+$0x0] =	vst.idx.add.f32.msk $0xffff, v3  }
0x5a: {  	v2 =	vld [tilespmem:s31+$0xFFFFFF80];
	_ =	sdelay $0x2  }
0x5b: {  	v3 =	vld [tilespmem:s0+$0xFFFFFF80];
	_ =	sdelay $0x4  }
0x5c: {  	[tilespmem:v2+s2+$0x0] =	vst.idx.add.f32.msk $0xffff, v3  }
0x5d: {  	v2 =	vld [tilespmem:s31+$0xFFFFFF90];
	_ =	sdelay $0x2  }
0x5e: {  	v3 =	vld [tilespmem:s0+$0xFFFFFF90];
	_ =	sdelay $0x4  }
0x5f: {  	[tilespmem:v2+s2+$0x0] =	vst.idx.add.f32.msk $0xffff, v3  }
0x60: {  	v2 =	vld [tilespmem:s31+$0xFFFFFFA0];
	_ =	sdelay $0x2  }
0x61: {  	v3 =	vld [tilespmem:s0+$0xFFFFFFA0];
	_ =	sdelay $0x4  }
0x62: {  	[tilespmem:v2+s2+$0x0] =	vst.idx.add.f32.msk $0xffff, v3  }
0x63: {  	v2 =	vld [tilespmem:s31+$0xFFFFFFB0];
	_ =	sdelay $0x2  }
0x64: {  	v3 =	vld [tilespmem:s0+$0xFFFFFFB0];
	_ =	sdelay $0x4  }
0x65: {  	s8 =	sand.u32 $0x3FF0, s1;
	[tilespmem:v2+s2+$0x0] =	vst.idx.add.f32.msk $0xffff, v3  }
0x66: {  	v2 =	vld [tilespmem:s8+$0x8080];
	_ =	sdelay $0x2  }
0x67: {  	v3 =	vld [tilespmem:s8+$0xCF80];
	_ =	sdelay $0x4  }
0x68: {  	[tilespmem:v2+s2+$0x0] =	vst.idx.add.f32.msk $0xffff, v3  }
0x69: {  	v2 =	vld [tilespmem:s31+$0xFFFFFFD0];
	_ =	sdelay $0x2  }
0x6a: {  	v3 =	vld [tilespmem:s0+$0xFFFFFFD0];
	_ =	sdelay $0x4  }
0x6b: {  	[tilespmem:v2+s2+$0x0] =	vst.idx.add.f32.msk $0xffff, v3  }
0x6c: {  	v2 =	vld [tilespmem:s31+$0xFFFFFFE0];
	_ =	sdelay $0x2  }
0x6d: {  	v3 =	vld [tilespmem:s0+$0xFFFFFFE0];
	_ =	sdelay $0x4  }
0x6e: {  	[tilespmem:v2+s2+$0x0] =	vst.idx.add.f32.msk $0xffff, v3  }
0x6f: {  	v2 =	vld [tilespmem:s31+$0xFFFFFFF0];
	_ =	sdelay $0x2  }
0x70: {  	v3 =	vld [tilespmem:s0+$0xFFFFFFF0];
	_ =	sdelay $0x4  }
0x71: {  	[tilespmem:v2+s2+$0x0] =	vst.idx.add.f32.msk $0xffff, v3  }
0x72: {  	v2 =	vld [tilespmem:s31+$0x0];
	_ =	sdelay $0x2  }
0x73: {  	v3 =	vld [tilespmem:s0+$0x0];
	_ =	sdelay $0x4  }
0x74: {  	[tilespmem:v2+s2+$0x0] =	vst.idx.add.f32.msk $0xffff, v3  }
0x75: {  	v2 =	vld [tilespmem:s31+$0x10];
	_ =	sdelay $0x2  }
0x76: {  	v3 =	vld [tilespmem:s0+$0x10];
	_ =	sdelay $0x4  }
0x77: {  	[tilespmem:v2+s2+$0x0] =	vst.idx.add.f32.msk $0xffff, v3  }
0x78: {  	v2 =	vld [tilespmem:s31+$0x20];
	_ =	sdelay $0x2  }
0x79: {  	v3 =	vld [tilespmem:s0+$0x20];
	_ =	sdelay $0x4  }
0x7a: {  	[tilespmem:v2+s2+$0x0] =	vst.idx.add.f32.msk $0xffff, v3  }
0x7b: {  	v2 =	vld [tilespmem:s31+$0x30];
	_ =	sdelay $0x2  }
0x7c: {  	v3 =	vld [tilespmem:s0+$0x30];
	_ =	sdelay $0x4  }
0x7d: {  	[tilespmem:v2+s2+$0x0] =	vst.idx.add.f32.msk $0xffff, v3  }
0x7e: {  	v2 =	vld [tilespmem:s8+$0x8100];
	_ =	sdelay $0x2  }
0x7f: {  	v3 =	vld [tilespmem:s8+$0xD000];
	_ =	sdelay $0x4  }
0x80: {  	[tilespmem:v2+s2+$0x0] =	vst.idx.add.f32.msk $0xffff, v3  }
0x81: {  	v2 =	vld [tilespmem:s31+$0x50];
	_ =	sdelay $0x2  }
0x82: {  	v3 =	vld [tilespmem:s0+$0x50];
	_ =	sdelay $0x4  }
0x83: {  	[tilespmem:v2+s2+$0x0] =	vst.idx.add.f32.msk $0xffff, v3  }
0x84: {  	v2 =	vld [tilespmem:s31+$0x60];
	_ =	sdelay $0x2  }
0x85: {  	v3 =	vld [tilespmem:s0+$0x60];
	_ =	sdelay $0x4  }
0x86: {  	[tilespmem:v2+s2+$0x0] =	vst.idx.add.f32.msk $0xffff, v3  }
0x87: {  	v2 =	vld [tilespmem:s31+$0x70];
	_ =	sdelay $0x2  }
0x88: {  	v3 =	vld [tilespmem:s0+$0x70];
	_ =	sdelay $0x4  }
0x89: {  	[tilespmem:v2+s2+$0x0] =	vst.idx.add.f32.msk $0xffff, v3  }
0x8a: {  	v2 =	vld [tilespmem:s31+$0x80];
	_ =	sdelay $0x2  }
0x8b: {  	v3 =	vld [tilespmem:s0+$0x80];
	_ =	sdelay $0x4  }
0x8c: {  	[tilespmem:v2+s2+$0x0] =	vst.idx.add.f32.msk $0xffff, v3  }
0x8d: {  	v2 =	vld [tilespmem:s31+$0x90];
	_ =	sdelay $0x2  }
0x8e: {  	v3 =	vld [tilespmem:s0+$0x90];
	_ =	sdelay $0x4  }
0x8f: {  	[tilespmem:v2+s2+$0x0] =	vst.idx.add.f32.msk $0xffff, v3  }
0x90: {  	v2 =	vld [tilespmem:s31+$0xA0];
	_ =	sdelay $0x2  }
0x91: {  	v3 =	vld [tilespmem:s0+$0xA0];
	_ =	sdelay $0x4  }
0x92: {  	[tilespmem:v2+s2+$0x0] =	vst.idx.add.f32.msk $0xffff, v3  }
0x93: {  	v2 =	vld [tilespmem:s31+$0xB0];
	_ =	sdelay $0x2  }
0x94: {  	v3 =	vld [tilespmem:s0+$0xB0];
	_ =	sdelay $0x4  }
0x95: {  	[tilespmem:v2+s2+$0x0] =	vst.idx.add.f32.msk $0xffff, v3  }
0x96: {  	v2 =	vld [tilespmem:s8+$0x8180];
	_ =	sdelay $0x2  }
0x97: {  	p1 =	sne.s32 s1, $0x2580;
	v3 =	vld [tilespmem:s8+$0xD080]  }
.Ltmp3:
0x98: {  	_ = 	snop;
	(pc) =	sbr.rel @p1 .LBB2_5-.Ltmp3, $2  }
0x99: {  	_ =	sdelay $0x2  }
0x9a: {  	s1 =	sadd.s32 $0x190, s1;
	s31 =	sadd.s32 $0x190, s31;
	s0 =	sadd.s32 $0x190, s0;
	[tilespmem:v2+s2+$0x0] =	vst.idx.add.f32.msk $0xffff, v3  }
0x9b: {  	p1 =	seq.s32 s29, $0x4  }
0x9c: {  	s0 =	sadd.s32 @!p1 $0x4E20, s30  }
0x9d: {  	s1 =	sadd.s32 @!p1 s5, s0  }
0x9e: {  	s8 =	simm.s32 @!p1 $0x0;
	s0 =	sadd.s32 @!p1 s6, s0;
	s1 =	sshrl.u32 @!p1 s1, $0x3  }
0x9f: {  	s30 =	simm.s32 @!p1 $0x8000;
	s0 =	sshrl.u32 @!p1 s0, $0x3;
	s1 =	sadd.s32 @!p1 s4, s1  }
0xa0: {  	[tilespmem:s30], [sflag:$0x1] =	stream.linear.gather @!p1 [hbm4b:s1+s8], $0x2710, $0x38;
	[tilespmem:$0x11E00] =	vst v63  }
0xa1: {  	s0 =	sadd.s32 @!p1 s3, s0;
	s1 =	simm.s32 @!p1 $0xCF00  }
0xa2: {  	[tilespmem:s1], [sflag:$0x1] =	stream.linear.gather @!p1 [hbm4b:s0+s8], $0x2710, $0x38;
	[tilespmem:$0x11E00] =	vst v63  }
0xa3: {  	_ =	swait.ge [sflag:s24], $0x2710  }
0xa4: {  	[sflag:s24] =	ssyncset.done $0x0  }
0xa5: {  	[sflag:s24] =	ssyncadd.s32 $0xFFFFD8F0  }
0xa6: {  	_ =	swait.ge [sflag:s24], $0x2710  }
0xa7: {  	s30 =	simm.s32 $0x0;
	[sflag:s24] =	ssyncset.done $0x0  }
0xa8: {  	s0 =	simm.s32 $0xA840;
	s1 =	simm.s32 $0xF740;
	[sflag:s24] =	ssyncadd.s32 $0xFFFFD8F0  }
.LBB2_7:
0xa9: {  	v2 =	vld [tilespmem:s0+$0xFFFFFF40];
	_ =	sdelay $0x2  }
0xaa: {  	v3 =	vld [tilespmem:s1+$0xFFFFFF40];
	_ =	sdelay $0x4  }
0xab: {  	[tilespmem:v2+s2+$0x0] =	vst.idx.add.f32.msk $0xffff, v3  }
0xac: {  	v2 =	vld [tilespmem:s0+$0xFFFFFF50];
	_ =	sdelay $0x2  }
0xad: {  	v3 =	vld [tilespmem:s1+$0xFFFFFF50];
	_ =	sdelay $0x4  }
0xae: {  	[tilespmem:v2+s2+$0x0] =	vst.idx.add.f32.msk $0xffff, v3  }
0xaf: {  	v2 =	vld [tilespmem:s0+$0xFFFFFF60];
	_ =	sdelay $0x2  }
0xb0: {  	v3 =	vld [tilespmem:s1+$0xFFFFFF60];
	_ =	sdelay $0x4  }
0xb1: {  	[tilespmem:v2+s2+$0x0] =	vst.idx.add.f32.msk $0xffff, v3  }
0xb2: {  	v2 =	vld [tilespmem:s0+$0xFFFFFF70];
	_ =	sdelay $0x2  }
0xb3: {  	v3 =	vld [tilespmem:s1+$0xFFFFFF70];
	_ =	sdelay $0x4  }
0xb4: {  	[tilespmem:v2+s2+$0x0] =	vst.idx.add.f32.msk $0xffff, v3  }
0xb5: {  	v2 =	vld [tilespmem:s0+$0xFFFFFF80];
	_ =	sdelay $0x2  }
0xb6: {  	v3 =	vld [tilespmem:s1+$0xFFFFFF80];
	_ =	sdelay $0x4  }
0xb7: {  	[tilespmem:v2+s2+$0x0] =	vst.idx.add.f32.msk $0xffff, v3  }
0xb8: {  	v2 =	vld [tilespmem:s0+$0xFFFFFF90];
	_ =	sdelay $0x2  }
0xb9: {  	v3 =	vld [tilespmem:s1+$0xFFFFFF90];
	_ =	sdelay $0x4  }
0xba: {  	[tilespmem:v2+s2+$0x0] =	vst.idx.add.f32.msk $0xffff, v3  }
0xbb: {  	v2 =	vld [tilespmem:s0+$0xFFFFFFA0];
	_ =	sdelay $0x2  }
0xbc: {  	v3 =	vld [tilespmem:s1+$0xFFFFFFA0];
	_ =	sdelay $0x4  }
0xbd: {  	[tilespmem:v2+s2+$0x0] =	vst.idx.add.f32.msk $0xffff, v3  }
0xbe: {  	v2 =	vld [tilespmem:s0+$0xFFFFFFB0];
	_ =	sdelay $0x2  }
0xbf: {  	v3 =	vld [tilespmem:s1+$0xFFFFFFB0];
	_ =	sdelay $0x4  }
0xc0: {  	s8 =	sand.u32 $0x3FF0, s30;
	[tilespmem:v2+s2+$0x0] =	vst.idx.add.f32.msk $0xffff, v3  }
0xc1: {  	v2 =	vld [tilespmem:s8+$0xA800];
	_ =	sdelay $0x2  }
0xc2: {  	v3 =	vld [tilespmem:s8+$0xF700];
	_ =	sdelay $0x4  }
0xc3: {  	[tilespmem:v2+s2+$0x0] =	vst.idx.add.f32.msk $0xffff, v3  }
0xc4: {  	v2 =	vld [tilespmem:s0+$0xFFFFFFD0];
	_ =	sdelay $0x2  }
0xc5: {  	v3 =	vld [tilespmem:s1+$0xFFFFFFD0];
	_ =	sdelay $0x4  }
0xc6: {  	[tilespmem:v2+s2+$0x0] =	vst.idx.add.f32.msk $0xffff, v3  }
0xc7: {  	v2 =	vld [tilespmem:s0+$0xFFFFFFE0];
	_ =	sdelay $0x2  }
0xc8: {  	v3 =	vld [tilespmem:s1+$0xFFFFFFE0];
	_ =	sdelay $0x4  }
0xc9: {  	[tilespmem:v2+s2+$0x0] =	vst.idx.add.f32.msk $0xffff, v3  }
0xca: {  	v2 =	vld [tilespmem:s0+$0xFFFFFFF0];
	_ =	sdelay $0x2  }
0xcb: {  	v3 =	vld [tilespmem:s1+$0xFFFFFFF0];
	_ =	sdelay $0x4  }
0xcc: {  	[tilespmem:v2+s2+$0x0] =	vst.idx.add.f32.msk $0xffff, v3  }
0xcd: {  	v2 =	vld [tilespmem:s0+$0x0];
	_ =	sdelay $0x2  }
0xce: {  	v3 =	vld [tilespmem:s1+$0x0];
	_ =	sdelay $0x4  }
0xcf: {  	[tilespmem:v2+s2+$0x0] =	vst.idx.add.f32.msk $0xffff, v3  }
0xd0: {  	v2 =	vld [tilespmem:s0+$0x10];
	_ =	sdelay $0x2  }
0xd1: {  	v3 =	vld [tilespmem:s1+$0x10];
	_ =	sdelay $0x4  }
0xd2: {  	[tilespmem:v2+s2+$0x0] =	vst.idx.add.f32.msk $0xffff, v3  }
0xd3: {  	v2 =	vld [tilespmem:s0+$0x20];
	_ =	sdelay $0x2  }
0xd4: {  	v3 =	vld [tilespmem:s1+$0x20];
	_ =	sdelay $0x4  }
0xd5: {  	[tilespmem:v2+s2+$0x0] =	vst.idx.add.f32.msk $0xffff, v3  }
0xd6: {  	v2 =	vld [tilespmem:s0+$0x30];
	_ =	sdelay $0x2  }
0xd7: {  	v3 =	vld [tilespmem:s1+$0x30];
	_ =	sdelay $0x4  }
0xd8: {  	[tilespmem:v2+s2+$0x0] =	vst.idx.add.f32.msk $0xffff, v3  }
0xd9: {  	v2 =	vld [tilespmem:s8+$0xA880];
	_ =	sdelay $0x2  }
0xda: {  	v3 =	vld [tilespmem:s8+$0xF780];
	_ =	sdelay $0x4  }
0xdb: {  	[tilespmem:v2+s2+$0x0] =	vst.idx.add.f32.msk $0xffff, v3  }
0xdc: {  	v2 =	vld [tilespmem:s0+$0x50];
	_ =	sdelay $0x2  }
0xdd: {  	v3 =	vld [tilespmem:s1+$0x50];
	_ =	sdelay $0x4  }
0xde: {  	[tilespmem:v2+s2+$0x0] =	vst.idx.add.f32.msk $0xffff, v3  }
0xdf: {  	v2 =	vld [tilespmem:s0+$0x60];
	_ =	sdelay $0x2  }
0xe0: {  	v3 =	vld [tilespmem:s1+$0x60];
	_ =	sdelay $0x4  }
0xe1: {  	[tilespmem:v2+s2+$0x0] =	vst.idx.add.f32.msk $0xffff, v3  }
0xe2: {  	v2 =	vld [tilespmem:s0+$0x70];
	_ =	sdelay $0x2  }
0xe3: {  	v3 =	vld [tilespmem:s1+$0x70];
	_ =	sdelay $0x4  }
0xe4: {  	[tilespmem:v2+s2+$0x0] =	vst.idx.add.f32.msk $0xffff, v3  }
0xe5: {  	v2 =	vld [tilespmem:s0+$0x80];
	_ =	sdelay $0x2  }
0xe6: {  	v3 =	vld [tilespmem:s1+$0x80];
	_ =	sdelay $0x4  }
0xe7: {  	[tilespmem:v2+s2+$0x0] =	vst.idx.add.f32.msk $0xffff, v3  }
0xe8: {  	v2 =	vld [tilespmem:s0+$0x90];
	_ =	sdelay $0x2  }
0xe9: {  	v3 =	vld [tilespmem:s1+$0x90];
	_ =	sdelay $0x4  }
0xea: {  	[tilespmem:v2+s2+$0x0] =	vst.idx.add.f32.msk $0xffff, v3  }
0xeb: {  	v2 =	vld [tilespmem:s0+$0xA0];
	_ =	sdelay $0x2  }
0xec: {  	v3 =	vld [tilespmem:s1+$0xA0];
	_ =	sdelay $0x4  }
0xed: {  	[tilespmem:v2+s2+$0x0] =	vst.idx.add.f32.msk $0xffff, v3  }
0xee: {  	v2 =	vld [tilespmem:s0+$0xB0];
	_ =	sdelay $0x2  }
0xef: {  	v3 =	vld [tilespmem:s1+$0xB0];
	_ =	sdelay $0x4  }
0xf0: {  	[tilespmem:v2+s2+$0x0] =	vst.idx.add.f32.msk $0xffff, v3  }
0xf1: {  	v2 =	vld [tilespmem:s8+$0xA900];
	_ =	sdelay $0x2  }
0xf2: {  	p1 =	sne.s32 s30, $0x2580;
	v3 =	vld [tilespmem:s8+$0xF800]  }
.Ltmp4:
0xf3: {  	_ = 	snop;
	(pc) =	sbr.rel @p1 .LBB2_7-.Ltmp4, $2  }
0xf4: {  	_ =	sdelay $0x2  }
0xf5: {  	s30 =	sadd.s32 $0x190, s30;
	s0 =	sadd.s32 $0x190, s0;
	s1 =	sadd.s32 $0x190, s1;
	[tilespmem:v2+s2+$0x0] =	vst.idx.add.f32.msk $0xffff, v3  }
0xf6: {  	s29 =	sadd.s32 $0x1, s29  }
0xf7: {  	p1 =	sne.s32 s29, $0x5  }
.Ltmp5:
0xf8: {  	_ = 	snop;
	(pc) =	sbr.rel @p1 .LBB2_4-.Ltmp5, $1  }
0xf9: {  	_ =	sdelay $0x3  }
0xfa: {  	s28 =	simm.s32 $0x0  }
0xfb: {  	[hbm4b:s11+s28] =	stream.linear.scatter [tilespmem:s28], [sflag:$0x3], $0x8000, $0x38;
	[tilespmem:$0x11E00] =	vst v63  }
0xfc: {  	_ = 	snop  }
0xfd: {  	[tilespmem:s19], [sflag:$0x1] =	stream.linear.gather [hbm4b:s12+s28], $0x2710, $0x38;
	[tilespmem:$0x11E00] =	vst v63  }
0xfe: {  	_ = 	snop  }
0xff: {  	[tilespmem:s20], [sflag:$0x1] =	stream.linear.gather [hbm4b:s13+s28], $0x2710, $0x38;
	[tilespmem:$0x11E00] =	vst v63  }
0x100: {  	_ =	swait.ge [sflag:s25], $0x8000  }
0x101: {  	[sflag:s25] =	ssyncset.done $0x0  }
0x102: {  	s0 =	simm.s32 $0x0;
	s1 =	simm.s32 $0x400;
	[sflag:s25] =	ssyncadd.s32 $0xFFFF8000  }
.LBB2_10:
0x103: {  	p1 =	sne.s32 s1, $0x1FC00;
	[tilespmem:s0+$0xF0] =	vst v0  }
0x104: {  	[tilespmem:s0+$0x0] =	vst v0  }
0x105: {  	[tilespmem:s0+$0x10] =	vst v0  }
0x106: {  	[tilespmem:s0+$0x20] =	vst v0  }
0x107: {  	[tilespmem:s0+$0x30] =	vst v0  }
0x108: {  	[tilespmem:s0+$0x40] =	vst v0  }
0x109: {  	[tilespmem:s0+$0x50] =	vst v0  }
0x10a: {  	[tilespmem:s0+$0x60] =	vst v0  }
0x10b: {  	[tilespmem:s0+$0x70] =	vst v0  }
0x10c: {  	[tilespmem:s0+$0x80] =	vst v0  }
0x10d: {  	[tilespmem:s0+$0x90] =	vst v0  }
.Ltmp6:
0x10e: {  	[tilespmem:s0+$0xA0] =	vst v0;
	(pc) =	sbr.rel @p1 .LBB2_10-.Ltmp6, $4  }
0x10f: {  	[tilespmem:s0+$0xB0] =	vst v0  }
0x110: {  	[tilespmem:s0+$0xC0] =	vst v0  }
0x111: {  	[tilespmem:s0+$0xD0] =	vst v0  }
0x112: {  	[tilespmem:s0+$0xE0] =	vst v0;
	s0 =	sshra.s32 s1, $0x2;
	s1 =	sadd.s32 $0x400, s1  }
0x113: {  	[tilespmem:s0+$0xF0] =	vst v0  }
0x114: {  	[tilespmem:s0+$0x0] =	vst v0  }
0x115: {  	[tilespmem:s0+$0x10] =	vst v0  }
0x116: {  	[tilespmem:s0+$0x20] =	vst v0  }
0x117: {  	[tilespmem:s0+$0x30] =	vst v0  }
0x118: {  	[tilespmem:s0+$0x40] =	vst v0  }
0x119: {  	[tilespmem:s0+$0x50] =	vst v0  }
0x11a: {  	[tilespmem:s0+$0x60] =	vst v0  }
0x11b: {  	[tilespmem:s0+$0x70] =	vst v0  }
0x11c: {  	[tilespmem:s0+$0x80] =	vst v0  }
0x11d: {  	[tilespmem:s0+$0x90] =	vst v0  }
0x11e: {  	[tilespmem:s0+$0xA0] =	vst v0  }
0x11f: {  	[tilespmem:s0+$0xB0] =	vst v0  }
0x120: {  	[tilespmem:s0+$0xC0] =	vst v0  }
0x121: {  	[tilespmem:s0+$0xD0] =	vst v0  }
0x122: {  	[tilespmem:s0+$0xE0] =	vst v0  }
.LBB2_12:
0x123: {  	s29 =	smul.u32 $0x4E20, s28;
	_ =	sdelay $0x1  }
0x124: {  	s0 =	sadd.s32 $0x2710, s29  }
0x125: {  	s1 =	sadd.s32 s7, s0  }
0x126: {  	s0 =	sadd.s32 s10, s0;
	s1 =	sshrl.u32 s1, $0x3  }
0x127: {  	s30 =	simm.s32 $0x0;
	s0 =	sshrl.u32 s0, $0x3;
	s1 =	sadd.s32 s4, s1  }
0x128: {  	[tilespmem:s21], [sflag:$0x2] =	stream.linear.gather [hbm4b:s1+s30], $0x2710, $0x38;
	[tilespmem:$0x11E00] =	vst v63  }
0x129: {  	s0 =	sadd.s32 s3, s0  }
0x12a: {  	[tilespmem:s22], [sflag:$0x2] =	stream.linear.gather [hbm4b:s0+s30], $0x2710, $0x38;
	[tilespmem:$0x11E00] =	vst v63  }
0x12b: {  	_ =	swait.ge [sflag:s23], $0x2710  }
0x12c: {  	[sflag:s23] =	ssyncset.done $0x0  }
0x12d: {  	[sflag:s23] =	ssyncadd.s32 $0xFFFFD8F0  }
0x12e: {  	_ =	swait.ge [sflag:s23], $0x2710  }
0x12f: {  	[sflag:s23] =	ssyncset.done $0x0  }
0x130: {  	s1 =	simm.s32 $0xCFC0;
	s0 =	simm.s32 $0x80C0;
	[sflag:s23] =	ssyncadd.s32 $0xFFFFD8F0  }
.LBB2_13:
0x131: {  	v2 =	vld [tilespmem:s0+$0xFFFFFF40];
	_ =	sdelay $0x2  }
0x132: {  	v3 =	vld [tilespmem:s1+$0xFFFFFF40];
	_ =	sdelay $0x4  }
0x133: {  	[tilespmem:v2+s2+$0x0] =	vst.idx.add.f32.msk $0xffff, v3  }
0x134: {  	v2 =	vld [tilespmem:s0+$0xFFFFFF50];
	_ =	sdelay $0x2  }
0x135: {  	v3 =	vld [tilespmem:s1+$0xFFFFFF50];
	_ =	sdelay $0x4  }
0x136: {  	[tilespmem:v2+s2+$0x0] =	vst.idx.add.f32.msk $0xffff, v3  }
0x137: {  	v2 =	vld [tilespmem:s0+$0xFFFFFF60];
	_ =	sdelay $0x2  }
0x138: {  	v3 =	vld [tilespmem:s1+$0xFFFFFF60];
	_ =	sdelay $0x4  }
0x139: {  	[tilespmem:v2+s2+$0x0] =	vst.idx.add.f32.msk $0xffff, v3  }
0x13a: {  	v2 =	vld [tilespmem:s0+$0xFFFFFF70];
	_ =	sdelay $0x2  }
0x13b: {  	v3 =	vld [tilespmem:s1+$0xFFFFFF70];
	_ =	sdelay $0x4  }
0x13c: {  	[tilespmem:v2+s2+$0x0] =	vst.idx.add.f32.msk $0xffff, v3  }
0x13d: {  	v2 =	vld [tilespmem:s0+$0xFFFFFF80];
	_ =	sdelay $0x2  }
0x13e: {  	v3 =	vld [tilespmem:s1+$0xFFFFFF80];
	_ =	sdelay $0x4  }
0x13f: {  	[tilespmem:v2+s2+$0x0] =	vst.idx.add.f32.msk $0xffff, v3  }
0x140: {  	v2 =	vld [tilespmem:s0+$0xFFFFFF90];
	_ =	sdelay $0x2  }
0x141: {  	v3 =	vld [tilespmem:s1+$0xFFFFFF90];
	_ =	sdelay $0x4  }
0x142: {  	[tilespmem:v2+s2+$0x0] =	vst.idx.add.f32.msk $0xffff, v3  }
0x143: {  	v2 =	vld [tilespmem:s0+$0xFFFFFFA0];
	_ =	sdelay $0x2  }
0x144: {  	v3 =	vld [tilespmem:s1+$0xFFFFFFA0];
	_ =	sdelay $0x4  }
0x145: {  	[tilespmem:v2+s2+$0x0] =	vst.idx.add.f32.msk $0xffff, v3  }
0x146: {  	v2 =	vld [tilespmem:s0+$0xFFFFFFB0];
	_ =	sdelay $0x2  }
0x147: {  	v3 =	vld [tilespmem:s1+$0xFFFFFFB0];
	_ =	sdelay $0x4  }
0x148: {  	s8 =	sand.u32 $0x3FF0, s30;
	[tilespmem:v2+s2+$0x0] =	vst.idx.add.f32.msk $0xffff, v3  }
0x149: {  	v2 =	vld [tilespmem:s8+$0x8080];
	_ =	sdelay $0x2  }
0x14a: {  	v3 =	vld [tilespmem:s8+$0xCF80];
	_ =	sdelay $0x4  }
0x14b: {  	[tilespmem:v2+s2+$0x0] =	vst.idx.add.f32.msk $0xffff, v3  }
0x14c: {  	v2 =	vld [tilespmem:s0+$0xFFFFFFD0];
	_ =	sdelay $0x2  }
0x14d: {  	v3 =	vld [tilespmem:s1+$0xFFFFFFD0];
	_ =	sdelay $0x4  }
0x14e: {  	[tilespmem:v2+s2+$0x0] =	vst.idx.add.f32.msk $0xffff, v3  }
0x14f: {  	v2 =	vld [tilespmem:s0+$0xFFFFFFE0];
	_ =	sdelay $0x2  }
0x150: {  	v3 =	vld [tilespmem:s1+$0xFFFFFFE0];
	_ =	sdelay $0x4  }
0x151: {  	[tilespmem:v2+s2+$0x0] =	vst.idx.add.f32.msk $0xffff, v3  }
0x152: {  	v2 =	vld [tilespmem:s0+$0xFFFFFFF0];
	_ =	sdelay $0x2  }
0x153: {  	v3 =	vld [tilespmem:s1+$0xFFFFFFF0];
	_ =	sdelay $0x4  }
0x154: {  	[tilespmem:v2+s2+$0x0] =	vst.idx.add.f32.msk $0xffff, v3  }
0x155: {  	v2 =	vld [tilespmem:s0+$0x0];
	_ =	sdelay $0x2  }
0x156: {  	v3 =	vld [tilespmem:s1+$0x0];
	_ =	sdelay $0x4  }
0x157: {  	[tilespmem:v2+s2+$0x0] =	vst.idx.add.f32.msk $0xffff, v3  }
0x158: {  	v2 =	vld [tilespmem:s0+$0x10];
	_ =	sdelay $0x2  }
0x159: {  	v3 =	vld [tilespmem:s1+$0x10];
	_ =	sdelay $0x4  }
0x15a: {  	[tilespmem:v2+s2+$0x0] =	vst.idx.add.f32.msk $0xffff, v3  }
0x15b: {  	v2 =	vld [tilespmem:s0+$0x20];
	_ =	sdelay $0x2  }
0x15c: {  	v3 =	vld [tilespmem:s1+$0x20];
	_ =	sdelay $0x4  }
0x15d: {  	[tilespmem:v2+s2+$0x0] =	vst.idx.add.f32.msk $0xffff, v3  }
0x15e: {  	v2 =	vld [tilespmem:s0+$0x30];
	_ =	sdelay $0x2  }
0x15f: {  	v3 =	vld [tilespmem:s1+$0x30];
	_ =	sdelay $0x4  }
0x160: {  	[tilespmem:v2+s2+$0x0] =	vst.idx.add.f32.msk $0xffff, v3  }
0x161: {  	v2 =	vld [tilespmem:s8+$0x8100];
	_ =	sdelay $0x2  }
0x162: {  	v3 =	vld [tilespmem:s8+$0xD000];
	_ =	sdelay $0x4  }
0x163: {  	[tilespmem:v2+s2+$0x0] =	vst.idx.add.f32.msk $0xffff, v3  }
0x164: {  	v2 =	vld [tilespmem:s0+$0x50];
	_ =	sdelay $0x2  }
0x165: {  	v3 =	vld [tilespmem:s1+$0x50];
	_ =	sdelay $0x4  }
0x166: {  	[tilespmem:v2+s2+$0x0] =	vst.idx.add.f32.msk $0xffff, v3  }
0x167: {  	v2 =	vld [tilespmem:s0+$0x60];
	_ =	sdelay $0x2  }
0x168: {  	v3 =	vld [tilespmem:s1+$0x60];
	_ =	sdelay $0x4  }
0x169: {  	[tilespmem:v2+s2+$0x0] =	vst.idx.add.f32.msk $0xffff, v3  }
0x16a: {  	v2 =	vld [tilespmem:s0+$0x70];
	_ =	sdelay $0x2  }
0x16b: {  	v3 =	vld [tilespmem:s1+$0x70];
	_ =	sdelay $0x4  }
0x16c: {  	[tilespmem:v2+s2+$0x0] =	vst.idx.add.f32.msk $0xffff, v3  }
0x16d: {  	v2 =	vld [tilespmem:s0+$0x80];
	_ =	sdelay $0x2  }
0x16e: {  	v3 =	vld [tilespmem:s1+$0x80];
	_ =	sdelay $0x4  }
0x16f: {  	[tilespmem:v2+s2+$0x0] =	vst.idx.add.f32.msk $0xffff, v3  }
0x170: {  	v2 =	vld [tilespmem:s0+$0x90];
	_ =	sdelay $0x2  }
0x171: {  	v3 =	vld [tilespmem:s1+$0x90];
	_ =	sdelay $0x4  }
0x172: {  	[tilespmem:v2+s2+$0x0] =	vst.idx.add.f32.msk $0xffff, v3  }
0x173: {  	v2 =	vld [tilespmem:s0+$0xA0];
	_ =	sdelay $0x2  }
0x174: {  	v3 =	vld [tilespmem:s1+$0xA0];
	_ =	sdelay $0x4  }
0x175: {  	[tilespmem:v2+s2+$0x0] =	vst.idx.add.f32.msk $0xffff, v3  }
0x176: {  	v2 =	vld [tilespmem:s0+$0xB0];
	_ =	sdelay $0x2  }
0x177: {  	v3 =	vld [tilespmem:s1+$0xB0];
	_ =	sdelay $0x4  }
0x178: {  	[tilespmem:v2+s2+$0x0] =	vst.idx.add.f32.msk $0xffff, v3  }
0x179: {  	v2 =	vld [tilespmem:s8+$0x8180];
	_ =	sdelay $0x2  }
0x17a: {  	p1 =	sne.s32 s30, $0x2580;
	v3 =	vld [tilespmem:s8+$0xD080]  }
.Ltmp7:
0x17b: {  	_ = 	snop;
	(pc) =	sbr.rel @p1 .LBB2_13-.Ltmp7, $2  }
0x17c: {  	_ =	sdelay $0x2  }
0x17d: {  	s30 =	sadd.s32 $0x190, s30;
	s0 =	sadd.s32 $0x190, s0;
	s1 =	sadd.s32 $0x190, s1;
	[tilespmem:v2+s2+$0x0] =	vst.idx.add.f32.msk $0xffff, v3  }
0x17e: {  	p1 =	seq.s32 s28, $0x4  }
0x17f: {  	s0 =	sadd.s32 @!p1 $0x4E20, s29  }
0x180: {  	s1 =	sadd.s32 @!p1 s7, s0  }
0x181: {  	s8 =	simm.s32 @!p1 $0x0;
	s0 =	sadd.s32 @!p1 s10, s0;
	s1 =	sshrl.u32 @!p1 s1, $0x3  }
0x182: {  	s29 =	simm.s32 @!p1 $0x8000;
	s0 =	sshrl.u32 @!p1 s0, $0x3;
	s1 =	sadd.s32 @!p1 s4, s1  }
0x183: {  	[tilespmem:s29], [sflag:$0x1] =	stream.linear.gather @!p1 [hbm4b:s1+s8], $0x2710, $0x38;
	[tilespmem:$0x11E00] =	vst v63  }
0x184: {  	s0 =	sadd.s32 @!p1 s3, s0;
	s1 =	simm.s32 @!p1 $0xCF00  }
0x185: {  	[tilespmem:s1], [sflag:$0x1] =	stream.linear.gather @!p1 [hbm4b:s0+s8], $0x2710, $0x38;
	[tilespmem:$0x11E00] =	vst v63  }
0x186: {  	_ =	swait.ge [sflag:s24], $0x2710  }
0x187: {  	[sflag:s24] =	ssyncset.done $0x0  }
0x188: {  	[sflag:s24] =	ssyncadd.s32 $0xFFFFD8F0  }
0x189: {  	_ =	swait.ge [sflag:s24], $0x2710  }
0x18a: {  	s29 =	simm.s32 $0x0;
	[sflag:s24] =	ssyncset.done $0x0  }
0x18b: {  	s0 =	simm.s32 $0xA840;
	s1 =	simm.s32 $0xF740;
	[sflag:s24] =	ssyncadd.s32 $0xFFFFD8F0  }
.LBB2_15:
0x18c: {  	v2 =	vld [tilespmem:s0+$0xFFFFFF40];
	_ =	sdelay $0x2  }
0x18d: {  	v3 =	vld [tilespmem:s1+$0xFFFFFF40];
	_ =	sdelay $0x4  }
0x18e: {  	[tilespmem:v2+s2+$0x0] =	vst.idx.add.f32.msk $0xffff, v3  }
0x18f: {  	v2 =	vld [tilespmem:s0+$0xFFFFFF50];
	_ =	sdelay $0x2  }
0x190: {  	v3 =	vld [tilespmem:s1+$0xFFFFFF50];
	_ =	sdelay $0x4  }
0x191: {  	[tilespmem:v2+s2+$0x0] =	vst.idx.add.f32.msk $0xffff, v3  }
0x192: {  	v2 =	vld [tilespmem:s0+$0xFFFFFF60];
	_ =	sdelay $0x2  }
0x193: {  	v3 =	vld [tilespmem:s1+$0xFFFFFF60];
	_ =	sdelay $0x4  }
0x194: {  	[tilespmem:v2+s2+$0x0] =	vst.idx.add.f32.msk $0xffff, v3  }
0x195: {  	v2 =	vld [tilespmem:s0+$0xFFFFFF70];
	_ =	sdelay $0x2  }
0x196: {  	v3 =	vld [tilespmem:s1+$0xFFFFFF70];
	_ =	sdelay $0x4  }
0x197: {  	[tilespmem:v2+s2+$0x0] =	vst.idx.add.f32.msk $0xffff, v3  }
0x198: {  	v2 =	vld [tilespmem:s0+$0xFFFFFF80];
	_ =	sdelay $0x2  }
0x199: {  	v3 =	vld [tilespmem:s1+$0xFFFFFF80];
	_ =	sdelay $0x4  }
0x19a: {  	[tilespmem:v2+s2+$0x0] =	vst.idx.add.f32.msk $0xffff, v3  }
0x19b: {  	v2 =	vld [tilespmem:s0+$0xFFFFFF90];
	_ =	sdelay $0x2  }
0x19c: {  	v3 =	vld [tilespmem:s1+$0xFFFFFF90];
	_ =	sdelay $0x4  }
0x19d: {  	[tilespmem:v2+s2+$0x0] =	vst.idx.add.f32.msk $0xffff, v3  }
0x19e: {  	v2 =	vld [tilespmem:s0+$0xFFFFFFA0];
	_ =	sdelay $0x2  }
0x19f: {  	v3 =	vld [tilespmem:s1+$0xFFFFFFA0];
	_ =	sdelay $0x4  }
0x1a0: {  	[tilespmem:v2+s2+$0x0] =	vst.idx.add.f32.msk $0xffff, v3  }
0x1a1: {  	v2 =	vld [tilespmem:s0+$0xFFFFFFB0];
	_ =	sdelay $0x2  }
0x1a2: {  	v3 =	vld [tilespmem:s1+$0xFFFFFFB0];
	_ =	sdelay $0x4  }
0x1a3: {  	s8 =	sand.u32 $0x3FF0, s29;
	[tilespmem:v2+s2+$0x0] =	vst.idx.add.f32.msk $0xffff, v3  }
0x1a4: {  	v2 =	vld [tilespmem:s8+$0xA800];
	_ =	sdelay $0x2  }
0x1a5: {  	v3 =	vld [tilespmem:s8+$0xF700];
	_ =	sdelay $0x4  }
0x1a6: {  	[tilespmem:v2+s2+$0x0] =	vst.idx.add.f32.msk $0xffff, v3  }
0x1a7: {  	v2 =	vld [tilespmem:s0+$0xFFFFFFD0];
	_ =	sdelay $0x2  }
0x1a8: {  	v3 =	vld [tilespmem:s1+$0xFFFFFFD0];
	_ =	sdelay $0x4  }
0x1a9: {  	[tilespmem:v2+s2+$0x0] =	vst.idx.add.f32.msk $0xffff, v3  }
0x1aa: {  	v2 =	vld [tilespmem:s0+$0xFFFFFFE0];
	_ =	sdelay $0x2  }
0x1ab: {  	v3 =	vld [tilespmem:s1+$0xFFFFFFE0];
	_ =	sdelay $0x4  }
0x1ac: {  	[tilespmem:v2+s2+$0x0] =	vst.idx.add.f32.msk $0xffff, v3  }
0x1ad: {  	v2 =	vld [tilespmem:s0+$0xFFFFFFF0];
	_ =	sdelay $0x2  }
0x1ae: {  	v3 =	vld [tilespmem:s1+$0xFFFFFFF0];
	_ =	sdelay $0x4  }
0x1af: {  	[tilespmem:v2+s2+$0x0] =	vst.idx.add.f32.msk $0xffff, v3  }
0x1b0: {  	v2 =	vld [tilespmem:s0+$0x0];
	_ =	sdelay $0x2  }
0x1b1: {  	v3 =	vld [tilespmem:s1+$0x0];
	_ =	sdelay $0x4  }
0x1b2: {  	[tilespmem:v2+s2+$0x0] =	vst.idx.add.f32.msk $0xffff, v3  }
0x1b3: {  	v2 =	vld [tilespmem:s0+$0x10];
	_ =	sdelay $0x2  }
0x1b4: {  	v3 =	vld [tilespmem:s1+$0x10];
	_ =	sdelay $0x4  }
0x1b5: {  	[tilespmem:v2+s2+$0x0] =	vst.idx.add.f32.msk $0xffff, v3  }
0x1b6: {  	v2 =	vld [tilespmem:s0+$0x20];
	_ =	sdelay $0x2  }
0x1b7: {  	v3 =	vld [tilespmem:s1+$0x20];
	_ =	sdelay $0x4  }
0x1b8: {  	[tilespmem:v2+s2+$0x0] =	vst.idx.add.f32.msk $0xffff, v3  }
0x1b9: {  	v2 =	vld [tilespmem:s0+$0x30];
	_ =	sdelay $0x2  }
0x1ba: {  	v3 =	vld [tilespmem:s1+$0x30];
	_ =	sdelay $0x4  }
0x1bb: {  	[tilespmem:v2+s2+$0x0] =	vst.idx.add.f32.msk $0xffff, v3  }
0x1bc: {  	v2 =	vld [tilespmem:s8+$0xA880];
	_ =	sdelay $0x2  }
0x1bd: {  	v3 =	vld [tilespmem:s8+$0xF780];
	_ =	sdelay $0x4  }
0x1be: {  	[tilespmem:v2+s2+$0x0] =	vst.idx.add.f32.msk $0xffff, v3  }
0x1bf: {  	v2 =	vld [tilespmem:s0+$0x50];
	_ =	sdelay $0x2  }
0x1c0: {  	v3 =	vld [tilespmem:s1+$0x50];
	_ =	sdelay $0x4  }
0x1c1: {  	[tilespmem:v2+s2+$0x0] =	vst.idx.add.f32.msk $0xffff, v3  }
0x1c2: {  	v2 =	vld [tilespmem:s0+$0x60];
	_ =	sdelay $0x2  }
0x1c3: {  	v3 =	vld [tilespmem:s1+$0x60];
	_ =	sdelay $0x4  }
0x1c4: {  	[tilespmem:v2+s2+$0x0] =	vst.idx.add.f32.msk $0xffff, v3  }
0x1c5: {  	v2 =	vld [tilespmem:s0+$0x70];
	_ =	sdelay $0x2  }
0x1c6: {  	v3 =	vld [tilespmem:s1+$0x70];
	_ =	sdelay $0x4  }
0x1c7: {  	[tilespmem:v2+s2+$0x0] =	vst.idx.add.f32.msk $0xffff, v3  }
0x1c8: {  	v2 =	vld [tilespmem:s0+$0x80];
	_ =	sdelay $0x2  }
0x1c9: {  	v3 =	vld [tilespmem:s1+$0x80];
	_ =	sdelay $0x4  }
0x1ca: {  	[tilespmem:v2+s2+$0x0] =	vst.idx.add.f32.msk $0xffff, v3  }
0x1cb: {  	v2 =	vld [tilespmem:s0+$0x90];
	_ =	sdelay $0x2  }
0x1cc: {  	v3 =	vld [tilespmem:s1+$0x90];
	_ =	sdelay $0x4  }
0x1cd: {  	[tilespmem:v2+s2+$0x0] =	vst.idx.add.f32.msk $0xffff, v3  }
0x1ce: {  	v2 =	vld [tilespmem:s0+$0xA0];
	_ =	sdelay $0x2  }
0x1cf: {  	v3 =	vld [tilespmem:s1+$0xA0];
	_ =	sdelay $0x4  }
0x1d0: {  	[tilespmem:v2+s2+$0x0] =	vst.idx.add.f32.msk $0xffff, v3  }
0x1d1: {  	v2 =	vld [tilespmem:s0+$0xB0];
	_ =	sdelay $0x2  }
0x1d2: {  	v3 =	vld [tilespmem:s1+$0xB0];
	_ =	sdelay $0x4  }
0x1d3: {  	[tilespmem:v2+s2+$0x0] =	vst.idx.add.f32.msk $0xffff, v3  }
0x1d4: {  	v2 =	vld [tilespmem:s8+$0xA900];
	_ =	sdelay $0x2  }
0x1d5: {  	p1 =	sne.s32 s29, $0x2580;
	v3 =	vld [tilespmem:s8+$0xF800]  }
.Ltmp8:
0x1d6: {  	_ = 	snop;
	(pc) =	sbr.rel @p1 .LBB2_15-.Ltmp8, $2  }
0x1d7: {  	_ =	sdelay $0x2  }
0x1d8: {  	s29 =	sadd.s32 $0x190, s29;
	s0 =	sadd.s32 $0x190, s0;
	s1 =	sadd.s32 $0x190, s1;
	[tilespmem:v2+s2+$0x0] =	vst.idx.add.f32.msk $0xffff, v3  }
0x1d9: {  	s28 =	sadd.s32 $0x1, s28  }
0x1da: {  	p1 =	sne.s32 s28, $0x5  }
.Ltmp9:
0x1db: {  	_ = 	snop;
	(pc) =	sbr.rel @p1 .LBB2_12-.Ltmp9, $1  }
0x1dc: {  	_ =	sdelay $0x3  }
0x1dd: {  	s0 =	simm.s32 $0x0  }
0x1de: {  	[hbm4b:s14+s0] =	stream.linear.scatter [tilespmem:s0], [sflag:$0x3], $0x8000, $0x38;
	[tilespmem:$0x11E00] =	vst v63  }
0x1df: {  	_ = 	snop  }
0x1e0: {  	[tilespmem:s19], [sflag:$0x1] =	stream.linear.gather [hbm4b:s15+s0], $0x1870, $0x38;
	[tilespmem:$0x11E00] =	vst v63  }
0x1e1: {  	_ =	swait.ge [sflag:s25], $0x8000  }
0x1e2: {  	[sflag:s25] =	ssyncset.done $0x0  }
0x1e3: {  	s1 =	simm.s32 $0x400;
	s0 =	simm.s32 $0x0;
	[sflag:s25] =	ssyncadd.s32 $0xFFFF8000  }
.LBB2_18:
0x1e4: {  	p1 =	sne.s32 s1, $0x1FC00;
	[tilespmem:s0+$0xF0] =	vst v0  }
0x1e5: {  	[tilespmem:s0+$0x0] =	vst v0  }
0x1e6: {  	[tilespmem:s0+$0x10] =	vst v0  }
0x1e7: {  	[tilespmem:s0+$0x20] =	vst v0  }
0x1e8: {  	[tilespmem:s0+$0x30] =	vst v0  }
0x1e9: {  	[tilespmem:s0+$0x40] =	vst v0  }
0x1ea: {  	[tilespmem:s0+$0x50] =	vst v0  }
0x1eb: {  	[tilespmem:s0+$0x60] =	vst v0  }
0x1ec: {  	[tilespmem:s0+$0x70] =	vst v0  }
0x1ed: {  	[tilespmem:s0+$0x80] =	vst v0  }
0x1ee: {  	[tilespmem:s0+$0x90] =	vst v0  }
.Ltmp10:
0x1ef: {  	[tilespmem:s0+$0xA0] =	vst v0;
	(pc) =	sbr.rel @p1 .LBB2_18-.Ltmp10, $4  }
0x1f0: {  	[tilespmem:s0+$0xB0] =	vst v0  }
0x1f1: {  	[tilespmem:s0+$0xC0] =	vst v0  }
0x1f2: {  	[tilespmem:s0+$0xD0] =	vst v0  }
0x1f3: {  	[tilespmem:s0+$0xE0] =	vst v0;
	s0 =	sshra.s32 s1, $0x2;
	s1 =	sadd.s32 $0x400, s1  }
0x1f4: {  	[tilespmem:s0+$0xF0] =	vst v0  }
0x1f5: {  	[tilespmem:s0+$0x0] =	vst v0  }
0x1f6: {  	[tilespmem:s0+$0x10] =	vst v0  }
0x1f7: {  	[tilespmem:s0+$0x20] =	vst v0  }
0x1f8: {  	[tilespmem:s0+$0x30] =	vst v0  }
0x1f9: {  	[tilespmem:s0+$0x40] =	vst v0  }
0x1fa: {  	[tilespmem:s0+$0x50] =	vst v0  }
0x1fb: {  	[tilespmem:s0+$0x60] =	vst v0  }
0x1fc: {  	[tilespmem:s0+$0x70] =	vst v0  }
0x1fd: {  	[tilespmem:s0+$0x80] =	vst v0  }
0x1fe: {  	[tilespmem:s0+$0x90] =	vst v0  }
0x1ff: {  	[tilespmem:s0+$0xA0] =	vst v0  }
0x200: {  	[tilespmem:s0+$0xB0] =	vst v0  }
0x201: {  	[tilespmem:s0+$0xC0] =	vst v0  }
0x202: {  	[tilespmem:s0+$0xD0] =	vst v0  }
0x203: {  	[tilespmem:s0+$0xE0] =	vst v0;
	s0 =	simm.s32 @p0 $0x0;
	s1 =	simm.s32 @p0 $0xA780  }
0x204: {  	[tilespmem:s1], [sflag:$0x2] =	stream.linear.gather @p0 [hbm4b:s16+s0], $0x1810, $0x38;
	[tilespmem:$0x11E00] =	vst v63  }
0x205: {  	s0 =	simm.s32 @!p0 $0x0;
	s1 =	simm.s32 @!p0 $0xA780  }
0x206: {  	[tilespmem:s1], [sflag:$0x2] =	stream.linear.gather @!p0 [hbm4b:s16+s0], $0x1870, $0x38;
	[tilespmem:$0x11E00] =	vst v63  }
0x207: {  	_ =	swait.ge [sflag:s23], $0x1870  }
0x208: {  	[sflag:s23] =	ssyncset.done $0x0  }
0x209: {  	s1 =	simm.s32 $0x0;
	s0 =	simm.s32 $0x80;
	[sflag:s23] =	ssyncadd.s32 $0xFFFFE790  }
.LBB2_20:
0x20a: {  	p1 =	sne.s32 s0, $0x6100;
	v2 =	vld [tilespmem:s1+$0x8000];
	_ =	sdelay $0x7  }
0x20b: {  	[tilespmem:v2+s2+$0x0] =	vst.idx.add.f32.msk $0xffff, v1  }
0x20c: {  	v2 =	vld [tilespmem:s1+$0x8010];
	_ =	sdelay $0x3  }
.Ltmp11:
0x20d: {  	(pc) =	sbr.rel @p1 .LBB2_20-.Ltmp11, $2  }
0x20e: {  	_ =	sdelay $0x2  }
0x20f: {  	s1 =	sshra.s32 s0, $0x2;
	s0 =	sadd.s32 $0x80, s0;
	[tilespmem:v2+s2+$0x0] =	vst.idx.add.f32.msk $0xffff, v1  }
0x210: {  	v2 =	vld [tilespmem:s1+$0x8000];
	_ =	sdelay $0x7  }
0x211: {  	[tilespmem:v2+s2+$0x0] =	vst.idx.add.f32.msk $0xffff, v1  }
0x212: {  	v2 =	vld [tilespmem:s1+$0x8010];
	_ =	sdelay $0x7  }
0x213: {  	[tilespmem:v2+s2+$0x0] =	vst.idx.add.f32.msk $0xffff, v1  }
0x214: {  	v2 =	vld [tilespmem:$0x9860];
	_ =	sdelay $0x3  }
.Ltmp12:
0x215: {  	_ = 	snop;
	(pc) =	sbr.rel @!p0 .LBB2_22-.Ltmp12, $2  }
0x216: {  	_ =	sdelay $0x2  }
0x217: {  	[tilespmem:v2+s2+$0x0] =	vst.idx.add.f32.msk $0xffff, v1  }
0x218: {  	_ =	swait.ge [sflag:s24], $0x1810  }
0x219: {  	[sflag:s24] =	ssyncset.done $0x0  }
0x21a: {  	s0 =	simm.s32 $0x0;
	[sflag:s24] =	ssyncadd.s32 $0xFFFFE7F0  }
.LBB2_26:
0x21b: {  	s1 =	sshra.s32 s0, $0x2  }
0x21c: {  	v2 =	vld [tilespmem:s1+$0xA780];
	_ =	sdelay $0x7  }
0x21d: {  	[tilespmem:v2+s2+$0x0] =	vst.idx.add.f32.msk $0xffff, v1  }
0x21e: {  	v2 =	vld [tilespmem:s1+$0xA790];
	_ =	sdelay $0x2  }
0x21f: {  	p1 =	sne.s32 s0, $0x5F80  }
.Ltmp13:
0x220: {  	_ = 	snop;
	(pc) =	sbr.rel @p1 .LBB2_26-.Ltmp13, $2  }
0x221: {  	_ =	sdelay $0x2  }
0x222: {  	s0 =	sadd.s32 $0x80, s0;
	[tilespmem:v2+s2+$0x0] =	vst.idx.add.f32.msk $0xffff, v1  }
.Ltmp14:
0x223: {  	(pc) =	sbr.rel .LBB2_28-.Ltmp14, $2  }
0x224: {  	_ =	sdelay $0x2  }
0x225: {  	s0 =	simm.s32 $0xBF80  }
.LBB2_22:
0x226: {  	_ =	swait.ge [sflag:s24], $0x1870  }
0x227: {  	[sflag:s24] =	ssyncset.done $0x0  }
0x228: {  	s0 =	simm.s32 $0x0;
	[sflag:s24] =	ssyncadd.s32 $0xFFFFE790  }
.LBB2_23:
0x229: {  	s1 =	sshra.s32 s0, $0x2  }
0x22a: {  	v2 =	vld [tilespmem:s1+$0xA780];
	_ =	sdelay $0x7  }
0x22b: {  	[tilespmem:v2+s2+$0x0] =	vst.idx.add.f32.msk $0xffff, v1  }
0x22c: {  	v2 =	vld [tilespmem:s1+$0xA790];
	_ =	sdelay $0x2  }
0x22d: {  	p1 =	seq.s32 s0, $0x6100  }
.Ltmp15:
0x22e: {  	_ = 	snop;
	(pc) =	sbr.rel @!p1 .LBB2_23-.Ltmp15, $2  }
0x22f: {  	_ =	sdelay $0x2  }
0x230: {  	s0 =	sadd.s32 $0x80, s0;
	[tilespmem:v2+s2+$0x0] =	vst.idx.add.f32.msk $0xffff, v1  }
.Ltmp16:
0x231: {  	(pc) =	sbr.rel .LBB2_28-.Ltmp16, $2  }
0x232: {  	_ =	sdelay $0x2  }
0x233: {  	s0 =	simm.s32 $0xBFE0  }
.LBB2_29:
0x234: {  	_ =	sfence.sel $0x180000  }
0x235: {  	[bflag:$0x0] =	sbarrier.arrive $0xFFFF  }
0x236: {  	_ =	strace $0x90000047  }
0x237: {  	s0 =	stileid.u32;
	[bflag:$0x2] =	sbarrier.arrive $0xFFFF  }
0x238: {  	p0 =	sne.s32 s0, $0x0;
	s0 =	rddreg [dreg:$0x1]  }
0x239: {  	s0 =	sadd.s32 @!p0 $0x100000, s0  }
0x23a: {  	[sflag:s0] =	ssyncadd.tile.s32 @!p0 $0x1;
	_ =	shalt  }
.Lfunc_end2:
_tile_overlayer_lowered:
.L_overlay_start_2:
0x23b: {  	(tag) =	ssettag $0x2  }
0x23c: {  	s0 =	rddreg [dreg:$0x0];
	s2 =	stileid.u32  }
0x23d: {  	s1 =	rddreg [dreg:$0x1];
	p0 =	sne.s32 s2, $0x0  }
0x23e: {  	s3 =	rddreg [dreg:$0x2];
	[bflag:$0x3] =	sbarrier.arrive $0xFFFF;
	s2 =	simm.s32 @!p0 $0x1C04  }
0x23f: {  	[timem:s3], [sflag:s2] =	dma.local @!p0 [hbm:s0], s1  }
0x240: {  	s0 =	simm.s32 @!p0 $0x4  }
0x241: {  	_ =	swait.ge @!p0 [sflag:s0], s1  }
0x242: {  	s1 =	ssub.s32 @!p0 $0x0, s1;
	[sflag:s0] =	ssyncset.done @!p0 $0x0  }
0x243: {  	[sflag:s0] =	ssyncadd.s32 @!p0 s1  }
0x244: {  	[bflag:$0x3] =	sbarrier.arrive $0xFFFF  }
0x245: {  	_ =	shalt  }

</sc_bundles>
